<compile_context>
chip_gen: v7x
topology: tpu7x:2x2x1
jax: 0.10.2.dev20260603
libtpu: 0.0.44.dev20260713+nightly
codegen_flags: <defaults>
</compile_context>

<pallas_src>
import functools

import jax
import jax.numpy as jnp
from jax import lax
from jax.experimental import pallas as pl
from jax.experimental.pallas import tpu as pltpu
from jax.experimental.pallas import tpu_sc as plsc

_N = 10000
_E = 160000
_D = 256
_SCALE = (128.0 ** 0.5) * 4.0
_INV_SCALE = 1.0 / _SCALE

_NC = 2
_NS = 16
_NW = _NC * _NS
_C = 80
_GRP = _C // 16
_Q0 = 5120
_Q1 = 5120
_QMAX = max(_Q0, _Q1)
_O1 = 16 * _Q0
_NF1 = (_E - _O1) // _Q1
_Q1T = _E - _O1 - _NF1 * _Q1
_O1T = _O1 + _NF1 * _Q1

_TCB = 1000


def _tc_body(xs_ref, xd_ref, wq_ref, bq_ref, wk_ref, bk_ref, yt_ref, tstd_ref):
    wq = wq_ref[...]
    wk = wk_ref[...]
    bq = bq_ref[...]
    bk = bk_ref[...]
    a = lax.dot_general(wq, wk, (((0,), (0,)), ((), ())),
                        preferred_element_type=jnp.float32)
    xd = xd_ref[...]
    yt = lax.dot_general(xd, a, (((1,), (1,)), ((), ())),
                         preferred_element_type=jnp.float32)
    yt_ref[...] = yt * _INV_SCALE
    ws = lax.dot_general(wq, bk, (((0,), (0,)), ((), ())))
    wd = lax.dot_general(wk, bq, (((0,), (0,)), ((), ())))
    c = jnp.sum(bq * bk)
    xs = xs_ref[...]
    ts = (lax.dot_general(xs, ws[:, None], (((1,), (0,)), ((), ())),
                          preferred_element_type=jnp.float32) + c) * _INV_SCALE
    td = lax.dot_general(xd, wd[:, None], (((1,), (0,)), ((), ())),
                         preferred_element_type=jnp.float32) * _INV_SCALE
    col = lax.broadcasted_iota(jnp.int32, (_TCB, 8), 1)
    tstd_ref[...] = jnp.where(col == 0, ts, jnp.where(col == 1, td, 0.0))


def _tc_tables(feat_src, feat_dst, wq, bq, wk, bk):
    grid = _N // _TCB
    return pl.pallas_call(
        _tc_body,
        grid=(grid,),
        in_specs=[
            pl.BlockSpec((_TCB, _D), lambda i: (i, 0)),
            pl.BlockSpec((_TCB, _D), lambda i: (i, 0)),
            pl.BlockSpec((512, _D), lambda i: (0, 0)),
            pl.BlockSpec((512,), lambda i: (0,)),
            pl.BlockSpec((512, _D), lambda i: (0, 0)),
            pl.BlockSpec((512,), lambda i: (0,)),
        ],
        out_specs=[
            pl.BlockSpec((_TCB, _D), lambda i: (i, 0)),
            pl.BlockSpec((_TCB, 8), lambda i: (i, 0)),
        ],
        out_shape=[
            jax.ShapeDtypeStruct((_N, _D), jnp.float32),
            jax.ShapeDtypeStruct((_N, 8), jnp.float32),
        ],
    )(feat_src, feat_dst, wq, bq, wk, bk)


def _sc_body(fs_hbm, yt_hbm, ts_hbm, td_hbm, src_hbm, out_hbm,
             idxs_v, idxd_v, rx0_v, ry0_v, rx1_v, ry1_v, ts_v, td_v, sc_v,
             semx0, semy0, semx1, semy1):
    cid = lax.axis_index("c")
    sid = lax.axis_index("s")

    @pl.when(cid == 0)
    def _():
        bo = pl.multiple_of(sid * _Q0, 8)
        pltpu.sync_copy(src_hbm.at[0, pl.ds(bo, _Q0)], idxs_v.at[pl.ds(0, _Q0)])
        pltpu.sync_copy(src_hbm.at[1, pl.ds(bo, _Q0)], idxd_v.at[pl.ds(0, _Q0)])

    @pl.when((cid == 1) & (sid < _NF1))
    def _():
        bo = pl.multiple_of(_O1 + sid * _Q1, 8)
        pltpu.sync_copy(src_hbm.at[0, pl.ds(bo, _Q1)], idxs_v.at[pl.ds(0, _Q1)])
        pltpu.sync_copy(src_hbm.at[1, pl.ds(bo, _Q1)], idxd_v.at[pl.ds(0, _Q1)])

    @pl.when((cid == 1) & (sid == _NF1))
    def _():
        bo = pl.multiple_of(_O1T, 8)
        pltpu.sync_copy(src_hbm.at[0, pl.ds(bo, _Q1T)], idxs_v.at[pl.ds(0, _Q1T)])
        pltpu.sync_copy(src_hbm.at[1, pl.ds(bo, _Q1T)], idxd_v.at[pl.ds(0, _Q1T)])

    pltpu.sync_copy(ts_hbm, ts_v)
    pltpu.sync_copy(td_hbm, td_v)

    nchunks = jnp.where(
        cid == 0, _Q0 // _C,
        jnp.where(sid < _NF1, _Q1 // _C,
                  jnp.where(sid == _NF1, _Q1T // _C, 0)))

    iota16 = lax.iota(jnp.int32, 16)
    zero16 = jnp.zeros((16,), jnp.float32)

    def start(j, rx, ry, semx, semy):
        pltpu.async_copy(fs_hbm.at[idxs_v.at[pl.ds(j * _C, _C)]], rx, semx)
        pltpu.async_copy(yt_hbm.at[idxd_v.at[pl.ds(j * _C, _C)]], ry, semy)

    def wait(j, rx, ry, semx, semy):
        pltpu.make_async_copy(fs_hbm.at[idxs_v.at[pl.ds(j * _C, _C)]],
                              rx, semx).wait()
        pltpu.make_async_copy(yt_hbm.at[idxd_v.at[pl.ds(j * _C, _C)]],
                              ry, semy).wait()

    def compute(j, rx_v, ry_v):
        for g in range(_GRP):
            rows16 = iota16 + (g * 16)
            src16 = idxs_v[pl.ds(j * _C + g * 16, 16)]
            dst16 = idxd_v[pl.ds(j * _C + g * 16, 16)]
            acc0 = plsc.load_gather(ts_v, [src16]) + plsc.load_gather(td_v, [dst16])

            @plsc.parallel_loop(0, _D, step=4, unroll=4,
                                carry=(acc0, zero16, zero16, zero16))
            def kbody(k, accs):
                base = jnp.full((16,), k, jnp.int32) + iota16
                out = []
                for u in range(4):
                    kvu = (base + u) & (_D - 1)
                    gx = plsc.load_gather(rx_v, [rows16, kvu])
                    gy = plsc.load_gather(ry_v, [rows16, kvu])
                    out.append(accs[u] + gx * gy)
                return tuple(out)

            a0, a1, a2, a3 = kbody
            sc_v[pl.ds(j * _C + g * 16, 16)] = (a0 + a1) + (a2 + a3)

    @pl.when(nchunks > 0)
    def _():
        start(0, rx0_v, ry0_v, semx0, semy0)

        def pair_body(i, carry):
            j0 = 2 * i
            j1 = j0 + 1
            start(j1, rx1_v, ry1_v, semx1, semy1)
            wait(j0, rx0_v, ry0_v, semx0, semy0)
            compute(j0, rx0_v, ry0_v)

            @pl.when(j1 + 1 < nchunks)
            def _():
                start(j1 + 1, rx0_v, ry0_v, semx0, semy0)

            wait(j1, rx1_v, ry1_v, semx1, semy1)
            compute(j1, rx1_v, ry1_v)
            return carry

        lax.fori_loop(0, nchunks // 2, pair_body, 0)

    @pl.when(cid == 0)
    def _():
        bo = pl.multiple_of(sid * _Q0, 8)
        pltpu.sync_copy(sc_v.at[pl.ds(0, _Q0)], out_hbm.at[pl.ds(bo, _Q0)])

    @pl.when((cid == 1) & (sid < _NF1))
    def _():
        bo = pl.multiple_of(_O1 + sid * _Q1, 8)
        pltpu.sync_copy(sc_v.at[pl.ds(0, _Q1)], out_hbm.at[pl.ds(bo, _Q1)])

    @pl.when((cid == 1) & (sid == _NF1))
    def _():
        bo = pl.multiple_of(_O1T, 8)
        pltpu.sync_copy(sc_v.at[pl.ds(0, _Q1T)], out_hbm.at[pl.ds(bo, _Q1T)])


_sc_edge_scores = functools.partial(
    pl.kernel,
    out_type=jax.ShapeDtypeStruct((_E,), jnp.float32),
    mesh=plsc.VectorSubcoreMesh(core_axis_name="c", subcore_axis_name="s",
                                num_cores=_NC, num_subcores=_NS),
    compiler_params=pltpu.CompilerParams(needs_layout_passes=False),
    scratch_types=[
        pltpu.VMEM((_QMAX,), jnp.int32),
        pltpu.VMEM((_QMAX,), jnp.int32),
        pltpu.VMEM((_C, _D), jnp.float32),
        pltpu.VMEM((_C, _D), jnp.float32),
        pltpu.VMEM((_C, _D), jnp.float32),
        pltpu.VMEM((_C, _D), jnp.float32),
        pltpu.VMEM((_N,), jnp.float32),
        pltpu.VMEM((_N,), jnp.float32),
        pltpu.VMEM((_QMAX,), jnp.float32),
        pltpu.SemaphoreType.DMA,
        pltpu.SemaphoreType.DMA,
        pltpu.SemaphoreType.DMA,
        pltpu.SemaphoreType.DMA,
    ],
)(_sc_body)


@jax.jit
def kernel(feat_src, feat_dst, edge_index, Wq, bq, Wk, bk):
    ei = edge_index.astype(jnp.int32)
    yt, tstd = _tc_tables(feat_src, feat_dst, Wq, bq, Wk, bk)
    scores = _sc_edge_scores(feat_src, yt, tstd[:, 0], tstd[:, 1], ei)
    return scores.reshape(_E, 1)

# --- scband reference (transcript-rebuilt; emitter-appended) ---
"""Pipeline reference for scband-attn-predictor-63093069578737 (READ-ONLY COPY).

The authoritative reference and input builder live on the scoring server;
editing this copy changes nothing except your own understanding.
"""

import jax, jax.numpy as jnp
import numpy as np

QUERY_DIM = 256
KEY_DIM = 256
HIDDEN_DIM = 128
NUM_HEADS = 4
PROJ_DIM = HIDDEN_DIM * NUM_HEADS
N_NODES = 10000
N_EDGES = 160000
SCALE = np.sqrt(HIDDEN_DIM) * NUM_HEADS


def setup_inputs(seed: int = 0) -> dict:
    key = jax.random.key(seed)
    k1, k2, k3, k4, k5, k6, k7 = jax.random.split(key, 7)
    feat_src = jax.random.normal(k1, (N_NODES, QUERY_DIM), dtype=jnp.float32)
    feat_dst = jax.random.normal(k2, (N_NODES, KEY_DIM), dtype=jnp.float32)
    edge_index = jax.random.randint(k3, (2, N_EDGES), 0, N_NODES, dtype=jnp.int64)
    # nn.Linear params (Kaiming-uniform-ish init)
    bq_bound = 1.0 / np.sqrt(QUERY_DIM)
    bk_bound = 1.0 / np.sqrt(KEY_DIM)
    Wq = jax.random.uniform(k4, (PROJ_DIM, QUERY_DIM), minval=-bq_bound, maxval=bq_bound, dtype=jnp.float32)
    bq = jax.random.uniform(k5, (PROJ_DIM,), minval=-bq_bound, maxval=bq_bound, dtype=jnp.float32)
    Wk = jax.random.uniform(k6, (PROJ_DIM, KEY_DIM), minval=-bk_bound, maxval=bk_bound, dtype=jnp.float32)
    bk = jax.random.uniform(k7, (PROJ_DIM,), minval=-bk_bound, maxval=bk_bound, dtype=jnp.float32)
    return {"feat_src": feat_src, "feat_dst": feat_dst, "edge_index": edge_index,
            "Wq": Wq, "bq": bq, "Wk": Wk, "bk": bk}


def reference(feat_src, feat_dst, edge_index, Wq, bq, Wk, bk):
    # Dropout is identity in eval mode.
    src_proj = feat_src @ Wq.T + bq  # [N, PROJ_DIM]
    dst_proj = feat_dst @ Wk.T + bk  # [N, PROJ_DIM]
    src_ids = edge_index[0]
    dst_ids = edge_index[1]
    # dgl.function.u_dot_v: per-edge dot product of src/dst projected feats -> [E, 1]
    e_src = jnp.take(src_proj, src_ids, axis=0)  # gather [E, PROJ_DIM]
    e_dst = jnp.take(dst_proj, dst_ids, axis=0)  # gather [E, PROJ_DIM]
    score = jnp.sum(e_src * e_dst, axis=1, keepdims=True)  # [E, 1]
    score = score / SCALE
    return score

if __name__ == "__main__":
    import jax
    _d = setup_inputs()
    print(jax.jit(kernel)(*tuple(_d.values())))

</pallas_src>

<mosaic_0001>
#map = affine_map<(d0, d1) -> (0, 0)>
#map1 = affine_map<(d0, d1) -> (0)>
module attributes {stable_mosaic.version = 14 : i64} {
  func.func @_sc_body(%arg0: i32, %arg1: i32, %arg2: memref<10000x256xf32, #tpu.memory_space<hbm>>, %arg3: memref<10000x256xf32, #tpu.memory_space<hbm>>, %arg4: memref<10000xf32, #tpu.memory_space<hbm>>, %arg5: memref<10000xf32, #tpu.memory_space<hbm>>, %arg6: memref<2x160000xi32, #tpu.memory_space<hbm>>, %arg7: memref<160000xf32, #tpu.memory_space<hbm>>, %arg8: memref<5120xi32, #tpu.memory_space<vmem>>, %arg9: memref<5120xi32, #tpu.memory_space<vmem>>, %arg10: memref<80x256xf32, #tpu.memory_space<vmem>>, %arg11: memref<80x256xf32, #tpu.memory_space<vmem>>, %arg12: memref<80x256xf32, #tpu.memory_space<vmem>>, %arg13: memref<80x256xf32, #tpu.memory_space<vmem>>, %arg14: memref<10000xf32, #tpu.memory_space<vmem>>, %arg15: memref<10000xf32, #tpu.memory_space<vmem>>, %arg16: memref<5120xf32, #tpu.memory_space<vmem>>, %arg17: memref<!tpu.dma_semaphore, #tpu.memory_space<semaphore_mem>>, %arg18: memref<!tpu.dma_semaphore, #tpu.memory_space<semaphore_mem>>, %arg19: memref<!tpu.dma_semaphore, #tpu.memory_space<semaphore_mem>>, %arg20: memref<!tpu.dma_semaphore, #tpu.memory_space<semaphore_mem>>) attributes {dimension_semantics = [#tpu.dimension_semantics<core_parallel>, #tpu.dimension_semantics<subcore_parallel>], iteration_bounds = array<i64: 2, 16>, scalar_prefetch = 0 : i64, scratch_operands = 13 : i64, tpu.core_type = #tpu.core_type<sc_vector_subcore>, window_params = [{transform_indices = #map}, {transform_indices = #map}, {transform_indices = #map1}, {transform_indices = #map1}, {transform_indices = #map}, {transform_indices = #map1}]} {
    %eq3A = arith.constant 0 : i32
    %eq3A_0 = arith.cmpi eq, %arg0, %eq3A : i32
    %convert_element_type3A = arith.extui %eq3A_0 : i1 to i32
    %cond3A = arith.constant 0 : i32
    %cond3A_1 = arith.cmpi ne, %convert_element_type3A, %cond3A : i32
    scf.if %cond3A_1 {
      %mul3A = arith.constant 5120 : i32
      %mul3A_53 = arith.muli %arg1, %mul3A : i32
      %multiple_of3A = tpu.assume_multiple %mul3A_53, 8 : i32
      %run_scoped3A = arith.constant 0 : i32
      "tpu.region"() ({
        %run_scoped3A_55 = tpu.sem_alloc : memref<!tpu.dma_semaphore, #tpu.memory_space<semaphore_mem>>
        %dma_start3A = arith.constant 0 : i32
        %dma_start3A_56 = tpu.memref_slice %arg8[%dma_start3A] : memref<5120xi32, #tpu.memory_space<vmem>> -> memref<5120xi32, #tpu.memory_space<vmem>>
        %dma_start3A_57 = tpu.memref_slice %arg6[%run_scoped3A, %multiple_of3A] : memref<2x160000xi32, #tpu.memory_space<hbm>> -> memref<1x5120xi32, #tpu.memory_space<hbm>>
        %dma_start3A_58 = tpu.memref_squeeze %dma_start3A_57 : memref<1x5120xi32, #tpu.memory_space<hbm>> -> memref<5120xi32, #tpu.memory_space<hbm>>
        %dma_start3A_59 = arith.constant 0 : i32
        %dma_start3A_60 = tpu.memref_slice %arg8[%dma_start3A_59] : memref<5120xi32, #tpu.memory_space<vmem>> -> memref<5120xi32, #tpu.memory_space<vmem>>
        %dma_start3A_61 = tpu.memref_slice %arg6[%run_scoped3A, %multiple_of3A] : memref<2x160000xi32, #tpu.memory_space<hbm>> -> memref<1x5120xi32, #tpu.memory_space<hbm>>
        %dma_start3A_62 = tpu.memref_squeeze %dma_start3A_61 : memref<1x5120xi32, #tpu.memory_space<hbm>> -> memref<5120xi32, #tpu.memory_space<hbm>>
        tpu.enqueue_dma source(%dma_start3A_62 : memref<5120xi32, #tpu.memory_space<hbm>>) target(%dma_start3A_60 : memref<5120xi32, #tpu.memory_space<vmem>>) target_semaphore(%run_scoped3A_55 : memref<!tpu.dma_semaphore, #tpu.memory_space<semaphore_mem>>)
        %dma_wait3A = arith.constant 0 : i32
        %dma_wait3A_63 = tpu.memref_slice %arg8[%dma_wait3A] : memref<5120xi32, #tpu.memory_space<vmem>> -> memref<5120xi32, #tpu.memory_space<vmem>>
        %dma_wait3A_64 = tpu.memref_slice %arg6[%run_scoped3A, %multiple_of3A] : memref<2x160000xi32, #tpu.memory_space<hbm>> -> memref<1x5120xi32, #tpu.memory_space<hbm>>
        %dma_wait3A_65 = tpu.memref_squeeze %dma_wait3A_64 : memref<1x5120xi32, #tpu.memory_space<hbm>> -> memref<5120xi32, #tpu.memory_space<hbm>>
        %dma_wait3A_66 = arith.constant 0 : i32
        %dma_wait3A_67 = tpu.memref_slice %arg8[%dma_wait3A_66] : memref<5120xi32, #tpu.memory_space<vmem>> -> memref<5120xi32, #tpu.memory_space<vmem>>
        %dma_wait3A_68 = tpu.memref_slice %arg6[%run_scoped3A, %multiple_of3A] : memref<2x160000xi32, #tpu.memory_space<hbm>> -> memref<1x5120xi32, #tpu.memory_space<hbm>>
        %dma_wait3A_69 = tpu.memref_squeeze %dma_wait3A_68 : memref<1x5120xi32, #tpu.memory_space<hbm>> -> memref<5120xi32, #tpu.memory_space<hbm>>
        tpu.wait_dma2 semaphore(%run_scoped3A_55 : memref<!tpu.dma_semaphore, #tpu.memory_space<semaphore_mem>>) src(%dma_wait3A_69 : memref<5120xi32, #tpu.memory_space<hbm>>) dst(%dma_wait3A_67 : memref<5120xi32, #tpu.memory_space<vmem>>)
        tpu.yield
      }) : () -> ()
      %run_scoped3A_54 = arith.constant 1 : i32
      "tpu.region"() ({
        %run_scoped3A_55 = tpu.sem_alloc : memref<!tpu.dma_semaphore, #tpu.memory_space<semaphore_mem>>
        %dma_start3A = arith.constant 0 : i32
        %dma_start3A_56 = tpu.memref_slice %arg9[%dma_start3A] : memref<5120xi32, #tpu.memory_space<vmem>> -> memref<5120xi32, #tpu.memory_space<vmem>>
        %dma_start3A_57 = tpu.memref_slice %arg6[%run_scoped3A_54, %multiple_of3A] : memref<2x160000xi32, #tpu.memory_space<hbm>> -> memref<1x5120xi32, #tpu.memory_space<hbm>>
        %dma_start3A_58 = tpu.memref_squeeze %dma_start3A_57 : memref<1x5120xi32, #tpu.memory_space<hbm>> -> memref<5120xi32, #tpu.memory_space<hbm>>
        %dma_start3A_59 = arith.constant 0 : i32
        %dma_start3A_60 = tpu.memref_slice %arg9[%dma_start3A_59] : memref<5120xi32, #tpu.memory_space<vmem>> -> memref<5120xi32, #tpu.memory_space<vmem>>
        %dma_start3A_61 = tpu.memref_slice %arg6[%run_scoped3A_54, %multiple_of3A] : memref<2x160000xi32, #tpu.memory_space<hbm>> -> memref<1x5120xi32, #tpu.memory_space<hbm>>
        %dma_start3A_62 = tpu.memref_squeeze %dma_start3A_61 : memref<1x5120xi32, #tpu.memory_space<hbm>> -> memref<5120xi32, #tpu.memory_space<hbm>>
        tpu.enqueue_dma source(%dma_start3A_62 : memref<5120xi32, #tpu.memory_space<hbm>>) target(%dma_start3A_60 : memref<5120xi32, #tpu.memory_space<vmem>>) target_semaphore(%run_scoped3A_55 : memref<!tpu.dma_semaphore, #tpu.memory_space<semaphore_mem>>)
        %dma_wait3A = arith.constant 0 : i32
        %dma_wait3A_63 = tpu.memref_slice %arg9[%dma_wait3A] : memref<5120xi32, #tpu.memory_space<vmem>> -> memref<5120xi32, #tpu.memory_space<vmem>>
        %dma_wait3A_64 = tpu.memref_slice %arg6[%run_scoped3A_54, %multiple_of3A] : memref<2x160000xi32, #tpu.memory_space<hbm>> -> memref<1x5120xi32, #tpu.memory_space<hbm>>
        %dma_wait3A_65 = tpu.memref_squeeze %dma_wait3A_64 : memref<1x5120xi32, #tpu.memory_space<hbm>> -> memref<5120xi32, #tpu.memory_space<hbm>>
        %dma_wait3A_66 = arith.constant 0 : i32
        %dma_wait3A_67 = tpu.memref_slice %arg9[%dma_wait3A_66] : memref<5120xi32, #tpu.memory_space<vmem>> -> memref<5120xi32, #tpu.memory_space<vmem>>
        %dma_wait3A_68 = tpu.memref_slice %arg6[%run_scoped3A_54, %multiple_of3A] : memref<2x160000xi32, #tpu.memory_space<hbm>> -> memref<1x5120xi32, #tpu.memory_space<hbm>>
        %dma_wait3A_69 = tpu.memref_squeeze %dma_wait3A_68 : memref<1x5120xi32, #tpu.memory_space<hbm>> -> memref<5120xi32, #tpu.memory_space<hbm>>
        tpu.wait_dma2 semaphore(%run_scoped3A_55 : memref<!tpu.dma_semaphore, #tpu.memory_space<semaphore_mem>>) src(%dma_wait3A_69 : memref<5120xi32, #tpu.memory_space<hbm>>) dst(%dma_wait3A_67 : memref<5120xi32, #tpu.memory_space<vmem>>)
        tpu.yield
      }) : () -> ()
    } else {
    }
    %eq3A_2 = arith.constant 1 : i32
    %eq3A_3 = arith.cmpi eq, %arg0, %eq3A_2 : i32
    %lt3A = arith.constant 15 : i32
    %lt3A_4 = arith.cmpi slt, %arg1, %lt3A : i32
    %and3A = arith.andi %eq3A_3, %lt3A_4 : i1
    %convert_element_type3A_5 = arith.extui %and3A : i1 to i32
    %cond3A_6 = arith.constant 0 : i32
    %cond3A_7 = arith.cmpi ne, %convert_element_type3A_5, %cond3A_6 : i32
    scf.if %cond3A_7 {
      %mul3A = arith.constant 5120 : i32
      %mul3A_53 = arith.muli %arg1, %mul3A : i32
      %add3A = arith.constant 81920 : i32
      %add3A_54 = arith.addi %add3A, %mul3A_53 : i32
      %multiple_of3A = tpu.assume_multiple %add3A_54, 8 : i32
      %run_scoped3A = arith.constant 0 : i32
      "tpu.region"() ({
        %run_scoped3A_56 = tpu.sem_alloc : memref<!tpu.dma_semaphore, #tpu.memory_space<semaphore_mem>>
        %dma_start3A = arith.constant 0 : i32
        %dma_start3A_57 = tpu.memref_slice %arg8[%dma_start3A] : memref<5120xi32, #tpu.memory_space<vmem>> -> memref<5120xi32, #tpu.memory_space<vmem>>
        %dma_start3A_58 = tpu.memref_slice %arg6[%run_scoped3A, %multiple_of3A] : memref<2x160000xi32, #tpu.memory_space<hbm>> -> memref<1x5120xi32, #tpu.memory_space<hbm>>
        %dma_start3A_59 = tpu.memref_squeeze %dma_start3A_58 : memref<1x5120xi32, #tpu.memory_space<hbm>> -> memref<5120xi32, #tpu.memory_space<hbm>>
        %dma_start3A_60 = arith.constant 0 : i32
        %dma_start3A_61 = tpu.memref_slice %arg8[%dma_start3A_60] : memref<5120xi32, #tpu.memory_space<vmem>> -> memref<5120xi32, #tpu.memory_space<vmem>>
        %dma_start3A_62 = tpu.memref_slice %arg6[%run_scoped3A, %multiple_of3A] : memref<2x160000xi32, #tpu.memory_space<hbm>> -> memref<1x5120xi32, #tpu.memory_space<hbm>>
        %dma_start3A_63 = tpu.memref_squeeze %dma_start3A_62 : memref<1x5120xi32, #tpu.memory_space<hbm>> -> memref<5120xi32, #tpu.memory_space<hbm>>
        tpu.enqueue_dma source(%dma_start3A_63 : memref<5120xi32, #tpu.memory_space<hbm>>) target(%dma_start3A_61 : memref<5120xi32, #tpu.memory_space<vmem>>) target_semaphore(%run_scoped3A_56 : memref<!tpu.dma_semaphore, #tpu.memory_space<semaphore_mem>>)
        %dma_wait3A = arith.constant 0 : i32
        %dma_wait3A_64 = tpu.memref_slice %arg8[%dma_wait3A] : memref<5120xi32, #tpu.memory_space<vmem>> -> memref<5120xi32, #tpu.memory_space<vmem>>
        %dma_wait3A_65 = tpu.memref_slice %arg6[%run_scoped3A, %multiple_of3A] : memref<2x160000xi32, #tpu.memory_space<hbm>> -> memref<1x5120xi32, #tpu.memory_space<hbm>>
        %dma_wait3A_66 = tpu.memref_squeeze %dma_wait3A_65 : memref<1x5120xi32, #tpu.memory_space<hbm>> -> memref<5120xi32, #tpu.memory_space<hbm>>
        %dma_wait3A_67 = arith.constant 0 : i32
        %dma_wait3A_68 = tpu.memref_slice %arg8[%dma_wait3A_67] : memref<5120xi32, #tpu.memory_space<vmem>> -> memref<5120xi32, #tpu.memory_space<vmem>>
        %dma_wait3A_69 = tpu.memref_slice %arg6[%run_scoped3A, %multiple_of3A] : memref<2x160000xi32, #tpu.memory_space<hbm>> -> memref<1x5120xi32, #tpu.memory_space<hbm>>
        %dma_wait3A_70 = tpu.memref_squeeze %dma_wait3A_69 : memref<1x5120xi32, #tpu.memory_space<hbm>> -> memref<5120xi32, #tpu.memory_space<hbm>>
        tpu.wait_dma2 semaphore(%run_scoped3A_56 : memref<!tpu.dma_semaphore, #tpu.memory_space<semaphore_mem>>) src(%dma_wait3A_70 : memref<5120xi32, #tpu.memory_space<hbm>>) dst(%dma_wait3A_68 : memref<5120xi32, #tpu.memory_space<vmem>>)
        tpu.yield
      }) : () -> ()
      %run_scoped3A_55 = arith.constant 1 : i32
      "tpu.region"() ({
        %run_scoped3A_56 = tpu.sem_alloc : memref<!tpu.dma_semaphore, #tpu.memory_space<semaphore_mem>>
        %dma_start3A = arith.constant 0 : i32
        %dma_start3A_57 = tpu.memref_slice %arg9[%dma_start3A] : memref<5120xi32, #tpu.memory_space<vmem>> -> memref<5120xi32, #tpu.memory_space<vmem>>
        %dma_start3A_58 = tpu.memref_slice %arg6[%run_scoped3A_55, %multiple_of3A] : memref<2x160000xi32, #tpu.memory_space<hbm>> -> memref<1x5120xi32, #tpu.memory_space<hbm>>
        %dma_start3A_59 = tpu.memref_squeeze %dma_start3A_58 : memref<1x5120xi32, #tpu.memory_space<hbm>> -> memref<5120xi32, #tpu.memory_space<hbm>>
        %dma_start3A_60 = arith.constant 0 : i32
        %dma_start3A_61 = tpu.memref_slice %arg9[%dma_start3A_60] : memref<5120xi32, #tpu.memory_space<vmem>> -> memref<5120xi32, #tpu.memory_space<vmem>>
        %dma_start3A_62 = tpu.memref_slice %arg6[%run_scoped3A_55, %multiple_of3A] : memref<2x160000xi32, #tpu.memory_space<hbm>> -> memref<1x5120xi32, #tpu.memory_space<hbm>>
        %dma_start3A_63 = tpu.memref_squeeze %dma_start3A_62 : memref<1x5120xi32, #tpu.memory_space<hbm>> -> memref<5120xi32, #tpu.memory_space<hbm>>
        tpu.enqueue_dma source(%dma_start3A_63 : memref<5120xi32, #tpu.memory_space<hbm>>) target(%dma_start3A_61 : memref<5120xi32, #tpu.memory_space<vmem>>) target_semaphore(%run_scoped3A_56 : memref<!tpu.dma_semaphore, #tpu.memory_space<semaphore_mem>>)
        %dma_wait3A = arith.constant 0 : i32
        %dma_wait3A_64 = tpu.memref_slice %arg9[%dma_wait3A] : memref<5120xi32, #tpu.memory_space<vmem>> -> memref<5120xi32, #tpu.memory_space<vmem>>
        %dma_wait3A_65 = tpu.memref_slice %arg6[%run_scoped3A_55, %multiple_of3A] : memref<2x160000xi32, #tpu.memory_space<hbm>> -> memref<1x5120xi32, #tpu.memory_space<hbm>>
        %dma_wait3A_66 = tpu.memref_squeeze %dma_wait3A_65 : memref<1x5120xi32, #tpu.memory_space<hbm>> -> memref<5120xi32, #tpu.memory_space<hbm>>
        %dma_wait3A_67 = arith.constant 0 : i32
        %dma_wait3A_68 = tpu.memref_slice %arg9[%dma_wait3A_67] : memref<5120xi32, #tpu.memory_space<vmem>> -> memref<5120xi32, #tpu.memory_space<vmem>>
        %dma_wait3A_69 = tpu.memref_slice %arg6[%run_scoped3A_55, %multiple_of3A] : memref<2x160000xi32, #tpu.memory_space<hbm>> -> memref<1x5120xi32, #tpu.memory_space<hbm>>
        %dma_wait3A_70 = tpu.memref_squeeze %dma_wait3A_69 : memref<1x5120xi32, #tpu.memory_space<hbm>> -> memref<5120xi32, #tpu.memory_space<hbm>>
        tpu.wait_dma2 semaphore(%run_scoped3A_56 : memref<!tpu.dma_semaphore, #tpu.memory_space<semaphore_mem>>) src(%dma_wait3A_70 : memref<5120xi32, #tpu.memory_space<hbm>>) dst(%dma_wait3A_68 : memref<5120xi32, #tpu.memory_space<vmem>>)
        tpu.yield
      }) : () -> ()
    } else {
    }
    %eq3A_8 = arith.constant 1 : i32
    %eq3A_9 = arith.cmpi eq, %arg0, %eq3A_8 : i32
    %eq3A_10 = arith.constant 15 : i32
    %eq3A_11 = arith.cmpi eq, %arg1, %eq3A_10 : i32
    %and3A_12 = arith.andi %eq3A_9, %eq3A_11 : i1
    %convert_element_type3A_13 = arith.extui %and3A_12 : i1 to i32
    %cond3A_14 = arith.constant 0 : i32
    %cond3A_15 = arith.cmpi ne, %convert_element_type3A_13, %cond3A_14 : i32
    scf.if %cond3A_15 {
      %multiple_of3A = arith.constant 158720 : i32
      %multiple_of3A_53 = tpu.assume_multiple %multiple_of3A, 8 : i32
      %run_scoped3A = arith.constant 0 : i32
      "tpu.region"() ({
        %run_scoped3A_55 = tpu.sem_alloc : memref<!tpu.dma_semaphore, #tpu.memory_space<semaphore_mem>>
        %dma_start3A = arith.constant 0 : i32
        %dma_start3A_56 = tpu.memref_slice %arg8[%dma_start3A] : memref<5120xi32, #tpu.memory_space<vmem>> -> memref<1280xi32, #tpu.memory_space<vmem>>
        %dma_start3A_57 = tpu.memref_slice %arg6[%run_scoped3A, %multiple_of3A_53] : memref<2x160000xi32, #tpu.memory_space<hbm>> -> memref<1x1280xi32, #tpu.memory_space<hbm>>
        %dma_start3A_58 = tpu.memref_squeeze %dma_start3A_57 : memref<1x1280xi32, #tpu.memory_space<hbm>> -> memref<1280xi32, #tpu.memory_space<hbm>>
        %dma_start3A_59 = arith.constant 0 : i32
        %dma_start3A_60 = tpu.memref_slice %arg8[%dma_start3A_59] : memref<5120xi32, #tpu.memory_space<vmem>> -> memref<1280xi32, #tpu.memory_space<vmem>>
        %dma_start3A_61 = tpu.memref_slice %arg6[%run_scoped3A, %multiple_of3A_53] : memref<2x160000xi32, #tpu.memory_space<hbm>> -> memref<1x1280xi32, #tpu.memory_space<hbm>>
        %dma_start3A_62 = tpu.memref_squeeze %dma_start3A_61 : memref<1x1280xi32, #tpu.memory_space<hbm>> -> memref<1280xi32, #tpu.memory_space<hbm>>
        tpu.enqueue_dma source(%dma_start3A_62 : memref<1280xi32, #tpu.memory_space<hbm>>) target(%dma_start3A_60 : memref<1280xi32, #tpu.memory_space<vmem>>) target_semaphore(%run_scoped3A_55 : memref<!tpu.dma_semaphore, #tpu.memory_space<semaphore_mem>>)
        %dma_wait3A = arith.constant 0 : i32
        %dma_wait3A_63 = tpu.memref_slice %arg8[%dma_wait3A] : memref<5120xi32, #tpu.memory_space<vmem>> -> memref<1280xi32, #tpu.memory_space<vmem>>
        %dma_wait3A_64 = tpu.memref_slice %arg6[%run_scoped3A, %multiple_of3A_53] : memref<2x160000xi32, #tpu.memory_space<hbm>> -> memref<1x1280xi32, #tpu.memory_space<hbm>>
        %dma_wait3A_65 = tpu.memref_squeeze %dma_wait3A_64 : memref<1x1280xi32, #tpu.memory_space<hbm>> -> memref<1280xi32, #tpu.memory_space<hbm>>
        %dma_wait3A_66 = arith.constant 0 : i32
        %dma_wait3A_67 = tpu.memref_slice %arg8[%dma_wait3A_66] : memref<5120xi32, #tpu.memory_space<vmem>> -> memref<1280xi32, #tpu.memory_space<vmem>>
        %dma_wait3A_68 = tpu.memref_slice %arg6[%run_scoped3A, %multiple_of3A_53] : memref<2x160000xi32, #tpu.memory_space<hbm>> -> memref<1x1280xi32, #tpu.memory_space<hbm>>
        %dma_wait3A_69 = tpu.memref_squeeze %dma_wait3A_68 : memref<1x1280xi32, #tpu.memory_space<hbm>> -> memref<1280xi32, #tpu.memory_space<hbm>>
        tpu.wait_dma2 semaphore(%run_scoped3A_55 : memref<!tpu.dma_semaphore, #tpu.memory_space<semaphore_mem>>) src(%dma_wait3A_69 : memref<1280xi32, #tpu.memory_space<hbm>>) dst(%dma_wait3A_67 : memref<1280xi32, #tpu.memory_space<vmem>>)
        tpu.yield
      }) : () -> ()
      %run_scoped3A_54 = arith.constant 1 : i32
      "tpu.region"() ({
        %run_scoped3A_55 = tpu.sem_alloc : memref<!tpu.dma_semaphore, #tpu.memory_space<semaphore_mem>>
        %dma_start3A = arith.constant 0 : i32
        %dma_start3A_56 = tpu.memref_slice %arg9[%dma_start3A] : memref<5120xi32, #tpu.memory_space<vmem>> -> memref<1280xi32, #tpu.memory_space<vmem>>
        %dma_start3A_57 = tpu.memref_slice %arg6[%run_scoped3A_54, %multiple_of3A_53] : memref<2x160000xi32, #tpu.memory_space<hbm>> -> memref<1x1280xi32, #tpu.memory_space<hbm>>
        %dma_start3A_58 = tpu.memref_squeeze %dma_start3A_57 : memref<1x1280xi32, #tpu.memory_space<hbm>> -> memref<1280xi32, #tpu.memory_space<hbm>>
        %dma_start3A_59 = arith.constant 0 : i32
        %dma_start3A_60 = tpu.memref_slice %arg9[%dma_start3A_59] : memref<5120xi32, #tpu.memory_space<vmem>> -> memref<1280xi32, #tpu.memory_space<vmem>>
        %dma_start3A_61 = tpu.memref_slice %arg6[%run_scoped3A_54, %multiple_of3A_53] : memref<2x160000xi32, #tpu.memory_space<hbm>> -> memref<1x1280xi32, #tpu.memory_space<hbm>>
        %dma_start3A_62 = tpu.memref_squeeze %dma_start3A_61 : memref<1x1280xi32, #tpu.memory_space<hbm>> -> memref<1280xi32, #tpu.memory_space<hbm>>
        tpu.enqueue_dma source(%dma_start3A_62 : memref<1280xi32, #tpu.memory_space<hbm>>) target(%dma_start3A_60 : memref<1280xi32, #tpu.memory_space<vmem>>) target_semaphore(%run_scoped3A_55 : memref<!tpu.dma_semaphore, #tpu.memory_space<semaphore_mem>>)
        %dma_wait3A = arith.constant 0 : i32
        %dma_wait3A_63 = tpu.memref_slice %arg9[%dma_wait3A] : memref<5120xi32, #tpu.memory_space<vmem>> -> memref<1280xi32, #tpu.memory_space<vmem>>
        %dma_wait3A_64 = tpu.memref_slice %arg6[%run_scoped3A_54, %multiple_of3A_53] : memref<2x160000xi32, #tpu.memory_space<hbm>> -> memref<1x1280xi32, #tpu.memory_space<hbm>>
        %dma_wait3A_65 = tpu.memref_squeeze %dma_wait3A_64 : memref<1x1280xi32, #tpu.memory_space<hbm>> -> memref<1280xi32, #tpu.memory_space<hbm>>
        %dma_wait3A_66 = arith.constant 0 : i32
        %dma_wait3A_67 = tpu.memref_slice %arg9[%dma_wait3A_66] : memref<5120xi32, #tpu.memory_space<vmem>> -> memref<1280xi32, #tpu.memory_space<vmem>>
        %dma_wait3A_68 = tpu.memref_slice %arg6[%run_scoped3A_54, %multiple_of3A_53] : memref<2x160000xi32, #tpu.memory_space<hbm>> -> memref<1x1280xi32, #tpu.memory_space<hbm>>
        %dma_wait3A_69 = tpu.memref_squeeze %dma_wait3A_68 : memref<1x1280xi32, #tpu.memory_space<hbm>> -> memref<1280xi32, #tpu.memory_space<hbm>>
        tpu.wait_dma2 semaphore(%run_scoped3A_55 : memref<!tpu.dma_semaphore, #tpu.memory_space<semaphore_mem>>) src(%dma_wait3A_69 : memref<1280xi32, #tpu.memory_space<hbm>>) dst(%dma_wait3A_67 : memref<1280xi32, #tpu.memory_space<vmem>>)
        tpu.yield
      }) : () -> ()
    } else {
    }
    "tpu.region"() ({
      %run_scoped3A = tpu.sem_alloc : memref<!tpu.dma_semaphore, #tpu.memory_space<semaphore_mem>>
      tpu.enqueue_dma source(%arg4 : memref<10000xf32, #tpu.memory_space<hbm>>) target(%arg14 : memref<10000xf32, #tpu.memory_space<vmem>>) target_semaphore(%run_scoped3A : memref<!tpu.dma_semaphore, #tpu.memory_space<semaphore_mem>>)
      tpu.wait_dma2 semaphore(%run_scoped3A : memref<!tpu.dma_semaphore, #tpu.memory_space<semaphore_mem>>) src(%arg4 : memref<10000xf32, #tpu.memory_space<hbm>>) dst(%arg14 : memref<10000xf32, #tpu.memory_space<vmem>>)
      tpu.yield
    }) : () -> ()
    "tpu.region"() ({
      %run_scoped3A = tpu.sem_alloc : memref<!tpu.dma_semaphore, #tpu.memory_space<semaphore_mem>>
      tpu.enqueue_dma source(%arg5 : memref<10000xf32, #tpu.memory_space<hbm>>) target(%arg15 : memref<10000xf32, #tpu.memory_space<vmem>>) target_semaphore(%run_scoped3A : memref<!tpu.dma_semaphore, #tpu.memory_space<semaphore_mem>>)
      tpu.wait_dma2 semaphore(%run_scoped3A : memref<!tpu.dma_semaphore, #tpu.memory_space<semaphore_mem>>) src(%arg5 : memref<10000xf32, #tpu.memory_space<hbm>>) dst(%arg15 : memref<10000xf32, #tpu.memory_space<vmem>>)
      tpu.yield
    }) : () -> ()
    %eq3A_16 = arith.constant 0 : i32
    %eq3A_17 = arith.cmpi eq, %arg0, %eq3A_16 : i32
    %lt3A_18 = arith.constant 15 : i32
    %lt3A_19 = arith.cmpi slt, %arg1, %lt3A_18 : i32
    %eq3A_20 = arith.constant 15 : i32
    %eq3A_21 = arith.cmpi eq, %arg1, %eq3A_20 : i32
    %jit3A = arith.constant 16 : i32
    %jit3A_22 = arith.constant 0 : i32
    %select_n3A = arith.select %eq3A_21, %jit3A, %jit3A_22 : i32
    %jit3A_23 = arith.constant 64 : i32
    %select_n3A_24 = arith.select %lt3A_19, %jit3A_23, %select_n3A : i32
    %jit3A_25 = arith.constant 64 : i32
    %select_n3A_26 = arith.select %eq3A_17, %jit3A_25, %select_n3A_24 : i32
    %iota3A = tpu.iota {dimensions = array<i32: 0>} : vector<16xi32>
    %broadcast_in_dim3A = arith.constant 0.000000e+00 : f32
    %broadcast_in_dim3A_27 = vector.broadcast %broadcast_in_dim3A : f32 to vector<16xf32>
    %gt3A = arith.constant 0 : i32
    %gt3A_28 = arith.cmpi sgt, %select_n3A_26, %gt3A : i32
    %convert_element_type3A_29 = arith.extui %gt3A_28 : i1 to i32
    %cond3A_30 = arith.constant 0 : i32
    %cond3A_31 = arith.cmpi ne, %convert_element_type3A_29, %cond3A_30 : i32
    scf.if %cond3A_31 {
      %dma_start3A = arith.constant 0 : i32
      %dma_start3A_53 = tpu.memref_slice %arg8[%dma_start3A] : memref<5120xi32, #tpu.memory_space<vmem>> -> memref<80xi32, #tpu.memory_space<vmem>>
      %dma_start3A_54 = arith.constant 0 : i32
      %dma_start3A_55 = arith.constant 0 : i32
      %dma_start3A_56 = tpu.memref_slice %arg2[%dma_start3A_54, %dma_start3A_55] : memref<10000x256xf32, #tpu.memory_space<hbm>> -> memref<10000x256xf32, #tpu.memory_space<hbm>>
      tpu.enqueue_indirect_dma source(%dma_start3A_56 : memref<10000x256xf32, #tpu.memory_space<hbm>>) target(%arg10 : memref<80x256xf32, #tpu.memory_space<vmem>>) offsets(%dma_start3A_53 : memref<80xi32, #tpu.memory_space<vmem>>) semaphore(%arg17 : memref<!tpu.dma_semaphore, #tpu.memory_space<semaphore_mem>>)
      %dma_start3A_57 = arith.constant 0 : i32
      %dma_start3A_58 = tpu.memref_slice %arg9[%dma_start3A_57] : memref<5120xi32, #tpu.memory_space<vmem>> -> memref<80xi32, #tpu.memory_space<vmem>>
      %dma_start3A_59 = arith.constant 0 : i32
      %dma_start3A_60 = arith.constant 0 : i32
      %dma_start3A_61 = tpu.memref_slice %arg3[%dma_start3A_59, %dma_start3A_60] : memref<10000x256xf32, #tpu.memory_space<hbm>> -> memref<10000x256xf32, #tpu.memory_space<hbm>>
      tpu.enqueue_indirect_dma source(%dma_start3A_61 : memref<10000x256xf32, #tpu.memory_space<hbm>>) target(%arg11 : memref<80x256xf32, #tpu.memory_space<vmem>>) offsets(%dma_start3A_58 : memref<80xi32, #tpu.memory_space<vmem>>) semaphore(%arg18 : memref<!tpu.dma_semaphore, #tpu.memory_space<semaphore_mem>>)
      %jit3A_62 = arith.constant 2 : i32
      %div3A = arith.divsi %select_n3A_26, %jit3A_62 : i32
      %sign3A = arith.constant 0 : i32
      %sign3A_63 = arith.cmpi sgt, %select_n3A_26, %sign3A : i32
      %sign3A_64 = arith.extui %sign3A_63 : i1 to i32
      %sign3A_65 = arith.constant 0 : i32
      %sign3A_66 = arith.cmpi slt, %select_n3A_26, %sign3A_65 : i32
      %sign3A_67 = arith.extui %sign3A_66 : i1 to i32
      %sign3A_68 = arith.subi %sign3A_64, %sign3A_67 : i32
      %sign3A_69 = arith.constant 0 : i32
      %sign3A_70 = arith.cmpi sgt, %jit3A_62, %sign3A_69 : i32
      %sign3A_71 = arith.extui %sign3A_70 : i1 to i32
      %sign3A_72 = arith.constant 0 : i32
      %sign3A_73 = arith.cmpi slt, %jit3A_62, %sign3A_72 : i32
      %sign3A_74 = arith.extui %sign3A_73 : i1 to i32
      %sign3A_75 = arith.subi %sign3A_71, %sign3A_74 : i32
      %ne3A = arith.cmpi ne, %sign3A_68, %sign3A_75 : i32
      %rem3A = arith.remsi %select_n3A_26, %jit3A_62 : i32
      %ne3A_76 = arith.constant 0 : i32
      %ne3A_77 = arith.cmpi ne, %rem3A, %ne3A_76 : i32
      %and3A_78 = arith.andi %ne3A, %ne3A_77 : i1
      %sub3A = arith.constant 1 : i32
      %sub3A_79 = arith.subi %div3A, %sub3A : i32
      %select_n3A_80 = arith.select %and3A_78, %sub3A_79, %div3A : i32
      %while3A = arith.constant 0 : i32
      %while3A_81 = arith.constant 0 : i32
      %while3A_82 = arith.subi %select_n3A_80, %while3A_81 : i32
      %while3A_83 = arith.addi %while3A_81, %while3A_82 : i32
      %while3A_84 = arith.constant 1 : i32
      %while3A_85 = arith.divsi %while3A_82, %while3A_84 : i32
      %while3A_86 = arith.muli %while3A_85, %while3A_84 : i32
      %while3A_87 = arith.addi %while3A_81, %while3A_86 : i32
      %while3A_88 = arith.constant 1 : i32
      scf.for %while3A_90 = %while3A_81 to %while3A_87 step %while3A_88  : i32 {
        %mul3A = arith.constant 2 : i32
        %mul3A_91 = arith.muli %mul3A, %while3A_90 : i32
        %add3A = arith.constant 1 : i32
        %add3A_92 = arith.addi %mul3A_91, %add3A : i32
        %mul3A_93 = arith.constant 80 : i32
        %mul3A_94 = arith.muli %add3A_92, %mul3A_93 : i32
        %dma_start3A_95 = tpu.memref_slice %arg8[%mul3A_94] : memref<5120xi32, #tpu.memory_space<vmem>> -> memref<80xi32, #tpu.memory_space<vmem>>
        %dma_start3A_96 = arith.constant 0 : i32
        %dma_start3A_97 = arith.constant 0 : i32
        %dma_start3A_98 = tpu.memref_slice %arg2[%dma_start3A_96, %dma_start3A_97] : memref<10000x256xf32, #tpu.memory_space<hbm>> -> memref<10000x256xf32, #tpu.memory_space<hbm>>
        tpu.enqueue_indirect_dma source(%dma_start3A_98 : memref<10000x256xf32, #tpu.memory_space<hbm>>) target(%arg12 : memref<80x256xf32, #tpu.memory_space<vmem>>) offsets(%dma_start3A_95 : memref<80xi32, #tpu.memory_space<vmem>>) semaphore(%arg19 : memref<!tpu.dma_semaphore, #tpu.memory_space<semaphore_mem>>)
        %mul3A_99 = arith.constant 80 : i32
        %mul3A_100 = arith.muli %add3A_92, %mul3A_99 : i32
        %dma_start3A_101 = tpu.memref_slice %arg9[%mul3A_100] : memref<5120xi32, #tpu.memory_space<vmem>> -> memref<80xi32, #tpu.memory_space<vmem>>
        %dma_start3A_102 = arith.constant 0 : i32
        %dma_start3A_103 = arith.constant 0 : i32
        %dma_start3A_104 = tpu.memref_slice %arg3[%dma_start3A_102, %dma_start3A_103] : memref<10000x256xf32, #tpu.memory_space<hbm>> -> memref<10000x256xf32, #tpu.memory_space<hbm>>
        tpu.enqueue_indirect_dma source(%dma_start3A_104 : memref<10000x256xf32, #tpu.memory_space<hbm>>) target(%arg13 : memref<80x256xf32, #tpu.memory_space<vmem>>) offsets(%dma_start3A_101 : memref<80xi32, #tpu.memory_space<vmem>>) semaphore(%arg20 : memref<!tpu.dma_semaphore, #tpu.memory_space<semaphore_mem>>)
        %mul3A_105 = arith.constant 80 : i32
        %mul3A_106 = arith.muli %mul3A_91, %mul3A_105 : i32
        %dma_wait3A = tpu.memref_slice %arg8[%mul3A_106] : memref<5120xi32, #tpu.memory_space<vmem>> -> memref<80xi32, #tpu.memory_space<vmem>>
        %dma_wait3A_107 = arith.constant 0 : i32
        %dma_wait3A_108 = arith.constant 0 : i32
        %dma_wait3A_109 = tpu.memref_slice %arg2[%dma_wait3A_107, %dma_wait3A_108] : memref<10000x256xf32, #tpu.memory_space<hbm>> -> memref<10000x256xf32, #tpu.memory_space<hbm>>
        tpu.wait_indirect_dma semaphore(%arg17 : memref<!tpu.dma_semaphore, #tpu.memory_space<semaphore_mem>>) src(%dma_wait3A_109 : memref<10000x256xf32, #tpu.memory_space<hbm>>) dst(%arg10 : memref<80x256xf32, #tpu.memory_space<vmem>>)
        %mul3A_110 = arith.constant 80 : i32
        %mul3A_111 = arith.muli %mul3A_91, %mul3A_110 : i32
        %dma_wait3A_112 = tpu.memref_slice %arg9[%mul3A_111] : memref<5120xi32, #tpu.memory_space<vmem>> -> memref<80xi32, #tpu.memory_space<vmem>>
        %dma_wait3A_113 = arith.constant 0 : i32
        %dma_wait3A_114 = arith.constant 0 : i32
        %dma_wait3A_115 = tpu.memref_slice %arg3[%dma_wait3A_113, %dma_wait3A_114] : memref<10000x256xf32, #tpu.memory_space<hbm>> -> memref<10000x256xf32, #tpu.memory_space<hbm>>
        tpu.wait_indirect_dma semaphore(%arg18 : memref<!tpu.dma_semaphore, #tpu.memory_space<semaphore_mem>>) src(%dma_wait3A_115 : memref<10000x256xf32, #tpu.memory_space<hbm>>) dst(%arg11 : memref<80x256xf32, #tpu.memory_space<vmem>>)
        %add3A_116 = arith.constant 0 : i32
        %add3A_117 = vector.broadcast %add3A_116 : i32 to vector<16xi32>
        %add3A_118 = arith.addi %iota3A, %add3A_117 : vector<16xi32>
        %mul3A_119 = arith.constant 80 : i32
        %mul3A_120 = arith.muli %mul3A_91, %mul3A_119 : i32
        %add3A_121 = arith.constant 0 : i32
        %add3A_122 = arith.addi %mul3A_120, %add3A_121 : i32
        %get3A = arith.index_cast %add3A_122 : i32 to index
        %get3A_123 = tpu.vector_load %arg8[%get3A] {strides = array<i32>} : memref<5120xi32, #tpu.memory_space<vmem>>, vector<16xi32>,
        %mul3A_124 = arith.constant 80 : i32
        %mul3A_125 = arith.muli %mul3A_91, %mul3A_124 : i32
        %add3A_126 = arith.constant 0 : i32
        %add3A_127 = arith.addi %mul3A_125, %add3A_126 : i32
        %get3A_128 = arith.index_cast %add3A_127 : i32 to index
        %get3A_129 = tpu.vector_load %arg9[%get3A_128] {strides = array<i32>} : memref<5120xi32, #tpu.memory_space<vmem>>, vector<16xi32>,
        %gather3A = tpu.vector_load_idx %arg14[%get3A_123] : memref<10000xf32, #tpu.memory_space<vmem>>[vector<16xi32>], vector<16xf32>,
        %gather3A_130 = tpu.vector_load_idx %arg15[%get3A_129] : memref<10000xf32, #tpu.memory_space<vmem>>[vector<16xi32>], vector<16xf32>,
        %add3A_131 = arith.addf %gather3A, %gather3A_130 : vector<16xf32>
        %parallel_loop3A = arith.constant 0 : i32
        %parallel_loop3A_132 = arith.constant 256 : i32
        %parallel_loop3A_133 = arith.constant 4 : i32
        %parallel_loop3A_134:4 = scf.for %parallel_loop3A_440 = %parallel_loop3A to %parallel_loop3A_132 step %parallel_loop3A_133 iter_args(%parallel_loop3A_441 = %add3A_131, %parallel_loop3A_442 = %broadcast_in_dim3A_27, %parallel_loop3A_443 = %broadcast_in_dim3A_27, %parallel_loop3A_444 = %broadcast_in_dim3A_27) -> (vector<16xf32>, vector<16xf32>, vector<16xf32>, vector<16xf32>)  : i32 {
          %parallel_loop3A_445 = vector.broadcast %parallel_loop3A_440 : i32 to vector<16xi32>
          %parallel_loop3A_446 = arith.addi %parallel_loop3A_445, %iota3A : vector<16xi32>
          %parallel_loop3A_447 = arith.constant 0 : i32
          %parallel_loop3A_448 = vector.broadcast %parallel_loop3A_447 : i32 to vector<16xi32>
          %parallel_loop3A_449 = arith.addi %parallel_loop3A_446, %parallel_loop3A_448 : vector<16xi32>
          %parallel_loop3A_450 = arith.constant 255 : i32
          %parallel_loop3A_451 = vector.broadcast %parallel_loop3A_450 : i32 to vector<16xi32>
          %parallel_loop3A_452 = arith.andi %parallel_loop3A_449, %parallel_loop3A_451 : vector<16xi32>
          %parallel_loop3A_453 = tpu.vector_load_idx %arg10[%add3A_118, %parallel_loop3A_452] : memref<80x256xf32, #tpu.memory_space<vmem>>[vector<16xi32>, vector<16xi32>], vector<16xf32>,
          %parallel_loop3A_454 = tpu.vector_load_idx %arg11[%add3A_118, %parallel_loop3A_452] : memref<80x256xf32, #tpu.memory_space<vmem>>[vector<16xi32>, vector<16xi32>], vector<16xf32>,
          %parallel_loop3A_455 = arith.mulf %parallel_loop3A_453, %parallel_loop3A_454 : vector<16xf32>
          %parallel_loop3A_456 = arith.addf %parallel_loop3A_441, %parallel_loop3A_455 : vector<16xf32>
          %parallel_loop3A_457 = arith.constant 1 : i32
          %parallel_loop3A_458 = vector.broadcast %parallel_loop3A_457 : i32 to vector<16xi32>
          %parallel_loop3A_459 = arith.addi %parallel_loop3A_446, %parallel_loop3A_458 : vector<16xi32>
          %parallel_loop3A_460 = arith.constant 255 : i32
          %parallel_loop3A_461 = vector.broadcast %parallel_loop3A_460 : i32 to vector<16xi32>
          %parallel_loop3A_462 = arith.andi %parallel_loop3A_459, %parallel_loop3A_461 : vector<16xi32>
          %parallel_loop3A_463 = tpu.vector_load_idx %arg10[%add3A_118, %parallel_loop3A_462] : memref<80x256xf32, #tpu.memory_space<vmem>>[vector<16xi32>, vector<16xi32>], vector<16xf32>,
          %parallel_loop3A_464 = tpu.vector_load_idx %arg11[%add3A_118, %parallel_loop3A_462] : memref<80x256xf32, #tpu.memory_space<vmem>>[vector<16xi32>, vector<16xi32>], vector<16xf32>,
          %parallel_loop3A_465 = arith.mulf %parallel_loop3A_463, %parallel_loop3A_464 : vector<16xf32>
          %parallel_loop3A_466 = arith.addf %parallel_loop3A_442, %parallel_loop3A_465 : vector<16xf32>
          %parallel_loop3A_467 = arith.constant 2 : i32
          %parallel_loop3A_468 = vector.broadcast %parallel_loop3A_467 : i32 to vector<16xi32>
          %parallel_loop3A_469 = arith.addi %parallel_loop3A_446, %parallel_loop3A_468 : vector<16xi32>
          %parallel_loop3A_470 = arith.constant 255 : i32
          %parallel_loop3A_471 = vector.broadcast %parallel_loop3A_470 : i32 to vector<16xi32>
          %parallel_loop3A_472 = arith.andi %parallel_loop3A_469, %parallel_loop3A_471 : vector<16xi32>
          %parallel_loop3A_473 = tpu.vector_load_idx %arg10[%add3A_118, %parallel_loop3A_472] : memref<80x256xf32, #tpu.memory_space<vmem>>[vector<16xi32>, vector<16xi32>], vector<16xf32>,
          %parallel_loop3A_474 = tpu.vector_load_idx %arg11[%add3A_118, %parallel_loop3A_472] : memref<80x256xf32, #tpu.memory_space<vmem>>[vector<16xi32>, vector<16xi32>], vector<16xf32>,
          %parallel_loop3A_475 = arith.mulf %parallel_loop3A_473, %parallel_loop3A_474 : vector<16xf32>
          %parallel_loop3A_476 = arith.addf %parallel_loop3A_443, %parallel_loop3A_475 : vector<16xf32>
          %parallel_loop3A_477 = arith.constant 3 : i32
          %parallel_loop3A_478 = vector.broadcast %parallel_loop3A_477 : i32 to vector<16xi32>
          %parallel_loop3A_479 = arith.addi %parallel_loop3A_446, %parallel_loop3A_478 : vector<16xi32>
          %parallel_loop3A_480 = arith.constant 255 : i32
          %parallel_loop3A_481 = vector.broadcast %parallel_loop3A_480 : i32 to vector<16xi32>
          %parallel_loop3A_482 = arith.andi %parallel_loop3A_479, %parallel_loop3A_481 : vector<16xi32>
          %parallel_loop3A_483 = tpu.vector_load_idx %arg10[%add3A_118, %parallel_loop3A_482] : memref<80x256xf32, #tpu.memory_space<vmem>>[vector<16xi32>, vector<16xi32>], vector<16xf32>,
          %parallel_loop3A_484 = tpu.vector_load_idx %arg11[%add3A_118, %parallel_loop3A_482] : memref<80x256xf32, #tpu.memory_space<vmem>>[vector<16xi32>, vector<16xi32>], vector<16xf32>,
          %parallel_loop3A_485 = arith.mulf %parallel_loop3A_483, %parallel_loop3A_484 : vector<16xf32>
          %parallel_loop3A_486 = arith.addf %parallel_loop3A_444, %parallel_loop3A_485 : vector<16xf32>
          scf.yield %parallel_loop3A_456, %parallel_loop3A_466, %parallel_loop3A_476, %parallel_loop3A_486 : vector<16xf32>, vector<16xf32>, vector<16xf32>, vector<16xf32>
        } {sc.loop_unroll_factor = 4 : i64, sc.parallel_access}
        %add3A_135 = arith.addf %parallel_loop3A_134#0, %parallel_loop3A_134#1 : vector<16xf32>
        %add3A_136 = arith.addf %parallel_loop3A_134#2, %parallel_loop3A_134#3 : vector<16xf32>
        %add3A_137 = arith.addf %add3A_135, %add3A_136 : vector<16xf32>
        %mul3A_138 = arith.constant 80 : i32
        %mul3A_139 = arith.muli %mul3A_91, %mul3A_138 : i32
        %add3A_140 = arith.constant 0 : i32
        %add3A_141 = arith.addi %mul3A_139, %add3A_140 : i32
        %swap3A = arith.index_cast %add3A_141 : i32 to index
        %swap3A_142 = tpu.vector_load %arg16[%swap3A] {strides = array<i32>} : memref<5120xf32, #tpu.memory_space<vmem>>, vector<16xf32>,
        tpu.vector_store %arg16[%swap3A], %add3A_137 {strides = array<i32>} : memref<5120xf32, #tpu.memory_space<vmem>>, vector<16xf32>,
        %add3A_143 = arith.constant 16 : i32
        %add3A_144 = vector.broadcast %add3A_143 : i32 to vector<16xi32>
        %add3A_145 = arith.addi %iota3A, %add3A_144 : vector<16xi32>
        %mul3A_146 = arith.constant 80 : i32
        %mul3A_147 = arith.muli %mul3A_91, %mul3A_146 : i32
        %add3A_148 = arith.constant 16 : i32
        %add3A_149 = arith.addi %mul3A_147, %add3A_148 : i32
        %get3A_150 = arith.index_cast %add3A_149 : i32 to index
        %get3A_151 = tpu.vector_load %arg8[%get3A_150] {strides = array<i32>} : memref<5120xi32, #tpu.memory_space<vmem>>, vector<16xi32>,
        %mul3A_152 = arith.constant 80 : i32
        %mul3A_153 = arith.muli %mul3A_91, %mul3A_152 : i32
        %add3A_154 = arith.constant 16 : i32
        %add3A_155 = arith.addi %mul3A_153, %add3A_154 : i32
        %get3A_156 = arith.index_cast %add3A_155 : i32 to index
        %get3A_157 = tpu.vector_load %arg9[%get3A_156] {strides = array<i32>} : memref<5120xi32, #tpu.memory_space<vmem>>, vector<16xi32>,
        %gather3A_158 = tpu.vector_load_idx %arg14[%get3A_151] : memref<10000xf32, #tpu.memory_space<vmem>>[vector<16xi32>], vector<16xf32>,
        %gather3A_159 = tpu.vector_load_idx %arg15[%get3A_157] : memref<10000xf32, #tpu.memory_space<vmem>>[vector<16xi32>], vector<16xf32>,
        %add3A_160 = arith.addf %gather3A_158, %gather3A_159 : vector<16xf32>
        %parallel_loop3A_161 = arith.constant 0 : i32
        %parallel_loop3A_162 = arith.constant 256 : i32
        %parallel_loop3A_163 = arith.constant 4 : i32
        %parallel_loop3A_164:4 = scf.for %parallel_loop3A_440 = %parallel_loop3A_161 to %parallel_loop3A_162 step %parallel_loop3A_163 iter_args(%parallel_loop3A_441 = %add3A_160, %parallel_loop3A_442 = %broadcast_in_dim3A_27, %parallel_loop3A_443 = %broadcast_in_dim3A_27, %parallel_loop3A_444 = %broadcast_in_dim3A_27) -> (vector<16xf32>, vector<16xf32>, vector<16xf32>, vector<16xf32>)  : i32 {
          %parallel_loop3A_445 = vector.broadcast %parallel_loop3A_440 : i32 to vector<16xi32>
          %parallel_loop3A_446 = arith.addi %parallel_loop3A_445, %iota3A : vector<16xi32>
          %parallel_loop3A_447 = arith.constant 0 : i32
          %parallel_loop3A_448 = vector.broadcast %parallel_loop3A_447 : i32 to vector<16xi32>
          %parallel_loop3A_449 = arith.addi %parallel_loop3A_446, %parallel_loop3A_448 : vector<16xi32>
          %parallel_loop3A_450 = arith.constant 255 : i32
          %parallel_loop3A_451 = vector.broadcast %parallel_loop3A_450 : i32 to vector<16xi32>
          %parallel_loop3A_452 = arith.andi %parallel_loop3A_449, %parallel_loop3A_451 : vector<16xi32>
          %parallel_loop3A_453 = tpu.vector_load_idx %arg10[%add3A_145, %parallel_loop3A_452] : memref<80x256xf32, #tpu.memory_space<vmem>>[vector<16xi32>, vector<16xi32>], vector<16xf32>,
          %parallel_loop3A_454 = tpu.vector_load_idx %arg11[%add3A_145, %parallel_loop3A_452] : memref<80x256xf32, #tpu.memory_space<vmem>>[vector<16xi32>, vector<16xi32>], vector<16xf32>,
          %parallel_loop3A_455 = arith.mulf %parallel_loop3A_453, %parallel_loop3A_454 : vector<16xf32>
          %parallel_loop3A_456 = arith.addf %parallel_loop3A_441, %parallel_loop3A_455 : vector<16xf32>
          %parallel_loop3A_457 = arith.constant 1 : i32
          %parallel_loop3A_458 = vector.broadcast %parallel_loop3A_457 : i32 to vector<16xi32>
          %parallel_loop3A_459 = arith.addi %parallel_loop3A_446, %parallel_loop3A_458 : vector<16xi32>
          %parallel_loop3A_460 = arith.constant 255 : i32
          %parallel_loop3A_461 = vector.broadcast %parallel_loop3A_460 : i32 to vector<16xi32>
          %parallel_loop3A_462 = arith.andi %parallel_loop3A_459, %parallel_loop3A_461 : vector<16xi32>
          %parallel_loop3A_463 = tpu.vector_load_idx %arg10[%add3A_145, %parallel_loop3A_462] : memref<80x256xf32, #tpu.memory_space<vmem>>[vector<16xi32>, vector<16xi32>], vector<16xf32>,
          %parallel_loop3A_464 = tpu.vector_load_idx %arg11[%add3A_145, %parallel_loop3A_462] : memref<80x256xf32, #tpu.memory_space<vmem>>[vector<16xi32>, vector<16xi32>], vector<16xf32>,
          %parallel_loop3A_465 = arith.mulf %parallel_loop3A_463, %parallel_loop3A_464 : vector<16xf32>
          %parallel_loop3A_466 = arith.addf %parallel_loop3A_442, %parallel_loop3A_465 : vector<16xf32>
          %parallel_loop3A_467 = arith.constant 2 : i32
          %parallel_loop3A_468 = vector.broadcast %parallel_loop3A_467 : i32 to vector<16xi32>
          %parallel_loop3A_469 = arith.addi %parallel_loop3A_446, %parallel_loop3A_468 : vector<16xi32>
          %parallel_loop3A_470 = arith.constant 255 : i32
          %parallel_loop3A_471 = vector.broadcast %parallel_loop3A_470 : i32 to vector<16xi32>
          %parallel_loop3A_472 = arith.andi %parallel_loop3A_469, %parallel_loop3A_471 : vector<16xi32>
          %parallel_loop3A_473 = tpu.vector_load_idx %arg10[%add3A_145, %parallel_loop3A_472] : memref<80x256xf32, #tpu.memory_space<vmem>>[vector<16xi32>, vector<16xi32>], vector<16xf32>,
          %parallel_loop3A_474 = tpu.vector_load_idx %arg11[%add3A_145, %parallel_loop3A_472] : memref<80x256xf32, #tpu.memory_space<vmem>>[vector<16xi32>, vector<16xi32>], vector<16xf32>,
          %parallel_loop3A_475 = arith.mulf %parallel_loop3A_473, %parallel_loop3A_474 : vector<16xf32>
          %parallel_loop3A_476 = arith.addf %parallel_loop3A_443, %parallel_loop3A_475 : vector<16xf32>
          %parallel_loop3A_477 = arith.constant 3 : i32
          %parallel_loop3A_478 = vector.broadcast %parallel_loop3A_477 : i32 to vector<16xi32>
          %parallel_loop3A_479 = arith.addi %parallel_loop3A_446, %parallel_loop3A_478 : vector<16xi32>
          %parallel_loop3A_480 = arith.constant 255 : i32
          %parallel_loop3A_481 = vector.broadcast %parallel_loop3A_480 : i32 to vector<16xi32>
          %parallel_loop3A_482 = arith.andi %parallel_loop3A_479, %parallel_loop3A_481 : vector<16xi32>
          %parallel_loop3A_483 = tpu.vector_load_idx %arg10[%add3A_145, %parallel_loop3A_482] : memref<80x256xf32, #tpu.memory_space<vmem>>[vector<16xi32>, vector<16xi32>], vector<16xf32>,
          %parallel_loop3A_484 = tpu.vector_load_idx %arg11[%add3A_145, %parallel_loop3A_482] : memref<80x256xf32, #tpu.memory_space<vmem>>[vector<16xi32>, vector<16xi32>], vector<16xf32>,
          %parallel_loop3A_485 = arith.mulf %parallel_loop3A_483, %parallel_loop3A_484 : vector<16xf32>
          %parallel_loop3A_486 = arith.addf %parallel_loop3A_444, %parallel_loop3A_485 : vector<16xf32>
          scf.yield %parallel_loop3A_456, %parallel_loop3A_466, %parallel_loop3A_476, %parallel_loop3A_486 : vector<16xf32>, vector<16xf32>, vector<16xf32>, vector<16xf32>
        } {sc.loop_unroll_factor = 4 : i64, sc.parallel_access}
        %add3A_165 = arith.addf %parallel_loop3A_164#0, %parallel_loop3A_164#1 : vector<16xf32>
        %add3A_166 = arith.addf %parallel_loop3A_164#2, %parallel_loop3A_164#3 : vector<16xf32>
        %add3A_167 = arith.addf %add3A_165, %add3A_166 : vector<16xf32>
        %mul3A_168 = arith.constant 80 : i32
        %mul3A_169 = arith.muli %mul3A_91, %mul3A_168 : i32
        %add3A_170 = arith.constant 16 : i32
        %add3A_171 = arith.addi %mul3A_169, %add3A_170 : i32
        %swap3A_172 = arith.index_cast %add3A_171 : i32 to index
        %swap3A_173 = tpu.vector_load %arg16[%swap3A_172] {strides = array<i32>} : memref<5120xf32, #tpu.memory_space<vmem>>, vector<16xf32>,
        tpu.vector_store %arg16[%swap3A_172], %add3A_167 {strides = array<i32>} : memref<5120xf32, #tpu.memory_space<vmem>>, vector<16xf32>,
        %add3A_174 = arith.constant 32 : i32
        %add3A_175 = vector.broadcast %add3A_174 : i32 to vector<16xi32>
        %add3A_176 = arith.addi %iota3A, %add3A_175 : vector<16xi32>
        %mul3A_177 = arith.constant 80 : i32
        %mul3A_178 = arith.muli %mul3A_91, %mul3A_177 : i32
        %add3A_179 = arith.constant 32 : i32
        %add3A_180 = arith.addi %mul3A_178, %add3A_179 : i32
        %get3A_181 = arith.index_cast %add3A_180 : i32 to index
        %get3A_182 = tpu.vector_load %arg8[%get3A_181] {strides = array<i32>} : memref<5120xi32, #tpu.memory_space<vmem>>, vector<16xi32>,
        %mul3A_183 = arith.constant 80 : i32
        %mul3A_184 = arith.muli %mul3A_91, %mul3A_183 : i32
        %add3A_185 = arith.constant 32 : i32
        %add3A_186 = arith.addi %mul3A_184, %add3A_185 : i32
        %get3A_187 = arith.index_cast %add3A_186 : i32 to index
        %get3A_188 = tpu.vector_load %arg9[%get3A_187] {strides = array<i32>} : memref<5120xi32, #tpu.memory_space<vmem>>, vector<16xi32>,
        %gather3A_189 = tpu.vector_load_idx %arg14[%get3A_182] : memref<10000xf32, #tpu.memory_space<vmem>>[vector<16xi32>], vector<16xf32>,
        %gather3A_190 = tpu.vector_load_idx %arg15[%get3A_188] : memref<10000xf32, #tpu.memory_space<vmem>>[vector<16xi32>], vector<16xf32>,
        %add3A_191 = arith.addf %gather3A_189, %gather3A_190 : vector<16xf32>
        %parallel_loop3A_192 = arith.constant 0 : i32
        %parallel_loop3A_193 = arith.constant 256 : i32
        %parallel_loop3A_194 = arith.constant 4 : i32
        %parallel_loop3A_195:4 = scf.for %parallel_loop3A_440 = %parallel_loop3A_192 to %parallel_loop3A_193 step %parallel_loop3A_194 iter_args(%parallel_loop3A_441 = %add3A_191, %parallel_loop3A_442 = %broadcast_in_dim3A_27, %parallel_loop3A_443 = %broadcast_in_dim3A_27, %parallel_loop3A_444 = %broadcast_in_dim3A_27) -> (vector<16xf32>, vector<16xf32>, vector<16xf32>, vector<16xf32>)  : i32 {
          %parallel_loop3A_445 = vector.broadcast %parallel_loop3A_440 : i32 to vector<16xi32>
          %parallel_loop3A_446 = arith.addi %parallel_loop3A_445, %iota3A : vector<16xi32>
          %parallel_loop3A_447 = arith.constant 0 : i32
          %parallel_loop3A_448 = vector.broadcast %parallel_loop3A_447 : i32 to vector<16xi32>
          %parallel_loop3A_449 = arith.addi %parallel_loop3A_446, %parallel_loop3A_448 : vector<16xi32>
          %parallel_loop3A_450 = arith.constant 255 : i32
          %parallel_loop3A_451 = vector.broadcast %parallel_loop3A_450 : i32 to vector<16xi32>
          %parallel_loop3A_452 = arith.andi %parallel_loop3A_449, %parallel_loop3A_451 : vector<16xi32>
          %parallel_loop3A_453 = tpu.vector_load_idx %arg10[%add3A_176, %parallel_loop3A_452] : memref<80x256xf32, #tpu.memory_space<vmem>>[vector<16xi32>, vector<16xi32>], vector<16xf32>,
          %parallel_loop3A_454 = tpu.vector_load_idx %arg11[%add3A_176, %parallel_loop3A_452] : memref<80x256xf32, #tpu.memory_space<vmem>>[vector<16xi32>, vector<16xi32>], vector<16xf32>,
          %parallel_loop3A_455 = arith.mulf %parallel_loop3A_453, %parallel_loop3A_454 : vector<16xf32>
          %parallel_loop3A_456 = arith.addf %parallel_loop3A_441, %parallel_loop3A_455 : vector<16xf32>
          %parallel_loop3A_457 = arith.constant 1 : i32
          %parallel_loop3A_458 = vector.broadcast %parallel_loop3A_457 : i32 to vector<16xi32>
          %parallel_loop3A_459 = arith.addi %parallel_loop3A_446, %parallel_loop3A_458 : vector<16xi32>
          %parallel_loop3A_460 = arith.constant 255 : i32
          %parallel_loop3A_461 = vector.broadcast %parallel_loop3A_460 : i32 to vector<16xi32>
          %parallel_loop3A_462 = arith.andi %parallel_loop3A_459, %parallel_loop3A_461 : vector<16xi32>
          %parallel_loop3A_463 = tpu.vector_load_idx %arg10[%add3A_176, %parallel_loop3A_462] : memref<80x256xf32, #tpu.memory_space<vmem>>[vector<16xi32>, vector<16xi32>], vector<16xf32>,
          %parallel_loop3A_464 = tpu.vector_load_idx %arg11[%add3A_176, %parallel_loop3A_462] : memref<80x256xf32, #tpu.memory_space<vmem>>[vector<16xi32>, vector<16xi32>], vector<16xf32>,
          %parallel_loop3A_465 = arith.mulf %parallel_loop3A_463, %parallel_loop3A_464 : vector<16xf32>
          %parallel_loop3A_466 = arith.addf %parallel_loop3A_442, %parallel_loop3A_465 : vector<16xf32>
          %parallel_loop3A_467 = arith.constant 2 : i32
          %parallel_loop3A_468 = vector.broadcast %parallel_loop3A_467 : i32 to vector<16xi32>
          %parallel_loop3A_469 = arith.addi %parallel_loop3A_446, %parallel_loop3A_468 : vector<16xi32>
          %parallel_loop3A_470 = arith.constant 255 : i32
          %parallel_loop3A_471 = vector.broadcast %parallel_loop3A_470 : i32 to vector<16xi32>
          %parallel_loop3A_472 = arith.andi %parallel_loop3A_469, %parallel_loop3A_471 : vector<16xi32>
          %parallel_loop3A_473 = tpu.vector_load_idx %arg10[%add3A_176, %parallel_loop3A_472] : memref<80x256xf32, #tpu.memory_space<vmem>>[vector<16xi32>, vector<16xi32>], vector<16xf32>,
          %parallel_loop3A_474 = tpu.vector_load_idx %arg11[%add3A_176, %parallel_loop3A_472] : memref<80x256xf32, #tpu.memory_space<vmem>>[vector<16xi32>, vector<16xi32>], vector<16xf32>,
          %parallel_loop3A_475 = arith.mulf %parallel_loop3A_473, %parallel_loop3A_474 : vector<16xf32>
          %parallel_loop3A_476 = arith.addf %parallel_loop3A_443, %parallel_loop3A_475 : vector<16xf32>
          %parallel_loop3A_477 = arith.constant 3 : i32
          %parallel_loop3A_478 = vector.broadcast %parallel_loop3A_477 : i32 to vector<16xi32>
          %parallel_loop3A_479 = arith.addi %parallel_loop3A_446, %parallel_loop3A_478 : vector<16xi32>
          %parallel_loop3A_480 = arith.constant 255 : i32
          %parallel_loop3A_481 = vector.broadcast %parallel_loop3A_480 : i32 to vector<16xi32>
          %parallel_loop3A_482 = arith.andi %parallel_loop3A_479, %parallel_loop3A_481 : vector<16xi32>
          %parallel_loop3A_483 = tpu.vector_load_idx %arg10[%add3A_176, %parallel_loop3A_482] : memref<80x256xf32, #tpu.memory_space<vmem>>[vector<16xi32>, vector<16xi32>], vector<16xf32>,
          %parallel_loop3A_484 = tpu.vector_load_idx %arg11[%add3A_176, %parallel_loop3A_482] : memref<80x256xf32, #tpu.memory_space<vmem>>[vector<16xi32>, vector<16xi32>], vector<16xf32>,
          %parallel_loop3A_485 = arith.mulf %parallel_loop3A_483, %parallel_loop3A_484 : vector<16xf32>
          %parallel_loop3A_486 = arith.addf %parallel_loop3A_444, %parallel_loop3A_485 : vector<16xf32>
          scf.yield %parallel_loop3A_456, %parallel_loop3A_466, %parallel_loop3A_476, %parallel_loop3A_486 : vector<16xf32>, vector<16xf32>, vector<16xf32>, vector<16xf32>
        } {sc.loop_unroll_factor = 4 : i64, sc.parallel_access}
        %add3A_196 = arith.addf %parallel_loop3A_195#0, %parallel_loop3A_195#1 : vector<16xf32>
        %add3A_197 = arith.addf %parallel_loop3A_195#2, %parallel_loop3A_195#3 : vector<16xf32>
        %add3A_198 = arith.addf %add3A_196, %add3A_197 : vector<16xf32>
        %mul3A_199 = arith.constant 80 : i32
        %mul3A_200 = arith.muli %mul3A_91, %mul3A_199 : i32
        %add3A_201 = arith.constant 32 : i32
        %add3A_202 = arith.addi %mul3A_200, %add3A_201 : i32
        %swap3A_203 = arith.index_cast %add3A_202 : i32 to index
        %swap3A_204 = tpu.vector_load %arg16[%swap3A_203] {strides = array<i32>} : memref<5120xf32, #tpu.memory_space<vmem>>, vector<16xf32>,
        tpu.vector_store %arg16[%swap3A_203], %add3A_198 {strides = array<i32>} : memref<5120xf32, #tpu.memory_space<vmem>>, vector<16xf32>,
        %add3A_205 = arith.constant 48 : i32
        %add3A_206 = vector.broadcast %add3A_205 : i32 to vector<16xi32>
        %add3A_207 = arith.addi %iota3A, %add3A_206 : vector<16xi32>
        %mul3A_208 = arith.constant 80 : i32
        %mul3A_209 = arith.muli %mul3A_91, %mul3A_208 : i32
        %add3A_210 = arith.constant 48 : i32
        %add3A_211 = arith.addi %mul3A_209, %add3A_210 : i32
        %get3A_212 = arith.index_cast %add3A_211 : i32 to index
        %get3A_213 = tpu.vector_load %arg8[%get3A_212] {strides = array<i32>} : memref<5120xi32, #tpu.memory_space<vmem>>, vector<16xi32>,
        %mul3A_214 = arith.constant 80 : i32
        %mul3A_215 = arith.muli %mul3A_91, %mul3A_214 : i32
        %add3A_216 = arith.constant 48 : i32
        %add3A_217 = arith.addi %mul3A_215, %add3A_216 : i32
        %get3A_218 = arith.index_cast %add3A_217 : i32 to index
        %get3A_219 = tpu.vector_load %arg9[%get3A_218] {strides = array<i32>} : memref<5120xi32, #tpu.memory_space<vmem>>, vector<16xi32>,
        %gather3A_220 = tpu.vector_load_idx %arg14[%get3A_213] : memref<10000xf32, #tpu.memory_space<vmem>>[vector<16xi32>], vector<16xf32>,
        %gather3A_221 = tpu.vector_load_idx %arg15[%get3A_219] : memref<10000xf32, #tpu.memory_space<vmem>>[vector<16xi32>], vector<16xf32>,
        %add3A_222 = arith.addf %gather3A_220, %gather3A_221 : vector<16xf32>
        %parallel_loop3A_223 = arith.constant 0 : i32
        %parallel_loop3A_224 = arith.constant 256 : i32
        %parallel_loop3A_225 = arith.constant 4 : i32
        %parallel_loop3A_226:4 = scf.for %parallel_loop3A_440 = %parallel_loop3A_223 to %parallel_loop3A_224 step %parallel_loop3A_225 iter_args(%parallel_loop3A_441 = %add3A_222, %parallel_loop3A_442 = %broadcast_in_dim3A_27, %parallel_loop3A_443 = %broadcast_in_dim3A_27, %parallel_loop3A_444 = %broadcast_in_dim3A_27) -> (vector<16xf32>, vector<16xf32>, vector<16xf32>, vector<16xf32>)  : i32 {
          %parallel_loop3A_445 = vector.broadcast %parallel_loop3A_440 : i32 to vector<16xi32>
          %parallel_loop3A_446 = arith.addi %parallel_loop3A_445, %iota3A : vector<16xi32>
          %parallel_loop3A_447 = arith.constant 0 : i32
          %parallel_loop3A_448 = vector.broadcast %parallel_loop3A_447 : i32 to vector<16xi32>
          %parallel_loop3A_449 = arith.addi %parallel_loop3A_446, %parallel_loop3A_448 : vector<16xi32>
          %parallel_loop3A_450 = arith.constant 255 : i32
          %parallel_loop3A_451 = vector.broadcast %parallel_loop3A_450 : i32 to vector<16xi32>
          %parallel_loop3A_452 = arith.andi %parallel_loop3A_449, %parallel_loop3A_451 : vector<16xi32>
          %parallel_loop3A_453 = tpu.vector_load_idx %arg10[%add3A_207, %parallel_loop3A_452] : memref<80x256xf32, #tpu.memory_space<vmem>>[vector<16xi32>, vector<16xi32>], vector<16xf32>,
          %parallel_loop3A_454 = tpu.vector_load_idx %arg11[%add3A_207, %parallel_loop3A_452] : memref<80x256xf32, #tpu.memory_space<vmem>>[vector<16xi32>, vector<16xi32>], vector<16xf32>,
          %parallel_loop3A_455 = arith.mulf %parallel_loop3A_453, %parallel_loop3A_454 : vector<16xf32>
          %parallel_loop3A_456 = arith.addf %parallel_loop3A_441, %parallel_loop3A_455 : vector<16xf32>
          %parallel_loop3A_457 = arith.constant 1 : i32
          %parallel_loop3A_458 = vector.broadcast %parallel_loop3A_457 : i32 to vector<16xi32>
          %parallel_loop3A_459 = arith.addi %parallel_loop3A_446, %parallel_loop3A_458 : vector<16xi32>
          %parallel_loop3A_460 = arith.constant 255 : i32
          %parallel_loop3A_461 = vector.broadcast %parallel_loop3A_460 : i32 to vector<16xi32>
          %parallel_loop3A_462 = arith.andi %parallel_loop3A_459, %parallel_loop3A_461 : vector<16xi32>
          %parallel_loop3A_463 = tpu.vector_load_idx %arg10[%add3A_207, %parallel_loop3A_462] : memref<80x256xf32, #tpu.memory_space<vmem>>[vector<16xi32>, vector<16xi32>], vector<16xf32>,
          %parallel_loop3A_464 = tpu.vector_load_idx %arg11[%add3A_207, %parallel_loop3A_462] : memref<80x256xf32, #tpu.memory_space<vmem>>[vector<16xi32>, vector<16xi32>], vector<16xf32>,
          %parallel_loop3A_465 = arith.mulf %parallel_loop3A_463, %parallel_loop3A_464 : vector<16xf32>
          %parallel_loop3A_466 = arith.addf %parallel_loop3A_442, %parallel_loop3A_465 : vector<16xf32>
          %parallel_loop3A_467 = arith.constant 2 : i32
          %parallel_loop3A_468 = vector.broadcast %parallel_loop3A_467 : i32 to vector<16xi32>
          %parallel_loop3A_469 = arith.addi %parallel_loop3A_446, %parallel_loop3A_468 : vector<16xi32>
          %parallel_loop3A_470 = arith.constant 255 : i32
          %parallel_loop3A_471 = vector.broadcast %parallel_loop3A_470 : i32 to vector<16xi32>
          %parallel_loop3A_472 = arith.andi %parallel_loop3A_469, %parallel_loop3A_471 : vector<16xi32>
          %parallel_loop3A_473 = tpu.vector_load_idx %arg10[%add3A_207, %parallel_loop3A_472] : memref<80x256xf32, #tpu.memory_space<vmem>>[vector<16xi32>, vector<16xi32>], vector<16xf32>,
          %parallel_loop3A_474 = tpu.vector_load_idx %arg11[%add3A_207, %parallel_loop3A_472] : memref<80x256xf32, #tpu.memory_space<vmem>>[vector<16xi32>, vector<16xi32>], vector<16xf32>,
          %parallel_loop3A_475 = arith.mulf %parallel_loop3A_473, %parallel_loop3A_474 : vector<16xf32>
          %parallel_loop3A_476 = arith.addf %parallel_loop3A_443, %parallel_loop3A_475 : vector<16xf32>
          %parallel_loop3A_477 = arith.constant 3 : i32
          %parallel_loop3A_478 = vector.broadcast %parallel_loop3A_477 : i32 to vector<16xi32>
          %parallel_loop3A_479 = arith.addi %parallel_loop3A_446, %parallel_loop3A_478 : vector<16xi32>
          %parallel_loop3A_480 = arith.constant 255 : i32
          %parallel_loop3A_481 = vector.broadcast %parallel_loop3A_480 : i32 to vector<16xi32>
          %parallel_loop3A_482 = arith.andi %parallel_loop3A_479, %parallel_loop3A_481 : vector<16xi32>
          %parallel_loop3A_483 = tpu.vector_load_idx %arg10[%add3A_207, %parallel_loop3A_482] : memref<80x256xf32, #tpu.memory_space<vmem>>[vector<16xi32>, vector<16xi32>], vector<16xf32>,
          %parallel_loop3A_484 = tpu.vector_load_idx %arg11[%add3A_207, %parallel_loop3A_482] : memref<80x256xf32, #tpu.memory_space<vmem>>[vector<16xi32>, vector<16xi32>], vector<16xf32>,
          %parallel_loop3A_485 = arith.mulf %parallel_loop3A_483, %parallel_loop3A_484 : vector<16xf32>
          %parallel_loop3A_486 = arith.addf %parallel_loop3A_444, %parallel_loop3A_485 : vector<16xf32>
          scf.yield %parallel_loop3A_456, %parallel_loop3A_466, %parallel_loop3A_476, %parallel_loop3A_486 : vector<16xf32>, vector<16xf32>, vector<16xf32>, vector<16xf32>
        } {sc.loop_unroll_factor = 4 : i64, sc.parallel_access}
        %add3A_227 = arith.addf %parallel_loop3A_226#0, %parallel_loop3A_226#1 : vector<16xf32>
        %add3A_228 = arith.addf %parallel_loop3A_226#2, %parallel_loop3A_226#3 : vector<16xf32>
        %add3A_229 = arith.addf %add3A_227, %add3A_228 : vector<16xf32>
        %mul3A_230 = arith.constant 80 : i32
        %mul3A_231 = arith.muli %mul3A_91, %mul3A_230 : i32
        %add3A_232 = arith.constant 48 : i32
        %add3A_233 = arith.addi %mul3A_231, %add3A_232 : i32
        %swap3A_234 = arith.index_cast %add3A_233 : i32 to index
        %swap3A_235 = tpu.vector_load %arg16[%swap3A_234] {strides = array<i32>} : memref<5120xf32, #tpu.memory_space<vmem>>, vector<16xf32>,
        tpu.vector_store %arg16[%swap3A_234], %add3A_229 {strides = array<i32>} : memref<5120xf32, #tpu.memory_space<vmem>>, vector<16xf32>,
        %add3A_236 = arith.constant 64 : i32
        %add3A_237 = vector.broadcast %add3A_236 : i32 to vector<16xi32>
        %add3A_238 = arith.addi %iota3A, %add3A_237 : vector<16xi32>
        %mul3A_239 = arith.constant 80 : i32
        %mul3A_240 = arith.muli %mul3A_91, %mul3A_239 : i32
        %add3A_241 = arith.constant 64 : i32
        %add3A_242 = arith.addi %mul3A_240, %add3A_241 : i32
        %get3A_243 = arith.index_cast %add3A_242 : i32 to index
        %get3A_244 = tpu.vector_load %arg8[%get3A_243] {strides = array<i32>} : memref<5120xi32, #tpu.memory_space<vmem>>, vector<16xi32>,
        %mul3A_245 = arith.constant 80 : i32
        %mul3A_246 = arith.muli %mul3A_91, %mul3A_245 : i32
        %add3A_247 = arith.constant 64 : i32
        %add3A_248 = arith.addi %mul3A_246, %add3A_247 : i32
        %get3A_249 = arith.index_cast %add3A_248 : i32 to index
        %get3A_250 = tpu.vector_load %arg9[%get3A_249] {strides = array<i32>} : memref<5120xi32, #tpu.memory_space<vmem>>, vector<16xi32>,
        %gather3A_251 = tpu.vector_load_idx %arg14[%get3A_244] : memref<10000xf32, #tpu.memory_space<vmem>>[vector<16xi32>], vector<16xf32>,
        %gather3A_252 = tpu.vector_load_idx %arg15[%get3A_250] : memref<10000xf32, #tpu.memory_space<vmem>>[vector<16xi32>], vector<16xf32>,
        %add3A_253 = arith.addf %gather3A_251, %gather3A_252 : vector<16xf32>
        %parallel_loop3A_254 = arith.constant 0 : i32
        %parallel_loop3A_255 = arith.constant 256 : i32
        %parallel_loop3A_256 = arith.constant 4 : i32
        %parallel_loop3A_257:4 = scf.for %parallel_loop3A_440 = %parallel_loop3A_254 to %parallel_loop3A_255 step %parallel_loop3A_256 iter_args(%parallel_loop3A_441 = %add3A_253, %parallel_loop3A_442 = %broadcast_in_dim3A_27, %parallel_loop3A_443 = %broadcast_in_dim3A_27, %parallel_loop3A_444 = %broadcast_in_dim3A_27) -> (vector<16xf32>, vector<16xf32>, vector<16xf32>, vector<16xf32>)  : i32 {
          %parallel_loop3A_445 = vector.broadcast %parallel_loop3A_440 : i32 to vector<16xi32>
          %parallel_loop3A_446 = arith.addi %parallel_loop3A_445, %iota3A : vector<16xi32>
          %parallel_loop3A_447 = arith.constant 0 : i32
          %parallel_loop3A_448 = vector.broadcast %parallel_loop3A_447 : i32 to vector<16xi32>
          %parallel_loop3A_449 = arith.addi %parallel_loop3A_446, %parallel_loop3A_448 : vector<16xi32>
          %parallel_loop3A_450 = arith.constant 255 : i32
          %parallel_loop3A_451 = vector.broadcast %parallel_loop3A_450 : i32 to vector<16xi32>
          %parallel_loop3A_452 = arith.andi %parallel_loop3A_449, %parallel_loop3A_451 : vector<16xi32>
          %parallel_loop3A_453 = tpu.vector_load_idx %arg10[%add3A_238, %parallel_loop3A_452] : memref<80x256xf32, #tpu.memory_space<vmem>>[vector<16xi32>, vector<16xi32>], vector<16xf32>,
          %parallel_loop3A_454 = tpu.vector_load_idx %arg11[%add3A_238, %parallel_loop3A_452] : memref<80x256xf32, #tpu.memory_space<vmem>>[vector<16xi32>, vector<16xi32>], vector<16xf32>,
          %parallel_loop3A_455 = arith.mulf %parallel_loop3A_453, %parallel_loop3A_454 : vector<16xf32>
          %parallel_loop3A_456 = arith.addf %parallel_loop3A_441, %parallel_loop3A_455 : vector<16xf32>
          %parallel_loop3A_457 = arith.constant 1 : i32
          %parallel_loop3A_458 = vector.broadcast %parallel_loop3A_457 : i32 to vector<16xi32>
          %parallel_loop3A_459 = arith.addi %parallel_loop3A_446, %parallel_loop3A_458 : vector<16xi32>
          %parallel_loop3A_460 = arith.constant 255 : i32
          %parallel_loop3A_461 = vector.broadcast %parallel_loop3A_460 : i32 to vector<16xi32>
          %parallel_loop3A_462 = arith.andi %parallel_loop3A_459, %parallel_loop3A_461 : vector<16xi32>
          %parallel_loop3A_463 = tpu.vector_load_idx %arg10[%add3A_238, %parallel_loop3A_462] : memref<80x256xf32, #tpu.memory_space<vmem>>[vector<16xi32>, vector<16xi32>], vector<16xf32>,
          %parallel_loop3A_464 = tpu.vector_load_idx %arg11[%add3A_238, %parallel_loop3A_462] : memref<80x256xf32, #tpu.memory_space<vmem>>[vector<16xi32>, vector<16xi32>], vector<16xf32>,
          %parallel_loop3A_465 = arith.mulf %parallel_loop3A_463, %parallel_loop3A_464 : vector<16xf32>
          %parallel_loop3A_466 = arith.addf %parallel_loop3A_442, %parallel_loop3A_465 : vector<16xf32>
          %parallel_loop3A_467 = arith.constant 2 : i32
          %parallel_loop3A_468 = vector.broadcast %parallel_loop3A_467 : i32 to vector<16xi32>
          %parallel_loop3A_469 = arith.addi %parallel_loop3A_446, %parallel_loop3A_468 : vector<16xi32>
          %parallel_loop3A_470 = arith.constant 255 : i32
          %parallel_loop3A_471 = vector.broadcast %parallel_loop3A_470 : i32 to vector<16xi32>
          %parallel_loop3A_472 = arith.andi %parallel_loop3A_469, %parallel_loop3A_471 : vector<16xi32>
          %parallel_loop3A_473 = tpu.vector_load_idx %arg10[%add3A_238, %parallel_loop3A_472] : memref<80x256xf32, #tpu.memory_space<vmem>>[vector<16xi32>, vector<16xi32>], vector<16xf32>,
          %parallel_loop3A_474 = tpu.vector_load_idx %arg11[%add3A_238, %parallel_loop3A_472] : memref<80x256xf32, #tpu.memory_space<vmem>>[vector<16xi32>, vector<16xi32>], vector<16xf32>,
          %parallel_loop3A_475 = arith.mulf %parallel_loop3A_473, %parallel_loop3A_474 : vector<16xf32>
          %parallel_loop3A_476 = arith.addf %parallel_loop3A_443, %parallel_loop3A_475 : vector<16xf32>
          %parallel_loop3A_477 = arith.constant 3 : i32
          %parallel_loop3A_478 = vector.broadcast %parallel_loop3A_477 : i32 to vector<16xi32>
          %parallel_loop3A_479 = arith.addi %parallel_loop3A_446, %parallel_loop3A_478 : vector<16xi32>
          %parallel_loop3A_480 = arith.constant 255 : i32
          %parallel_loop3A_481 = vector.broadcast %parallel_loop3A_480 : i32 to vector<16xi32>
          %parallel_loop3A_482 = arith.andi %parallel_loop3A_479, %parallel_loop3A_481 : vector<16xi32>
          %parallel_loop3A_483 = tpu.vector_load_idx %arg10[%add3A_238, %parallel_loop3A_482] : memref<80x256xf32, #tpu.memory_space<vmem>>[vector<16xi32>, vector<16xi32>], vector<16xf32>,
          %parallel_loop3A_484 = tpu.vector_load_idx %arg11[%add3A_238, %parallel_loop3A_482] : memref<80x256xf32, #tpu.memory_space<vmem>>[vector<16xi32>, vector<16xi32>], vector<16xf32>,
          %parallel_loop3A_485 = arith.mulf %parallel_loop3A_483, %parallel_loop3A_484 : vector<16xf32>
          %parallel_loop3A_486 = arith.addf %parallel_loop3A_444, %parallel_loop3A_485 : vector<16xf32>
          scf.yield %parallel_loop3A_456, %parallel_loop3A_466, %parallel_loop3A_476, %parallel_loop3A_486 : vector<16xf32>, vector<16xf32>, vector<16xf32>, vector<16xf32>
        } {sc.loop_unroll_factor = 4 : i64, sc.parallel_access}
        %add3A_258 = arith.addf %parallel_loop3A_257#0, %parallel_loop3A_257#1 : vector<16xf32>
        %add3A_259 = arith.addf %parallel_loop3A_257#2, %parallel_loop3A_257#3 : vector<16xf32>
        %add3A_260 = arith.addf %add3A_258, %add3A_259 : vector<16xf32>
        %mul3A_261 = arith.constant 80 : i32
        %mul3A_262 = arith.muli %mul3A_91, %mul3A_261 : i32
        %add3A_263 = arith.constant 64 : i32
        %add3A_264 = arith.addi %mul3A_262, %add3A_263 : i32
        %swap3A_265 = arith.index_cast %add3A_264 : i32 to index
        %swap3A_266 = tpu.vector_load %arg16[%swap3A_265] {strides = array<i32>} : memref<5120xf32, #tpu.memory_space<vmem>>, vector<16xf32>,
        tpu.vector_store %arg16[%swap3A_265], %add3A_260 {strides = array<i32>} : memref<5120xf32, #tpu.memory_space<vmem>>, vector<16xf32>,
        %add3A_267 = arith.constant 1 : i32
        %add3A_268 = arith.addi %add3A_92, %add3A_267 : i32
        %lt3A_269 = arith.cmpi slt, %add3A_268, %select_n3A_26 : i32
        %convert_element_type3A_270 = arith.extui %lt3A_269 : i1 to i32
        %cond3A_271 = arith.constant 0 : i32
        %cond3A_272 = arith.cmpi ne, %convert_element_type3A_270, %cond3A_271 : i32
        scf.if %cond3A_272 {
          %add3A_440 = arith.constant 1 : i32
          %add3A_441 = arith.addi %add3A_92, %add3A_440 : i32
          %mul3A_442 = arith.constant 80 : i32
          %mul3A_443 = arith.muli %add3A_441, %mul3A_442 : i32
          %dma_start3A_444 = tpu.memref_slice %arg8[%mul3A_443] : memref<5120xi32, #tpu.memory_space<vmem>> -> memref<80xi32, #tpu.memory_space<vmem>>
          %dma_start3A_445 = arith.constant 0 : i32
          %dma_start3A_446 = arith.constant 0 : i32
          %dma_start3A_447 = tpu.memref_slice %arg2[%dma_start3A_445, %dma_start3A_446] : memref<10000x256xf32, #tpu.memory_space<hbm>> -> memref<10000x256xf32, #tpu.memory_space<hbm>>
          tpu.enqueue_indirect_dma source(%dma_start3A_447 : memref<10000x256xf32, #tpu.memory_space<hbm>>) target(%arg10 : memref<80x256xf32, #tpu.memory_space<vmem>>) offsets(%dma_start3A_444 : memref<80xi32, #tpu.memory_space<vmem>>) semaphore(%arg17 : memref<!tpu.dma_semaphore, #tpu.memory_space<semaphore_mem>>)
          %mul3A_448 = arith.constant 80 : i32
          %mul3A_449 = arith.muli %add3A_441, %mul3A_448 : i32
          %dma_start3A_450 = tpu.memref_slice %arg9[%mul3A_449] : memref<5120xi32, #tpu.memory_space<vmem>> -> memref<80xi32, #tpu.memory_space<vmem>>
          %dma_start3A_451 = arith.constant 0 : i32
          %dma_start3A_452 = arith.constant 0 : i32
          %dma_start3A_453 = tpu.memref_slice %arg3[%dma_start3A_451, %dma_start3A_452] : memref<10000x256xf32, #tpu.memory_space<hbm>> -> memref<10000x256xf32, #tpu.memory_space<hbm>>
          tpu.enqueue_indirect_dma source(%dma_start3A_453 : memref<10000x256xf32, #tpu.memory_space<hbm>>) target(%arg11 : memref<80x256xf32, #tpu.memory_space<vmem>>) offsets(%dma_start3A_450 : memref<80xi32, #tpu.memory_space<vmem>>) semaphore(%arg18 : memref<!tpu.dma_semaphore, #tpu.memory_space<semaphore_mem>>)
        } else {
        }
        %mul3A_273 = arith.constant 80 : i32
        %mul3A_274 = arith.muli %add3A_92, %mul3A_273 : i32
        %dma_wait3A_275 = tpu.memref_slice %arg8[%mul3A_274] : memref<5120xi32, #tpu.memory_space<vmem>> -> memref<80xi32, #tpu.memory_space<vmem>>
        %dma_wait3A_276 = arith.constant 0 : i32
        %dma_wait3A_277 = arith.constant 0 : i32
        %dma_wait3A_278 = tpu.memref_slice %arg2[%dma_wait3A_276, %dma_wait3A_277] : memref<10000x256xf32, #tpu.memory_space<hbm>> -> memref<10000x256xf32, #tpu.memory_space<hbm>>
        tpu.wait_indirect_dma semaphore(%arg19 : memref<!tpu.dma_semaphore, #tpu.memory_space<semaphore_mem>>) src(%dma_wait3A_278 : memref<10000x256xf32, #tpu.memory_space<hbm>>) dst(%arg12 : memref<80x256xf32, #tpu.memory_space<vmem>>)
        %mul3A_279 = arith.constant 80 : i32
        %mul3A_280 = arith.muli %add3A_92, %mul3A_279 : i32
        %dma_wait3A_281 = tpu.memref_slice %arg9[%mul3A_280] : memref<5120xi32, #tpu.memory_space<vmem>> -> memref<80xi32, #tpu.memory_space<vmem>>
        %dma_wait3A_282 = arith.constant 0 : i32
        %dma_wait3A_283 = arith.constant 0 : i32
        %dma_wait3A_284 = tpu.memref_slice %arg3[%dma_wait3A_282, %dma_wait3A_283] : memref<10000x256xf32, #tpu.memory_space<hbm>> -> memref<10000x256xf32, #tpu.memory_space<hbm>>
        tpu.wait_indirect_dma semaphore(%arg20 : memref<!tpu.dma_semaphore, #tpu.memory_space<semaphore_mem>>) src(%dma_wait3A_284 : memref<10000x256xf32, #tpu.memory_space<hbm>>) dst(%arg13 : memref<80x256xf32, #tpu.memory_space<vmem>>)
        %add3A_285 = arith.constant 0 : i32
        %add3A_286 = vector.broadcast %add3A_285 : i32 to vector<16xi32>
        %add3A_287 = arith.addi %iota3A, %add3A_286 : vector<16xi32>
        %mul3A_288 = arith.constant 80 : i32
        %mul3A_289 = arith.muli %add3A_92, %mul3A_288 : i32
        %add3A_290 = arith.constant 0 : i32
        %add3A_291 = arith.addi %mul3A_289, %add3A_290 : i32
        %get3A_292 = arith.index_cast %add3A_291 : i32 to index
        %get3A_293 = tpu.vector_load %arg8[%get3A_292] {strides = array<i32>} : memref<5120xi32, #tpu.memory_space<vmem>>, vector<16xi32>,
        %mul3A_294 = arith.constant 80 : i32
        %mul3A_295 = arith.muli %add3A_92, %mul3A_294 : i32
        %add3A_296 = arith.constant 0 : i32
        %add3A_297 = arith.addi %mul3A_295, %add3A_296 : i32
        %get3A_298 = arith.index_cast %add3A_297 : i32 to index
        %get3A_299 = tpu.vector_load %arg9[%get3A_298] {strides = array<i32>} : memref<5120xi32, #tpu.memory_space<vmem>>, vector<16xi32>,
        %gather3A_300 = tpu.vector_load_idx %arg14[%get3A_293] : memref<10000xf32, #tpu.memory_space<vmem>>[vector<16xi32>], vector<16xf32>,
        %gather3A_301 = tpu.vector_load_idx %arg15[%get3A_299] : memref<10000xf32, #tpu.memory_space<vmem>>[vector<16xi32>], vector<16xf32>,
        %add3A_302 = arith.addf %gather3A_300, %gather3A_301 : vector<16xf32>
        %parallel_loop3A_303 = arith.constant 0 : i32
        %parallel_loop3A_304 = arith.constant 256 : i32
        %parallel_loop3A_305 = arith.constant 4 : i32
        %parallel_loop3A_306:4 = scf.for %parallel_loop3A_440 = %parallel_loop3A_303 to %parallel_loop3A_304 step %parallel_loop3A_305 iter_args(%parallel_loop3A_441 = %add3A_302, %parallel_loop3A_442 = %broadcast_in_dim3A_27, %parallel_loop3A_443 = %broadcast_in_dim3A_27, %parallel_loop3A_444 = %broadcast_in_dim3A_27) -> (vector<16xf32>, vector<16xf32>, vector<16xf32>, vector<16xf32>)  : i32 {
          %parallel_loop3A_445 = vector.broadcast %parallel_loop3A_440 : i32 to vector<16xi32>
          %parallel_loop3A_446 = arith.addi %parallel_loop3A_445, %iota3A : vector<16xi32>
          %parallel_loop3A_447 = arith.constant 0 : i32
          %parallel_loop3A_448 = vector.broadcast %parallel_loop3A_447 : i32 to vector<16xi32>
          %parallel_loop3A_449 = arith.addi %parallel_loop3A_446, %parallel_loop3A_448 : vector<16xi32>
          %parallel_loop3A_450 = arith.constant 255 : i32
          %parallel_loop3A_451 = vector.broadcast %parallel_loop3A_450 : i32 to vector<16xi32>
          %parallel_loop3A_452 = arith.andi %parallel_loop3A_449, %parallel_loop3A_451 : vector<16xi32>
          %parallel_loop3A_453 = tpu.vector_load_idx %arg12[%add3A_287, %parallel_loop3A_452] : memref<80x256xf32, #tpu.memory_space<vmem>>[vector<16xi32>, vector<16xi32>], vector<16xf32>,
          %parallel_loop3A_454 = tpu.vector_load_idx %arg13[%add3A_287, %parallel_loop3A_452] : memref<80x256xf32, #tpu.memory_space<vmem>>[vector<16xi32>, vector<16xi32>], vector<16xf32>,
          %parallel_loop3A_455 = arith.mulf %parallel_loop3A_453, %parallel_loop3A_454 : vector<16xf32>
          %parallel_loop3A_456 = arith.addf %parallel_loop3A_441, %parallel_loop3A_455 : vector<16xf32>
          %parallel_loop3A_457 = arith.constant 1 : i32
          %parallel_loop3A_458 = vector.broadcast %parallel_loop3A_457 : i32 to vector<16xi32>
          %parallel_loop3A_459 = arith.addi %parallel_loop3A_446, %parallel_loop3A_458 : vector<16xi32>
          %parallel_loop3A_460 = arith.constant 255 : i32
          %parallel_loop3A_461 = vector.broadcast %parallel_loop3A_460 : i32 to vector<16xi32>
          %parallel_loop3A_462 = arith.andi %parallel_loop3A_459, %parallel_loop3A_461 : vector<16xi32>
          %parallel_loop3A_463 = tpu.vector_load_idx %arg12[%add3A_287, %parallel_loop3A_462] : memref<80x256xf32, #tpu.memory_space<vmem>>[vector<16xi32>, vector<16xi32>], vector<16xf32>,
          %parallel_loop3A_464 = tpu.vector_load_idx %arg13[%add3A_287, %parallel_loop3A_462] : memref<80x256xf32, #tpu.memory_space<vmem>>[vector<16xi32>, vector<16xi32>], vector<16xf32>,
          %parallel_loop3A_465 = arith.mulf %parallel_loop3A_463, %parallel_loop3A_464 : vector<16xf32>
          %parallel_loop3A_466 = arith.addf %parallel_loop3A_442, %parallel_loop3A_465 : vector<16xf32>
          %parallel_loop3A_467 = arith.constant 2 : i32
          %parallel_loop3A_468 = vector.broadcast %parallel_loop3A_467 : i32 to vector<16xi32>
          %parallel_loop3A_469 = arith.addi %parallel_loop3A_446, %parallel_loop3A_468 : vector<16xi32>
          %parallel_loop3A_470 = arith.constant 255 : i32
          %parallel_loop3A_471 = vector.broadcast %parallel_loop3A_470 : i32 to vector<16xi32>
          %parallel_loop3A_472 = arith.andi %parallel_loop3A_469, %parallel_loop3A_471 : vector<16xi32>
          %parallel_loop3A_473 = tpu.vector_load_idx %arg12[%add3A_287, %parallel_loop3A_472] : memref<80x256xf32, #tpu.memory_space<vmem>>[vector<16xi32>, vector<16xi32>], vector<16xf32>,
          %parallel_loop3A_474 = tpu.vector_load_idx %arg13[%add3A_287, %parallel_loop3A_472] : memref<80x256xf32, #tpu.memory_space<vmem>>[vector<16xi32>, vector<16xi32>], vector<16xf32>,
          %parallel_loop3A_475 = arith.mulf %parallel_loop3A_473, %parallel_loop3A_474 : vector<16xf32>
          %parallel_loop3A_476 = arith.addf %parallel_loop3A_443, %parallel_loop3A_475 : vector<16xf32>
          %parallel_loop3A_477 = arith.constant 3 : i32
          %parallel_loop3A_478 = vector.broadcast %parallel_loop3A_477 : i32 to vector<16xi32>
          %parallel_loop3A_479 = arith.addi %parallel_loop3A_446, %parallel_loop3A_478 : vector<16xi32>
          %parallel_loop3A_480 = arith.constant 255 : i32
          %parallel_loop3A_481 = vector.broadcast %parallel_loop3A_480 : i32 to vector<16xi32>
          %parallel_loop3A_482 = arith.andi %parallel_loop3A_479, %parallel_loop3A_481 : vector<16xi32>
          %parallel_loop3A_483 = tpu.vector_load_idx %arg12[%add3A_287, %parallel_loop3A_482] : memref<80x256xf32, #tpu.memory_space<vmem>>[vector<16xi32>, vector<16xi32>], vector<16xf32>,
          %parallel_loop3A_484 = tpu.vector_load_idx %arg13[%add3A_287, %parallel_loop3A_482] : memref<80x256xf32, #tpu.memory_space<vmem>>[vector<16xi32>, vector<16xi32>], vector<16xf32>,
          %parallel_loop3A_485 = arith.mulf %parallel_loop3A_483, %parallel_loop3A_484 : vector<16xf32>
          %parallel_loop3A_486 = arith.addf %parallel_loop3A_444, %parallel_loop3A_485 : vector<16xf32>
          scf.yield %parallel_loop3A_456, %parallel_loop3A_466, %parallel_loop3A_476, %parallel_loop3A_486 : vector<16xf32>, vector<16xf32>, vector<16xf32>, vector<16xf32>
        } {sc.loop_unroll_factor = 4 : i64, sc.parallel_access}
        %add3A_307 = arith.addf %parallel_loop3A_306#0, %parallel_loop3A_306#1 : vector<16xf32>
        %add3A_308 = arith.addf %parallel_loop3A_306#2, %parallel_loop3A_306#3 : vector<16xf32>
        %add3A_309 = arith.addf %add3A_307, %add3A_308 : vector<16xf32>
        %mul3A_310 = arith.constant 80 : i32
        %mul3A_311 = arith.muli %add3A_92, %mul3A_310 : i32
        %add3A_312 = arith.constant 0 : i32
        %add3A_313 = arith.addi %mul3A_311, %add3A_312 : i32
        %swap3A_314 = arith.index_cast %add3A_313 : i32 to index
        %swap3A_315 = tpu.vector_load %arg16[%swap3A_314] {strides = array<i32>} : memref<5120xf32, #tpu.memory_space<vmem>>, vector<16xf32>,
        tpu.vector_store %arg16[%swap3A_314], %add3A_309 {strides = array<i32>} : memref<5120xf32, #tpu.memory_space<vmem>>, vector<16xf32>,
        %add3A_316 = arith.constant 16 : i32
        %add3A_317 = vector.broadcast %add3A_316 : i32 to vector<16xi32>
        %add3A_318 = arith.addi %iota3A, %add3A_317 : vector<16xi32>
        %mul3A_319 = arith.constant 80 : i32
        %mul3A_320 = arith.muli %add3A_92, %mul3A_319 : i32
        %add3A_321 = arith.constant 16 : i32
        %add3A_322 = arith.addi %mul3A_320, %add3A_321 : i32
        %get3A_323 = arith.index_cast %add3A_322 : i32 to index
        %get3A_324 = tpu.vector_load %arg8[%get3A_323] {strides = array<i32>} : memref<5120xi32, #tpu.memory_space<vmem>>, vector<16xi32>,
        %mul3A_325 = arith.constant 80 : i32
        %mul3A_326 = arith.muli %add3A_92, %mul3A_325 : i32
        %add3A_327 = arith.constant 16 : i32
        %add3A_328 = arith.addi %mul3A_326, %add3A_327 : i32
        %get3A_329 = arith.index_cast %add3A_328 : i32 to index
        %get3A_330 = tpu.vector_load %arg9[%get3A_329] {strides = array<i32>} : memref<5120xi32, #tpu.memory_space<vmem>>, vector<16xi32>,
        %gather3A_331 = tpu.vector_load_idx %arg14[%get3A_324] : memref<10000xf32, #tpu.memory_space<vmem>>[vector<16xi32>], vector<16xf32>,
        %gather3A_332 = tpu.vector_load_idx %arg15[%get3A_330] : memref<10000xf32, #tpu.memory_space<vmem>>[vector<16xi32>], vector<16xf32>,
        %add3A_333 = arith.addf %gather3A_331, %gather3A_332 : vector<16xf32>
        %parallel_loop3A_334 = arith.constant 0 : i32
        %parallel_loop3A_335 = arith.constant 256 : i32
        %parallel_loop3A_336 = arith.constant 4 : i32
        %parallel_loop3A_337:4 = scf.for %parallel_loop3A_440 = %parallel_loop3A_334 to %parallel_loop3A_335 step %parallel_loop3A_336 iter_args(%parallel_loop3A_441 = %add3A_333, %parallel_loop3A_442 = %broadcast_in_dim3A_27, %parallel_loop3A_443 = %broadcast_in_dim3A_27, %parallel_loop3A_444 = %broadcast_in_dim3A_27) -> (vector<16xf32>, vector<16xf32>, vector<16xf32>, vector<16xf32>)  : i32 {
          %parallel_loop3A_445 = vector.broadcast %parallel_loop3A_440 : i32 to vector<16xi32>
          %parallel_loop3A_446 = arith.addi %parallel_loop3A_445, %iota3A : vector<16xi32>
          %parallel_loop3A_447 = arith.constant 0 : i32
          %parallel_loop3A_448 = vector.broadcast %parallel_loop3A_447 : i32 to vector<16xi32>
          %parallel_loop3A_449 = arith.addi %parallel_loop3A_446, %parallel_loop3A_448 : vector<16xi32>
          %parallel_loop3A_450 = arith.constant 255 : i32
          %parallel_loop3A_451 = vector.broadcast %parallel_loop3A_450 : i32 to vector<16xi32>
          %parallel_loop3A_452 = arith.andi %parallel_loop3A_449, %parallel_loop3A_451 : vector<16xi32>
          %parallel_loop3A_453 = tpu.vector_load_idx %arg12[%add3A_318, %parallel_loop3A_452] : memref<80x256xf32, #tpu.memory_space<vmem>>[vector<16xi32>, vector<16xi32>], vector<16xf32>,
          %parallel_loop3A_454 = tpu.vector_load_idx %arg13[%add3A_318, %parallel_loop3A_452] : memref<80x256xf32, #tpu.memory_space<vmem>>[vector<16xi32>, vector<16xi32>], vector<16xf32>,
          %parallel_loop3A_455 = arith.mulf %parallel_loop3A_453, %parallel_loop3A_454 : vector<16xf32>
          %parallel_loop3A_456 = arith.addf %parallel_loop3A_441, %parallel_loop3A_455 : vector<16xf32>
          %parallel_loop3A_457 = arith.constant 1 : i32
          %parallel_loop3A_458 = vector.broadcast %parallel_loop3A_457 : i32 to vector<16xi32>
          %parallel_loop3A_459 = arith.addi %parallel_loop3A_446, %parallel_loop3A_458 : vector<16xi32>
          %parallel_loop3A_460 = arith.constant 255 : i32
          %parallel_loop3A_461 = vector.broadcast %parallel_loop3A_460 : i32 to vector<16xi32>
          %parallel_loop3A_462 = arith.andi %parallel_loop3A_459, %parallel_loop3A_461 : vector<16xi32>
          %parallel_loop3A_463 = tpu.vector_load_idx %arg12[%add3A_318, %parallel_loop3A_462] : memref<80x256xf32, #tpu.memory_space<vmem>>[vector<16xi32>, vector<16xi32>], vector<16xf32>,
          %parallel_loop3A_464 = tpu.vector_load_idx %arg13[%add3A_318, %parallel_loop3A_462] : memref<80x256xf32, #tpu.memory_space<vmem>>[vector<16xi32>, vector<16xi32>], vector<16xf32>,
          %parallel_loop3A_465 = arith.mulf %parallel_loop3A_463, %parallel_loop3A_464 : vector<16xf32>
          %parallel_loop3A_466 = arith.addf %parallel_loop3A_442, %parallel_loop3A_465 : vector<16xf32>
          %parallel_loop3A_467 = arith.constant 2 : i32
          %parallel_loop3A_468 = vector.broadcast %parallel_loop3A_467 : i32 to vector<16xi32>
          %parallel_loop3A_469 = arith.addi %parallel_loop3A_446, %parallel_loop3A_468 : vector<16xi32>
          %parallel_loop3A_470 = arith.constant 255 : i32
          %parallel_loop3A_471 = vector.broadcast %parallel_loop3A_470 : i32 to vector<16xi32>
          %parallel_loop3A_472 = arith.andi %parallel_loop3A_469, %parallel_loop3A_471 : vector<16xi32>
          %parallel_loop3A_473 = tpu.vector_load_idx %arg12[%add3A_318, %parallel_loop3A_472] : memref<80x256xf32, #tpu.memory_space<vmem>>[vector<16xi32>, vector<16xi32>], vector<16xf32>,
          %parallel_loop3A_474 = tpu.vector_load_idx %arg13[%add3A_318, %parallel_loop3A_472] : memref<80x256xf32, #tpu.memory_space<vmem>>[vector<16xi32>, vector<16xi32>], vector<16xf32>,
          %parallel_loop3A_475 = arith.mulf %parallel_loop3A_473, %parallel_loop3A_474 : vector<16xf32>
          %parallel_loop3A_476 = arith.addf %parallel_loop3A_443, %parallel_loop3A_475 : vector<16xf32>
          %parallel_loop3A_477 = arith.constant 3 : i32
          %parallel_loop3A_478 = vector.broadcast %parallel_loop3A_477 : i32 to vector<16xi32>
          %parallel_loop3A_479 = arith.addi %parallel_loop3A_446, %parallel_loop3A_478 : vector<16xi32>
          %parallel_loop3A_480 = arith.constant 255 : i32
          %parallel_loop3A_481 = vector.broadcast %parallel_loop3A_480 : i32 to vector<16xi32>
          %parallel_loop3A_482 = arith.andi %parallel_loop3A_479, %parallel_loop3A_481 : vector<16xi32>
          %parallel_loop3A_483 = tpu.vector_load_idx %arg12[%add3A_318, %parallel_loop3A_482] : memref<80x256xf32, #tpu.memory_space<vmem>>[vector<16xi32>, vector<16xi32>], vector<16xf32>,
          %parallel_loop3A_484 = tpu.vector_load_idx %arg13[%add3A_318, %parallel_loop3A_482] : memref<80x256xf32, #tpu.memory_space<vmem>>[vector<16xi32>, vector<16xi32>], vector<16xf32>,
          %parallel_loop3A_485 = arith.mulf %parallel_loop3A_483, %parallel_loop3A_484 : vector<16xf32>
          %parallel_loop3A_486 = arith.addf %parallel_loop3A_444, %parallel_loop3A_485 : vector<16xf32>
          scf.yield %parallel_loop3A_456, %parallel_loop3A_466, %parallel_loop3A_476, %parallel_loop3A_486 : vector<16xf32>, vector<16xf32>, vector<16xf32>, vector<16xf32>
        } {sc.loop_unroll_factor = 4 : i64, sc.parallel_access}
        %add3A_338 = arith.addf %parallel_loop3A_337#0, %parallel_loop3A_337#1 : vector<16xf32>
        %add3A_339 = arith.addf %parallel_loop3A_337#2, %parallel_loop3A_337#3 : vector<16xf32>
        %add3A_340 = arith.addf %add3A_338, %add3A_339 : vector<16xf32>
        %mul3A_341 = arith.constant 80 : i32
        %mul3A_342 = arith.muli %add3A_92, %mul3A_341 : i32
        %add3A_343 = arith.constant 16 : i32
        %add3A_344 = arith.addi %mul3A_342, %add3A_343 : i32
        %swap3A_345 = arith.index_cast %add3A_344 : i32 to index
        %swap3A_346 = tpu.vector_load %arg16[%swap3A_345] {strides = array<i32>} : memref<5120xf32, #tpu.memory_space<vmem>>, vector<16xf32>,
        tpu.vector_store %arg16[%swap3A_345], %add3A_340 {strides = array<i32>} : memref<5120xf32, #tpu.memory_space<vmem>>, vector<16xf32>,
        %add3A_347 = arith.constant 32 : i32
        %add3A_348 = vector.broadcast %add3A_347 : i32 to vector<16xi32>
        %add3A_349 = arith.addi %iota3A, %add3A_348 : vector<16xi32>
        %mul3A_350 = arith.constant 80 : i32
        %mul3A_351 = arith.muli %add3A_92, %mul3A_350 : i32
        %add3A_352 = arith.constant 32 : i32
        %add3A_353 = arith.addi %mul3A_351, %add3A_352 : i32
        %get3A_354 = arith.index_cast %add3A_353 : i32 to index
        %get3A_355 = tpu.vector_load %arg8[%get3A_354] {strides = array<i32>} : memref<5120xi32, #tpu.memory_space<vmem>>, vector<16xi32>,
        %mul3A_356 = arith.constant 80 : i32
        %mul3A_357 = arith.muli %add3A_92, %mul3A_356 : i32
        %add3A_358 = arith.constant 32 : i32
        %add3A_359 = arith.addi %mul3A_357, %add3A_358 : i32
        %get3A_360 = arith.index_cast %add3A_359 : i32 to index
        %get3A_361 = tpu.vector_load %arg9[%get3A_360] {strides = array<i32>} : memref<5120xi32, #tpu.memory_space<vmem>>, vector<16xi32>,
        %gather3A_362 = tpu.vector_load_idx %arg14[%get3A_355] : memref<10000xf32, #tpu.memory_space<vmem>>[vector<16xi32>], vector<16xf32>,
        %gather3A_363 = tpu.vector_load_idx %arg15[%get3A_361] : memref<10000xf32, #tpu.memory_space<vmem>>[vector<16xi32>], vector<16xf32>,
        %add3A_364 = arith.addf %gather3A_362, %gather3A_363 : vector<16xf32>
        %parallel_loop3A_365 = arith.constant 0 : i32
        %parallel_loop3A_366 = arith.constant 256 : i32
        %parallel_loop3A_367 = arith.constant 4 : i32
        %parallel_loop3A_368:4 = scf.for %parallel_loop3A_440 = %parallel_loop3A_365 to %parallel_loop3A_366 step %parallel_loop3A_367 iter_args(%parallel_loop3A_441 = %add3A_364, %parallel_loop3A_442 = %broadcast_in_dim3A_27, %parallel_loop3A_443 = %broadcast_in_dim3A_27, %parallel_loop3A_444 = %broadcast_in_dim3A_27) -> (vector<16xf32>, vector<16xf32>, vector<16xf32>, vector<16xf32>)  : i32 {
          %parallel_loop3A_445 = vector.broadcast %parallel_loop3A_440 : i32 to vector<16xi32>
          %parallel_loop3A_446 = arith.addi %parallel_loop3A_445, %iota3A : vector<16xi32>
          %parallel_loop3A_447 = arith.constant 0 : i32
          %parallel_loop3A_448 = vector.broadcast %parallel_loop3A_447 : i32 to vector<16xi32>
          %parallel_loop3A_449 = arith.addi %parallel_loop3A_446, %parallel_loop3A_448 : vector<16xi32>
          %parallel_loop3A_450 = arith.constant 255 : i32
          %parallel_loop3A_451 = vector.broadcast %parallel_loop3A_450 : i32 to vector<16xi32>
          %parallel_loop3A_452 = arith.andi %parallel_loop3A_449, %parallel_loop3A_451 : vector<16xi32>
          %parallel_loop3A_453 = tpu.vector_load_idx %arg12[%add3A_349, %parallel_loop3A_452] : memref<80x256xf32, #tpu.memory_space<vmem>>[vector<16xi32>, vector<16xi32>], vector<16xf32>,
          %parallel_loop3A_454 = tpu.vector_load_idx %arg13[%add3A_349, %parallel_loop3A_452] : memref<80x256xf32, #tpu.memory_space<vmem>>[vector<16xi32>, vector<16xi32>], vector<16xf32>,
          %parallel_loop3A_455 = arith.mulf %parallel_loop3A_453, %parallel_loop3A_454 : vector<16xf32>
          %parallel_loop3A_456 = arith.addf %parallel_loop3A_441, %parallel_loop3A_455 : vector<16xf32>
          %parallel_loop3A_457 = arith.constant 1 : i32
          %parallel_loop3A_458 = vector.broadcast %parallel_loop3A_457 : i32 to vector<16xi32>
          %parallel_loop3A_459 = arith.addi %parallel_loop3A_446, %parallel_loop3A_458 : vector<16xi32>
          %parallel_loop3A_460 = arith.constant 255 : i32
          %parallel_loop3A_461 = vector.broadcast %parallel_loop3A_460 : i32 to vector<16xi32>
          %parallel_loop3A_462 = arith.andi %parallel_loop3A_459, %parallel_loop3A_461 : vector<16xi32>
          %parallel_loop3A_463 = tpu.vector_load_idx %arg12[%add3A_349, %parallel_loop3A_462] : memref<80x256xf32, #tpu.memory_space<vmem>>[vector<16xi32>, vector<16xi32>], vector<16xf32>,
          %parallel_loop3A_464 = tpu.vector_load_idx %arg13[%add3A_349, %parallel_loop3A_462] : memref<80x256xf32, #tpu.memory_space<vmem>>[vector<16xi32>, vector<16xi32>], vector<16xf32>,
          %parallel_loop3A_465 = arith.mulf %parallel_loop3A_463, %parallel_loop3A_464 : vector<16xf32>
          %parallel_loop3A_466 = arith.addf %parallel_loop3A_442, %parallel_loop3A_465 : vector<16xf32>
          %parallel_loop3A_467 = arith.constant 2 : i32
          %parallel_loop3A_468 = vector.broadcast %parallel_loop3A_467 : i32 to vector<16xi32>
          %parallel_loop3A_469 = arith.addi %parallel_loop3A_446, %parallel_loop3A_468 : vector<16xi32>
          %parallel_loop3A_470 = arith.constant 255 : i32
          %parallel_loop3A_471 = vector.broadcast %parallel_loop3A_470 : i32 to vector<16xi32>
          %parallel_loop3A_472 = arith.andi %parallel_loop3A_469, %parallel_loop3A_471 : vector<16xi32>
          %parallel_loop3A_473 = tpu.vector_load_idx %arg12[%add3A_349, %parallel_loop3A_472] : memref<80x256xf32, #tpu.memory_space<vmem>>[vector<16xi32>, vector<16xi32>], vector<16xf32>,
          %parallel_loop3A_474 = tpu.vector_load_idx %arg13[%add3A_349, %parallel_loop3A_472] : memref<80x256xf32, #tpu.memory_space<vmem>>[vector<16xi32>, vector<16xi32>], vector<16xf32>,
          %parallel_loop3A_475 = arith.mulf %parallel_loop3A_473, %parallel_loop3A_474 : vector<16xf32>
          %parallel_loop3A_476 = arith.addf %parallel_loop3A_443, %parallel_loop3A_475 : vector<16xf32>
          %parallel_loop3A_477 = arith.constant 3 : i32
          %parallel_loop3A_478 = vector.broadcast %parallel_loop3A_477 : i32 to vector<16xi32>
          %parallel_loop3A_479 = arith.addi %parallel_loop3A_446, %parallel_loop3A_478 : vector<16xi32>
          %parallel_loop3A_480 = arith.constant 255 : i32
          %parallel_loop3A_481 = vector.broadcast %parallel_loop3A_480 : i32 to vector<16xi32>
          %parallel_loop3A_482 = arith.andi %parallel_loop3A_479, %parallel_loop3A_481 : vector<16xi32>
          %parallel_loop3A_483 = tpu.vector_load_idx %arg12[%add3A_349, %parallel_loop3A_482] : memref<80x256xf32, #tpu.memory_space<vmem>>[vector<16xi32>, vector<16xi32>], vector<16xf32>,
          %parallel_loop3A_484 = tpu.vector_load_idx %arg13[%add3A_349, %parallel_loop3A_482] : memref<80x256xf32, #tpu.memory_space<vmem>>[vector<16xi32>, vector<16xi32>], vector<16xf32>,
          %parallel_loop3A_485 = arith.mulf %parallel_loop3A_483, %parallel_loop3A_484 : vector<16xf32>
          %parallel_loop3A_486 = arith.addf %parallel_loop3A_444, %parallel_loop3A_485 : vector<16xf32>
          scf.yield %parallel_loop3A_456, %parallel_loop3A_466, %parallel_loop3A_476, %parallel_loop3A_486 : vector<16xf32>, vector<16xf32>, vector<16xf32>, vector<16xf32>
        } {sc.loop_unroll_factor = 4 : i64, sc.parallel_access}
        %add3A_369 = arith.addf %parallel_loop3A_368#0, %parallel_loop3A_368#1 : vector<16xf32>
        %add3A_370 = arith.addf %parallel_loop3A_368#2, %parallel_loop3A_368#3 : vector<16xf32>
        %add3A_371 = arith.addf %add3A_369, %add3A_370 : vector<16xf32>
        %mul3A_372 = arith.constant 80 : i32
        %mul3A_373 = arith.muli %add3A_92, %mul3A_372 : i32
        %add3A_374 = arith.constant 32 : i32
        %add3A_375 = arith.addi %mul3A_373, %add3A_374 : i32
        %swap3A_376 = arith.index_cast %add3A_375 : i32 to index
        %swap3A_377 = tpu.vector_load %arg16[%swap3A_376] {strides = array<i32>} : memref<5120xf32, #tpu.memory_space<vmem>>, vector<16xf32>,
        tpu.vector_store %arg16[%swap3A_376], %add3A_371 {strides = array<i32>} : memref<5120xf32, #tpu.memory_space<vmem>>, vector<16xf32>,
        %add3A_378 = arith.constant 48 : i32
        %add3A_379 = vector.broadcast %add3A_378 : i32 to vector<16xi32>
        %add3A_380 = arith.addi %iota3A, %add3A_379 : vector<16xi32>
        %mul3A_381 = arith.constant 80 : i32
        %mul3A_382 = arith.muli %add3A_92, %mul3A_381 : i32
        %add3A_383 = arith.constant 48 : i32
        %add3A_384 = arith.addi %mul3A_382, %add3A_383 : i32
        %get3A_385 = arith.index_cast %add3A_384 : i32 to index
        %get3A_386 = tpu.vector_load %arg8[%get3A_385] {strides = array<i32>} : memref<5120xi32, #tpu.memory_space<vmem>>, vector<16xi32>,
        %mul3A_387 = arith.constant 80 : i32
        %mul3A_388 = arith.muli %add3A_92, %mul3A_387 : i32
        %add3A_389 = arith.constant 48 : i32
        %add3A_390 = arith.addi %mul3A_388, %add3A_389 : i32
        %get3A_391 = arith.index_cast %add3A_390 : i32 to index
        %get3A_392 = tpu.vector_load %arg9[%get3A_391] {strides = array<i32>} : memref<5120xi32, #tpu.memory_space<vmem>>, vector<16xi32>,
        %gather3A_393 = tpu.vector_load_idx %arg14[%get3A_386] : memref<10000xf32, #tpu.memory_space<vmem>>[vector<16xi32>], vector<16xf32>,
        %gather3A_394 = tpu.vector_load_idx %arg15[%get3A_392] : memref<10000xf32, #tpu.memory_space<vmem>>[vector<16xi32>], vector<16xf32>,
        %add3A_395 = arith.addf %gather3A_393, %gather3A_394 : vector<16xf32>
        %parallel_loop3A_396 = arith.constant 0 : i32
        %parallel_loop3A_397 = arith.constant 256 : i32
        %parallel_loop3A_398 = arith.constant 4 : i32
        %parallel_loop3A_399:4 = scf.for %parallel_loop3A_440 = %parallel_loop3A_396 to %parallel_loop3A_397 step %parallel_loop3A_398 iter_args(%parallel_loop3A_441 = %add3A_395, %parallel_loop3A_442 = %broadcast_in_dim3A_27, %parallel_loop3A_443 = %broadcast_in_dim3A_27, %parallel_loop3A_444 = %broadcast_in_dim3A_27) -> (vector<16xf32>, vector<16xf32>, vector<16xf32>, vector<16xf32>)  : i32 {
          %parallel_loop3A_445 = vector.broadcast %parallel_loop3A_440 : i32 to vector<16xi32>
          %parallel_loop3A_446 = arith.addi %parallel_loop3A_445, %iota3A : vector<16xi32>
          %parallel_loop3A_447 = arith.constant 0 : i32
          %parallel_loop3A_448 = vector.broadcast %parallel_loop3A_447 : i32 to vector<16xi32>
          %parallel_loop3A_449 = arith.addi %parallel_loop3A_446, %parallel_loop3A_448 : vector<16xi32>
          %parallel_loop3A_450 = arith.constant 255 : i32
          %parallel_loop3A_451 = vector.broadcast %parallel_loop3A_450 : i32 to vector<16xi32>
          %parallel_loop3A_452 = arith.andi %parallel_loop3A_449, %parallel_loop3A_451 : vector<16xi32>
          %parallel_loop3A_453 = tpu.vector_load_idx %arg12[%add3A_380, %parallel_loop3A_452] : memref<80x256xf32, #tpu.memory_space<vmem>>[vector<16xi32>, vector<16xi32>], vector<16xf32>,
          %parallel_loop3A_454 = tpu.vector_load_idx %arg13[%add3A_380, %parallel_loop3A_452] : memref<80x256xf32, #tpu.memory_space<vmem>>[vector<16xi32>, vector<16xi32>], vector<16xf32>,
          %parallel_loop3A_455 = arith.mulf %parallel_loop3A_453, %parallel_loop3A_454 : vector<16xf32>
          %parallel_loop3A_456 = arith.addf %parallel_loop3A_441, %parallel_loop3A_455 : vector<16xf32>
          %parallel_loop3A_457 = arith.constant 1 : i32
          %parallel_loop3A_458 = vector.broadcast %parallel_loop3A_457 : i32 to vector<16xi32>
          %parallel_loop3A_459 = arith.addi %parallel_loop3A_446, %parallel_loop3A_458 : vector<16xi32>
          %parallel_loop3A_460 = arith.constant 255 : i32
          %parallel_loop3A_461 = vector.broadcast %parallel_loop3A_460 : i32 to vector<16xi32>
          %parallel_loop3A_462 = arith.andi %parallel_loop3A_459, %parallel_loop3A_461 : vector<16xi32>
          %parallel_loop3A_463 = tpu.vector_load_idx %arg12[%add3A_380, %parallel_loop3A_462] : memref<80x256xf32, #tpu.memory_space<vmem>>[vector<16xi32>, vector<16xi32>], vector<16xf32>,
          %parallel_loop3A_464 = tpu.vector_load_idx %arg13[%add3A_380, %parallel_loop3A_462] : memref<80x256xf32, #tpu.memory_space<vmem>>[vector<16xi32>, vector<16xi32>], vector<16xf32>,
          %parallel_loop3A_465 = arith.mulf %parallel_loop3A_463, %parallel_loop3A_464 : vector<16xf32>
          %parallel_loop3A_466 = arith.addf %parallel_loop3A_442, %parallel_loop3A_465 : vector<16xf32>
          %parallel_loop3A_467 = arith.constant 2 : i32
          %parallel_loop3A_468 = vector.broadcast %parallel_loop3A_467 : i32 to vector<16xi32>
          %parallel_loop3A_469 = arith.addi %parallel_loop3A_446, %parallel_loop3A_468 : vector<16xi32>
          %parallel_loop3A_470 = arith.constant 255 : i32
          %parallel_loop3A_471 = vector.broadcast %parallel_loop3A_470 : i32 to vector<16xi32>
          %parallel_loop3A_472 = arith.andi %parallel_loop3A_469, %parallel_loop3A_471 : vector<16xi32>
          %parallel_loop3A_473 = tpu.vector_load_idx %arg12[%add3A_380, %parallel_loop3A_472] : memref<80x256xf32, #tpu.memory_space<vmem>>[vector<16xi32>, vector<16xi32>], vector<16xf32>,
          %parallel_loop3A_474 = tpu.vector_load_idx %arg13[%add3A_380, %parallel_loop3A_472] : memref<80x256xf32, #tpu.memory_space<vmem>>[vector<16xi32>, vector<16xi32>], vector<16xf32>,
          %parallel_loop3A_475 = arith.mulf %parallel_loop3A_473, %parallel_loop3A_474 : vector<16xf32>
          %parallel_loop3A_476 = arith.addf %parallel_loop3A_443, %parallel_loop3A_475 : vector<16xf32>
          %parallel_loop3A_477 = arith.constant 3 : i32
          %parallel_loop3A_478 = vector.broadcast %parallel_loop3A_477 : i32 to vector<16xi32>
          %parallel_loop3A_479 = arith.addi %parallel_loop3A_446, %parallel_loop3A_478 : vector<16xi32>
          %parallel_loop3A_480 = arith.constant 255 : i32
          %parallel_loop3A_481 = vector.broadcast %parallel_loop3A_480 : i32 to vector<16xi32>
          %parallel_loop3A_482 = arith.andi %parallel_loop3A_479, %parallel_loop3A_481 : vector<16xi32>
          %parallel_loop3A_483 = tpu.vector_load_idx %arg12[%add3A_380, %parallel_loop3A_482] : memref<80x256xf32, #tpu.memory_space<vmem>>[vector<16xi32>, vector<16xi32>], vector<16xf32>,
          %parallel_loop3A_484 = tpu.vector_load_idx %arg13[%add3A_380, %parallel_loop3A_482] : memref<80x256xf32, #tpu.memory_space<vmem>>[vector<16xi32>, vector<16xi32>], vector<16xf32>,
          %parallel_loop3A_485 = arith.mulf %parallel_loop3A_483, %parallel_loop3A_484 : vector<16xf32>
          %parallel_loop3A_486 = arith.addf %parallel_loop3A_444, %parallel_loop3A_485 : vector<16xf32>
          scf.yield %parallel_loop3A_456, %parallel_loop3A_466, %parallel_loop3A_476, %parallel_loop3A_486 : vector<16xf32>, vector<16xf32>, vector<16xf32>, vector<16xf32>
        } {sc.loop_unroll_factor = 4 : i64, sc.parallel_access}
        %add3A_400 = arith.addf %parallel_loop3A_399#0, %parallel_loop3A_399#1 : vector<16xf32>
        %add3A_401 = arith.addf %parallel_loop3A_399#2, %parallel_loop3A_399#3 : vector<16xf32>
        %add3A_402 = arith.addf %add3A_400, %add3A_401 : vector<16xf32>
        %mul3A_403 = arith.constant 80 : i32
        %mul3A_404 = arith.muli %add3A_92, %mul3A_403 : i32
        %add3A_405 = arith.constant 48 : i32
        %add3A_406 = arith.addi %mul3A_404, %add3A_405 : i32
        %swap3A_407 = arith.index_cast %add3A_406 : i32 to index
        %swap3A_408 = tpu.vector_load %arg16[%swap3A_407] {strides = array<i32>} : memref<5120xf32, #tpu.memory_space<vmem>>, vector<16xf32>,
        tpu.vector_store %arg16[%swap3A_407], %add3A_402 {strides = array<i32>} : memref<5120xf32, #tpu.memory_space<vmem>>, vector<16xf32>,
        %add3A_409 = arith.constant 64 : i32
        %add3A_410 = vector.broadcast %add3A_409 : i32 to vector<16xi32>
        %add3A_411 = arith.addi %iota3A, %add3A_410 : vector<16xi32>
        %mul3A_412 = arith.constant 80 : i32
        %mul3A_413 = arith.muli %add3A_92, %mul3A_412 : i32
        %add3A_414 = arith.constant 64 : i32
        %add3A_415 = arith.addi %mul3A_413, %add3A_414 : i32
        %get3A_416 = arith.index_cast %add3A_415 : i32 to index
        %get3A_417 = tpu.vector_load %arg8[%get3A_416] {strides = array<i32>} : memref<5120xi32, #tpu.memory_space<vmem>>, vector<16xi32>,
        %mul3A_418 = arith.constant 80 : i32
        %mul3A_419 = arith.muli %add3A_92, %mul3A_418 : i32
        %add3A_420 = arith.constant 64 : i32
        %add3A_421 = arith.addi %mul3A_419, %add3A_420 : i32
        %get3A_422 = arith.index_cast %add3A_421 : i32 to index
        %get3A_423 = tpu.vector_load %arg9[%get3A_422] {strides = array<i32>} : memref<5120xi32, #tpu.memory_space<vmem>>, vector<16xi32>,
        %gather3A_424 = tpu.vector_load_idx %arg14[%get3A_417] : memref<10000xf32, #tpu.memory_space<vmem>>[vector<16xi32>], vector<16xf32>,
        %gather3A_425 = tpu.vector_load_idx %arg15[%get3A_423] : memref<10000xf32, #tpu.memory_space<vmem>>[vector<16xi32>], vector<16xf32>,
        %add3A_426 = arith.addf %gather3A_424, %gather3A_425 : vector<16xf32>
        %parallel_loop3A_427 = arith.constant 0 : i32
        %parallel_loop3A_428 = arith.constant 256 : i32
        %parallel_loop3A_429 = arith.constant 4 : i32
        %parallel_loop3A_430:4 = scf.for %parallel_loop3A_440 = %parallel_loop3A_427 to %parallel_loop3A_428 step %parallel_loop3A_429 iter_args(%parallel_loop3A_441 = %add3A_426, %parallel_loop3A_442 = %broadcast_in_dim3A_27, %parallel_loop3A_443 = %broadcast_in_dim3A_27, %parallel_loop3A_444 = %broadcast_in_dim3A_27) -> (vector<16xf32>, vector<16xf32>, vector<16xf32>, vector<16xf32>)  : i32 {
          %parallel_loop3A_445 = vector.broadcast %parallel_loop3A_440 : i32 to vector<16xi32>
          %parallel_loop3A_446 = arith.addi %parallel_loop3A_445, %iota3A : vector<16xi32>
          %parallel_loop3A_447 = arith.constant 0 : i32
          %parallel_loop3A_448 = vector.broadcast %parallel_loop3A_447 : i32 to vector<16xi32>
          %parallel_loop3A_449 = arith.addi %parallel_loop3A_446, %parallel_loop3A_448 : vector<16xi32>
          %parallel_loop3A_450 = arith.constant 255 : i32
          %parallel_loop3A_451 = vector.broadcast %parallel_loop3A_450 : i32 to vector<16xi32>
          %parallel_loop3A_452 = arith.andi %parallel_loop3A_449, %parallel_loop3A_451 : vector<16xi32>
          %parallel_loop3A_453 = tpu.vector_load_idx %arg12[%add3A_411, %parallel_loop3A_452] : memref<80x256xf32, #tpu.memory_space<vmem>>[vector<16xi32>, vector<16xi32>], vector<16xf32>,
          %parallel_loop3A_454 = tpu.vector_load_idx %arg13[%add3A_411, %parallel_loop3A_452] : memref<80x256xf32, #tpu.memory_space<vmem>>[vector<16xi32>, vector<16xi32>], vector<16xf32>,
          %parallel_loop3A_455 = arith.mulf %parallel_loop3A_453, %parallel_loop3A_454 : vector<16xf32>
          %parallel_loop3A_456 = arith.addf %parallel_loop3A_441, %parallel_loop3A_455 : vector<16xf32>
          %parallel_loop3A_457 = arith.constant 1 : i32
          %parallel_loop3A_458 = vector.broadcast %parallel_loop3A_457 : i32 to vector<16xi32>
          %parallel_loop3A_459 = arith.addi %parallel_loop3A_446, %parallel_loop3A_458 : vector<16xi32>
          %parallel_loop3A_460 = arith.constant 255 : i32
          %parallel_loop3A_461 = vector.broadcast %parallel_loop3A_460 : i32 to vector<16xi32>
          %parallel_loop3A_462 = arith.andi %parallel_loop3A_459, %parallel_loop3A_461 : vector<16xi32>
          %parallel_loop3A_463 = tpu.vector_load_idx %arg12[%add3A_411, %parallel_loop3A_462] : memref<80x256xf32, #tpu.memory_space<vmem>>[vector<16xi32>, vector<16xi32>], vector<16xf32>,
          %parallel_loop3A_464 = tpu.vector_load_idx %arg13[%add3A_411, %parallel_loop3A_462] : memref<80x256xf32, #tpu.memory_space<vmem>>[vector<16xi32>, vector<16xi32>], vector<16xf32>,
          %parallel_loop3A_465 = arith.mulf %parallel_loop3A_463, %parallel_loop3A_464 : vector<16xf32>
          %parallel_loop3A_466 = arith.addf %parallel_loop3A_442, %parallel_loop3A_465 : vector<16xf32>
          %parallel_loop3A_467 = arith.constant 2 : i32
          %parallel_loop3A_468 = vector.broadcast %parallel_loop3A_467 : i32 to vector<16xi32>
          %parallel_loop3A_469 = arith.addi %parallel_loop3A_446, %parallel_loop3A_468 : vector<16xi32>
          %parallel_loop3A_470 = arith.constant 255 : i32
          %parallel_loop3A_471 = vector.broadcast %parallel_loop3A_470 : i32 to vector<16xi32>
          %parallel_loop3A_472 = arith.andi %parallel_loop3A_469, %parallel_loop3A_471 : vector<16xi32>
          %parallel_loop3A_473 = tpu.vector_load_idx %arg12[%add3A_411, %parallel_loop3A_472] : memref<80x256xf32, #tpu.memory_space<vmem>>[vector<16xi32>, vector<16xi32>], vector<16xf32>,
          %parallel_loop3A_474 = tpu.vector_load_idx %arg13[%add3A_411, %parallel_loop3A_472] : memref<80x256xf32, #tpu.memory_space<vmem>>[vector<16xi32>, vector<16xi32>], vector<16xf32>,
          %parallel_loop3A_475 = arith.mulf %parallel_loop3A_473, %parallel_loop3A_474 : vector<16xf32>
          %parallel_loop3A_476 = arith.addf %parallel_loop3A_443, %parallel_loop3A_475 : vector<16xf32>
          %parallel_loop3A_477 = arith.constant 3 : i32
          %parallel_loop3A_478 = vector.broadcast %parallel_loop3A_477 : i32 to vector<16xi32>
          %parallel_loop3A_479 = arith.addi %parallel_loop3A_446, %parallel_loop3A_478 : vector<16xi32>
          %parallel_loop3A_480 = arith.constant 255 : i32
          %parallel_loop3A_481 = vector.broadcast %parallel_loop3A_480 : i32 to vector<16xi32>
          %parallel_loop3A_482 = arith.andi %parallel_loop3A_479, %parallel_loop3A_481 : vector<16xi32>
          %parallel_loop3A_483 = tpu.vector_load_idx %arg12[%add3A_411, %parallel_loop3A_482] : memref<80x256xf32, #tpu.memory_space<vmem>>[vector<16xi32>, vector<16xi32>], vector<16xf32>,
          %parallel_loop3A_484 = tpu.vector_load_idx %arg13[%add3A_411, %parallel_loop3A_482] : memref<80x256xf32, #tpu.memory_space<vmem>>[vector<16xi32>, vector<16xi32>], vector<16xf32>,
          %parallel_loop3A_485 = arith.mulf %parallel_loop3A_483, %parallel_loop3A_484 : vector<16xf32>
          %parallel_loop3A_486 = arith.addf %parallel_loop3A_444, %parallel_loop3A_485 : vector<16xf32>
          scf.yield %parallel_loop3A_456, %parallel_loop3A_466, %parallel_loop3A_476, %parallel_loop3A_486 : vector<16xf32>, vector<16xf32>, vector<16xf32>, vector<16xf32>
        } {sc.loop_unroll_factor = 4 : i64, sc.parallel_access}
        %add3A_431 = arith.addf %parallel_loop3A_430#0, %parallel_loop3A_430#1 : vector<16xf32>
        %add3A_432 = arith.addf %parallel_loop3A_430#2, %parallel_loop3A_430#3 : vector<16xf32>
        %add3A_433 = arith.addf %add3A_431, %add3A_432 : vector<16xf32>
        %mul3A_434 = arith.constant 80 : i32
        %mul3A_435 = arith.muli %add3A_92, %mul3A_434 : i32
        %add3A_436 = arith.constant 64 : i32
        %add3A_437 = arith.addi %mul3A_435, %add3A_436 : i32
        %swap3A_438 = arith.index_cast %add3A_437 : i32 to index
        %swap3A_439 = tpu.vector_load %arg16[%swap3A_438] {strides = array<i32>} : memref<5120xf32, #tpu.memory_space<vmem>>, vector<16xf32>,
        tpu.vector_store %arg16[%swap3A_438], %add3A_433 {strides = array<i32>} : memref<5120xf32, #tpu.memory_space<vmem>>, vector<16xf32>,
      }
      %while3A_89 = arith.constant 1 : i32
      scf.for %while3A_90 = %while3A_87 to %while3A_83 step %while3A_89  : i32 {
        %mul3A = arith.constant 2 : i32
        %mul3A_91 = arith.muli %mul3A, %while3A_90 : i32
        %add3A = arith.constant 1 : i32
        %add3A_92 = arith.addi %mul3A_91, %add3A : i32
        %mul3A_93 = arith.constant 80 : i32
        %mul3A_94 = arith.muli %add3A_92, %mul3A_93 : i32
        %dma_start3A_95 = tpu.memref_slice %arg8[%mul3A_94] : memref<5120xi32, #tpu.memory_space<vmem>> -> memref<80xi32, #tpu.memory_space<vmem>>
        %dma_start3A_96 = arith.constant 0 : i32
        %dma_start3A_97 = arith.constant 0 : i32
        %dma_start3A_98 = tpu.memref_slice %arg2[%dma_start3A_96, %dma_start3A_97] : memref<10000x256xf32, #tpu.memory_space<hbm>> -> memref<10000x256xf32, #tpu.memory_space<hbm>>
        tpu.enqueue_indirect_dma source(%dma_start3A_98 : memref<10000x256xf32, #tpu.memory_space<hbm>>) target(%arg12 : memref<80x256xf32, #tpu.memory_space<vmem>>) offsets(%dma_start3A_95 : memref<80xi32, #tpu.memory_space<vmem>>) semaphore(%arg19 : memref<!tpu.dma_semaphore, #tpu.memory_space<semaphore_mem>>)
        %mul3A_99 = arith.constant 80 : i32
        %mul3A_100 = arith.muli %add3A_92, %mul3A_99 : i32
        %dma_start3A_101 = tpu.memref_slice %arg9[%mul3A_100] : memref<5120xi32, #tpu.memory_space<vmem>> -> memref<80xi32, #tpu.memory_space<vmem>>
        %dma_start3A_102 = arith.constant 0 : i32
        %dma_start3A_103 = arith.constant 0 : i32
        %dma_start3A_104 = tpu.memref_slice %arg3[%dma_start3A_102, %dma_start3A_103] : memref<10000x256xf32, #tpu.memory_space<hbm>> -> memref<10000x256xf32, #tpu.memory_space<hbm>>
        tpu.enqueue_indirect_dma source(%dma_start3A_104 : memref<10000x256xf32, #tpu.memory_space<hbm>>) target(%arg13 : memref<80x256xf32, #tpu.memory_space<vmem>>) offsets(%dma_start3A_101 : memref<80xi32, #tpu.memory_space<vmem>>) semaphore(%arg20 : memref<!tpu.dma_semaphore, #tpu.memory_space<semaphore_mem>>)
        %mul3A_105 = arith.constant 80 : i32
        %mul3A_106 = arith.muli %mul3A_91, %mul3A_105 : i32
        %dma_wait3A = tpu.memref_slice %arg8[%mul3A_106] : memref<5120xi32, #tpu.memory_space<vmem>> -> memref<80xi32, #tpu.memory_space<vmem>>
        %dma_wait3A_107 = arith.constant 0 : i32
        %dma_wait3A_108 = arith.constant 0 : i32
        %dma_wait3A_109 = tpu.memref_slice %arg2[%dma_wait3A_107, %dma_wait3A_108] : memref<10000x256xf32, #tpu.memory_space<hbm>> -> memref<10000x256xf32, #tpu.memory_space<hbm>>
        tpu.wait_indirect_dma semaphore(%arg17 : memref<!tpu.dma_semaphore, #tpu.memory_space<semaphore_mem>>) src(%dma_wait3A_109 : memref<10000x256xf32, #tpu.memory_space<hbm>>) dst(%arg10 : memref<80x256xf32, #tpu.memory_space<vmem>>)
        %mul3A_110 = arith.constant 80 : i32
        %mul3A_111 = arith.muli %mul3A_91, %mul3A_110 : i32
        %dma_wait3A_112 = tpu.memref_slice %arg9[%mul3A_111] : memref<5120xi32, #tpu.memory_space<vmem>> -> memref<80xi32, #tpu.memory_space<vmem>>
        %dma_wait3A_113 = arith.constant 0 : i32
        %dma_wait3A_114 = arith.constant 0 : i32
        %dma_wait3A_115 = tpu.memref_slice %arg3[%dma_wait3A_113, %dma_wait3A_114] : memref<10000x256xf32, #tpu.memory_space<hbm>> -> memref<10000x256xf32, #tpu.memory_space<hbm>>
        tpu.wait_indirect_dma semaphore(%arg18 : memref<!tpu.dma_semaphore, #tpu.memory_space<semaphore_mem>>) src(%dma_wait3A_115 : memref<10000x256xf32, #tpu.memory_space<hbm>>) dst(%arg11 : memref<80x256xf32, #tpu.memory_space<vmem>>)
        %add3A_116 = arith.constant 0 : i32
        %add3A_117 = vector.broadcast %add3A_116 : i32 to vector<16xi32>
        %add3A_118 = arith.addi %iota3A, %add3A_117 : vector<16xi32>
        %mul3A_119 = arith.constant 80 : i32
        %mul3A_120 = arith.muli %mul3A_91, %mul3A_119 : i32
        %add3A_121 = arith.constant 0 : i32
        %add3A_122 = arith.addi %mul3A_120, %add3A_121 : i32
        %get3A = arith.index_cast %add3A_122 : i32 to index
        %get3A_123 = tpu.vector_load %arg8[%get3A] {strides = array<i32>} : memref<5120xi32, #tpu.memory_space<vmem>>, vector<16xi32>,
        %mul3A_124 = arith.constant 80 : i32
        %mul3A_125 = arith.muli %mul3A_91, %mul3A_124 : i32
        %add3A_126 = arith.constant 0 : i32
        %add3A_127 = arith.addi %mul3A_125, %add3A_126 : i32
        %get3A_128 = arith.index_cast %add3A_127 : i32 to index
        %get3A_129 = tpu.vector_load %arg9[%get3A_128] {strides = array<i32>} : memref<5120xi32, #tpu.memory_space<vmem>>, vector<16xi32>,
        %gather3A = tpu.vector_load_idx %arg14[%get3A_123] : memref<10000xf32, #tpu.memory_space<vmem>>[vector<16xi32>], vector<16xf32>,
        %gather3A_130 = tpu.vector_load_idx %arg15[%get3A_129] : memref<10000xf32, #tpu.memory_space<vmem>>[vector<16xi32>], vector<16xf32>,
        %add3A_131 = arith.addf %gather3A, %gather3A_130 : vector<16xf32>
        %parallel_loop3A = arith.constant 0 : i32
        %parallel_loop3A_132 = arith.constant 256 : i32
        %parallel_loop3A_133 = arith.constant 4 : i32
        %parallel_loop3A_134:4 = scf.for %parallel_loop3A_440 = %parallel_loop3A to %parallel_loop3A_132 step %parallel_loop3A_133 iter_args(%parallel_loop3A_441 = %add3A_131, %parallel_loop3A_442 = %broadcast_in_dim3A_27, %parallel_loop3A_443 = %broadcast_in_dim3A_27, %parallel_loop3A_444 = %broadcast_in_dim3A_27) -> (vector<16xf32>, vector<16xf32>, vector<16xf32>, vector<16xf32>)  : i32 {
          %parallel_loop3A_445 = vector.broadcast %parallel_loop3A_440 : i32 to vector<16xi32>
          %parallel_loop3A_446 = arith.addi %parallel_loop3A_445, %iota3A : vector<16xi32>
          %parallel_loop3A_447 = arith.constant 0 : i32
          %parallel_loop3A_448 = vector.broadcast %parallel_loop3A_447 : i32 to vector<16xi32>
          %parallel_loop3A_449 = arith.addi %parallel_loop3A_446, %parallel_loop3A_448 : vector<16xi32>
          %parallel_loop3A_450 = arith.constant 255 : i32
          %parallel_loop3A_451 = vector.broadcast %parallel_loop3A_450 : i32 to vector<16xi32>
          %parallel_loop3A_452 = arith.andi %parallel_loop3A_449, %parallel_loop3A_451 : vector<16xi32>
          %parallel_loop3A_453 = tpu.vector_load_idx %arg10[%add3A_118, %parallel_loop3A_452] : memref<80x256xf32, #tpu.memory_space<vmem>>[vector<16xi32>, vector<16xi32>], vector<16xf32>,
          %parallel_loop3A_454 = tpu.vector_load_idx %arg11[%add3A_118, %parallel_loop3A_452] : memref<80x256xf32, #tpu.memory_space<vmem>>[vector<16xi32>, vector<16xi32>], vector<16xf32>,
          %parallel_loop3A_455 = arith.mulf %parallel_loop3A_453, %parallel_loop3A_454 : vector<16xf32>
          %parallel_loop3A_456 = arith.addf %parallel_loop3A_441, %parallel_loop3A_455 : vector<16xf32>
          %parallel_loop3A_457 = arith.constant 1 : i32
          %parallel_loop3A_458 = vector.broadcast %parallel_loop3A_457 : i32 to vector<16xi32>
          %parallel_loop3A_459 = arith.addi %parallel_loop3A_446, %parallel_loop3A_458 : vector<16xi32>
          %parallel_loop3A_460 = arith.constant 255 : i32
          %parallel_loop3A_461 = vector.broadcast %parallel_loop3A_460 : i32 to vector<16xi32>
          %parallel_loop3A_462 = arith.andi %parallel_loop3A_459, %parallel_loop3A_461 : vector<16xi32>
          %parallel_loop3A_463 = tpu.vector_load_idx %arg10[%add3A_118, %parallel_loop3A_462] : memref<80x256xf32, #tpu.memory_space<vmem>>[vector<16xi32>, vector<16xi32>], vector<16xf32>,
          %parallel_loop3A_464 = tpu.vector_load_idx %arg11[%add3A_118, %parallel_loop3A_462] : memref<80x256xf32, #tpu.memory_space<vmem>>[vector<16xi32>, vector<16xi32>], vector<16xf32>,
          %parallel_loop3A_465 = arith.mulf %parallel_loop3A_463, %parallel_loop3A_464 : vector<16xf32>
          %parallel_loop3A_466 = arith.addf %parallel_loop3A_442, %parallel_loop3A_465 : vector<16xf32>
          %parallel_loop3A_467 = arith.constant 2 : i32
          %parallel_loop3A_468 = vector.broadcast %parallel_loop3A_467 : i32 to vector<16xi32>
          %parallel_loop3A_469 = arith.addi %parallel_loop3A_446, %parallel_loop3A_468 : vector<16xi32>
          %parallel_loop3A_470 = arith.constant 255 : i32
          %parallel_loop3A_471 = vector.broadcast %parallel_loop3A_470 : i32 to vector<16xi32>
          %parallel_loop3A_472 = arith.andi %parallel_loop3A_469, %parallel_loop3A_471 : vector<16xi32>
          %parallel_loop3A_473 = tpu.vector_load_idx %arg10[%add3A_118, %parallel_loop3A_472] : memref<80x256xf32, #tpu.memory_space<vmem>>[vector<16xi32>, vector<16xi32>], vector<16xf32>,
          %parallel_loop3A_474 = tpu.vector_load_idx %arg11[%add3A_118, %parallel_loop3A_472] : memref<80x256xf32, #tpu.memory_space<vmem>>[vector<16xi32>, vector<16xi32>], vector<16xf32>,
          %parallel_loop3A_475 = arith.mulf %parallel_loop3A_473, %parallel_loop3A_474 : vector<16xf32>
          %parallel_loop3A_476 = arith.addf %parallel_loop3A_443, %parallel_loop3A_475 : vector<16xf32>
          %parallel_loop3A_477 = arith.constant 3 : i32
          %parallel_loop3A_478 = vector.broadcast %parallel_loop3A_477 : i32 to vector<16xi32>
          %parallel_loop3A_479 = arith.addi %parallel_loop3A_446, %parallel_loop3A_478 : vector<16xi32>
          %parallel_loop3A_480 = arith.constant 255 : i32
          %parallel_loop3A_481 = vector.broadcast %parallel_loop3A_480 : i32 to vector<16xi32>
          %parallel_loop3A_482 = arith.andi %parallel_loop3A_479, %parallel_loop3A_481 : vector<16xi32>
          %parallel_loop3A_483 = tpu.vector_load_idx %arg10[%add3A_118, %parallel_loop3A_482] : memref<80x256xf32, #tpu.memory_space<vmem>>[vector<16xi32>, vector<16xi32>], vector<16xf32>,
          %parallel_loop3A_484 = tpu.vector_load_idx %arg11[%add3A_118, %parallel_loop3A_482] : memref<80x256xf32, #tpu.memory_space<vmem>>[vector<16xi32>, vector<16xi32>], vector<16xf32>,
          %parallel_loop3A_485 = arith.mulf %parallel_loop3A_483, %parallel_loop3A_484 : vector<16xf32>
          %parallel_loop3A_486 = arith.addf %parallel_loop3A_444, %parallel_loop3A_485 : vector<16xf32>
          scf.yield %parallel_loop3A_456, %parallel_loop3A_466, %parallel_loop3A_476, %parallel_loop3A_486 : vector<16xf32>, vector<16xf32>, vector<16xf32>, vector<16xf32>
        } {sc.loop_unroll_factor = 4 : i64, sc.parallel_access}
        %add3A_135 = arith.addf %parallel_loop3A_134#0, %parallel_loop3A_134#1 : vector<16xf32>
        %add3A_136 = arith.addf %parallel_loop3A_134#2, %parallel_loop3A_134#3 : vector<16xf32>
        %add3A_137 = arith.addf %add3A_135, %add3A_136 : vector<16xf32>
        %mul3A_138 = arith.constant 80 : i32
        %mul3A_139 = arith.muli %mul3A_91, %mul3A_138 : i32
        %add3A_140 = arith.constant 0 : i32
        %add3A_141 = arith.addi %mul3A_139, %add3A_140 : i32
        %swap3A = arith.index_cast %add3A_141 : i32 to index
        %swap3A_142 = tpu.vector_load %arg16[%swap3A] {strides = array<i32>} : memref<5120xf32, #tpu.memory_space<vmem>>, vector<16xf32>,
        tpu.vector_store %arg16[%swap3A], %add3A_137 {strides = array<i32>} : memref<5120xf32, #tpu.memory_space<vmem>>, vector<16xf32>,
        %add3A_143 = arith.constant 16 : i32
        %add3A_144 = vector.broadcast %add3A_143 : i32 to vector<16xi32>
        %add3A_145 = arith.addi %iota3A, %add3A_144 : vector<16xi32>
        %mul3A_146 = arith.constant 80 : i32
        %mul3A_147 = arith.muli %mul3A_91, %mul3A_146 : i32
        %add3A_148 = arith.constant 16 : i32
        %add3A_149 = arith.addi %mul3A_147, %add3A_148 : i32
        %get3A_150 = arith.index_cast %add3A_149 : i32 to index
        %get3A_151 = tpu.vector_load %arg8[%get3A_150] {strides = array<i32>} : memref<5120xi32, #tpu.memory_space<vmem>>, vector<16xi32>,
        %mul3A_152 = arith.constant 80 : i32
        %mul3A_153 = arith.muli %mul3A_91, %mul3A_152 : i32
        %add3A_154 = arith.constant 16 : i32
        %add3A_155 = arith.addi %mul3A_153, %add3A_154 : i32
        %get3A_156 = arith.index_cast %add3A_155 : i32 to index
        %get3A_157 = tpu.vector_load %arg9[%get3A_156] {strides = array<i32>} : memref<5120xi32, #tpu.memory_space<vmem>>, vector<16xi32>,
        %gather3A_158 = tpu.vector_load_idx %arg14[%get3A_151] : memref<10000xf32, #tpu.memory_space<vmem>>[vector<16xi32>], vector<16xf32>,
        %gather3A_159 = tpu.vector_load_idx %arg15[%get3A_157] : memref<10000xf32, #tpu.memory_space<vmem>>[vector<16xi32>], vector<16xf32>,
        %add3A_160 = arith.addf %gather3A_158, %gather3A_159 : vector<16xf32>
        %parallel_loop3A_161 = arith.constant 0 : i32
        %parallel_loop3A_162 = arith.constant 256 : i32
        %parallel_loop3A_163 = arith.constant 4 : i32
        %parallel_loop3A_164:4 = scf.for %parallel_loop3A_440 = %parallel_loop3A_161 to %parallel_loop3A_162 step %parallel_loop3A_163 iter_args(%parallel_loop3A_441 = %add3A_160, %parallel_loop3A_442 = %broadcast_in_dim3A_27, %parallel_loop3A_443 = %broadcast_in_dim3A_27, %parallel_loop3A_444 = %broadcast_in_dim3A_27) -> (vector<16xf32>, vector<16xf32>, vector<16xf32>, vector<16xf32>)  : i32 {
          %parallel_loop3A_445 = vector.broadcast %parallel_loop3A_440 : i32 to vector<16xi32>
          %parallel_loop3A_446 = arith.addi %parallel_loop3A_445, %iota3A : vector<16xi32>
          %parallel_loop3A_447 = arith.constant 0 : i32
          %parallel_loop3A_448 = vector.broadcast %parallel_loop3A_447 : i32 to vector<16xi32>
          %parallel_loop3A_449 = arith.addi %parallel_loop3A_446, %parallel_loop3A_448 : vector<16xi32>
          %parallel_loop3A_450 = arith.constant 255 : i32
          %parallel_loop3A_451 = vector.broadcast %parallel_loop3A_450 : i32 to vector<16xi32>
          %parallel_loop3A_452 = arith.andi %parallel_loop3A_449, %parallel_loop3A_451 : vector<16xi32>
          %parallel_loop3A_453 = tpu.vector_load_idx %arg10[%add3A_145, %parallel_loop3A_452] : memref<80x256xf32, #tpu.memory_space<vmem>>[vector<16xi32>, vector<16xi32>], vector<16xf32>,
          %parallel_loop3A_454 = tpu.vector_load_idx %arg11[%add3A_145, %parallel_loop3A_452] : memref<80x256xf32, #tpu.memory_space<vmem>>[vector<16xi32>, vector<16xi32>], vector<16xf32>,
          %parallel_loop3A_455 = arith.mulf %parallel_loop3A_453, %parallel_loop3A_454 : vector<16xf32>
          %parallel_loop3A_456 = arith.addf %parallel_loop3A_441, %parallel_loop3A_455 : vector<16xf32>
          %parallel_loop3A_457 = arith.constant 1 : i32
          %parallel_loop3A_458 = vector.broadcast %parallel_loop3A_457 : i32 to vector<16xi32>
          %parallel_loop3A_459 = arith.addi %parallel_loop3A_446, %parallel_loop3A_458 : vector<16xi32>
          %parallel_loop3A_460 = arith.constant 255 : i32
          %parallel_loop3A_461 = vector.broadcast %parallel_loop3A_460 : i32 to vector<16xi32>
          %parallel_loop3A_462 = arith.andi %parallel_loop3A_459, %parallel_loop3A_461 : vector<16xi32>
          %parallel_loop3A_463 = tpu.vector_load_idx %arg10[%add3A_145, %parallel_loop3A_462] : memref<80x256xf32, #tpu.memory_space<vmem>>[vector<16xi32>, vector<16xi32>], vector<16xf32>,
          %parallel_loop3A_464 = tpu.vector_load_idx %arg11[%add3A_145, %parallel_loop3A_462] : memref<80x256xf32, #tpu.memory_space<vmem>>[vector<16xi32>, vector<16xi32>], vector<16xf32>,
          %parallel_loop3A_465 = arith.mulf %parallel_loop3A_463, %parallel_loop3A_464 : vector<16xf32>
          %parallel_loop3A_466 = arith.addf %parallel_loop3A_442, %parallel_loop3A_465 : vector<16xf32>
          %parallel_loop3A_467 = arith.constant 2 : i32
          %parallel_loop3A_468 = vector.broadcast %parallel_loop3A_467 : i32 to vector<16xi32>
          %parallel_loop3A_469 = arith.addi %parallel_loop3A_446, %parallel_loop3A_468 : vector<16xi32>
          %parallel_loop3A_470 = arith.constant 255 : i32
          %parallel_loop3A_471 = vector.broadcast %parallel_loop3A_470 : i32 to vector<16xi32>
          %parallel_loop3A_472 = arith.andi %parallel_loop3A_469, %parallel_loop3A_471 : vector<16xi32>
          %parallel_loop3A_473 = tpu.vector_load_idx %arg10[%add3A_145, %parallel_loop3A_472] : memref<80x256xf32, #tpu.memory_space<vmem>>[vector<16xi32>, vector<16xi32>], vector<16xf32>,
          %parallel_loop3A_474 = tpu.vector_load_idx %arg11[%add3A_145, %parallel_loop3A_472] : memref<80x256xf32, #tpu.memory_space<vmem>>[vector<16xi32>, vector<16xi32>], vector<16xf32>,
          %parallel_loop3A_475 = arith.mulf %parallel_loop3A_473, %parallel_loop3A_474 : vector<16xf32>
          %parallel_loop3A_476 = arith.addf %parallel_loop3A_443, %parallel_loop3A_475 : vector<16xf32>
          %parallel_loop3A_477 = arith.constant 3 : i32
          %parallel_loop3A_478 = vector.broadcast %parallel_loop3A_477 : i32 to vector<16xi32>
          %parallel_loop3A_479 = arith.addi %parallel_loop3A_446, %parallel_loop3A_478 : vector<16xi32>
          %parallel_loop3A_480 = arith.constant 255 : i32
          %parallel_loop3A_481 = vector.broadcast %parallel_loop3A_480 : i32 to vector<16xi32>
          %parallel_loop3A_482 = arith.andi %parallel_loop3A_479, %parallel_loop3A_481 : vector<16xi32>
          %parallel_loop3A_483 = tpu.vector_load_idx %arg10[%add3A_145, %parallel_loop3A_482] : memref<80x256xf32, #tpu.memory_space<vmem>>[vector<16xi32>, vector<16xi32>], vector<16xf32>,
          %parallel_loop3A_484 = tpu.vector_load_idx %arg11[%add3A_145, %parallel_loop3A_482] : memref<80x256xf32, #tpu.memory_space<vmem>>[vector<16xi32>, vector<16xi32>], vector<16xf32>,
          %parallel_loop3A_485 = arith.mulf %parallel_loop3A_483, %parallel_loop3A_484 : vector<16xf32>
          %parallel_loop3A_486 = arith.addf %parallel_loop3A_444, %parallel_loop3A_485 : vector<16xf32>
          scf.yield %parallel_loop3A_456, %parallel_loop3A_466, %parallel_loop3A_476, %parallel_loop3A_486 : vector<16xf32>, vector<16xf32>, vector<16xf32>, vector<16xf32>
        } {sc.loop_unroll_factor = 4 : i64, sc.parallel_access}
        %add3A_165 = arith.addf %parallel_loop3A_164#0, %parallel_loop3A_164#1 : vector<16xf32>
        %add3A_166 = arith.addf %parallel_loop3A_164#2, %parallel_loop3A_164#3 : vector<16xf32>
        %add3A_167 = arith.addf %add3A_165, %add3A_166 : vector<16xf32>
        %mul3A_168 = arith.constant 80 : i32
        %mul3A_169 = arith.muli %mul3A_91, %mul3A_168 : i32
        %add3A_170 = arith.constant 16 : i32
        %add3A_171 = arith.addi %mul3A_169, %add3A_170 : i32
        %swap3A_172 = arith.index_cast %add3A_171 : i32 to index
        %swap3A_173 = tpu.vector_load %arg16[%swap3A_172] {strides = array<i32>} : memref<5120xf32, #tpu.memory_space<vmem>>, vector<16xf32>,
        tpu.vector_store %arg16[%swap3A_172], %add3A_167 {strides = array<i32>} : memref<5120xf32, #tpu.memory_space<vmem>>, vector<16xf32>,
        %add3A_174 = arith.constant 32 : i32
        %add3A_175 = vector.broadcast %add3A_174 : i32 to vector<16xi32>
        %add3A_176 = arith.addi %iota3A, %add3A_175 : vector<16xi32>
        %mul3A_177 = arith.constant 80 : i32
        %mul3A_178 = arith.muli %mul3A_91, %mul3A_177 : i32
        %add3A_179 = arith.constant 32 : i32
        %add3A_180 = arith.addi %mul3A_178, %add3A_179 : i32
        %get3A_181 = arith.index_cast %add3A_180 : i32 to index
        %get3A_182 = tpu.vector_load %arg8[%get3A_181] {strides = array<i32>} : memref<5120xi32, #tpu.memory_space<vmem>>, vector<16xi32>,
        %mul3A_183 = arith.constant 80 : i32
        %mul3A_184 = arith.muli %mul3A_91, %mul3A_183 : i32
        %add3A_185 = arith.constant 32 : i32
        %add3A_186 = arith.addi %mul3A_184, %add3A_185 : i32
        %get3A_187 = arith.index_cast %add3A_186 : i32 to index
        %get3A_188 = tpu.vector_load %arg9[%get3A_187] {strides = array<i32>} : memref<5120xi32, #tpu.memory_space<vmem>>, vector<16xi32>,
        %gather3A_189 = tpu.vector_load_idx %arg14[%get3A_182] : memref<10000xf32, #tpu.memory_space<vmem>>[vector<16xi32>], vector<16xf32>,
        %gather3A_190 = tpu.vector_load_idx %arg15[%get3A_188] : memref<10000xf32, #tpu.memory_space<vmem>>[vector<16xi32>], vector<16xf32>,
        %add3A_191 = arith.addf %gather3A_189, %gather3A_190 : vector<16xf32>
        %parallel_loop3A_192 = arith.constant 0 : i32
        %parallel_loop3A_193 = arith.constant 256 : i32
        %parallel_loop3A_194 = arith.constant 4 : i32
        %parallel_loop3A_195:4 = scf.for %parallel_loop3A_440 = %parallel_loop3A_192 to %parallel_loop3A_193 step %parallel_loop3A_194 iter_args(%parallel_loop3A_441 = %add3A_191, %parallel_loop3A_442 = %broadcast_in_dim3A_27, %parallel_loop3A_443 = %broadcast_in_dim3A_27, %parallel_loop3A_444 = %broadcast_in_dim3A_27) -> (vector<16xf32>, vector<16xf32>, vector<16xf32>, vector<16xf32>)  : i32 {
          %parallel_loop3A_445 = vector.broadcast %parallel_loop3A_440 : i32 to vector<16xi32>
          %parallel_loop3A_446 = arith.addi %parallel_loop3A_445, %iota3A : vector<16xi32>
          %parallel_loop3A_447 = arith.constant 0 : i32
          %parallel_loop3A_448 = vector.broadcast %parallel_loop3A_447 : i32 to vector<16xi32>
          %parallel_loop3A_449 = arith.addi %parallel_loop3A_446, %parallel_loop3A_448 : vector<16xi32>
          %parallel_loop3A_450 = arith.constant 255 : i32
          %parallel_loop3A_451 = vector.broadcast %parallel_loop3A_450 : i32 to vector<16xi32>
          %parallel_loop3A_452 = arith.andi %parallel_loop3A_449, %parallel_loop3A_451 : vector<16xi32>
          %parallel_loop3A_453 = tpu.vector_load_idx %arg10[%add3A_176, %parallel_loop3A_452] : memref<80x256xf32, #tpu.memory_space<vmem>>[vector<16xi32>, vector<16xi32>], vector<16xf32>,
          %parallel_loop3A_454 = tpu.vector_load_idx %arg11[%add3A_176, %parallel_loop3A_452] : memref<80x256xf32, #tpu.memory_space<vmem>>[vector<16xi32>, vector<16xi32>], vector<16xf32>,
          %parallel_loop3A_455 = arith.mulf %parallel_loop3A_453, %parallel_loop3A_454 : vector<16xf32>
          %parallel_loop3A_456 = arith.addf %parallel_loop3A_441, %parallel_loop3A_455 : vector<16xf32>
          %parallel_loop3A_457 = arith.constant 1 : i32
          %parallel_loop3A_458 = vector.broadcast %parallel_loop3A_457 : i32 to vector<16xi32>
          %parallel_loop3A_459 = arith.addi %parallel_loop3A_446, %parallel_loop3A_458 : vector<16xi32>
          %parallel_loop3A_460 = arith.constant 255 : i32
          %parallel_loop3A_461 = vector.broadcast %parallel_loop3A_460 : i32 to vector<16xi32>
          %parallel_loop3A_462 = arith.andi %parallel_loop3A_459, %parallel_loop3A_461 : vector<16xi32>
          %parallel_loop3A_463 = tpu.vector_load_idx %arg10[%add3A_176, %parallel_loop3A_462] : memref<80x256xf32, #tpu.memory_space<vmem>>[vector<16xi32>, vector<16xi32>], vector<16xf32>,
          %parallel_loop3A_464 = tpu.vector_load_idx %arg11[%add3A_176, %parallel_loop3A_462] : memref<80x256xf32, #tpu.memory_space<vmem>>[vector<16xi32>, vector<16xi32>], vector<16xf32>,
          %parallel_loop3A_465 = arith.mulf %parallel_loop3A_463, %parallel_loop3A_464 : vector<16xf32>
          %parallel_loop3A_466 = arith.addf %parallel_loop3A_442, %parallel_loop3A_465 : vector<16xf32>
          %parallel_loop3A_467 = arith.constant 2 : i32
          %parallel_loop3A_468 = vector.broadcast %parallel_loop3A_467 : i32 to vector<16xi32>
          %parallel_loop3A_469 = arith.addi %parallel_loop3A_446, %parallel_loop3A_468 : vector<16xi32>
          %parallel_loop3A_470 = arith.constant 255 : i32
          %parallel_loop3A_471 = vector.broadcast %parallel_loop3A_470 : i32 to vector<16xi32>
          %parallel_loop3A_472 = arith.andi %parallel_loop3A_469, %parallel_loop3A_471 : vector<16xi32>
          %parallel_loop3A_473 = tpu.vector_load_idx %arg10[%add3A_176, %parallel_loop3A_472] : memref<80x256xf32, #tpu.memory_space<vmem>>[vector<16xi32>, vector<16xi32>], vector<16xf32>,
          %parallel_loop3A_474 = tpu.vector_load_idx %arg11[%add3A_176, %parallel_loop3A_472] : memref<80x256xf32, #tpu.memory_space<vmem>>[vector<16xi32>, vector<16xi32>], vector<16xf32>,
          %parallel_loop3A_475 = arith.mulf %parallel_loop3A_473, %parallel_loop3A_474 : vector<16xf32>
          %parallel_loop3A_476 = arith.addf %parallel_loop3A_443, %parallel_loop3A_475 : vector<16xf32>
          %parallel_loop3A_477 = arith.constant 3 : i32
          %parallel_loop3A_478 = vector.broadcast %parallel_loop3A_477 : i32 to vector<16xi32>
          %parallel_loop3A_479 = arith.addi %parallel_loop3A_446, %parallel_loop3A_478 : vector<16xi32>
          %parallel_loop3A_480 = arith.constant 255 : i32
          %parallel_loop3A_481 = vector.broadcast %parallel_loop3A_480 : i32 to vector<16xi32>
          %parallel_loop3A_482 = arith.andi %parallel_loop3A_479, %parallel_loop3A_481 : vector<16xi32>
          %parallel_loop3A_483 = tpu.vector_load_idx %arg10[%add3A_176, %parallel_loop3A_482] : memref<80x256xf32, #tpu.memory_space<vmem>>[vector<16xi32>, vector<16xi32>], vector<16xf32>,
          %parallel_loop3A_484 = tpu.vector_load_idx %arg11[%add3A_176, %parallel_loop3A_482] : memref<80x256xf32, #tpu.memory_space<vmem>>[vector<16xi32>, vector<16xi32>], vector<16xf32>,
          %parallel_loop3A_485 = arith.mulf %parallel_loop3A_483, %parallel_loop3A_484 : vector<16xf32>
          %parallel_loop3A_486 = arith.addf %parallel_loop3A_444, %parallel_loop3A_485 : vector<16xf32>
          scf.yield %parallel_loop3A_456, %parallel_loop3A_466, %parallel_loop3A_476, %parallel_loop3A_486 : vector<16xf32>, vector<16xf32>, vector<16xf32>, vector<16xf32>
        } {sc.loop_unroll_factor = 4 : i64, sc.parallel_access}
        %add3A_196 = arith.addf %parallel_loop3A_195#0, %parallel_loop3A_195#1 : vector<16xf32>
        %add3A_197 = arith.addf %parallel_loop3A_195#2, %parallel_loop3A_195#3 : vector<16xf32>
        %add3A_198 = arith.addf %add3A_196, %add3A_197 : vector<16xf32>
        %mul3A_199 = arith.constant 80 : i32
        %mul3A_200 = arith.muli %mul3A_91, %mul3A_199 : i32
        %add3A_201 = arith.constant 32 : i32
        %add3A_202 = arith.addi %mul3A_200, %add3A_201 : i32
        %swap3A_203 = arith.index_cast %add3A_202 : i32 to index
        %swap3A_204 = tpu.vector_load %arg16[%swap3A_203] {strides = array<i32>} : memref<5120xf32, #tpu.memory_space<vmem>>, vector<16xf32>,
        tpu.vector_store %arg16[%swap3A_203], %add3A_198 {strides = array<i32>} : memref<5120xf32, #tpu.memory_space<vmem>>, vector<16xf32>,
        %add3A_205 = arith.constant 48 : i32
        %add3A_206 = vector.broadcast %add3A_205 : i32 to vector<16xi32>
        %add3A_207 = arith.addi %iota3A, %add3A_206 : vector<16xi32>
        %mul3A_208 = arith.constant 80 : i32
        %mul3A_209 = arith.muli %mul3A_91, %mul3A_208 : i32
        %add3A_210 = arith.constant 48 : i32
        %add3A_211 = arith.addi %mul3A_209, %add3A_210 : i32
        %get3A_212 = arith.index_cast %add3A_211 : i32 to index
        %get3A_213 = tpu.vector_load %arg8[%get3A_212] {strides = array<i32>} : memref<5120xi32, #tpu.memory_space<vmem>>, vector<16xi32>,
        %mul3A_214 = arith.constant 80 : i32
        %mul3A_215 = arith.muli %mul3A_91, %mul3A_214 : i32
        %add3A_216 = arith.constant 48 : i32
        %add3A_217 = arith.addi %mul3A_215, %add3A_216 : i32
        %get3A_218 = arith.index_cast %add3A_217 : i32 to index
        %get3A_219 = tpu.vector_load %arg9[%get3A_218] {strides = array<i32>} : memref<5120xi32, #tpu.memory_space<vmem>>, vector<16xi32>,
        %gather3A_220 = tpu.vector_load_idx %arg14[%get3A_213] : memref<10000xf32, #tpu.memory_space<vmem>>[vector<16xi32>], vector<16xf32>,
        %gather3A_221 = tpu.vector_load_idx %arg15[%get3A_219] : memref<10000xf32, #tpu.memory_space<vmem>>[vector<16xi32>], vector<16xf32>,
        %add3A_222 = arith.addf %gather3A_220, %gather3A_221 : vector<16xf32>
        %parallel_loop3A_223 = arith.constant 0 : i32
        %parallel_loop3A_224 = arith.constant 256 : i32
        %parallel_loop3A_225 = arith.constant 4 : i32
        %parallel_loop3A_226:4 = scf.for %parallel_loop3A_440 = %parallel_loop3A_223 to %parallel_loop3A_224 step %parallel_loop3A_225 iter_args(%parallel_loop3A_441 = %add3A_222, %parallel_loop3A_442 = %broadcast_in_dim3A_27, %parallel_loop3A_443 = %broadcast_in_dim3A_27, %parallel_loop3A_444 = %broadcast_in_dim3A_27) -> (vector<16xf32>, vector<16xf32>, vector<16xf32>, vector<16xf32>)  : i32 {
          %parallel_loop3A_445 = vector.broadcast %parallel_loop3A_440 : i32 to vector<16xi32>
          %parallel_loop3A_446 = arith.addi %parallel_loop3A_445, %iota3A : vector<16xi32>
          %parallel_loop3A_447 = arith.constant 0 : i32
          %parallel_loop3A_448 = vector.broadcast %parallel_loop3A_447 : i32 to vector<16xi32>
          %parallel_loop3A_449 = arith.addi %parallel_loop3A_446, %parallel_loop3A_448 : vector<16xi32>
          %parallel_loop3A_450 = arith.constant 255 : i32
          %parallel_loop3A_451 = vector.broadcast %parallel_loop3A_450 : i32 to vector<16xi32>
          %parallel_loop3A_452 = arith.andi %parallel_loop3A_449, %parallel_loop3A_451 : vector<16xi32>
          %parallel_loop3A_453 = tpu.vector_load_idx %arg10[%add3A_207, %parallel_loop3A_452] : memref<80x256xf32, #tpu.memory_space<vmem>>[vector<16xi32>, vector<16xi32>], vector<16xf32>,
          %parallel_loop3A_454 = tpu.vector_load_idx %arg11[%add3A_207, %parallel_loop3A_452] : memref<80x256xf32, #tpu.memory_space<vmem>>[vector<16xi32>, vector<16xi32>], vector<16xf32>,
          %parallel_loop3A_455 = arith.mulf %parallel_loop3A_453, %parallel_loop3A_454 : vector<16xf32>
          %parallel_loop3A_456 = arith.addf %parallel_loop3A_441, %parallel_loop3A_455 : vector<16xf32>
          %parallel_loop3A_457 = arith.constant 1 : i32
          %parallel_loop3A_458 = vector.broadcast %parallel_loop3A_457 : i32 to vector<16xi32>
          %parallel_loop3A_459 = arith.addi %parallel_loop3A_446, %parallel_loop3A_458 : vector<16xi32>
          %parallel_loop3A_460 = arith.constant 255 : i32
          %parallel_loop3A_461 = vector.broadcast %parallel_loop3A_460 : i32 to vector<16xi32>
          %parallel_loop3A_462 = arith.andi %parallel_loop3A_459, %parallel_loop3A_461 : vector<16xi32>
          %parallel_loop3A_463 = tpu.vector_load_idx %arg10[%add3A_207, %parallel_loop3A_462] : memref<80x256xf32, #tpu.memory_space<vmem>>[vector<16xi32>, vector<16xi32>], vector<16xf32>,
          %parallel_loop3A_464 = tpu.vector_load_idx %arg11[%add3A_207, %parallel_loop3A_462] : memref<80x256xf32, #tpu.memory_space<vmem>>[vector<16xi32>, vector<16xi32>], vector<16xf32>,
          %parallel_loop3A_465 = arith.mulf %parallel_loop3A_463, %parallel_loop3A_464 : vector<16xf32>
          %parallel_loop3A_466 = arith.addf %parallel_loop3A_442, %parallel_loop3A_465 : vector<16xf32>
          %parallel_loop3A_467 = arith.constant 2 : i32
          %parallel_loop3A_468 = vector.broadcast %parallel_loop3A_467 : i32 to vector<16xi32>
          %parallel_loop3A_469 = arith.addi %parallel_loop3A_446, %parallel_loop3A_468 : vector<16xi32>
          %parallel_loop3A_470 = arith.constant 255 : i32
          %parallel_loop3A_471 = vector.broadcast %parallel_loop3A_470 : i32 to vector<16xi32>
          %parallel_loop3A_472 = arith.andi %parallel_loop3A_469, %parallel_loop3A_471 : vector<16xi32>
          %parallel_loop3A_473 = tpu.vector_load_idx %arg10[%add3A_207, %parallel_loop3A_472] : memref<80x256xf32, #tpu.memory_space<vmem>>[vector<16xi32>, vector<16xi32>], vector<16xf32>,
          %parallel_loop3A_474 = tpu.vector_load_idx %arg11[%add3A_207, %parallel_loop3A_472] : memref<80x256xf32, #tpu.memory_space<vmem>>[vector<16xi32>, vector<16xi32>], vector<16xf32>,
          %parallel_loop3A_475 = arith.mulf %parallel_loop3A_473, %parallel_loop3A_474 : vector<16xf32>
          %parallel_loop3A_476 = arith.addf %parallel_loop3A_443, %parallel_loop3A_475 : vector<16xf32>
          %parallel_loop3A_477 = arith.constant 3 : i32
          %parallel_loop3A_478 = vector.broadcast %parallel_loop3A_477 : i32 to vector<16xi32>
          %parallel_loop3A_479 = arith.addi %parallel_loop3A_446, %parallel_loop3A_478 : vector<16xi32>
          %parallel_loop3A_480 = arith.constant 255 : i32
          %parallel_loop3A_481 = vector.broadcast %parallel_loop3A_480 : i32 to vector<16xi32>
          %parallel_loop3A_482 = arith.andi %parallel_loop3A_479, %parallel_loop3A_481 : vector<16xi32>
          %parallel_loop3A_483 = tpu.vector_load_idx %arg10[%add3A_207, %parallel_loop3A_482] : memref<80x256xf32, #tpu.memory_space<vmem>>[vector<16xi32>, vector<16xi32>], vector<16xf32>,
          %parallel_loop3A_484 = tpu.vector_load_idx %arg11[%add3A_207, %parallel_loop3A_482] : memref<80x256xf32, #tpu.memory_space<vmem>>[vector<16xi32>, vector<16xi32>], vector<16xf32>,
          %parallel_loop3A_485 = arith.mulf %parallel_loop3A_483, %parallel_loop3A_484 : vector<16xf32>
          %parallel_loop3A_486 = arith.addf %parallel_loop3A_444, %parallel_loop3A_485 : vector<16xf32>
          scf.yield %parallel_loop3A_456, %parallel_loop3A_466, %parallel_loop3A_476, %parallel_loop3A_486 : vector<16xf32>, vector<16xf32>, vector<16xf32>, vector<16xf32>
        } {sc.loop_unroll_factor = 4 : i64, sc.parallel_access}
        %add3A_227 = arith.addf %parallel_loop3A_226#0, %parallel_loop3A_226#1 : vector<16xf32>
        %add3A_228 = arith.addf %parallel_loop3A_226#2, %parallel_loop3A_226#3 : vector<16xf32>
        %add3A_229 = arith.addf %add3A_227, %add3A_228 : vector<16xf32>
        %mul3A_230 = arith.constant 80 : i32
        %mul3A_231 = arith.muli %mul3A_91, %mul3A_230 : i32
        %add3A_232 = arith.constant 48 : i32
        %add3A_233 = arith.addi %mul3A_231, %add3A_232 : i32
        %swap3A_234 = arith.index_cast %add3A_233 : i32 to index
        %swap3A_235 = tpu.vector_load %arg16[%swap3A_234] {strides = array<i32>} : memref<5120xf32, #tpu.memory_space<vmem>>, vector<16xf32>,
        tpu.vector_store %arg16[%swap3A_234], %add3A_229 {strides = array<i32>} : memref<5120xf32, #tpu.memory_space<vmem>>, vector<16xf32>,
        %add3A_236 = arith.constant 64 : i32
        %add3A_237 = vector.broadcast %add3A_236 : i32 to vector<16xi32>
        %add3A_238 = arith.addi %iota3A, %add3A_237 : vector<16xi32>
        %mul3A_239 = arith.constant 80 : i32
        %mul3A_240 = arith.muli %mul3A_91, %mul3A_239 : i32
        %add3A_241 = arith.constant 64 : i32
        %add3A_242 = arith.addi %mul3A_240, %add3A_241 : i32
        %get3A_243 = arith.index_cast %add3A_242 : i32 to index
        %get3A_244 = tpu.vector_load %arg8[%get3A_243] {strides = array<i32>} : memref<5120xi32, #tpu.memory_space<vmem>>, vector<16xi32>,
        %mul3A_245 = arith.constant 80 : i32
        %mul3A_246 = arith.muli %mul3A_91, %mul3A_245 : i32
        %add3A_247 = arith.constant 64 : i32
        %add3A_248 = arith.addi %mul3A_246, %add3A_247 : i32
        %get3A_249 = arith.index_cast %add3A_248 : i32 to index
        %get3A_250 = tpu.vector_load %arg9[%get3A_249] {strides = array<i32>} : memref<5120xi32, #tpu.memory_space<vmem>>, vector<16xi32>,
        %gather3A_251 = tpu.vector_load_idx %arg14[%get3A_244] : memref<10000xf32, #tpu.memory_space<vmem>>[vector<16xi32>], vector<16xf32>,
        %gather3A_252 = tpu.vector_load_idx %arg15[%get3A_250] : memref<10000xf32, #tpu.memory_space<vmem>>[vector<16xi32>], vector<16xf32>,
        %add3A_253 = arith.addf %gather3A_251, %gather3A_252 : vector<16xf32>
        %parallel_loop3A_254 = arith.constant 0 : i32
        %parallel_loop3A_255 = arith.constant 256 : i32
        %parallel_loop3A_256 = arith.constant 4 : i32
        %parallel_loop3A_257:4 = scf.for %parallel_loop3A_440 = %parallel_loop3A_254 to %parallel_loop3A_255 step %parallel_loop3A_256 iter_args(%parallel_loop3A_441 = %add3A_253, %parallel_loop3A_442 = %broadcast_in_dim3A_27, %parallel_loop3A_443 = %broadcast_in_dim3A_27, %parallel_loop3A_444 = %broadcast_in_dim3A_27) -> (vector<16xf32>, vector<16xf32>, vector<16xf32>, vector<16xf32>)  : i32 {
          %parallel_loop3A_445 = vector.broadcast %parallel_loop3A_440 : i32 to vector<16xi32>
          %parallel_loop3A_446 = arith.addi %parallel_loop3A_445, %iota3A : vector<16xi32>
          %parallel_loop3A_447 = arith.constant 0 : i32
          %parallel_loop3A_448 = vector.broadcast %parallel_loop3A_447 : i32 to vector<16xi32>
          %parallel_loop3A_449 = arith.addi %parallel_loop3A_446, %parallel_loop3A_448 : vector<16xi32>
          %parallel_loop3A_450 = arith.constant 255 : i32
          %parallel_loop3A_451 = vector.broadcast %parallel_loop3A_450 : i32 to vector<16xi32>
          %parallel_loop3A_452 = arith.andi %parallel_loop3A_449, %parallel_loop3A_451 : vector<16xi32>
          %parallel_loop3A_453 = tpu.vector_load_idx %arg10[%add3A_238, %parallel_loop3A_452] : memref<80x256xf32, #tpu.memory_space<vmem>>[vector<16xi32>, vector<16xi32>], vector<16xf32>,
          %parallel_loop3A_454 = tpu.vector_load_idx %arg11[%add3A_238, %parallel_loop3A_452] : memref<80x256xf32, #tpu.memory_space<vmem>>[vector<16xi32>, vector<16xi32>], vector<16xf32>,
          %parallel_loop3A_455 = arith.mulf %parallel_loop3A_453, %parallel_loop3A_454 : vector<16xf32>
          %parallel_loop3A_456 = arith.addf %parallel_loop3A_441, %parallel_loop3A_455 : vector<16xf32>
          %parallel_loop3A_457 = arith.constant 1 : i32
          %parallel_loop3A_458 = vector.broadcast %parallel_loop3A_457 : i32 to vector<16xi32>
          %parallel_loop3A_459 = arith.addi %parallel_loop3A_446, %parallel_loop3A_458 : vector<16xi32>
          %parallel_loop3A_460 = arith.constant 255 : i32
          %parallel_loop3A_461 = vector.broadcast %parallel_loop3A_460 : i32 to vector<16xi32>
          %parallel_loop3A_462 = arith.andi %parallel_loop3A_459, %parallel_loop3A_461 : vector<16xi32>
          %parallel_loop3A_463 = tpu.vector_load_idx %arg10[%add3A_238, %parallel_loop3A_462] : memref<80x256xf32, #tpu.memory_space<vmem>>[vector<16xi32>, vector<16xi32>], vector<16xf32>,
          %parallel_loop3A_464 = tpu.vector_load_idx %arg11[%add3A_238, %parallel_loop3A_462] : memref<80x256xf32, #tpu.memory_space<vmem>>[vector<16xi32>, vector<16xi32>], vector<16xf32>,
          %parallel_loop3A_465 = arith.mulf %parallel_loop3A_463, %parallel_loop3A_464 : vector<16xf32>
          %parallel_loop3A_466 = arith.addf %parallel_loop3A_442, %parallel_loop3A_465 : vector<16xf32>
          %parallel_loop3A_467 = arith.constant 2 : i32
          %parallel_loop3A_468 = vector.broadcast %parallel_loop3A_467 : i32 to vector<16xi32>
          %parallel_loop3A_469 = arith.addi %parallel_loop3A_446, %parallel_loop3A_468 : vector<16xi32>
          %parallel_loop3A_470 = arith.constant 255 : i32
          %parallel_loop3A_471 = vector.broadcast %parallel_loop3A_470 : i32 to vector<16xi32>
          %parallel_loop3A_472 = arith.andi %parallel_loop3A_469, %parallel_loop3A_471 : vector<16xi32>
          %parallel_loop3A_473 = tpu.vector_load_idx %arg10[%add3A_238, %parallel_loop3A_472] : memref<80x256xf32, #tpu.memory_space<vmem>>[vector<16xi32>, vector<16xi32>], vector<16xf32>,
          %parallel_loop3A_474 = tpu.vector_load_idx %arg11[%add3A_238, %parallel_loop3A_472] : memref<80x256xf32, #tpu.memory_space<vmem>>[vector<16xi32>, vector<16xi32>], vector<16xf32>,
          %parallel_loop3A_475 = arith.mulf %parallel_loop3A_473, %parallel_loop3A_474 : vector<16xf32>
          %parallel_loop3A_476 = arith.addf %parallel_loop3A_443, %parallel_loop3A_475 : vector<16xf32>
          %parallel_loop3A_477 = arith.constant 3 : i32
          %parallel_loop3A_478 = vector.broadcast %parallel_loop3A_477 : i32 to vector<16xi32>
          %parallel_loop3A_479 = arith.addi %parallel_loop3A_446, %parallel_loop3A_478 : vector<16xi32>
          %parallel_loop3A_480 = arith.constant 255 : i32
          %parallel_loop3A_481 = vector.broadcast %parallel_loop3A_480 : i32 to vector<16xi32>
          %parallel_loop3A_482 = arith.andi %parallel_loop3A_479, %parallel_loop3A_481 : vector<16xi32>
          %parallel_loop3A_483 = tpu.vector_load_idx %arg10[%add3A_238, %parallel_loop3A_482] : memref<80x256xf32, #tpu.memory_space<vmem>>[vector<16xi32>, vector<16xi32>], vector<16xf32>,
          %parallel_loop3A_484 = tpu.vector_load_idx %arg11[%add3A_238, %parallel_loop3A_482] : memref<80x256xf32, #tpu.memory_space<vmem>>[vector<16xi32>, vector<16xi32>], vector<16xf32>,
          %parallel_loop3A_485 = arith.mulf %parallel_loop3A_483, %parallel_loop3A_484 : vector<16xf32>
          %parallel_loop3A_486 = arith.addf %parallel_loop3A_444, %parallel_loop3A_485 : vector<16xf32>
          scf.yield %parallel_loop3A_456, %parallel_loop3A_466, %parallel_loop3A_476, %parallel_loop3A_486 : vector<16xf32>, vector<16xf32>, vector<16xf32>, vector<16xf32>
        } {sc.loop_unroll_factor = 4 : i64, sc.parallel_access}
        %add3A_258 = arith.addf %parallel_loop3A_257#0, %parallel_loop3A_257#1 : vector<16xf32>
        %add3A_259 = arith.addf %parallel_loop3A_257#2, %parallel_loop3A_257#3 : vector<16xf32>
        %add3A_260 = arith.addf %add3A_258, %add3A_259 : vector<16xf32>
        %mul3A_261 = arith.constant 80 : i32
        %mul3A_262 = arith.muli %mul3A_91, %mul3A_261 : i32
        %add3A_263 = arith.constant 64 : i32
        %add3A_264 = arith.addi %mul3A_262, %add3A_263 : i32
        %swap3A_265 = arith.index_cast %add3A_264 : i32 to index
        %swap3A_266 = tpu.vector_load %arg16[%swap3A_265] {strides = array<i32>} : memref<5120xf32, #tpu.memory_space<vmem>>, vector<16xf32>,
        tpu.vector_store %arg16[%swap3A_265], %add3A_260 {strides = array<i32>} : memref<5120xf32, #tpu.memory_space<vmem>>, vector<16xf32>,
        %add3A_267 = arith.constant 1 : i32
        %add3A_268 = arith.addi %add3A_92, %add3A_267 : i32
        %lt3A_269 = arith.cmpi slt, %add3A_268, %select_n3A_26 : i32
        %convert_element_type3A_270 = arith.extui %lt3A_269 : i1 to i32
        %cond3A_271 = arith.constant 0 : i32
        %cond3A_272 = arith.cmpi ne, %convert_element_type3A_270, %cond3A_271 : i32
        scf.if %cond3A_272 {
          %add3A_440 = arith.constant 1 : i32
          %add3A_441 = arith.addi %add3A_92, %add3A_440 : i32
          %mul3A_442 = arith.constant 80 : i32
          %mul3A_443 = arith.muli %add3A_441, %mul3A_442 : i32
          %dma_start3A_444 = tpu.memref_slice %arg8[%mul3A_443] : memref<5120xi32, #tpu.memory_space<vmem>> -> memref<80xi32, #tpu.memory_space<vmem>>
          %dma_start3A_445 = arith.constant 0 : i32
          %dma_start3A_446 = arith.constant 0 : i32
          %dma_start3A_447 = tpu.memref_slice %arg2[%dma_start3A_445, %dma_start3A_446] : memref<10000x256xf32, #tpu.memory_space<hbm>> -> memref<10000x256xf32, #tpu.memory_space<hbm>>
          tpu.enqueue_indirect_dma source(%dma_start3A_447 : memref<10000x256xf32, #tpu.memory_space<hbm>>) target(%arg10 : memref<80x256xf32, #tpu.memory_space<vmem>>) offsets(%dma_start3A_444 : memref<80xi32, #tpu.memory_space<vmem>>) semaphore(%arg17 : memref<!tpu.dma_semaphore, #tpu.memory_space<semaphore_mem>>)
          %mul3A_448 = arith.constant 80 : i32
          %mul3A_449 = arith.muli %add3A_441, %mul3A_448 : i32
          %dma_start3A_450 = tpu.memref_slice %arg9[%mul3A_449] : memref<5120xi32, #tpu.memory_space<vmem>> -> memref<80xi32, #tpu.memory_space<vmem>>
          %dma_start3A_451 = arith.constant 0 : i32
          %dma_start3A_452 = arith.constant 0 : i32
          %dma_start3A_453 = tpu.memref_slice %arg3[%dma_start3A_451, %dma_start3A_452] : memref<10000x256xf32, #tpu.memory_space<hbm>> -> memref<10000x256xf32, #tpu.memory_space<hbm>>
          tpu.enqueue_indirect_dma source(%dma_start3A_453 : memref<10000x256xf32, #tpu.memory_space<hbm>>) target(%arg11 : memref<80x256xf32, #tpu.memory_space<vmem>>) offsets(%dma_start3A_450 : memref<80xi32, #tpu.memory_space<vmem>>) semaphore(%arg18 : memref<!tpu.dma_semaphore, #tpu.memory_space<semaphore_mem>>)
        } else {
        }
        %mul3A_273 = arith.constant 80 : i32
        %mul3A_274 = arith.muli %add3A_92, %mul3A_273 : i32
        %dma_wait3A_275 = tpu.memref_slice %arg8[%mul3A_274] : memref<5120xi32, #tpu.memory_space<vmem>> -> memref<80xi32, #tpu.memory_space<vmem>>
        %dma_wait3A_276 = arith.constant 0 : i32
        %dma_wait3A_277 = arith.constant 0 : i32
        %dma_wait3A_278 = tpu.memref_slice %arg2[%dma_wait3A_276, %dma_wait3A_277] : memref<10000x256xf32, #tpu.memory_space<hbm>> -> memref<10000x256xf32, #tpu.memory_space<hbm>>
        tpu.wait_indirect_dma semaphore(%arg19 : memref<!tpu.dma_semaphore, #tpu.memory_space<semaphore_mem>>) src(%dma_wait3A_278 : memref<10000x256xf32, #tpu.memory_space<hbm>>) dst(%arg12 : memref<80x256xf32, #tpu.memory_space<vmem>>)
        %mul3A_279 = arith.constant 80 : i32
        %mul3A_280 = arith.muli %add3A_92, %mul3A_279 : i32
        %dma_wait3A_281 = tpu.memref_slice %arg9[%mul3A_280] : memref<5120xi32, #tpu.memory_space<vmem>> -> memref<80xi32, #tpu.memory_space<vmem>>
        %dma_wait3A_282 = arith.constant 0 : i32
        %dma_wait3A_283 = arith.constant 0 : i32
        %dma_wait3A_284 = tpu.memref_slice %arg3[%dma_wait3A_282, %dma_wait3A_283] : memref<10000x256xf32, #tpu.memory_space<hbm>> -> memref<10000x256xf32, #tpu.memory_space<hbm>>
        tpu.wait_indirect_dma semaphore(%arg20 : memref<!tpu.dma_semaphore, #tpu.memory_space<semaphore_mem>>) src(%dma_wait3A_284 : memref<10000x256xf32, #tpu.memory_space<hbm>>) dst(%arg13 : memref<80x256xf32, #tpu.memory_space<vmem>>)
        %add3A_285 = arith.constant 0 : i32
        %add3A_286 = vector.broadcast %add3A_285 : i32 to vector<16xi32>
        %add3A_287 = arith.addi %iota3A, %add3A_286 : vector<16xi32>
        %mul3A_288 = arith.constant 80 : i32
        %mul3A_289 = arith.muli %add3A_92, %mul3A_288 : i32
        %add3A_290 = arith.constant 0 : i32
        %add3A_291 = arith.addi %mul3A_289, %add3A_290 : i32
        %get3A_292 = arith.index_cast %add3A_291 : i32 to index
        %get3A_293 = tpu.vector_load %arg8[%get3A_292] {strides = array<i32>} : memref<5120xi32, #tpu.memory_space<vmem>>, vector<16xi32>,
        %mul3A_294 = arith.constant 80 : i32
        %mul3A_295 = arith.muli %add3A_92, %mul3A_294 : i32
        %add3A_296 = arith.constant 0 : i32
        %add3A_297 = arith.addi %mul3A_295, %add3A_296 : i32
        %get3A_298 = arith.index_cast %add3A_297 : i32 to index
        %get3A_299 = tpu.vector_load %arg9[%get3A_298] {strides = array<i32>} : memref<5120xi32, #tpu.memory_space<vmem>>, vector<16xi32>,
        %gather3A_300 = tpu.vector_load_idx %arg14[%get3A_293] : memref<10000xf32, #tpu.memory_space<vmem>>[vector<16xi32>], vector<16xf32>,
        %gather3A_301 = tpu.vector_load_idx %arg15[%get3A_299] : memref<10000xf32, #tpu.memory_space<vmem>>[vector<16xi32>], vector<16xf32>,
        %add3A_302 = arith.addf %gather3A_300, %gather3A_301 : vector<16xf32>
        %parallel_loop3A_303 = arith.constant 0 : i32
        %parallel_loop3A_304 = arith.constant 256 : i32
        %parallel_loop3A_305 = arith.constant 4 : i32
        %parallel_loop3A_306:4 = scf.for %parallel_loop3A_440 = %parallel_loop3A_303 to %parallel_loop3A_304 step %parallel_loop3A_305 iter_args(%parallel_loop3A_441 = %add3A_302, %parallel_loop3A_442 = %broadcast_in_dim3A_27, %parallel_loop3A_443 = %broadcast_in_dim3A_27, %parallel_loop3A_444 = %broadcast_in_dim3A_27) -> (vector<16xf32>, vector<16xf32>, vector<16xf32>, vector<16xf32>)  : i32 {
          %parallel_loop3A_445 = vector.broadcast %parallel_loop3A_440 : i32 to vector<16xi32>
          %parallel_loop3A_446 = arith.addi %parallel_loop3A_445, %iota3A : vector<16xi32>
          %parallel_loop3A_447 = arith.constant 0 : i32
          %parallel_loop3A_448 = vector.broadcast %parallel_loop3A_447 : i32 to vector<16xi32>
          %parallel_loop3A_449 = arith.addi %parallel_loop3A_446, %parallel_loop3A_448 : vector<16xi32>
          %parallel_loop3A_450 = arith.constant 255 : i32
          %parallel_loop3A_451 = vector.broadcast %parallel_loop3A_450 : i32 to vector<16xi32>
          %parallel_loop3A_452 = arith.andi %parallel_loop3A_449, %parallel_loop3A_451 : vector<16xi32>
          %parallel_loop3A_453 = tpu.vector_load_idx %arg12[%add3A_287, %parallel_loop3A_452] : memref<80x256xf32, #tpu.memory_space<vmem>>[vector<16xi32>, vector<16xi32>], vector<16xf32>,
          %parallel_loop3A_454 = tpu.vector_load_idx %arg13[%add3A_287, %parallel_loop3A_452] : memref<80x256xf32, #tpu.memory_space<vmem>>[vector<16xi32>, vector<16xi32>], vector<16xf32>,
          %parallel_loop3A_455 = arith.mulf %parallel_loop3A_453, %parallel_loop3A_454 : vector<16xf32>
          %parallel_loop3A_456 = arith.addf %parallel_loop3A_441, %parallel_loop3A_455 : vector<16xf32>
          %parallel_loop3A_457 = arith.constant 1 : i32
          %parallel_loop3A_458 = vector.broadcast %parallel_loop3A_457 : i32 to vector<16xi32>
          %parallel_loop3A_459 = arith.addi %parallel_loop3A_446, %parallel_loop3A_458 : vector<16xi32>
          %parallel_loop3A_460 = arith.constant 255 : i32
          %parallel_loop3A_461 = vector.broadcast %parallel_loop3A_460 : i32 to vector<16xi32>
          %parallel_loop3A_462 = arith.andi %parallel_loop3A_459, %parallel_loop3A_461 : vector<16xi32>
          %parallel_loop3A_463 = tpu.vector_load_idx %arg12[%add3A_287, %parallel_loop3A_462] : memref<80x256xf32, #tpu.memory_space<vmem>>[vector<16xi32>, vector<16xi32>], vector<16xf32>,
          %parallel_loop3A_464 = tpu.vector_load_idx %arg13[%add3A_287, %parallel_loop3A_462] : memref<80x256xf32, #tpu.memory_space<vmem>>[vector<16xi32>, vector<16xi32>], vector<16xf32>,
          %parallel_loop3A_465 = arith.mulf %parallel_loop3A_463, %parallel_loop3A_464 : vector<16xf32>
          %parallel_loop3A_466 = arith.addf %parallel_loop3A_442, %parallel_loop3A_465 : vector<16xf32>
          %parallel_loop3A_467 = arith.constant 2 : i32
          %parallel_loop3A_468 = vector.broadcast %parallel_loop3A_467 : i32 to vector<16xi32>
          %parallel_loop3A_469 = arith.addi %parallel_loop3A_446, %parallel_loop3A_468 : vector<16xi32>
          %parallel_loop3A_470 = arith.constant 255 : i32
          %parallel_loop3A_471 = vector.broadcast %parallel_loop3A_470 : i32 to vector<16xi32>
          %parallel_loop3A_472 = arith.andi %parallel_loop3A_469, %parallel_loop3A_471 : vector<16xi32>
          %parallel_loop3A_473 = tpu.vector_load_idx %arg12[%add3A_287, %parallel_loop3A_472] : memref<80x256xf32, #tpu.memory_space<vmem>>[vector<16xi32>, vector<16xi32>], vector<16xf32>,
          %parallel_loop3A_474 = tpu.vector_load_idx %arg13[%add3A_287, %parallel_loop3A_472] : memref<80x256xf32, #tpu.memory_space<vmem>>[vector<16xi32>, vector<16xi32>], vector<16xf32>,
          %parallel_loop3A_475 = arith.mulf %parallel_loop3A_473, %parallel_loop3A_474 : vector<16xf32>
          %parallel_loop3A_476 = arith.addf %parallel_loop3A_443, %parallel_loop3A_475 : vector<16xf32>
          %parallel_loop3A_477 = arith.constant 3 : i32
          %parallel_loop3A_478 = vector.broadcast %parallel_loop3A_477 : i32 to vector<16xi32>
          %parallel_loop3A_479 = arith.addi %parallel_loop3A_446, %parallel_loop3A_478 : vector<16xi32>
          %parallel_loop3A_480 = arith.constant 255 : i32
          %parallel_loop3A_481 = vector.broadcast %parallel_loop3A_480 : i32 to vector<16xi32>
          %parallel_loop3A_482 = arith.andi %parallel_loop3A_479, %parallel_loop3A_481 : vector<16xi32>
          %parallel_loop3A_483 = tpu.vector_load_idx %arg12[%add3A_287, %parallel_loop3A_482] : memref<80x256xf32, #tpu.memory_space<vmem>>[vector<16xi32>, vector<16xi32>], vector<16xf32>,
          %parallel_loop3A_484 = tpu.vector_load_idx %arg13[%add3A_287, %parallel_loop3A_482] : memref<80x256xf32, #tpu.memory_space<vmem>>[vector<16xi32>, vector<16xi32>], vector<16xf32>,
          %parallel_loop3A_485 = arith.mulf %parallel_loop3A_483, %parallel_loop3A_484 : vector<16xf32>
          %parallel_loop3A_486 = arith.addf %parallel_loop3A_444, %parallel_loop3A_485 : vector<16xf32>
          scf.yield %parallel_loop3A_456, %parallel_loop3A_466, %parallel_loop3A_476, %parallel_loop3A_486 : vector<16xf32>, vector<16xf32>, vector<16xf32>, vector<16xf32>
        } {sc.loop_unroll_factor = 4 : i64, sc.parallel_access}
        %add3A_307 = arith.addf %parallel_loop3A_306#0, %parallel_loop3A_306#1 : vector<16xf32>
        %add3A_308 = arith.addf %parallel_loop3A_306#2, %parallel_loop3A_306#3 : vector<16xf32>
        %add3A_309 = arith.addf %add3A_307, %add3A_308 : vector<16xf32>
        %mul3A_310 = arith.constant 80 : i32
        %mul3A_311 = arith.muli %add3A_92, %mul3A_310 : i32
        %add3A_312 = arith.constant 0 : i32
        %add3A_313 = arith.addi %mul3A_311, %add3A_312 : i32
        %swap3A_314 = arith.index_cast %add3A_313 : i32 to index
        %swap3A_315 = tpu.vector_load %arg16[%swap3A_314] {strides = array<i32>} : memref<5120xf32, #tpu.memory_space<vmem>>, vector<16xf32>,
        tpu.vector_store %arg16[%swap3A_314], %add3A_309 {strides = array<i32>} : memref<5120xf32, #tpu.memory_space<vmem>>, vector<16xf32>,
        %add3A_316 = arith.constant 16 : i32
        %add3A_317 = vector.broadcast %add3A_316 : i32 to vector<16xi32>
        %add3A_318 = arith.addi %iota3A, %add3A_317 : vector<16xi32>
        %mul3A_319 = arith.constant 80 : i32
        %mul3A_320 = arith.muli %add3A_92, %mul3A_319 : i32
        %add3A_321 = arith.constant 16 : i32
        %add3A_322 = arith.addi %mul3A_320, %add3A_321 : i32
        %get3A_323 = arith.index_cast %add3A_322 : i32 to index
        %get3A_324 = tpu.vector_load %arg8[%get3A_323] {strides = array<i32>} : memref<5120xi32, #tpu.memory_space<vmem>>, vector<16xi32>,
        %mul3A_325 = arith.constant 80 : i32
        %mul3A_326 = arith.muli %add3A_92, %mul3A_325 : i32
        %add3A_327 = arith.constant 16 : i32
        %add3A_328 = arith.addi %mul3A_326, %add3A_327 : i32
        %get3A_329 = arith.index_cast %add3A_328 : i32 to index
        %get3A_330 = tpu.vector_load %arg9[%get3A_329] {strides = array<i32>} : memref<5120xi32, #tpu.memory_space<vmem>>, vector<16xi32>,
        %gather3A_331 = tpu.vector_load_idx %arg14[%get3A_324] : memref<10000xf32, #tpu.memory_space<vmem>>[vector<16xi32>], vector<16xf32>,
        %gather3A_332 = tpu.vector_load_idx %arg15[%get3A_330] : memref<10000xf32, #tpu.memory_space<vmem>>[vector<16xi32>], vector<16xf32>,
        %add3A_333 = arith.addf %gather3A_331, %gather3A_332 : vector<16xf32>
        %parallel_loop3A_334 = arith.constant 0 : i32
        %parallel_loop3A_335 = arith.constant 256 : i32
        %parallel_loop3A_336 = arith.constant 4 : i32
        %parallel_loop3A_337:4 = scf.for %parallel_loop3A_440 = %parallel_loop3A_334 to %parallel_loop3A_335 step %parallel_loop3A_336 iter_args(%parallel_loop3A_441 = %add3A_333, %parallel_loop3A_442 = %broadcast_in_dim3A_27, %parallel_loop3A_443 = %broadcast_in_dim3A_27, %parallel_loop3A_444 = %broadcast_in_dim3A_27) -> (vector<16xf32>, vector<16xf32>, vector<16xf32>, vector<16xf32>)  : i32 {
          %parallel_loop3A_445 = vector.broadcast %parallel_loop3A_440 : i32 to vector<16xi32>
          %parallel_loop3A_446 = arith.addi %parallel_loop3A_445, %iota3A : vector<16xi32>
          %parallel_loop3A_447 = arith.constant 0 : i32
          %parallel_loop3A_448 = vector.broadcast %parallel_loop3A_447 : i32 to vector<16xi32>
          %parallel_loop3A_449 = arith.addi %parallel_loop3A_446, %parallel_loop3A_448 : vector<16xi32>
          %parallel_loop3A_450 = arith.constant 255 : i32
          %parallel_loop3A_451 = vector.broadcast %parallel_loop3A_450 : i32 to vector<16xi32>
          %parallel_loop3A_452 = arith.andi %parallel_loop3A_449, %parallel_loop3A_451 : vector<16xi32>
          %parallel_loop3A_453 = tpu.vector_load_idx %arg12[%add3A_318, %parallel_loop3A_452] : memref<80x256xf32, #tpu.memory_space<vmem>>[vector<16xi32>, vector<16xi32>], vector<16xf32>,
          %parallel_loop3A_454 = tpu.vector_load_idx %arg13[%add3A_318, %parallel_loop3A_452] : memref<80x256xf32, #tpu.memory_space<vmem>>[vector<16xi32>, vector<16xi32>], vector<16xf32>,
          %parallel_loop3A_455 = arith.mulf %parallel_loop3A_453, %parallel_loop3A_454 : vector<16xf32>
          %parallel_loop3A_456 = arith.addf %parallel_loop3A_441, %parallel_loop3A_455 : vector<16xf32>
          %parallel_loop3A_457 = arith.constant 1 : i32
          %parallel_loop3A_458 = vector.broadcast %parallel_loop3A_457 : i32 to vector<16xi32>
          %parallel_loop3A_459 = arith.addi %parallel_loop3A_446, %parallel_loop3A_458 : vector<16xi32>
          %parallel_loop3A_460 = arith.constant 255 : i32
          %parallel_loop3A_461 = vector.broadcast %parallel_loop3A_460 : i32 to vector<16xi32>
          %parallel_loop3A_462 = arith.andi %parallel_loop3A_459, %parallel_loop3A_461 : vector<16xi32>
          %parallel_loop3A_463 = tpu.vector_load_idx %arg12[%add3A_318, %parallel_loop3A_462] : memref<80x256xf32, #tpu.memory_space<vmem>>[vector<16xi32>, vector<16xi32>], vector<16xf32>,
          %parallel_loop3A_464 = tpu.vector_load_idx %arg13[%add3A_318, %parallel_loop3A_462] : memref<80x256xf32, #tpu.memory_space<vmem>>[vector<16xi32>, vector<16xi32>], vector<16xf32>,
          %parallel_loop3A_465 = arith.mulf %parallel_loop3A_463, %parallel_loop3A_464 : vector<16xf32>
          %parallel_loop3A_466 = arith.addf %parallel_loop3A_442, %parallel_loop3A_465 : vector<16xf32>
          %parallel_loop3A_467 = arith.constant 2 : i32
          %parallel_loop3A_468 = vector.broadcast %parallel_loop3A_467 : i32 to vector<16xi32>
          %parallel_loop3A_469 = arith.addi %parallel_loop3A_446, %parallel_loop3A_468 : vector<16xi32>
          %parallel_loop3A_470 = arith.constant 255 : i32
          %parallel_loop3A_471 = vector.broadcast %parallel_loop3A_470 : i32 to vector<16xi32>
          %parallel_loop3A_472 = arith.andi %parallel_loop3A_469, %parallel_loop3A_471 : vector<16xi32>
          %parallel_loop3A_473 = tpu.vector_load_idx %arg12[%add3A_318, %parallel_loop3A_472] : memref<80x256xf32, #tpu.memory_space<vmem>>[vector<16xi32>, vector<16xi32>], vector<16xf32>,
          %parallel_loop3A_474 = tpu.vector_load_idx %arg13[%add3A_318, %parallel_loop3A_472] : memref<80x256xf32, #tpu.memory_space<vmem>>[vector<16xi32>, vector<16xi32>], vector<16xf32>,
          %parallel_loop3A_475 = arith.mulf %parallel_loop3A_473, %parallel_loop3A_474 : vector<16xf32>
          %parallel_loop3A_476 = arith.addf %parallel_loop3A_443, %parallel_loop3A_475 : vector<16xf32>
          %parallel_loop3A_477 = arith.constant 3 : i32
          %parallel_loop3A_478 = vector.broadcast %parallel_loop3A_477 : i32 to vector<16xi32>
          %parallel_loop3A_479 = arith.addi %parallel_loop3A_446, %parallel_loop3A_478 : vector<16xi32>
          %parallel_loop3A_480 = arith.constant 255 : i32
          %parallel_loop3A_481 = vector.broadcast %parallel_loop3A_480 : i32 to vector<16xi32>
          %parallel_loop3A_482 = arith.andi %parallel_loop3A_479, %parallel_loop3A_481 : vector<16xi32>
          %parallel_loop3A_483 = tpu.vector_load_idx %arg12[%add3A_318, %parallel_loop3A_482] : memref<80x256xf32, #tpu.memory_space<vmem>>[vector<16xi32>, vector<16xi32>], vector<16xf32>,
          %parallel_loop3A_484 = tpu.vector_load_idx %arg13[%add3A_318, %parallel_loop3A_482] : memref<80x256xf32, #tpu.memory_space<vmem>>[vector<16xi32>, vector<16xi32>], vector<16xf32>,
          %parallel_loop3A_485 = arith.mulf %parallel_loop3A_483, %parallel_loop3A_484 : vector<16xf32>
          %parallel_loop3A_486 = arith.addf %parallel_loop3A_444, %parallel_loop3A_485 : vector<16xf32>
          scf.yield %parallel_loop3A_456, %parallel_loop3A_466, %parallel_loop3A_476, %parallel_loop3A_486 : vector<16xf32>, vector<16xf32>, vector<16xf32>, vector<16xf32>
        } {sc.loop_unroll_factor = 4 : i64, sc.parallel_access}
        %add3A_338 = arith.addf %parallel_loop3A_337#0, %parallel_loop3A_337#1 : vector<16xf32>
        %add3A_339 = arith.addf %parallel_loop3A_337#2, %parallel_loop3A_337#3 : vector<16xf32>
        %add3A_340 = arith.addf %add3A_338, %add3A_339 : vector<16xf32>
        %mul3A_341 = arith.constant 80 : i32
        %mul3A_342 = arith.muli %add3A_92, %mul3A_341 : i32
        %add3A_343 = arith.constant 16 : i32
        %add3A_344 = arith.addi %mul3A_342, %add3A_343 : i32
        %swap3A_345 = arith.index_cast %add3A_344 : i32 to index
        %swap3A_346 = tpu.vector_load %arg16[%swap3A_345] {strides = array<i32>} : memref<5120xf32, #tpu.memory_space<vmem>>, vector<16xf32>,
        tpu.vector_store %arg16[%swap3A_345], %add3A_340 {strides = array<i32>} : memref<5120xf32, #tpu.memory_space<vmem>>, vector<16xf32>,
        %add3A_347 = arith.constant 32 : i32
        %add3A_348 = vector.broadcast %add3A_347 : i32 to vector<16xi32>
        %add3A_349 = arith.addi %iota3A, %add3A_348 : vector<16xi32>
        %mul3A_350 = arith.constant 80 : i32
        %mul3A_351 = arith.muli %add3A_92, %mul3A_350 : i32
        %add3A_352 = arith.constant 32 : i32
        %add3A_353 = arith.addi %mul3A_351, %add3A_352 : i32
        %get3A_354 = arith.index_cast %add3A_353 : i32 to index
        %get3A_355 = tpu.vector_load %arg8[%get3A_354] {strides = array<i32>} : memref<5120xi32, #tpu.memory_space<vmem>>, vector<16xi32>,
        %mul3A_356 = arith.constant 80 : i32
        %mul3A_357 = arith.muli %add3A_92, %mul3A_356 : i32
        %add3A_358 = arith.constant 32 : i32
        %add3A_359 = arith.addi %mul3A_357, %add3A_358 : i32
        %get3A_360 = arith.index_cast %add3A_359 : i32 to index
        %get3A_361 = tpu.vector_load %arg9[%get3A_360] {strides = array<i32>} : memref<5120xi32, #tpu.memory_space<vmem>>, vector<16xi32>,
        %gather3A_362 = tpu.vector_load_idx %arg14[%get3A_355] : memref<10000xf32, #tpu.memory_space<vmem>>[vector<16xi32>], vector<16xf32>,
        %gather3A_363 = tpu.vector_load_idx %arg15[%get3A_361] : memref<10000xf32, #tpu.memory_space<vmem>>[vector<16xi32>], vector<16xf32>,
        %add3A_364 = arith.addf %gather3A_362, %gather3A_363 : vector<16xf32>
        %parallel_loop3A_365 = arith.constant 0 : i32
        %parallel_loop3A_366 = arith.constant 256 : i32
        %parallel_loop3A_367 = arith.constant 4 : i32
        %parallel_loop3A_368:4 = scf.for %parallel_loop3A_440 = %parallel_loop3A_365 to %parallel_loop3A_366 step %parallel_loop3A_367 iter_args(%parallel_loop3A_441 = %add3A_364, %parallel_loop3A_442 = %broadcast_in_dim3A_27, %parallel_loop3A_443 = %broadcast_in_dim3A_27, %parallel_loop3A_444 = %broadcast_in_dim3A_27) -> (vector<16xf32>, vector<16xf32>, vector<16xf32>, vector<16xf32>)  : i32 {
          %parallel_loop3A_445 = vector.broadcast %parallel_loop3A_440 : i32 to vector<16xi32>
          %parallel_loop3A_446 = arith.addi %parallel_loop3A_445, %iota3A : vector<16xi32>
          %parallel_loop3A_447 = arith.constant 0 : i32
          %parallel_loop3A_448 = vector.broadcast %parallel_loop3A_447 : i32 to vector<16xi32>
          %parallel_loop3A_449 = arith.addi %parallel_loop3A_446, %parallel_loop3A_448 : vector<16xi32>
          %parallel_loop3A_450 = arith.constant 255 : i32
          %parallel_loop3A_451 = vector.broadcast %parallel_loop3A_450 : i32 to vector<16xi32>
          %parallel_loop3A_452 = arith.andi %parallel_loop3A_449, %parallel_loop3A_451 : vector<16xi32>
          %parallel_loop3A_453 = tpu.vector_load_idx %arg12[%add3A_349, %parallel_loop3A_452] : memref<80x256xf32, #tpu.memory_space<vmem>>[vector<16xi32>, vector<16xi32>], vector<16xf32>,
          %parallel_loop3A_454 = tpu.vector_load_idx %arg13[%add3A_349, %parallel_loop3A_452] : memref<80x256xf32, #tpu.memory_space<vmem>>[vector<16xi32>, vector<16xi32>], vector<16xf32>,
          %parallel_loop3A_455 = arith.mulf %parallel_loop3A_453, %parallel_loop3A_454 : vector<16xf32>
          %parallel_loop3A_456 = arith.addf %parallel_loop3A_441, %parallel_loop3A_455 : vector<16xf32>
          %parallel_loop3A_457 = arith.constant 1 : i32
          %parallel_loop3A_458 = vector.broadcast %parallel_loop3A_457 : i32 to vector<16xi32>
          %parallel_loop3A_459 = arith.addi %parallel_loop3A_446, %parallel_loop3A_458 : vector<16xi32>
          %parallel_loop3A_460 = arith.constant 255 : i32
          %parallel_loop3A_461 = vector.broadcast %parallel_loop3A_460 : i32 to vector<16xi32>
          %parallel_loop3A_462 = arith.andi %parallel_loop3A_459, %parallel_loop3A_461 : vector<16xi32>
          %parallel_loop3A_463 = tpu.vector_load_idx %arg12[%add3A_349, %parallel_loop3A_462] : memref<80x256xf32, #tpu.memory_space<vmem>>[vector<16xi32>, vector<16xi32>], vector<16xf32>,
          %parallel_loop3A_464 = tpu.vector_load_idx %arg13[%add3A_349, %parallel_loop3A_462] : memref<80x256xf32, #tpu.memory_space<vmem>>[vector<16xi32>, vector<16xi32>], vector<16xf32>,
          %parallel_loop3A_465 = arith.mulf %parallel_loop3A_463, %parallel_loop3A_464 : vector<16xf32>
          %parallel_loop3A_466 = arith.addf %parallel_loop3A_442, %parallel_loop3A_465 : vector<16xf32>
          %parallel_loop3A_467 = arith.constant 2 : i32
          %parallel_loop3A_468 = vector.broadcast %parallel_loop3A_467 : i32 to vector<16xi32>
          %parallel_loop3A_469 = arith.addi %parallel_loop3A_446, %parallel_loop3A_468 : vector<16xi32>
          %parallel_loop3A_470 = arith.constant 255 : i32
          %parallel_loop3A_471 = vector.broadcast %parallel_loop3A_470 : i32 to vector<16xi32>
          %parallel_loop3A_472 = arith.andi %parallel_loop3A_469, %parallel_loop3A_471 : vector<16xi32>
          %parallel_loop3A_473 = tpu.vector_load_idx %arg12[%add3A_349, %parallel_loop3A_472] : memref<80x256xf32, #tpu.memory_space<vmem>>[vector<16xi32>, vector<16xi32>], vector<16xf32>,
          %parallel_loop3A_474 = tpu.vector_load_idx %arg13[%add3A_349, %parallel_loop3A_472] : memref<80x256xf32, #tpu.memory_space<vmem>>[vector<16xi32>, vector<16xi32>], vector<16xf32>,
          %parallel_loop3A_475 = arith.mulf %parallel_loop3A_473, %parallel_loop3A_474 : vector<16xf32>
          %parallel_loop3A_476 = arith.addf %parallel_loop3A_443, %parallel_loop3A_475 : vector<16xf32>
          %parallel_loop3A_477 = arith.constant 3 : i32
          %parallel_loop3A_478 = vector.broadcast %parallel_loop3A_477 : i32 to vector<16xi32>
          %parallel_loop3A_479 = arith.addi %parallel_loop3A_446, %parallel_loop3A_478 : vector<16xi32>
          %parallel_loop3A_480 = arith.constant 255 : i32
          %parallel_loop3A_481 = vector.broadcast %parallel_loop3A_480 : i32 to vector<16xi32>
          %parallel_loop3A_482 = arith.andi %parallel_loop3A_479, %parallel_loop3A_481 : vector<16xi32>
          %parallel_loop3A_483 = tpu.vector_load_idx %arg12[%add3A_349, %parallel_loop3A_482] : memref<80x256xf32, #tpu.memory_space<vmem>>[vector<16xi32>, vector<16xi32>], vector<16xf32>,
          %parallel_loop3A_484 = tpu.vector_load_idx %arg13[%add3A_349, %parallel_loop3A_482] : memref<80x256xf32, #tpu.memory_space<vmem>>[vector<16xi32>, vector<16xi32>], vector<16xf32>,
          %parallel_loop3A_485 = arith.mulf %parallel_loop3A_483, %parallel_loop3A_484 : vector<16xf32>
          %parallel_loop3A_486 = arith.addf %parallel_loop3A_444, %parallel_loop3A_485 : vector<16xf32>
          scf.yield %parallel_loop3A_456, %parallel_loop3A_466, %parallel_loop3A_476, %parallel_loop3A_486 : vector<16xf32>, vector<16xf32>, vector<16xf32>, vector<16xf32>
        } {sc.loop_unroll_factor = 4 : i64, sc.parallel_access}
        %add3A_369 = arith.addf %parallel_loop3A_368#0, %parallel_loop3A_368#1 : vector<16xf32>
        %add3A_370 = arith.addf %parallel_loop3A_368#2, %parallel_loop3A_368#3 : vector<16xf32>
        %add3A_371 = arith.addf %add3A_369, %add3A_370 : vector<16xf32>
        %mul3A_372 = arith.constant 80 : i32
        %mul3A_373 = arith.muli %add3A_92, %mul3A_372 : i32
        %add3A_374 = arith.constant 32 : i32
        %add3A_375 = arith.addi %mul3A_373, %add3A_374 : i32
        %swap3A_376 = arith.index_cast %add3A_375 : i32 to index
        %swap3A_377 = tpu.vector_load %arg16[%swap3A_376] {strides = array<i32>} : memref<5120xf32, #tpu.memory_space<vmem>>, vector<16xf32>,
        tpu.vector_store %arg16[%swap3A_376], %add3A_371 {strides = array<i32>} : memref<5120xf32, #tpu.memory_space<vmem>>, vector<16xf32>,
        %add3A_378 = arith.constant 48 : i32
        %add3A_379 = vector.broadcast %add3A_378 : i32 to vector<16xi32>
        %add3A_380 = arith.addi %iota3A, %add3A_379 : vector<16xi32>
        %mul3A_381 = arith.constant 80 : i32
        %mul3A_382 = arith.muli %add3A_92, %mul3A_381 : i32
        %add3A_383 = arith.constant 48 : i32
        %add3A_384 = arith.addi %mul3A_382, %add3A_383 : i32
        %get3A_385 = arith.index_cast %add3A_384 : i32 to index
        %get3A_386 = tpu.vector_load %arg8[%get3A_385] {strides = array<i32>} : memref<5120xi32, #tpu.memory_space<vmem>>, vector<16xi32>,
        %mul3A_387 = arith.constant 80 : i32
        %mul3A_388 = arith.muli %add3A_92, %mul3A_387 : i32
        %add3A_389 = arith.constant 48 : i32
        %add3A_390 = arith.addi %mul3A_388, %add3A_389 : i32
        %get3A_391 = arith.index_cast %add3A_390 : i32 to index
        %get3A_392 = tpu.vector_load %arg9[%get3A_391] {strides = array<i32>} : memref<5120xi32, #tpu.memory_space<vmem>>, vector<16xi32>,
        %gather3A_393 = tpu.vector_load_idx %arg14[%get3A_386] : memref<10000xf32, #tpu.memory_space<vmem>>[vector<16xi32>], vector<16xf32>,
        %gather3A_394 = tpu.vector_load_idx %arg15[%get3A_392] : memref<10000xf32, #tpu.memory_space<vmem>>[vector<16xi32>], vector<16xf32>,
        %add3A_395 = arith.addf %gather3A_393, %gather3A_394 : vector<16xf32>
        %parallel_loop3A_396 = arith.constant 0 : i32
        %parallel_loop3A_397 = arith.constant 256 : i32
        %parallel_loop3A_398 = arith.constant 4 : i32
        %parallel_loop3A_399:4 = scf.for %parallel_loop3A_440 = %parallel_loop3A_396 to %parallel_loop3A_397 step %parallel_loop3A_398 iter_args(%parallel_loop3A_441 = %add3A_395, %parallel_loop3A_442 = %broadcast_in_dim3A_27, %parallel_loop3A_443 = %broadcast_in_dim3A_27, %parallel_loop3A_444 = %broadcast_in_dim3A_27) -> (vector<16xf32>, vector<16xf32>, vector<16xf32>, vector<16xf32>)  : i32 {
          %parallel_loop3A_445 = vector.broadcast %parallel_loop3A_440 : i32 to vector<16xi32>
          %parallel_loop3A_446 = arith.addi %parallel_loop3A_445, %iota3A : vector<16xi32>
          %parallel_loop3A_447 = arith.constant 0 : i32
          %parallel_loop3A_448 = vector.broadcast %parallel_loop3A_447 : i32 to vector<16xi32>
          %parallel_loop3A_449 = arith.addi %parallel_loop3A_446, %parallel_loop3A_448 : vector<16xi32>
          %parallel_loop3A_450 = arith.constant 255 : i32
          %parallel_loop3A_451 = vector.broadcast %parallel_loop3A_450 : i32 to vector<16xi32>
          %parallel_loop3A_452 = arith.andi %parallel_loop3A_449, %parallel_loop3A_451 : vector<16xi32>
          %parallel_loop3A_453 = tpu.vector_load_idx %arg12[%add3A_380, %parallel_loop3A_452] : memref<80x256xf32, #tpu.memory_space<vmem>>[vector<16xi32>, vector<16xi32>], vector<16xf32>,
          %parallel_loop3A_454 = tpu.vector_load_idx %arg13[%add3A_380, %parallel_loop3A_452] : memref<80x256xf32, #tpu.memory_space<vmem>>[vector<16xi32>, vector<16xi32>], vector<16xf32>,
          %parallel_loop3A_455 = arith.mulf %parallel_loop3A_453, %parallel_loop3A_454 : vector<16xf32>
          %parallel_loop3A_456 = arith.addf %parallel_loop3A_441, %parallel_loop3A_455 : vector<16xf32>
          %parallel_loop3A_457 = arith.constant 1 : i32
          %parallel_loop3A_458 = vector.broadcast %parallel_loop3A_457 : i32 to vector<16xi32>
          %parallel_loop3A_459 = arith.addi %parallel_loop3A_446, %parallel_loop3A_458 : vector<16xi32>
          %parallel_loop3A_460 = arith.constant 255 : i32
          %parallel_loop3A_461 = vector.broadcast %parallel_loop3A_460 : i32 to vector<16xi32>
          %parallel_loop3A_462 = arith.andi %parallel_loop3A_459, %parallel_loop3A_461 : vector<16xi32>
          %parallel_loop3A_463 = tpu.vector_load_idx %arg12[%add3A_380, %parallel_loop3A_462] : memref<80x256xf32, #tpu.memory_space<vmem>>[vector<16xi32>, vector<16xi32>], vector<16xf32>,
          %parallel_loop3A_464 = tpu.vector_load_idx %arg13[%add3A_380, %parallel_loop3A_462] : memref<80x256xf32, #tpu.memory_space<vmem>>[vector<16xi32>, vector<16xi32>], vector<16xf32>,
          %parallel_loop3A_465 = arith.mulf %parallel_loop3A_463, %parallel_loop3A_464 : vector<16xf32>
          %parallel_loop3A_466 = arith.addf %parallel_loop3A_442, %parallel_loop3A_465 : vector<16xf32>
          %parallel_loop3A_467 = arith.constant 2 : i32
          %parallel_loop3A_468 = vector.broadcast %parallel_loop3A_467 : i32 to vector<16xi32>
          %parallel_loop3A_469 = arith.addi %parallel_loop3A_446, %parallel_loop3A_468 : vector<16xi32>
          %parallel_loop3A_470 = arith.constant 255 : i32
          %parallel_loop3A_471 = vector.broadcast %parallel_loop3A_470 : i32 to vector<16xi32>
          %parallel_loop3A_472 = arith.andi %parallel_loop3A_469, %parallel_loop3A_471 : vector<16xi32>
          %parallel_loop3A_473 = tpu.vector_load_idx %arg12[%add3A_380, %parallel_loop3A_472] : memref<80x256xf32, #tpu.memory_space<vmem>>[vector<16xi32>, vector<16xi32>], vector<16xf32>,
          %parallel_loop3A_474 = tpu.vector_load_idx %arg13[%add3A_380, %parallel_loop3A_472] : memref<80x256xf32, #tpu.memory_space<vmem>>[vector<16xi32>, vector<16xi32>], vector<16xf32>,
          %parallel_loop3A_475 = arith.mulf %parallel_loop3A_473, %parallel_loop3A_474 : vector<16xf32>
          %parallel_loop3A_476 = arith.addf %parallel_loop3A_443, %parallel_loop3A_475 : vector<16xf32>
          %parallel_loop3A_477 = arith.constant 3 : i32
          %parallel_loop3A_478 = vector.broadcast %parallel_loop3A_477 : i32 to vector<16xi32>
          %parallel_loop3A_479 = arith.addi %parallel_loop3A_446, %parallel_loop3A_478 : vector<16xi32>
          %parallel_loop3A_480 = arith.constant 255 : i32
          %parallel_loop3A_481 = vector.broadcast %parallel_loop3A_480 : i32 to vector<16xi32>
          %parallel_loop3A_482 = arith.andi %parallel_loop3A_479, %parallel_loop3A_481 : vector<16xi32>
          %parallel_loop3A_483 = tpu.vector_load_idx %arg12[%add3A_380, %parallel_loop3A_482] : memref<80x256xf32, #tpu.memory_space<vmem>>[vector<16xi32>, vector<16xi32>], vector<16xf32>,
          %parallel_loop3A_484 = tpu.vector_load_idx %arg13[%add3A_380, %parallel_loop3A_482] : memref<80x256xf32, #tpu.memory_space<vmem>>[vector<16xi32>, vector<16xi32>], vector<16xf32>,
          %parallel_loop3A_485 = arith.mulf %parallel_loop3A_483, %parallel_loop3A_484 : vector<16xf32>
          %parallel_loop3A_486 = arith.addf %parallel_loop3A_444, %parallel_loop3A_485 : vector<16xf32>
          scf.yield %parallel_loop3A_456, %parallel_loop3A_466, %parallel_loop3A_476, %parallel_loop3A_486 : vector<16xf32>, vector<16xf32>, vector<16xf32>, vector<16xf32>
        } {sc.loop_unroll_factor = 4 : i64, sc.parallel_access}
        %add3A_400 = arith.addf %parallel_loop3A_399#0, %parallel_loop3A_399#1 : vector<16xf32>
        %add3A_401 = arith.addf %parallel_loop3A_399#2, %parallel_loop3A_399#3 : vector<16xf32>
        %add3A_402 = arith.addf %add3A_400, %add3A_401 : vector<16xf32>
        %mul3A_403 = arith.constant 80 : i32
        %mul3A_404 = arith.muli %add3A_92, %mul3A_403 : i32
        %add3A_405 = arith.constant 48 : i32
        %add3A_406 = arith.addi %mul3A_404, %add3A_405 : i32
        %swap3A_407 = arith.index_cast %add3A_406 : i32 to index
        %swap3A_408 = tpu.vector_load %arg16[%swap3A_407] {strides = array<i32>} : memref<5120xf32, #tpu.memory_space<vmem>>, vector<16xf32>,
        tpu.vector_store %arg16[%swap3A_407], %add3A_402 {strides = array<i32>} : memref<5120xf32, #tpu.memory_space<vmem>>, vector<16xf32>,
        %add3A_409 = arith.constant 64 : i32
        %add3A_410 = vector.broadcast %add3A_409 : i32 to vector<16xi32>
        %add3A_411 = arith.addi %iota3A, %add3A_410 : vector<16xi32>
        %mul3A_412 = arith.constant 80 : i32
        %mul3A_413 = arith.muli %add3A_92, %mul3A_412 : i32
        %add3A_414 = arith.constant 64 : i32
        %add3A_415 = arith.addi %mul3A_413, %add3A_414 : i32
        %get3A_416 = arith.index_cast %add3A_415 : i32 to index
        %get3A_417 = tpu.vector_load %arg8[%get3A_416] {strides = array<i32>} : memref<5120xi32, #tpu.memory_space<vmem>>, vector<16xi32>,
        %mul3A_418 = arith.constant 80 : i32
        %mul3A_419 = arith.muli %add3A_92, %mul3A_418 : i32
        %add3A_420 = arith.constant 64 : i32
        %add3A_421 = arith.addi %mul3A_419, %add3A_420 : i32
        %get3A_422 = arith.index_cast %add3A_421 : i32 to index
        %get3A_423 = tpu.vector_load %arg9[%get3A_422] {strides = array<i32>} : memref<5120xi32, #tpu.memory_space<vmem>>, vector<16xi32>,
        %gather3A_424 = tpu.vector_load_idx %arg14[%get3A_417] : memref<10000xf32, #tpu.memory_space<vmem>>[vector<16xi32>], vector<16xf32>,
        %gather3A_425 = tpu.vector_load_idx %arg15[%get3A_423] : memref<10000xf32, #tpu.memory_space<vmem>>[vector<16xi32>], vector<16xf32>,
        %add3A_426 = arith.addf %gather3A_424, %gather3A_425 : vector<16xf32>
        %parallel_loop3A_427 = arith.constant 0 : i32
        %parallel_loop3A_428 = arith.constant 256 : i32
        %parallel_loop3A_429 = arith.constant 4 : i32
        %parallel_loop3A_430:4 = scf.for %parallel_loop3A_440 = %parallel_loop3A_427 to %parallel_loop3A_428 step %parallel_loop3A_429 iter_args(%parallel_loop3A_441 = %add3A_426, %parallel_loop3A_442 = %broadcast_in_dim3A_27, %parallel_loop3A_443 = %broadcast_in_dim3A_27, %parallel_loop3A_444 = %broadcast_in_dim3A_27) -> (vector<16xf32>, vector<16xf32>, vector<16xf32>, vector<16xf32>)  : i32 {
          %parallel_loop3A_445 = vector.broadcast %parallel_loop3A_440 : i32 to vector<16xi32>
          %parallel_loop3A_446 = arith.addi %parallel_loop3A_445, %iota3A : vector<16xi32>
          %parallel_loop3A_447 = arith.constant 0 : i32
          %parallel_loop3A_448 = vector.broadcast %parallel_loop3A_447 : i32 to vector<16xi32>
          %parallel_loop3A_449 = arith.addi %parallel_loop3A_446, %parallel_loop3A_448 : vector<16xi32>
          %parallel_loop3A_450 = arith.constant 255 : i32
          %parallel_loop3A_451 = vector.broadcast %parallel_loop3A_450 : i32 to vector<16xi32>
          %parallel_loop3A_452 = arith.andi %parallel_loop3A_449, %parallel_loop3A_451 : vector<16xi32>
          %parallel_loop3A_453 = tpu.vector_load_idx %arg12[%add3A_411, %parallel_loop3A_452] : memref<80x256xf32, #tpu.memory_space<vmem>>[vector<16xi32>, vector<16xi32>], vector<16xf32>,
          %parallel_loop3A_454 = tpu.vector_load_idx %arg13[%add3A_411, %parallel_loop3A_452] : memref<80x256xf32, #tpu.memory_space<vmem>>[vector<16xi32>, vector<16xi32>], vector<16xf32>,
          %parallel_loop3A_455 = arith.mulf %parallel_loop3A_453, %parallel_loop3A_454 : vector<16xf32>
          %parallel_loop3A_456 = arith.addf %parallel_loop3A_441, %parallel_loop3A_455 : vector<16xf32>
          %parallel_loop3A_457 = arith.constant 1 : i32
          %parallel_loop3A_458 = vector.broadcast %parallel_loop3A_457 : i32 to vector<16xi32>
          %parallel_loop3A_459 = arith.addi %parallel_loop3A_446, %parallel_loop3A_458 : vector<16xi32>
          %parallel_loop3A_460 = arith.constant 255 : i32
          %parallel_loop3A_461 = vector.broadcast %parallel_loop3A_460 : i32 to vector<16xi32>
          %parallel_loop3A_462 = arith.andi %parallel_loop3A_459, %parallel_loop3A_461 : vector<16xi32>
          %parallel_loop3A_463 = tpu.vector_load_idx %arg12[%add3A_411, %parallel_loop3A_462] : memref<80x256xf32, #tpu.memory_space<vmem>>[vector<16xi32>, vector<16xi32>], vector<16xf32>,
          %parallel_loop3A_464 = tpu.vector_load_idx %arg13[%add3A_411, %parallel_loop3A_462] : memref<80x256xf32, #tpu.memory_space<vmem>>[vector<16xi32>, vector<16xi32>], vector<16xf32>,
          %parallel_loop3A_465 = arith.mulf %parallel_loop3A_463, %parallel_loop3A_464 : vector<16xf32>
          %parallel_loop3A_466 = arith.addf %parallel_loop3A_442, %parallel_loop3A_465 : vector<16xf32>
          %parallel_loop3A_467 = arith.constant 2 : i32
          %parallel_loop3A_468 = vector.broadcast %parallel_loop3A_467 : i32 to vector<16xi32>
          %parallel_loop3A_469 = arith.addi %parallel_loop3A_446, %parallel_loop3A_468 : vector<16xi32>
          %parallel_loop3A_470 = arith.constant 255 : i32
          %parallel_loop3A_471 = vector.broadcast %parallel_loop3A_470 : i32 to vector<16xi32>
          %parallel_loop3A_472 = arith.andi %parallel_loop3A_469, %parallel_loop3A_471 : vector<16xi32>
          %parallel_loop3A_473 = tpu.vector_load_idx %arg12[%add3A_411, %parallel_loop3A_472] : memref<80x256xf32, #tpu.memory_space<vmem>>[vector<16xi32>, vector<16xi32>], vector<16xf32>,
          %parallel_loop3A_474 = tpu.vector_load_idx %arg13[%add3A_411, %parallel_loop3A_472] : memref<80x256xf32, #tpu.memory_space<vmem>>[vector<16xi32>, vector<16xi32>], vector<16xf32>,
          %parallel_loop3A_475 = arith.mulf %parallel_loop3A_473, %parallel_loop3A_474 : vector<16xf32>
          %parallel_loop3A_476 = arith.addf %parallel_loop3A_443, %parallel_loop3A_475 : vector<16xf32>
          %parallel_loop3A_477 = arith.constant 3 : i32
          %parallel_loop3A_478 = vector.broadcast %parallel_loop3A_477 : i32 to vector<16xi32>
          %parallel_loop3A_479 = arith.addi %parallel_loop3A_446, %parallel_loop3A_478 : vector<16xi32>
          %parallel_loop3A_480 = arith.constant 255 : i32
          %parallel_loop3A_481 = vector.broadcast %parallel_loop3A_480 : i32 to vector<16xi32>
          %parallel_loop3A_482 = arith.andi %parallel_loop3A_479, %parallel_loop3A_481 : vector<16xi32>
          %parallel_loop3A_483 = tpu.vector_load_idx %arg12[%add3A_411, %parallel_loop3A_482] : memref<80x256xf32, #tpu.memory_space<vmem>>[vector<16xi32>, vector<16xi32>], vector<16xf32>,
          %parallel_loop3A_484 = tpu.vector_load_idx %arg13[%add3A_411, %parallel_loop3A_482] : memref<80x256xf32, #tpu.memory_space<vmem>>[vector<16xi32>, vector<16xi32>], vector<16xf32>,
          %parallel_loop3A_485 = arith.mulf %parallel_loop3A_483, %parallel_loop3A_484 : vector<16xf32>
          %parallel_loop3A_486 = arith.addf %parallel_loop3A_444, %parallel_loop3A_485 : vector<16xf32>
          scf.yield %parallel_loop3A_456, %parallel_loop3A_466, %parallel_loop3A_476, %parallel_loop3A_486 : vector<16xf32>, vector<16xf32>, vector<16xf32>, vector<16xf32>
        } {sc.loop_unroll_factor = 4 : i64, sc.parallel_access}
        %add3A_431 = arith.addf %parallel_loop3A_430#0, %parallel_loop3A_430#1 : vector<16xf32>
        %add3A_432 = arith.addf %parallel_loop3A_430#2, %parallel_loop3A_430#3 : vector<16xf32>
        %add3A_433 = arith.addf %add3A_431, %add3A_432 : vector<16xf32>
        %mul3A_434 = arith.constant 80 : i32
        %mul3A_435 = arith.muli %add3A_92, %mul3A_434 : i32
        %add3A_436 = arith.constant 64 : i32
        %add3A_437 = arith.addi %mul3A_435, %add3A_436 : i32
        %swap3A_438 = arith.index_cast %add3A_437 : i32 to index
        %swap3A_439 = tpu.vector_load %arg16[%swap3A_438] {strides = array<i32>} : memref<5120xf32, #tpu.memory_space<vmem>>, vector<16xf32>,
        tpu.vector_store %arg16[%swap3A_438], %add3A_433 {strides = array<i32>} : memref<5120xf32, #tpu.memory_space<vmem>>, vector<16xf32>,
      }
    } else {
    }
    %eq3A_32 = arith.constant 0 : i32
    %eq3A_33 = arith.cmpi eq, %arg0, %eq3A_32 : i32
    %convert_element_type3A_34 = arith.extui %eq3A_33 : i1 to i32
    %cond3A_35 = arith.constant 0 : i32
    %cond3A_36 = arith.cmpi ne, %convert_element_type3A_34, %cond3A_35 : i32
    scf.if %cond3A_36 {
      %mul3A = arith.constant 5120 : i32
      %mul3A_53 = arith.muli %arg1, %mul3A : i32
      %multiple_of3A = tpu.assume_multiple %mul3A_53, 8 : i32
      "tpu.region"() ({
        %run_scoped3A = tpu.sem_alloc : memref<!tpu.dma_semaphore, #tpu.memory_space<semaphore_mem>>
        %dma_start3A = arith.constant 0 : i32
        %dma_start3A_54 = tpu.memref_slice %arg16[%dma_start3A] : memref<5120xf32, #tpu.memory_space<vmem>> -> memref<5120xf32, #tpu.memory_space<vmem>>
        %dma_start3A_55 = tpu.memref_slice %arg7[%multiple_of3A] : memref<160000xf32, #tpu.memory_space<hbm>> -> memref<5120xf32, #tpu.memory_space<hbm>>
        %dma_start3A_56 = tpu.memref_slice %arg7[%multiple_of3A] : memref<160000xf32, #tpu.memory_space<hbm>> -> memref<5120xf32, #tpu.memory_space<hbm>>
        %dma_start3A_57 = arith.constant 0 : i32
        %dma_start3A_58 = tpu.memref_slice %arg16[%dma_start3A_57] : memref<5120xf32, #tpu.memory_space<vmem>> -> memref<5120xf32, #tpu.memory_space<vmem>>
        tpu.enqueue_dma source(%dma_start3A_58 : memref<5120xf32, #tpu.memory_space<vmem>>) target(%dma_start3A_56 : memref<5120xf32, #tpu.memory_space<hbm>>) target_semaphore(%run_scoped3A : memref<!tpu.dma_semaphore, #tpu.memory_space<semaphore_mem>>)
        %dma_wait3A = arith.constant 0 : i32
        %dma_wait3A_59 = tpu.memref_slice %arg16[%dma_wait3A] : memref<5120xf32, #tpu.memory_space<vmem>> -> memref<5120xf32, #tpu.memory_space<vmem>>
        %dma_wait3A_60 = tpu.memref_slice %arg7[%multiple_of3A] : memref<160000xf32, #tpu.memory_space<hbm>> -> memref<5120xf32, #tpu.memory_space<hbm>>
        %dma_wait3A_61 = tpu.memref_slice %arg7[%multiple_of3A] : memref<160000xf32, #tpu.memory_space<hbm>> -> memref<5120xf32, #tpu.memory_space<hbm>>
        %dma_wait3A_62 = arith.constant 0 : i32
        %dma_wait3A_63 = tpu.memref_slice %arg16[%dma_wait3A_62] : memref<5120xf32, #tpu.memory_space<vmem>> -> memref<5120xf32, #tpu.memory_space<vmem>>
        tpu.wait_dma2 semaphore(%run_scoped3A : memref<!tpu.dma_semaphore, #tpu.memory_space<semaphore_mem>>) src(%dma_wait3A_63 : memref<5120xf32, #tpu.memory_space<vmem>>) dst(%dma_wait3A_61 : memref<5120xf32, #tpu.memory_space<hbm>>)
        tpu.yield
      }) : () -> ()
    } else {
    }
    %eq3A_37 = arith.constant 1 : i32
    %eq3A_38 = arith.cmpi eq, %arg0, %eq3A_37 : i32
    %lt3A_39 = arith.constant 15 : i32
    %lt3A_40 = arith.cmpi slt, %arg1, %lt3A_39 : i32
    %and3A_41 = arith.andi %eq3A_38, %lt3A_40 : i1
    %convert_element_type3A_42 = arith.extui %and3A_41 : i1 to i32
    %cond3A_43 = arith.constant 0 : i32
    %cond3A_44 = arith.cmpi ne, %convert_element_type3A_42, %cond3A_43 : i32
    scf.if %cond3A_44 {
      %mul3A = arith.constant 5120 : i32
      %mul3A_53 = arith.muli %arg1, %mul3A : i32
      %add3A = arith.constant 81920 : i32
      %add3A_54 = arith.addi %add3A, %mul3A_53 : i32
      %multiple_of3A = tpu.assume_multiple %add3A_54, 8 : i32
      "tpu.region"() ({
        %run_scoped3A = tpu.sem_alloc : memref<!tpu.dma_semaphore, #tpu.memory_space<semaphore_mem>>
        %dma_start3A = arith.constant 0 : i32
        %dma_start3A_55 = tpu.memref_slice %arg16[%dma_start3A] : memref<5120xf32, #tpu.memory_space<vmem>> -> memref<5120xf32, #tpu.memory_space<vmem>>
        %dma_start3A_56 = tpu.memref_slice %arg7[%multiple_of3A] : memref<160000xf32, #tpu.memory_space<hbm>> -> memref<5120xf32, #tpu.memory_space<hbm>>
        %dma_start3A_57 = tpu.memref_slice %arg7[%multiple_of3A] : memref<160000xf32, #tpu.memory_space<hbm>> -> memref<5120xf32, #tpu.memory_space<hbm>>
        %dma_start3A_58 = arith.constant 0 : i32
        %dma_start3A_59 = tpu.memref_slice %arg16[%dma_start3A_58] : memref<5120xf32, #tpu.memory_space<vmem>> -> memref<5120xf32, #tpu.memory_space<vmem>>
        tpu.enqueue_dma source(%dma_start3A_59 : memref<5120xf32, #tpu.memory_space<vmem>>) target(%dma_start3A_57 : memref<5120xf32, #tpu.memory_space<hbm>>) target_semaphore(%run_scoped3A : memref<!tpu.dma_semaphore, #tpu.memory_space<semaphore_mem>>)
        %dma_wait3A = arith.constant 0 : i32
        %dma_wait3A_60 = tpu.memref_slice %arg16[%dma_wait3A] : memref<5120xf32, #tpu.memory_space<vmem>> -> memref<5120xf32, #tpu.memory_space<vmem>>
        %dma_wait3A_61 = tpu.memref_slice %arg7[%multiple_of3A] : memref<160000xf32, #tpu.memory_space<hbm>> -> memref<5120xf32, #tpu.memory_space<hbm>>
        %dma_wait3A_62 = tpu.memref_slice %arg7[%multiple_of3A] : memref<160000xf32, #tpu.memory_space<hbm>> -> memref<5120xf32, #tpu.memory_space<hbm>>
        %dma_wait3A_63 = arith.constant 0 : i32
        %dma_wait3A_64 = tpu.memref_slice %arg16[%dma_wait3A_63] : memref<5120xf32, #tpu.memory_space<vmem>> -> memref<5120xf32, #tpu.memory_space<vmem>>
        tpu.wait_dma2 semaphore(%run_scoped3A : memref<!tpu.dma_semaphore, #tpu.memory_space<semaphore_mem>>) src(%dma_wait3A_64 : memref<5120xf32, #tpu.memory_space<vmem>>) dst(%dma_wait3A_62 : memref<5120xf32, #tpu.memory_space<hbm>>)
        tpu.yield
      }) : () -> ()
    } else {
    }
    %eq3A_45 = arith.constant 1 : i32
    %eq3A_46 = arith.cmpi eq, %arg0, %eq3A_45 : i32
    %eq3A_47 = arith.constant 15 : i32
    %eq3A_48 = arith.cmpi eq, %arg1, %eq3A_47 : i32
    %and3A_49 = arith.andi %eq3A_46, %eq3A_48 : i1
    %convert_element_type3A_50 = arith.extui %and3A_49 : i1 to i32
    %cond3A_51 = arith.constant 0 : i32
    %cond3A_52 = arith.cmpi ne, %convert_element_type3A_50, %cond3A_51 : i32
    scf.if %cond3A_52 {
      %multiple_of3A = arith.constant 158720 : i32
      %multiple_of3A_53 = tpu.assume_multiple %multiple_of3A, 8 : i32
      "tpu.region"() ({
        %run_scoped3A = tpu.sem_alloc : memref<!tpu.dma_semaphore, #tpu.memory_space<semaphore_mem>>
        %dma_start3A = arith.constant 0 : i32
        %dma_start3A_54 = tpu.memref_slice %arg16[%dma_start3A] : memref<5120xf32, #tpu.memory_space<vmem>> -> memref<1280xf32, #tpu.memory_space<vmem>>
        %dma_start3A_55 = tpu.memref_slice %arg7[%multiple_of3A_53] : memref<160000xf32, #tpu.memory_space<hbm>> -> memref<1280xf32, #tpu.memory_space<hbm>>
        %dma_start3A_56 = tpu.memref_slice %arg7[%multiple_of3A_53] : memref<160000xf32, #tpu.memory_space<hbm>> -> memref<1280xf32, #tpu.memory_space<hbm>>
        %dma_start3A_57 = arith.constant 0 : i32
        %dma_start3A_58 = tpu.memref_slice %arg16[%dma_start3A_57] : memref<5120xf32, #tpu.memory_space<vmem>> -> memref<1280xf32, #tpu.memory_space<vmem>>
        tpu.enqueue_dma source(%dma_start3A_58 : memref<1280xf32, #tpu.memory_space<vmem>>) target(%dma_start3A_56 : memref<1280xf32, #tpu.memory_space<hbm>>) target_semaphore(%run_scoped3A : memref<!tpu.dma_semaphore, #tpu.memory_space<semaphore_mem>>)
        %dma_wait3A = arith.constant 0 : i32
        %dma_wait3A_59 = tpu.memref_slice %arg16[%dma_wait3A] : memref<5120xf32, #tpu.memory_space<vmem>> -> memref<1280xf32, #tpu.memory_space<vmem>>
        %dma_wait3A_60 = tpu.memref_slice %arg7[%multiple_of3A_53] : memref<160000xf32, #tpu.memory_space<hbm>> -> memref<1280xf32, #tpu.memory_space<hbm>>
        %dma_wait3A_61 = tpu.memref_slice %arg7[%multiple_of3A_53] : memref<160000xf32, #tpu.memory_space<hbm>> -> memref<1280xf32, #tpu.memory_space<hbm>>
        %dma_wait3A_62 = arith.constant 0 : i32
        %dma_wait3A_63 = tpu.memref_slice %arg16[%dma_wait3A_62] : memref<5120xf32, #tpu.memory_space<vmem>> -> memref<1280xf32, #tpu.memory_space<vmem>>
        tpu.wait_dma2 semaphore(%run_scoped3A : memref<!tpu.dma_semaphore, #tpu.memory_space<semaphore_mem>>) src(%dma_wait3A_63 : memref<1280xf32, #tpu.memory_space<vmem>>) dst(%dma_wait3A_61 : memref<1280xf32, #tpu.memory_space<hbm>>)
        tpu.yield
      }) : () -> ()
    } else {
    }
    return
  }
}

module attributes {stable_mosaic.version = 14 : i64} {
  func.func @_tc_body(%arg0: i32, %arg1: memref<1000x256xf32, #tpu.memory_space<vmem>>, %arg2: memref<1000x256xf32, #tpu.memory_space<vmem>>, %arg3: memref<512x256xf32, #tpu.memory_space<vmem>>, %arg4: memref<512xf32, #tpu.memory_space<vmem>>, %arg5: memref<512x256xf32, #tpu.memory_space<vmem>>, %arg6: memref<512xf32, #tpu.memory_space<vmem>>, %arg7: memref<1000x256xf32, #tpu.memory_space<vmem>>, %arg8: memref<1000x8xf32, #tpu.memory_space<vmem>>) attributes {dimension_semantics = [#tpu.dimension_semantics<arbitrary>], iteration_bounds = array<i64: 10>, scalar_prefetch = 0 : i64, scratch_operands = 0 : i64, tpu.core_type = #tpu.core_type<tc>, window_params = [{transform_indices = @transform_0, window_bounds = array<i64: 1000, 256>}, {transform_indices = @transform_1, window_bounds = array<i64: 1000, 256>}, {pipeline_mode = #tpu.pipeline_mode<synchronous>, transform_indices = @transform_2, window_bounds = array<i64: 512, 256>}, {pipeline_mode = #tpu.pipeline_mode<synchronous>, transform_indices = @transform_3, window_bounds = array<i64: 512>}, {pipeline_mode = #tpu.pipeline_mode<synchronous>, transform_indices = @transform_4, window_bounds = array<i64: 512, 256>}, {pipeline_mode = #tpu.pipeline_mode<synchronous>, transform_indices = @transform_5, window_bounds = array<i64: 512>}, {transform_indices = @transform_6, window_bounds = array<i64: 1000, 256>}, {transform_indices = @transform_7, window_bounds = array<i64: 1000, 8>}]} {
    %get3A = arith.constant 0 : index
    %get3A_0 = arith.constant 0 : index
    %get3A_1 = vector.load %arg3[%get3A, %get3A_0] : memref<512x256xf32, #tpu.memory_space<vmem>>, vector<512x256xf32>
    %get3A_2 = arith.constant 0 : index
    %get3A_3 = arith.constant 0 : index
    %get3A_4 = vector.load %arg5[%get3A_2, %get3A_3] : memref<512x256xf32, #tpu.memory_space<vmem>>, vector<512x256xf32>
    %get3A_5 = arith.constant 0 : index
    %get3A_6 = vector.load %arg4[%get3A_5] : memref<512xf32, #tpu.memory_space<vmem>>, vector<512xf32>
    %get3A_7 = arith.constant 0 : index
    %get3A_8 = vector.load %arg6[%get3A_7] : memref<512xf32, #tpu.memory_space<vmem>>, vector<512xf32>
    %dot_general3A = arith.constant dense<0.000000e+00> : vector<256x256xf32>
    %dot_general3A_9 = tpu.matmul %get3A_1, %get3A_4, %dot_general3A {dimension_numbers = #tpu.dot_dimension_numbers<[0], [0], [1], [1], [0, 1, 1, 1], [], []>, transpose_lhs_hint = false} : vector<512x256xf32>, vector<512x256xf32>, vector<256x256xf32> -> vector<256x256xf32>
    %get3A_10 = arith.constant 0 : index
    %get3A_11 = arith.constant 0 : index
    %get3A_12 = vector.load %arg2[%get3A_10, %get3A_11] : memref<1000x256xf32, #tpu.memory_space<vmem>>, vector<1000x256xf32>
    %dot_general3A_13 = arith.constant dense<0.000000e+00> : vector<1000x256xf32>
    %dot_general3A_14 = tpu.matmul %get3A_12, %dot_general3A_9, %dot_general3A_13 {dimension_numbers = #tpu.dot_dimension_numbers<[1], [1], [0], [0], [0, 0, 1, 0], [], []>, transpose_lhs_hint = false} : vector<1000x256xf32>, vector<256x256xf32>, vector<1000x256xf32> -> vector<1000x256xf32>
    %mul3A = arith.constant 0.0220970865 : f32
    %mul3A_15 = vector.broadcast %mul3A : f32 to vector<1000x256xf32>
    %mul3A_16 = arith.mulf %dot_general3A_14, %mul3A_15 : vector<1000x256xf32>
    %swap3A = arith.constant 0 : index
    %swap3A_17 = arith.constant 0 : index
    %swap3A_18 = vector.load %arg7[%swap3A, %swap3A_17] : memref<1000x256xf32, #tpu.memory_space<vmem>>, vector<1000x256xf32>
    tpu.vector_store %arg7[%swap3A, %swap3A_17], %mul3A_16 {strides = array<i32>} : memref<1000x256xf32, #tpu.memory_space<vmem>>, vector<1000x256xf32>,
    %dot_general3A_19 = arith.constant dense<0.000000e+00> : vector<256xf32>
    %dot_general3A_20 = tpu.matmul %get3A_1, %get3A_8, %dot_general3A_19 {dimension_numbers = #tpu.dot_dimension_numbers<[0], [0], [1], [], [0, 1], [], []>, transpose_lhs_hint = false} : vector<512x256xf32>, vector<512xf32>, vector<256xf32> -> vector<256xf32>
    %dot_general3A_21 = arith.constant dense<0.000000e+00> : vector<256xf32>
    %dot_general3A_22 = tpu.matmul %get3A_4, %get3A_6, %dot_general3A_21 {dimension_numbers = #tpu.dot_dimension_numbers<[0], [0], [1], [], [0, 1], [], []>, transpose_lhs_hint = false} : vector<512x256xf32>, vector<512xf32>, vector<256xf32> -> vector<256xf32>
    %mul3A_23 = arith.mulf %get3A_6, %get3A_8 : vector<512xf32>
    %reduce_sum3A = vector.shape_cast %mul3A_23 : vector<512xf32> to vector<1x512xf32>
    %reduce_sum3A_24 = arith.constant dense<0.000000e+00> : vector<1xf32>
    %reduce_sum3A_25 = vector.multi_reduction <add>, %reduce_sum3A, %reduce_sum3A_24 [1] : vector<1x512xf32> to vector<1xf32>
    %reduce_sum3A_26 = vector.shape_cast %reduce_sum3A_25 : vector<1xf32> to vector<1x1xf32>
    %reduce_sum3A_27 = vector.extract %reduce_sum3A_26[0, 0] : f32 from vector<1x1xf32>
    %get3A_28 = arith.constant 0 : index
    %get3A_29 = arith.constant 0 : index
    %get3A_30 = vector.load %arg1[%get3A_28, %get3A_29] : memref<1000x256xf32, #tpu.memory_space<vmem>>, vector<1000x256xf32>
    %broadcast_in_dim3A = vector.shape_cast %dot_general3A_20 : vector<256xf32> to vector<256x1xf32>
    %dot_general3A_31 = arith.constant dense<0.000000e+00> : vector<1000x1xf32>
    %dot_general3A_32 = tpu.matmul %get3A_30, %broadcast_in_dim3A, %dot_general3A_31 {dimension_numbers = #tpu.dot_dimension_numbers<[1], [0], [0], [1], [0, 0, 1, 1], [], []>, transpose_lhs_hint = false} : vector<1000x256xf32>, vector<256x1xf32>, vector<1000x1xf32> -> vector<1000x1xf32>
    %add3A = vector.broadcast %reduce_sum3A_27 : f32 to vector<1000x1xf32>
    %add3A_33 = arith.addf %dot_general3A_32, %add3A : vector<1000x1xf32>
    %mul3A_34 = arith.constant 0.0220970865 : f32
    %mul3A_35 = vector.broadcast %mul3A_34 : f32 to vector<1000x1xf32>
    %mul3A_36 = arith.mulf %add3A_33, %mul3A_35 : vector<1000x1xf32>
    %broadcast_in_dim3A_37 = vector.shape_cast %dot_general3A_22 : vector<256xf32> to vector<256x1xf32>
    %dot_general3A_38 = arith.constant dense<0.000000e+00> : vector<1000x1xf32>
    %dot_general3A_39 = tpu.matmul %get3A_12, %broadcast_in_dim3A_37, %dot_general3A_38 {dimension_numbers = #tpu.dot_dimension_numbers<[1], [0], [0], [1], [0, 0, 1, 1], [], []>, transpose_lhs_hint = false} : vector<1000x256xf32>, vector<256x1xf32>, vector<1000x1xf32> -> vector<1000x1xf32>
    %mul3A_40 = arith.constant 0.0220970865 : f32
    %mul3A_41 = vector.broadcast %mul3A_40 : f32 to vector<1000x1xf32>
    %mul3A_42 = arith.mulf %dot_general3A_39, %mul3A_41 : vector<1000x1xf32>
    %iota3A = tpu.iota {dimensions = array<i32: 1>} : vector<1000x8xi32>
    %eq3A = arith.constant 0 : i32
    %eq3A_43 = vector.broadcast %eq3A : i32 to vector<1000x8xi32>
    %eq3A_44 = arith.cmpi eq, %iota3A, %eq3A_43 : vector<1000x8xi32>
    %eq3A_45 = arith.constant 1 : i32
    %eq3A_46 = vector.broadcast %eq3A_45 : i32 to vector<1000x8xi32>
    %eq3A_47 = arith.cmpi eq, %iota3A, %eq3A_46 : vector<1000x8xi32>
    %jit3A = arith.constant 0.000000e+00 : f32
    %broadcast_in_dim3A_48 = vector.shape_cast %mul3A_42 : vector<1000x1xf32> to vector<1000x1xf32>
    %broadcast_in_dim3A_49 = vector.broadcast %broadcast_in_dim3A_48 : vector<1000x1xf32> to vector<1000x8xf32>
    %broadcast_in_dim3A_50 = vector.broadcast %jit3A : f32 to vector<1000x8xf32>
    %select_n3A = arith.select %eq3A_47, %broadcast_in_dim3A_49, %broadcast_in_dim3A_50 : vector<1000x8xi1>, vector<1000x8xf32>
    %broadcast_in_dim3A_51 = vector.shape_cast %mul3A_36 : vector<1000x1xf32> to vector<1000x1xf32>
    %broadcast_in_dim3A_52 = vector.broadcast %broadcast_in_dim3A_51 : vector<1000x1xf32> to vector<1000x8xf32>
    %select_n3A_53 = arith.select %eq3A_44, %broadcast_in_dim3A_52, %select_n3A : vector<1000x8xi1>, vector<1000x8xf32>
    %swap3A_54 = arith.constant 0 : index
    %swap3A_55 = arith.constant 0 : index
    %swap3A_56 = vector.load %arg8[%swap3A_54, %swap3A_55] : memref<1000x8xf32, #tpu.memory_space<vmem>>, vector<1000x8xf32>
    tpu.vector_store %arg8[%swap3A_54, %swap3A_55], %select_n3A_53 {strides = array<i32>} : memref<1000x8xf32, #tpu.memory_space<vmem>>, vector<1000x8xf32>,
    return
  }
  func.func @transform_0(%arg0: i32) -> (i32, i32) {
    %c0_i32 = arith.constant 0 : i32
    %c0_i32_0 = arith.constant 0 : i32
    return %arg0, %c0_i32 : i32, i32
  }
  func.func @transform_1(%arg0: i32) -> (i32, i32) {
    %c0_i32 = arith.constant 0 : i32
    %c0_i32_0 = arith.constant 0 : i32
    return %arg0, %c0_i32 : i32, i32
  }
  func.func @transform_2(%arg0: i32) -> (i32, i32) {
    %c0_i32 = arith.constant 0 : i32
    %c0_i32_0 = arith.constant 0 : i32
    %c0_i32_1 = arith.constant 0 : i32
    return %c0_i32, %c0_i32_0 : i32, i32
  }
  func.func @transform_3(%arg0: i32) -> i32 {
    %c0_i32 = arith.constant 0 : i32
    %c0_i32_0 = arith.constant 0 : i32
    return %c0_i32 : i32
  }
  func.func @transform_4(%arg0: i32) -> (i32, i32) {
    %c0_i32 = arith.constant 0 : i32
    %c0_i32_0 = arith.constant 0 : i32
    %c0_i32_1 = arith.constant 0 : i32
    return %c0_i32, %c0_i32_0 : i32, i32
  }
  func.func @transform_5(%arg0: i32) -> i32 {
    %c0_i32 = arith.constant 0 : i32
    %c0_i32_0 = arith.constant 0 : i32
    return %c0_i32 : i32
  }
  func.func @transform_6(%arg0: i32) -> (i32, i32) {
    %c0_i32 = arith.constant 0 : i32
    %c0_i32_0 = arith.constant 0 : i32
    return %arg0, %c0_i32 : i32, i32
  }
  func.func @transform_7(%arg0: i32) -> (i32, i32) {
    %c0_i32 = arith.constant 0 : i32
    %c0_i32_0 = arith.constant 0 : i32
    return %arg0, %c0_i32 : i32, i32
  }
}

</mosaic_0001>

<sc_bundles>
// kernel: kernel.4.cloned.1.call-start
scs
__scs_entry_jumppad:
0x0: {  	(pc) =	sbr.rel $0x88, $3  }
0x1: {  	(tag) =	ssettag $0x0;
	lr =	simm.s32 $0x1  }
0x2: {  	[smem:$0x3F9A] =	sst lr;
	_ =	strace $0xD0000000  }
0x3: {  	_ = 	snop  }
0x4: {  	_ = 	snop  }
0x5: {  	_ = 	snop  }
0x6: {  	_ = 	snop  }
0x7: {  	_ = 	snop  }
__scs_overlays_trampoline_lowered:
0x8: {  	[smem:$0x3FA9] =	sst s0  }
0x9: {  	[smem:$0x3FAA] =	sst s1  }
0xa: {  	[smem:$0x3FAB] =	sst s2  }
0xb: {  	[smem:$0x3FAC] =	sst s3  }
0xc: {  	[smem:$0x3FAD] =	sst s4  }
0xd: {  	[smem:$0x3FAE] =	sst s5  }
0xe: {  	[smem:$0x3FAF] =	sst s6  }
0xf: {  	[smem:$0x3FB0] =	sst s7  }
0x10: {  	[smem:$0x3FB1] =	sst s8  }
0x11: {  	[smem:$0x3FB2] =	sst s9;
	s0 =	simm.s32 @!p0 $0x0  }
0x12: {  	s1 =	sld [smem:$0x3F98];
	s0 =	simm.s32 @p0 $0x1  }
0x13: {  	[smem:$0x3FB3] =	sst s0;
	s0 =	simm.s32 @!p1 $0x0  }
0x14: {  	s2 =	sld [smem:$0x3F97];
	s0 =	simm.s32 @p1 $0x1  }
0x15: {  	[smem:$0x3FB4] =	sst s0;
	s0 =	simm.s32 @!p2 $0x0  }
0x16: {  	s3 =	sld [smem:$0x3FDB];
	s0 =	simm.s32 @p2 $0x1  }
0x17: {  	s4 =	simm.s32 $0x1BF5;
	[smem:$0x3FB6] =	sst s0  }
0x18: {  	s0 =	sld [smem:$0x3F99];
	_ =	swait.ge [sflag:s4], $0x0  }
0x19: {  	s7 =	sld [smem:$0x3F9A]  }
0x1a: {  	s8 =	sadd.s32 $0xFFFFE003, lr  }
0x1b: {  	s9 =	sadd.s32 $0xFFFFFEF7, lr;
	s5 =	simm.s32 $0xFFFFFFFF;
	p2 =	slt.u32 s8, $0xFFFFF086  }
0x1c: {  	p1 =	slt.u32 s9, $0xF7A;
	s5 =	simm.s32 @!p2 $0x0  }
0x1d: {  	s5 =	simm.s32 @p1 $0x1;
	p0 =	seq.s32 s7, s2  }
0x1e: {  	s7 =	smul.u32 @!p0 $0xF7A, s2;
	p2 =	seq.s32 @!p0 s5, $0x0  }
0x1f: {  	s9 =	smul.u32 $0xF7A, s1;
	s8 =	simm.s32 @!p0 $0x1BF5;
	p2 =	por !p2, p0  }
0x20: {  	[sflag:s8] =	ssyncset.s32 @!p0 $0xFFFFF086;
	s6 =	sadd.s32 @!p0 s3, s7;
	s7 =	simm.s32 @!p0 $0x108  }
0x21: {  	s3 =	sadd.s32 s3, s9;
	s6 =	sadd.s32 @!p0 $0x88, s6;
	s7 =	simm.s32 @p2 $0x1082  }
0x22: {  	[simem:s7], [sflag:s8] =	dma.local @!p0 [hbm:s6], $0xF7A  }
0x23: {  	s9 =	sor.u32 $0xD0000000, s2;
	s6 =	simm.s32 $0x108;
	_ =	swait.ge @!p0 [sflag:s8], $0x0  }
0x24: {  	s3 =	sadd.s32 $0x88, s3;
	s6 =	simm.s32 @!p1 $0x1082;
	[sflag:s4] =	ssyncset.s32 $0xFFFFF086  }
0x25: {  	[simem:s6], [sflag:s4] =	dma.local [hbm:s3], $0xF7A  }
0x26: {  	[smem:$0x3F9A] =	sst s1;
	(tag) =	ssettag s2;
	_ =	strace s9  }
0x27: {  	s1 =	sld [smem:$0x3FAA]  }
0x28: {  	s2 =	sld [smem:$0x3FAB]  }
0x29: {  	s4 =	sld [smem:$0x3FAD]  }
0x2a: {  	p0 =	seq.s32 s5, $0x0;
	s5 =	sld [smem:$0x3FAE]  }
0x2b: {  	s6 =	sld [smem:$0x3FAF]  }
0x2c: {  	s7 =	sld [smem:$0x3FB0]  }
0x2d: {  	s3 =	simm.s32 $0x108;
	s8 =	sld [smem:$0x3FB1]  }
0x2e: {  	s3 =	simm.s32 @!p0 $0x1082;
	s9 =	sld [smem:$0x3FB2]  }
0x2f: {  	lr =	sadd.s32 s0, s3;
	s0 =	sld [smem:$0x3FA9]  }
0x30: {  	s3 =	sld [smem:$0x3FAC]  }
0x31: {  	[smem:$0x3FB5] =	sst s10  }
0x32: {  	s10 =	sld [smem:$0x3FB3];
	_ =	sdelay $0x3  }
0x33: {  	p0 =	seq.s32 s10, $0x1;
	s10 =	sld [smem:$0x3FB5];
	_ =	sdelay $0x3  }
0x34: {  	[smem:$0x3FB5] =	sst s10  }
0x35: {  	s10 =	sld [smem:$0x3FB4];
	_ =	sdelay $0x3  }
0x36: {  	p1 =	seq.s32 s10, $0x1;
	s10 =	sld [smem:$0x3FB5];
	_ =	sdelay $0x3  }
0x37: {  	[smem:$0x3FB5] =	sst s10  }
0x38: {  	s10 =	sld [smem:$0x3FB6]  }
0x39: {  	_ = 	snop;
	(pc) =	sbr.ind lr, $3  }
0x3a: {  	_ = 	snop  }
0x3b: {  	_ = 	snop  }
0x3c: {  	p2 =	seq.s32 s10, $0x1;
	s10 =	sld [smem:$0x3FB5]  }
0x3d: {  	_ =	shalt  }
0x3e: {  	_ =	shalt  }
0x3f: {  	_ =	shalt  }
0x40: {  	_ =	shalt  }
0x41: {  	_ =	shalt  }
0x42: {  	_ =	shalt  }
0x43: {  	_ =	shalt  }
0x44: {  	_ =	shalt  }
0x45: {  	_ =	shalt  }
0x46: {  	_ =	shalt  }
0x47: {  	_ =	shalt  }
0x48: {  	_ =	shalt  }
0x49: {  	_ =	shalt  }
0x4a: {  	_ =	shalt  }
0x4b: {  	_ =	shalt  }
0x4c: {  	_ =	shalt  }
0x4d: {  	_ =	shalt  }
0x4e: {  	_ =	shalt  }
0x4f: {  	_ =	shalt  }
0x50: {  	_ =	shalt  }
0x51: {  	_ =	shalt  }
0x52: {  	_ =	shalt  }
0x53: {  	_ =	shalt  }
0x54: {  	_ =	shalt  }
0x55: {  	_ =	shalt  }
0x56: {  	_ =	shalt  }
0x57: {  	_ =	shalt  }
0x58: {  	_ =	shalt  }
0x59: {  	_ =	shalt  }
0x5a: {  	_ =	shalt  }
0x5b: {  	_ =	shalt  }
0x5c: {  	_ =	shalt  }
0x5d: {  	_ =	shalt  }
0x5e: {  	_ =	shalt  }
0x5f: {  	_ =	shalt  }
0x60: {  	_ =	shalt  }
0x61: {  	_ =	shalt  }
0x62: {  	_ =	shalt  }
0x63: {  	_ =	shalt  }
0x64: {  	_ =	shalt  }
0x65: {  	_ =	shalt  }
0x66: {  	_ =	shalt  }
0x67: {  	_ =	shalt  }
0x68: {  	_ =	shalt  }
0x69: {  	_ =	shalt  }
0x6a: {  	_ =	shalt  }
0x6b: {  	_ =	shalt  }
0x6c: {  	_ =	shalt  }
0x6d: {  	_ =	shalt  }
0x6e: {  	_ =	shalt  }
0x6f: {  	_ =	shalt  }
0x70: {  	_ =	shalt  }
0x71: {  	_ =	shalt  }
0x72: {  	_ =	shalt  }
0x73: {  	_ =	shalt  }
0x74: {  	_ =	shalt  }
0x75: {  	_ =	shalt  }
0x76: {  	_ =	shalt  }
0x77: {  	_ =	shalt  }
0x78: {  	_ =	shalt  }
0x79: {  	_ =	shalt  }
0x7a: {  	_ =	shalt  }
0x7b: {  	_ =	shalt  }
0x7c: {  	_ =	shalt  }
0x7d: {  	_ =	shalt  }
0x7e: {  	_ =	shalt  }
0x7f: {  	_ =	shalt  }
0x80: {  	_ =	shalt  }
0x81: {  	_ =	shalt  }
0x82: {  	_ =	shalt  }
0x83: {  	_ =	shalt  }
0x84: {  	_ =	shalt  }
0x85: {  	_ =	shalt  }
0x86: {  	_ =	shalt  }
0x87: {  	_ =	shalt  }
.Lfunc_end0:
.L_simem_size_0:
called_computation_lowered:
.L_overlay_start_0:
0x88: {  	s2 =	sld [smem:$0x3FD9]  }
0x89: {  	s3 =	sld [smem:$0x3FFE];
	_ =	sdelay $0x1  }
0x8a: {  	s1 =	srdreg.scid  }
0x8b: {  	s0 =	sand.u32 $0x1, s1  }
0x8c: {  	s17 =	sshll.u32 s0, $0xA;
	s2 =	sadd.s32 s3, s2  }
0x8d: {  	s2 =	sadd.s32 s2, s17  }
0x8e: {  	[smem:$0x3FC1] =	sst s2  }
0x8f: {  	_ = 	snop  }
0x90: {  	s2 =	sld [smem:$0x3FC9]  }
0x91: {  	s18 =	sld [smem:$0x3FC7]  }
0x92: {  	s4 =	sld [smem:$0x3FD0];
	(tm) =	ssettm $0x1  }
0x93: {  	s5 =	sld [smem:$0x3FFB];
	_ =	sdelay $0x3  }
0x94: {  	_ =	strace s5  }
0x95: {  	s5 =	sld [smem:$0x3FFC];
	_ =	sdelay $0x3  }
0x96: {  	_ =	strace s5  }
0x97: {  	s5 =	sld [smem:$0x3FFD];
	_ =	sdelay $0x3  }
0x98: {  	_ =	strace s5  }
0x99: {  	_ =	strace $0x8FFFFFFF  }
0x9a: {  	s19 =	sld [smem:$0x3FDB];
	_ =	sdelay $0x1  }
0x9b: {  	s6 =	simm.s32 $_scs_section_size  }
0x9c: {  	s7 =	simm.s32 $_size__tile_overlayer_lowered;
	s8 =	simm.s32 $_tile_overlayer_lowered  }
0x9d: {  	s22 =	simm.s32 $0x1BFF;
	s21 =	sshll.u32 s8, $0x1;
	s5 =	sadd.s32 s6, s19  }
0x9e: {  	s9 =	simm.s32 $0x0;
	s20 =	sshll.u32 s7, $0x1;
	s7 =	sadd.s32 s21, s5  }
0x9f: {  	[timem:s9], [sflag:s22] =	dma.local [hbm:s7], s20  }
0xa0: {  	_ =	swait.ge [sflag:s22], s20  }
0xa1: {  	s6 =	ssub.s32 $0x0, s20;
	[sflag:s22] =	ssyncset.done $0x0  }
0xa2: {  	[sflag:s22] =	ssyncadd.s32 s6;
	_ =	sdelay $0x1  }
0xa3: {  	s23 =	simm.s32 $0x1B8B  }
0xa4: {  	_ =	swait.ge [sflag:s23], $0x1  }
0xa5: {  	[sflag:s23] =	ssyncset.done $0x0  }
0xa6: {  	s25 =	simm.s32 $0x1B8E;
	s24 =	sld [smem:$0x3FFE];
	[sflag:s23] =	ssyncadd.s32 $0xFFFFFFFF  }
0xa7: {  	s26 =	simm.s32 $execute0_lowered;
	[smem:$0x3FD2] =	sst s25  }
0xa8: {  	s7 =	sshll.u32 s26, $0x1;
	_ =	strace $0x80000046;
	[dreg:$0x1] =	wrdreg $0xFFFFFFFF  }
0xa9: {  	s28 =	simm.s32 $_size_execute0_lowered;
	s5 =	sadd.s32 s5, s7;
	[dreg:$0x0] =	wrdreg $0x0  }
0xaa: {  	s7 =	sshll.u32 s28, $0x1;
	[dreg:$0x2] =	wrdreg s5  }
0xab: {  	[dreg:$0x3] =	wrdreg s7  }
0xac: {  	[dreg:$0x4] =	wrdreg $0xC0  }
0xad: {  	_ =	task [dreg:s9], $0x5FFFF  }
0xae: {  	[dreg:$0x1] =	wrdreg $0xFFFFFFFF  }
0xaf: {  	[dreg:$0x0] =	wrdreg $0x60  }
0xb0: {  	[dreg:$0x2] =	wrdreg s2  }
0xb1: {  	[dreg:$0x3] =	wrdreg s24  }
0xb2: {  	[dreg:$0x4] =	wrdreg s4  }
0xb3: {  	[dreg:$0x5] =	wrdreg s18  }
0xb4: {  	[dreg:$0x6] =	wrdreg $0x9  }
0xb5: {  	_ =	task.clear_ibuf [dreg:s9], $0x7FFFF;
	_ =	strace $0x90000046  }
0xb6: {  	s29 =	simm.s32 $0x9;
	_ =	strace $0x80000048  }
0xb7: {  	_ =	swait.ge [sflag:s29], $0x1  }
0xb8: {  	[sflag:s29] =	ssyncadd.s32 $0xFFFFFFFF  }
0xb9: {  	_ =	strace $0x90000048  }
0xba: {  	_ =	sfence  }
0xbb: {  	s30 =	sld [smem:$0x0];
	_ =	sdelay $0x2  }
0xbc: {  	s31 =	sshll.u32 s1, $0xD;
	s1 =	sshrl.u32 s1, $0x2  }
0xbd: {  	s3 =	sand.u32 $0x4000, s31;
	s1 =	sadd.s32 s1, s30  }
0xbe: {  	s0 =	sor.u32 s3, s0;
	s1 =	sshll.u32 s1, $0x11  }
0xbf: {  	s0 =	sor.u32 s1, s0  }
0xc0: {  	s0 =	sadd.s32 $0x8F2B, s0  }
0xc1: {  	[sflag:s0] =	ssyncadd.remote.s32 $0x1  }
0xc2: {  	_ =	sfence.sel $0xFFFF  }
0xc3: {  	[dreg:$0x0] =	wrdreg $0xFFFFFFFF;
	(pc) =	sbr.abs _section_cstart, $3  }
0xc4: {  	[dreg:$0x1] =	wrdreg $0xFFFFFFFF  }
0xc5: {  	_ =	task.clear_ibuf [dreg:s9], $0x2FFFF;
	_ =	strace $0x9FFFFFFF  }
0xc6: {  	(tm) =	ssettm $0x7FFFFFFF  }
0xc7: {  	_ =	shalt  }
tec
execute0_lowered:
.L_overlay_start_1:
0x0: {  	(tag) =	ssettag $0x1  }
0x1: {  	v0 =	vlaneseq.u32;
	vm0 =	vmmov $0xffff  }
0x2: {  	v4 =	vimm.s32 $0xB80;
	vm15 =	vcmask $0x300;
	vm1 =	vcmask $0x704  }
0x3: {  	v5 =	vimm.s32 $0x1B80;
	vm14 =	vcmask $0xB08;
	vm13 =	vcmask $0xF0C  }
0x4: {  	vm2 =	vcmask $0x1310;
	vm3 =	vcmask $0x1714;
	vm4 =	vcmask $0x1B18  }
0x5: {  	vm5 =	vcmask $0x1F1C;
	vm6 =	vcmask $0x2320;
	vm7 =	vcmask $0x2724  }
0x6: {  	vm8 =	vcmask $0x2B28;
	vm9 =	vcmask $0x2F2C;
	vm10 =	vcmask $0x3330  }
0x7: {  	vm11 =	vcmask $0x3734;
	vm12 =	vcmask $0x3B38;
	v9 =	vimm.s32 $0x2B80  }
0x8: {  	v10 =	vimm.s32 $0x3B80;
	v11 =	vimm.s32 $0x4B80;
	v2 =	vshrl.u32 v0, $0x3  }
0x9: {  	s0 =	rddreg [dreg:$0x0];
	v1 =	vand.u32 $0x7, v0;
	v3 =	vor.u32 $0x8, v0;
	v4 =	vsel vm15, $0x0, v4  }
0xa: {  	s1 =	rddreg [dreg:$0x1];
	v5 =	vsel vm15, $0x1000, v5;
	v7 =	vadd.s32 $0x3, v0;
	v9 =	vsel vm15, $0x2000, v9  }
0xb: {  	s4 =	rddreg [dreg:$0x3];
	s3 =	simm.s32 $0x0;
	s2 =	srdreg.scid;
	v10 =	vsel vm15, $0x3000, v10;
	v11 =	vsel vm15, $0x4000, v11;
	v2 =	vmul.u32 $0x8, v2  }
0xc: {  	s10 =	stileid.u32;
	s17 =	simm.s32 $0x16800;
	s19 =	simm.s32 $0x18F80;
	v4 =	vsel vm1, $0x80, v4;
	v5 =	vsel vm1, $0x1080, v5;
	v9 =	vsel vm1, $0x2080, v9  }
0xd: {  	s20 =	simm.s32 $0x2800;
	s31 =	simm.s32 $0x7800;
	s13 =	simm.s32 $0xC800;
	v10 =	vsel vm1, $0x3080, v10;
	v11 =	vsel vm1, $0x4080, v11;
	v4 =	vsel vm14, $0x100, v4  }
0xe: {  	s29 =	simm.s32 $0x13000;
	s30 =	simm.s32 $0x13800;
	s12 =	simm.s32 $0x4;
	v5 =	vsel vm14, $0x1100, v5;
	v9 =	vsel vm14, $0x2100, v9;
	v10 =	vsel vm14, $0x3100, v10  }
0xf: {  	s15 =	simm.s32 $0x0;
	[smem:$0x7FF] =	sst s3;
	s2 =	sand.u32 $0x1, s2;
	v11 =	vsel vm14, $0x4100, v11;
	v4 =	vsel vm13, $0x180, v4;
	v5 =	vsel vm13, $0x1180, v5  }
0x10: {  	s5 =	sadd.s32 $0x800, s1;
	s7 =	sadd.s32 $0x4EA00, s1;
	s8 =	smul.u32 $0x500, s10;
	v9 =	vsel vm13, $0x2180, v9;
	v10 =	vsel vm13, $0x3180, v10;
	v11 =	vsel vm13, $0x4180, v11  }
0x11: {  	s9 =	sadd.s32 $0x4F000, s1;
	p3 =	sne.s32 s10, $0xF;
	s22 =	smul.u32 $0x2800, s10;
	v4 =	vsel vm2, $0x200, v4;
	v5 =	vsel vm2, $0x1200, v5;
	v9 =	vsel vm2, $0x2200, v9  }
0x12: {  	p0 =	seq.s32 s10, $0xF;
	s23 =	smul.u32 $0x1400, s10;
	s11 =	sadd.s32 $0x9B00, s4;
	v10 =	vsel vm2, $0x3200, v10;
	v11 =	vsel vm2, $0x4200, v11;
	v4 =	vsel vm3, $0x280, v4  }
0x13: {  	s24 =	sadd.s32 $0x9B10, s4;
	_ =	strace $0x80000047;
	[dreg:$0x5] =	wrdreg s7;
	v5 =	vsel vm3, $0x1280, v5;
	v9 =	vsel vm3, $0x2280, v9;
	v10 =	vsel vm3, $0x3280, v10  }
0x14: {  	s25 =	smul.u32 $0x280, s10;
	s1 =	sadd.s32 $0x53D80, s1;
	[dreg:$0x8] =	wrdreg s11;
	v11 =	vsel vm3, $0x4280, v11;
	v4 =	vsel vm4, $0x300, v4;
	v5 =	vsel vm4, $0x1300, v5  }
0x15: {  	s10 =	simm.s32 $0x2;
	s6 =	ssub.s32 $0x2, s2;
	[dreg:$0x9] =	wrdreg s24;
	v9 =	vsel vm4, $0x2300, v9;
	v10 =	vsel vm4, $0x3300, v10;
	v11 =	vsel vm4, $0x4300, v11  }
0x16: {  	p2 =	seq.s32 s2, $0x0;
	p4 =	seq.s32 s2, $0x1;
	[dreg:$0xe] =	wrdreg s1;
	v4 =	vsel vm5, $0x380, v4;
	v5 =	vsel vm5, $0x1380, v5;
	v9 =	vsel vm5, $0x2380, v9  }
0x17: {  	s1 =	simm.s32 $0x15000;
	s11 =	simm.s32 $0x3;
	s21 =	sshrl.u32 s6, $0x1;
	v10 =	vsel vm5, $0x3380, v10;
	v11 =	vsel vm5, $0x4380, v11;
	v4 =	vsel vm6, $0x800, v4  }
0x18: {  	s8 =	sadd.s32 s4, s8;
	p1 =	por !p3, !p4;
	p4 =	por !p0, !p4;
	v5 =	vsel vm6, $0x1800, v5;
	v9 =	vsel vm6, $0x2800, v9;
	v10 =	vsel vm6, $0x3800, v10  }
0x19: {  	s7 =	sshrl.u32 s22, $0x3;
	p2 =	por p2, p3;
	p3 =	sne.s32 s2, $0x0;
	v11 =	vsel vm6, $0x4800, v11;
	v4 =	vsel vm7, $0x880, v4;
	v5 =	vsel vm7, $0x1880, v5  }
0x1a: {  	s2 =	simm.s32 $0x14000;
	s6 =	ssub.s32 s6, s21;
	[dreg:$0x6] =	wrdreg s8;
	v9 =	vsel vm7, $0x2880, v9;
	v10 =	vsel vm7, $0x3880, v10;
	v11 =	vsel vm7, $0x4880, v11  }
0x1b: {  	s8 =	sadd.s32 $0x10, s8;
	p1 =	por !p1, !p1;
	s4 =	sadd.s32 s4, s7;
	v4 =	vsel vm8, $0x900, v4;
	v5 =	vsel vm8, $0x1900, v5;
	v9 =	vsel vm8, $0x2900, v9  }
0x1c: {  	p4 =	por !p4, !p4;
	[dreg:$0x7] =	wrdreg s8;
	s7 =	sadd.s32 $0x5000, s4;
	v10 =	vsel vm8, $0x3900, v10;
	v11 =	vsel vm8, $0x4900, v11;
	v4 =	vsel vm9, $0x980, v4  }
0x1d: {  	s8 =	sshrl.u32 s23, $0x3;
	s4 =	sadd.s32 $0x5010, s4;
	s28 =	smax.u32 s6, $0x1;
	v5 =	vsel vm9, $0x1980, v5;
	v9 =	vsel vm9, $0x2980, v9;
	v10 =	vsel vm9, $0x3980, v10  }
0x1e: {  	p4 =	por !p4, p1;
	s6 =	simm.s32 $0x15800;
	[dreg:$0xa] =	wrdreg s7;
	v11 =	vsel vm9, $0x4980, v11;
	v4 =	vsel vm10, $0xA00, v4;
	v6 =	vsel vm10, $0x1A00, v5  }
.Ltmp0:
0x1f: {  	[dreg:$0xb] =	wrdreg s4;
	s4 =	simm.s32 @!p2 $0x0;
	v5 =	vadd.s32 $0x1, v0;
	v9 =	vsel vm10, $0x2A00, v9;
	v10 =	vsel vm10, $0x3A00, v10;
	(pc) =	sbr.rel .LBB2_1-.Ltmp0, $4  }
0x20: {  	s26 =	sadd.s32 s9, s8;
	s7 =	sadd.s32 s9, s25;
	[dreg:$0xf] =	wrdreg s28;
	v11 =	vsel vm10, $0x4A00, v11;
	v4 =	vsel vm11, $0xA80, v4;
	v8 =	vsel vm11, $0x1A80, v6  }
0x21: {  	s25 =	simm.s32 $0x11800;
	s4 =	simm.s32 @p2 $0x1;
	[dreg:$0xc] =	wrdreg s7;
	v6 =	vadd.s32 $0x2, v0;
	v9 =	vsel vm11, $0x2A80, v9;
	v10 =	vsel vm11, $0x3A80, v10  }
0x22: {  	s8 =	simm.s32 $0x16000;
	[smem:$0x7FD] =	sst s4;
	s4 =	sadd.s32 $0x2800, s26;
	v11 =	vsel vm11, $0x4A80, v11;
	v4 =	vsel vm12, $0xB00, v4;
	v8 =	vsel vm12, $0x1B00, v8  }
0x23: {  	s9 =	simm.s32 $0x1;
	[dreg:$0xd] =	wrdreg s4;
	s4 =	simm.s32 $0x14800;
	v9 =	vsel vm12, $0x2B00, v9;
	v10 =	vsel vm12, $0x3B00, v10;
	v11 =	vsel vm12, $0x4B00, v11  }
.LBB2_26:
0x24: {  	s7 =	simm.s32 @!p3 $0x1B700;
	s14 =	rddreg [dreg:$0xc];
	s15 =	simm.s32 @!p3 $0x0  }
0x25: {  	[hbm4b:s14+s15] =	stream.linear.scatter @!p3 [tilespmem:s7], [sflag:$0x5], $0x1400, $0x38;
	[tilespmem:$0x1CB00] =	vst v63  }
0x26: {  	s7 =	simm.s32 @!p3 $0x5  }
0x27: {  	_ =	swait.ge @!p3 [sflag:s7], $0x1400  }
0x28: {  	p2 =	por @!p1 $0x0, $0x0;
	s15 =	simm.s32 @p1 $0x0;
	[sflag:s7] =	ssyncset.done @!p3 $0x0  }
0x29: {  	s14 =	rddreg [dreg:$0xd];
	[sflag:s7] =	ssyncadd.s32 @!p3 $0xFFFFEC00;
	s7 =	simm.s32 @p1 $0x1B700  }
0x2a: {  	[hbm4b:s14+s15] =	stream.linear.scatter @p1 [tilespmem:s7], [sflag:$0x5], $0x1400, $0x38;
	[tilespmem:$0x1CB00] =	vst v63  }
0x2b: {  	p2 =	por @!p4 p5, p5;
	s7 =	simm.s32 @p1 $0x5  }
0x2c: {  	p6 =	por @!p1 p2, p2;
	_ =	swait.ge @p1 [sflag:s7], $0x1400  }
0x2d: {  	s14 =	simm.s32 @p6 $0x1B700;
	[sflag:s7] =	ssyncset.done @p1 $0x0  }
0x2e: {  	s15 =	rddreg [dreg:$0xe];
	[sflag:s7] =	ssyncadd.s32 @p1 $0xFFFFEC00;
	s7 =	simm.s32 @p6 $0x0  }
0x2f: {  	[hbm4b:s15+s7] =	stream.linear.scatter @p6 [tilespmem:s14], [sflag:$0x5], $0x500, $0x38;
	[tilespmem:$0x1CB00] =	vst v63  }
0x30: {  	s7 =	simm.s32 @p6 $0x5  }
0x31: {  	_ =	swait.ge @p6 [sflag:s7], $0x500  }
0x32: {  	s26 =	rddreg [dreg:$0x10]  }
0x33: {  	s28 =	rddreg [dreg:$0xf];
	s15 =	sadd.s32 $0x1, s26  }
0x34: {  	p2 =	sne.s32 s15, s28  }
.Ltmp1:
0x35: {  	_ = 	snop;
	(pc) =	sbr.rel @!p2 .LBB2_27-.Ltmp1, $3  }
0x36: {  	_ =	sdelay $0x1  }
0x37: {  	[sflag:s7] =	ssyncset.done @p6 $0x0  }
0x38: {  	[sflag:s7] =	ssyncadd.s32 @p6 $0xFFFFFB00  }
.LBB2_1:
0x39: {  	[dreg:$0x10] =	wrdreg s15;
	s7 =	simm.s32 @!p3 $0x80;
	s14 =	simm.s32 @!p3 $0x100  }
0x3a: {  	s16 =	simm.s32 @!p3 $0x0;
	s15 =	rddreg [dreg:$0x6];
	s18 =	simm.s32 @!p3 $0x5  }
0x3b: {  	[tilespmem:s16], [sflag:$0x5] =	stream.strided.gather @!p3 [hbm4b:s15+s7], $0x1400, s14, s7, $0x38;
	[tilespmem:$0x1CB00] =	vst v63  }
0x3c: {  	_ =	swait.ge @!p3 [sflag:s18], $0x1400  }
0x3d: {  	[sflag:s18] =	ssyncset.done @!p3 $0x0  }
0x3e: {  	s15 =	simm.s32 @!p3 $0x1400;
	s16 =	rddreg [dreg:$0x7];
	[sflag:s18] =	ssyncadd.s32 @!p3 $0xFFFFEC00  }
0x3f: {  	[tilespmem:s15], [sflag:$0x5] =	stream.strided.gather @!p3 [hbm4b:s16+s7], $0x1400, s14, s7, $0x38;
	[tilespmem:$0x1CB00] =	vst v63  }
0x40: {  	_ =	swait.ge @!p3 [sflag:s18], $0x1400  }
0x41: {  	s7 =	simm.s32 @!p4 $0x80;
	s14 =	simm.s32 @!p4 $0x100;
	[sflag:s18] =	ssyncset.done @!p3 $0x0  }
0x42: {  	s15 =	simm.s32 @!p4 $0x0;
	s16 =	rddreg [dreg:$0x8];
	[sflag:s18] =	ssyncadd.s32 @!p3 $0xFFFFEC00  }
0x43: {  	[tilespmem:s15], [sflag:$0x5] =	stream.strided.gather @!p4 [hbm4b:s16+s7], $0x500, s14, s7, $0x38;
	[tilespmem:$0x1CB00] =	vst v63  }
0x44: {  	s15 =	simm.s32 @!p4 $0x5  }
0x45: {  	_ =	swait.ge @!p4 [sflag:s15], $0x500  }
0x46: {  	[sflag:s15] =	ssyncset.done @!p4 $0x0  }
0x47: {  	s16 =	simm.s32 @!p4 $0x1400;
	s18 =	rddreg [dreg:$0x9];
	[sflag:s15] =	ssyncadd.s32 @!p4 $0xFFFFFB00  }
0x48: {  	[tilespmem:s16], [sflag:$0x5] =	stream.strided.gather @!p4 [hbm4b:s18+s7], $0x500, s14, s7, $0x38;
	[tilespmem:$0x1CB00] =	vst v63  }
0x49: {  	s7 =	simm.s32 @p1 $0x80;
	_ =	swait.ge @!p4 [sflag:s15], $0x500  }
0x4a: {  	s14 =	simm.s32 @p1 $0x100;
	s16 =	simm.s32 @p1 $0x0;
	[sflag:s15] =	ssyncset.done @!p4 $0x0  }
0x4b: {  	s18 =	simm.s32 @p1 $0x5;
	[sflag:s15] =	ssyncadd.s32 @!p4 $0xFFFFFB00;
	s15 =	rddreg [dreg:$0xa]  }
0x4c: {  	[tilespmem:s16], [sflag:$0x5] =	stream.strided.gather @p1 [hbm4b:s15+s7], $0x1400, s14, s7, $0x38;
	[tilespmem:$0x1CB00] =	vst v63  }
0x4d: {  	_ =	swait.ge @p1 [sflag:s18], $0x1400  }
0x4e: {  	[sflag:s18] =	ssyncset.done @p1 $0x0  }
0x4f: {  	s15 =	simm.s32 @p1 $0x1400;
	s16 =	rddreg [dreg:$0xb];
	[sflag:s18] =	ssyncadd.s32 @p1 $0xFFFFEC00  }
0x50: {  	[tilespmem:s15], [sflag:$0x5] =	stream.strided.gather @p1 [hbm4b:s16+s7], $0x1400, s14, s7, $0x38;
	[tilespmem:$0x1CB00] =	vst v63  }
0x51: {  	_ =	swait.ge @p1 [sflag:s18], $0x1400  }
0x52: {  	[sflag:s18] =	ssyncset.done @p1 $0x0  }
0x53: {  	s24 =	simm.s32 $0x5;
	s23 =	rddreg [dreg:$0x5];
	[sflag:s18] =	ssyncadd.s32 @p1 $0xFFFFEC00  }
0x54: {  	[tilespmem:s17], [sflag:$0x5] =	stream.linear.gather [hbm4b:s23+s3], $0x2780, $0x38;
	[tilespmem:$0x1CB00] =	vst v63  }
0x55: {  	_ =	swait.ge [sflag:s24], $0x2780  }
0x56: {  	[sflag:s24] =	ssyncset.done $0x0  }
0x57: {  	[sflag:s24] =	ssyncadd.s32 $0xFFFFD880  }
0x58: {  	s26 =	rddreg [dreg:$0x2]  }
0x59: {  	[tilespmem:s19], [sflag:$0x5] =	stream.linear.gather [hbm4b:s26+s3], $0x2780, $0x38;
	[tilespmem:$0x1CB00] =	vst v63  }
0x5a: {  	_ =	swait.ge [sflag:s24], $0x2780  }
0x5b: {  	p5 =	por @!p4 $0x1, $0x1;
	p2 =	por p0, p0;
	s28 =	sld [smem:$0x7FD]  }
0x5c: {  	p6 =	por @p1 $0x0, $0x0;
	p2 =	por @!p4 p5, p5  }
0x5d: {  	p6 =	por @!p1 p2, p2;
	s14 =	simm.s32 $0x10  }
0x5e: {  	s14 =	simm.s32 @!p6 $0x0;
	p2 =	seq.s32 s28, $0x1  }
0x5f: {  	s14 =	simm.s32 @p2 $0x40  }
0x60: {  	p2 =	seq.s32 s14, $0x0  }
.Ltmp2:
0x61: {  	_ = 	snop;
	(pc) =	sbr.rel @p2 .LBB2_26-.Ltmp2, $3  }
0x62: {  	_ =	sdelay $0x1  }
0x63: {  	[sflag:s24] =	ssyncset.done $0x0  }
0x64: {  	p6 =	por @p1 $0x0, $0x0;
	[sflag:s24] =	ssyncadd.s32 $0xFFFFD880  }
0x65: {  	v12 =	vld [tilespmem:$0x0];
	_ =	sdelay $0x4  }
0x66: {  	v13 =	vshll.u32 v12, $0x1  }
0x67: {  	v12 =	vand.u32 $0x7, v12;
	v13 =	vand.u32 $0xFFFFFFF0, v13  }
0x68: {  	v12 =	vor.u32 v12, v13  }
0x69: {  	v13 =	vperm.xlane v12, v1;
	_ =	sdelay $0x1  }
0x6a: {  	v12 =	vperm.xlane v12, v3;
	v13 =	vadd.s32 v2, v13;
	_ =	sdelay $0x1  }
0x6b: {  	v12 =	vadd.s32 v2, v12;
	_ =	sdelay $0x1  }
0x6c: {  	s15 =	simm.s32 $0x0  }
0x6d: {  	[tilespmem:s20], [sflag:$0x1] =	stream.indirect_vreg.gather [hbm4b:s0+s15], $0x80, v13, vm0, $0xb8;
	[tilespmem:$0x1CB00] =	vst v63  }
0x6e: {  	s7 =	simm.s32 $0x3000  }
0x6f: {  	[tilespmem:s7], [sflag:$0x1] =	stream.indirect_vreg.gather [hbm4b:s0+s15], $0x80, v12, vm0, $0xb8;
	[tilespmem:$0x1CB00] =	vst v63  }
0x70: {  	v12 =	vld [tilespmem:$0x10];
	_ =	sdelay $0x4  }
0x71: {  	v55 =	vshll.u32 v12, $0x1  }
0x72: {  	v12 =	vand.u32 $0x7, v12;
	v13 =	vand.u32 $0xFFFFFFF0, v55  }
0x73: {  	v12 =	vor.u32 v12, v13  }
0x74: {  	v13 =	vperm.xlane v12, v1;
	_ =	sdelay $0x1  }
0x75: {  	v12 =	vperm.xlane v12, v3;
	v13 =	vadd.s32 v2, v13;
	_ =	sdelay $0x1  }
0x76: {  	v12 =	vadd.s32 v2, v12;
	_ =	sdelay $0x1  }
0x77: {  	s28 =	simm.s32 $0x3800  }
0x78: {  	[tilespmem:s28], [sflag:$0x1] =	stream.indirect_vreg.gather [hbm4b:s0+s15], $0x80, v13, vm0, $0xb8;
	[tilespmem:$0x1CB00] =	vst v63  }
0x79: {  	s16 =	simm.s32 $0x4000  }
0x7a: {  	[tilespmem:s16], [sflag:$0x1] =	stream.indirect_vreg.gather [hbm4b:s0+s15], $0x80, v12, vm0, $0xb8;
	[tilespmem:$0x1CB00] =	vst v63  }
0x7b: {  	v12 =	vld [tilespmem:$0x20];
	_ =	sdelay $0x4  }
0x7c: {  	v56 =	vshll.u32 v12, $0x1  }
0x7d: {  	v12 =	vand.u32 $0x7, v12;
	v13 =	vand.u32 $0xFFFFFFF0, v56  }
0x7e: {  	v12 =	vor.u32 v12, v13  }
0x7f: {  	v13 =	vperm.xlane v12, v1;
	_ =	sdelay $0x1  }
0x80: {  	v12 =	vperm.xlane v12, v3;
	v13 =	vadd.s32 v2, v13;
	_ =	sdelay $0x1  }
0x81: {  	v12 =	vadd.s32 v2, v12;
	_ =	sdelay $0x1  }
0x82: {  	s18 =	simm.s32 $0x4800  }
0x83: {  	[tilespmem:s18], [sflag:$0x1] =	stream.indirect_vreg.gather [hbm4b:s0+s15], $0x80, v13, vm0, $0xb8;
	[tilespmem:$0x1CB00] =	vst v63  }
0x84: {  	s21 =	simm.s32 $0x5000  }
0x85: {  	[tilespmem:s21], [sflag:$0x1] =	stream.indirect_vreg.gather [hbm4b:s0+s15], $0x80, v12, vm0, $0xb8;
	[tilespmem:$0x1CB00] =	vst v63  }
0x86: {  	v12 =	vld [tilespmem:$0x30];
	_ =	sdelay $0x4  }
0x87: {  	v57 =	vshll.u32 v12, $0x1  }
0x88: {  	v12 =	vand.u32 $0x7, v12;
	v13 =	vand.u32 $0xFFFFFFF0, v57  }
0x89: {  	v12 =	vor.u32 v12, v13  }
0x8a: {  	v13 =	vperm.xlane v12, v1;
	_ =	sdelay $0x1  }
0x8b: {  	v12 =	vperm.xlane v12, v3;
	v13 =	vadd.s32 v2, v13;
	_ =	sdelay $0x1  }
0x8c: {  	v12 =	vadd.s32 v2, v12;
	_ =	sdelay $0x1  }
0x8d: {  	s22 =	simm.s32 $0x5800  }
0x8e: {  	[tilespmem:s22], [sflag:$0x1] =	stream.indirect_vreg.gather [hbm4b:s0+s15], $0x80, v13, vm0, $0xb8;
	[tilespmem:$0x1CB00] =	vst v63  }
0x8f: {  	s23 =	simm.s32 $0x6000  }
0x90: {  	[tilespmem:s23], [sflag:$0x1] =	stream.indirect_vreg.gather [hbm4b:s0+s15], $0x80, v12, vm0, $0xb8;
	[tilespmem:$0x1CB00] =	vst v63  }
0x91: {  	v12 =	vld [tilespmem:$0x40];
	_ =	sdelay $0x4  }
0x92: {  	v58 =	vshll.u32 v12, $0x1  }
0x93: {  	v12 =	vand.u32 $0x7, v12;
	v13 =	vand.u32 $0xFFFFFFF0, v58  }
0x94: {  	v12 =	vor.u32 v12, v13  }
0x95: {  	v13 =	vperm.xlane v12, v1;
	_ =	sdelay $0x1  }
0x96: {  	v12 =	vperm.xlane v12, v3;
	v13 =	vadd.s32 v2, v13;
	_ =	sdelay $0x1  }
0x97: {  	v12 =	vadd.s32 v2, v12;
	_ =	sdelay $0x1  }
0x98: {  	s24 =	simm.s32 $0x6800  }
0x99: {  	[tilespmem:s24], [sflag:$0x1] =	stream.indirect_vreg.gather [hbm4b:s0+s15], $0x80, v13, vm0, $0xb8;
	[tilespmem:$0x1CB00] =	vst v63  }
0x9a: {  	s26 =	simm.s32 $0x7000  }
0x9b: {  	[tilespmem:s26], [sflag:$0x1] =	stream.indirect_vreg.gather [hbm4b:s0+s15], $0x80, v12, vm0, $0xb8;
	[tilespmem:$0x1CB00] =	vst v63  }
0x9c: {  	v12 =	vld [tilespmem:$0x1400];
	_ =	sdelay $0x4  }
0x9d: {  	v59 =	vshll.u32 v12, $0x1  }
0x9e: {  	v12 =	vand.u32 $0x7, v12;
	v13 =	vand.u32 $0xFFFFFFF0, v59  }
0x9f: {  	v12 =	vor.u32 v12, v13  }
0xa0: {  	v13 =	vperm.xlane v12, v1;
	_ =	sdelay $0x1  }
0xa1: {  	v12 =	vperm.xlane v12, v3;
	v13 =	vadd.s32 v2, v13;
	_ =	sdelay $0x1  }
0xa2: {  	v12 =	vadd.s32 v2, v12;
	_ =	sdelay $0x2  }
0xa3: {  	[tilespmem:s31], [sflag:$0x2] =	stream.indirect_vreg.gather [hbm4b:s5+s15], $0x80, v13, vm0, $0xb8;
	[tilespmem:$0x1CB00] =	vst v63  }
0xa4: {  	s28 =	simm.s32 $0x8000  }
0xa5: {  	[tilespmem:s28], [sflag:$0x2] =	stream.indirect_vreg.gather [hbm4b:s5+s15], $0x80, v12, vm0, $0xb8;
	[tilespmem:$0x1CB00] =	vst v63  }
0xa6: {  	v12 =	vld [tilespmem:$0x1410];
	_ =	sdelay $0x4  }
0xa7: {  	v60 =	vshll.u32 v12, $0x1  }
0xa8: {  	v12 =	vand.u32 $0x7, v12;
	v13 =	vand.u32 $0xFFFFFFF0, v60  }
0xa9: {  	v12 =	vor.u32 v12, v13  }
0xaa: {  	v13 =	vperm.xlane v12, v1;
	_ =	sdelay $0x1  }
0xab: {  	v12 =	vperm.xlane v12, v3;
	v13 =	vadd.s32 v2, v13;
	_ =	sdelay $0x1  }
0xac: {  	v12 =	vadd.s32 v2, v12;
	_ =	sdelay $0x1  }
0xad: {  	s16 =	simm.s32 $0x8800  }
0xae: {  	[tilespmem:s16], [sflag:$0x2] =	stream.indirect_vreg.gather [hbm4b:s5+s15], $0x80, v13, vm0, $0xb8;
	[tilespmem:$0x1CB00] =	vst v63  }
0xaf: {  	s18 =	simm.s32 $0x9000  }
0xb0: {  	[tilespmem:s18], [sflag:$0x2] =	stream.indirect_vreg.gather [hbm4b:s5+s15], $0x80, v12, vm0, $0xb8;
	[tilespmem:$0x1CB00] =	vst v63  }
0xb1: {  	v12 =	vld [tilespmem:$0x1420];
	_ =	sdelay $0x4  }
0xb2: {  	v61 =	vshll.u32 v12, $0x1  }
0xb3: {  	v12 =	vand.u32 $0x7, v12;
	v13 =	vand.u32 $0xFFFFFFF0, v61  }
0xb4: {  	v12 =	vor.u32 v12, v13  }
0xb5: {  	v13 =	vperm.xlane v12, v1;
	_ =	sdelay $0x1  }
0xb6: {  	v12 =	vperm.xlane v12, v3;
	v13 =	vadd.s32 v2, v13;
	_ =	sdelay $0x1  }
0xb7: {  	v12 =	vadd.s32 v2, v12;
	_ =	sdelay $0x1  }
0xb8: {  	s21 =	simm.s32 $0x9800  }
0xb9: {  	[tilespmem:s21], [sflag:$0x2] =	stream.indirect_vreg.gather [hbm4b:s5+s15], $0x80, v13, vm0, $0xb8;
	[tilespmem:$0x1CB00] =	vst v63  }
0xba: {  	s22 =	simm.s32 $0xA000  }
0xbb: {  	[tilespmem:s22], [sflag:$0x2] =	stream.indirect_vreg.gather [hbm4b:s5+s15], $0x80, v12, vm0, $0xb8;
	[tilespmem:$0x1CB00] =	vst v63  }
0xbc: {  	v12 =	vld [tilespmem:$0x1430];
	_ =	sdelay $0x4  }
0xbd: {  	v62 =	vshll.u32 v12, $0x1  }
0xbe: {  	v12 =	vand.u32 $0x7, v12;
	v13 =	vand.u32 $0xFFFFFFF0, v62  }
0xbf: {  	v12 =	vor.u32 v12, v13  }
0xc0: {  	v13 =	vperm.xlane v12, v1;
	_ =	sdelay $0x1  }
0xc1: {  	v12 =	vperm.xlane v12, v3;
	v13 =	vadd.s32 v2, v13;
	_ =	sdelay $0x1  }
0xc2: {  	v12 =	vadd.s32 v2, v12;
	_ =	sdelay $0x1  }
0xc3: {  	s23 =	simm.s32 $0xA800  }
0xc4: {  	[tilespmem:s23], [sflag:$0x2] =	stream.indirect_vreg.gather [hbm4b:s5+s15], $0x80, v13, vm0, $0xb8;
	[tilespmem:$0x1CB00] =	vst v63  }
0xc5: {  	s24 =	simm.s32 $0xB000  }
0xc6: {  	[tilespmem:s24], [sflag:$0x2] =	stream.indirect_vreg.gather [hbm4b:s5+s15], $0x80, v12, vm0, $0xb8;
	[tilespmem:$0x1CB00] =	vst v63  }
0xc7: {  	v12 =	vld [tilespmem:$0x1440];
	_ =	sdelay $0x4  }
0xc8: {  	v63 =	vshll.u32 v12, $0x1  }
0xc9: {  	v12 =	vand.u32 $0x7, v12;
	v13 =	vand.u32 $0xFFFFFFF0, v63  }
0xca: {  	v12 =	vor.u32 v12, v13  }
0xcb: {  	v13 =	vperm.xlane v12, v1;
	_ =	sdelay $0x1  }
0xcc: {  	v12 =	vperm.xlane v12, v3;
	v13 =	vadd.s32 v2, v13;
	_ =	sdelay $0x1  }
0xcd: {  	v12 =	vadd.s32 v2, v12;
	_ =	sdelay $0x1  }
0xce: {  	s26 =	simm.s32 $0xB800  }
0xcf: {  	[tilespmem:s26], [sflag:$0x2] =	stream.indirect_vreg.gather [hbm4b:s5+s15], $0x80, v13, vm0, $0xb8;
	[tilespmem:$0x1CB00] =	vst v63  }
0xd0: {  	s7 =	simm.s32 $0x0;
	s28 =	simm.s32 $0xC000;
	s16 =	sshrl.u32 s14, $0x1  }
0xd1: {  	[tilespmem:s28], [sflag:$0x2] =	stream.indirect_vreg.gather [hbm4b:s5+s15], $0x80, v12, vm0, $0xb8;
	[tilespmem:$0x1CB00] =	vst v63  }
.LBB2_3:
0xd2: {  	s18 =	smul.u32 $0xA0, s7;
	_ =	sdelay $0x1  }
0xd3: {  	v12 =	vld [tilespmem:s18+$0x50];
	_ =	sdelay $0x4  }
0xd4: {  	v13 =	vshll.u32 v12, $0x1  }
0xd5: {  	v12 =	vand.u32 $0x7, v12;
	v13 =	vand.u32 $0xFFFFFFF0, v13  }
0xd6: {  	v12 =	vor.u32 v12, v13  }
0xd7: {  	v13 =	vperm.xlane v12, v1;
	_ =	sdelay $0x1  }
0xd8: {  	v12 =	vperm.xlane v12, v3;
	v13 =	vadd.s32 v2, v13;
	_ =	sdelay $0x1  }
0xd9: {  	v12 =	vadd.s32 v2, v12;
	_ =	sdelay $0x2  }
0xda: {  	[tilespmem:s13], [sflag:$0x3] =	stream.indirect_vreg.gather [hbm4b:s0+s15], $0x80, v13, vm0, $0xb8;
	[tilespmem:$0x1CB00] =	vst v63  }
0xdb: {  	s21 =	simm.s32 $0xD000  }
0xdc: {  	[tilespmem:s21], [sflag:$0x3] =	stream.indirect_vreg.gather [hbm4b:s0+s15], $0x80, v12, vm0, $0xb8;
	[tilespmem:$0x1CB00] =	vst v63  }
0xdd: {  	v12 =	vld [tilespmem:s18+$0x60];
	_ =	sdelay $0x4  }
0xde: {  	v13 =	vshll.u32 v12, $0x1  }
0xdf: {  	v12 =	vand.u32 $0x7, v12;
	v13 =	vand.u32 $0xFFFFFFF0, v13  }
0xe0: {  	v12 =	vor.u32 v12, v13  }
0xe1: {  	v13 =	vperm.xlane v12, v1;
	_ =	sdelay $0x1  }
0xe2: {  	v12 =	vperm.xlane v12, v3;
	v13 =	vadd.s32 v2, v13;
	_ =	sdelay $0x1  }
0xe3: {  	v12 =	vadd.s32 v2, v12;
	_ =	sdelay $0x1  }
0xe4: {  	s22 =	simm.s32 $0xD800  }
0xe5: {  	[tilespmem:s22], [sflag:$0x3] =	stream.indirect_vreg.gather [hbm4b:s0+s15], $0x80, v13, vm0, $0xb8;
	[tilespmem:$0x1CB00] =	vst v63  }
0xe6: {  	s23 =	simm.s32 $0xE000  }
0xe7: {  	[tilespmem:s23], [sflag:$0x3] =	stream.indirect_vreg.gather [hbm4b:s0+s15], $0x80, v12, vm0, $0xb8;
	[tilespmem:$0x1CB00] =	vst v63  }
0xe8: {  	v12 =	vld [tilespmem:s18+$0x70];
	_ =	sdelay $0x4  }
0xe9: {  	v13 =	vshll.u32 v12, $0x1  }
0xea: {  	v12 =	vand.u32 $0x7, v12;
	v13 =	vand.u32 $0xFFFFFFF0, v13  }
0xeb: {  	v12 =	vor.u32 v12, v13  }
0xec: {  	v13 =	vperm.xlane v12, v1;
	_ =	sdelay $0x1  }
0xed: {  	v12 =	vperm.xlane v12, v3;
	v13 =	vadd.s32 v2, v13;
	_ =	sdelay $0x1  }
0xee: {  	v12 =	vadd.s32 v2, v12;
	_ =	sdelay $0x1  }
0xef: {  	s24 =	simm.s32 $0xE800  }
0xf0: {  	[tilespmem:s24], [sflag:$0x3] =	stream.indirect_vreg.gather [hbm4b:s0+s15], $0x80, v13, vm0, $0xb8;
	[tilespmem:$0x1CB00] =	vst v63  }
0xf1: {  	s26 =	simm.s32 $0xF000  }
0xf2: {  	[tilespmem:s26], [sflag:$0x3] =	stream.indirect_vreg.gather [hbm4b:s0+s15], $0x80, v12, vm0, $0xb8;
	[tilespmem:$0x1CB00] =	vst v63  }
0xf3: {  	v12 =	vld [tilespmem:s18+$0x80];
	_ =	sdelay $0x4  }
0xf4: {  	v13 =	vshll.u32 v12, $0x1  }
0xf5: {  	v12 =	vand.u32 $0x7, v12;
	v13 =	vand.u32 $0xFFFFFFF0, v13  }
0xf6: {  	v12 =	vor.u32 v12, v13  }
0xf7: {  	v13 =	vperm.xlane v12, v1;
	_ =	sdelay $0x1  }
0xf8: {  	v12 =	vperm.xlane v12, v3;
	v13 =	vadd.s32 v2, v13;
	_ =	sdelay $0x1  }
0xf9: {  	v12 =	vadd.s32 v2, v12;
	_ =	sdelay $0x1  }
0xfa: {  	s28 =	simm.s32 $0xF800  }
0xfb: {  	[tilespmem:s28], [sflag:$0x3] =	stream.indirect_vreg.gather [hbm4b:s0+s15], $0x80, v13, vm0, $0xb8;
	[tilespmem:$0x1CB00] =	vst v63  }
0xfc: {  	s22 =	simm.s32 $0x10000  }
0xfd: {  	[tilespmem:s22], [sflag:$0x3] =	stream.indirect_vreg.gather [hbm4b:s0+s15], $0x80, v12, vm0, $0xb8;
	[tilespmem:$0x1CB00] =	vst v63  }
0xfe: {  	v12 =	vld [tilespmem:s18+$0x90];
	_ =	sdelay $0x4  }
0xff: {  	v13 =	vshll.u32 v12, $0x1  }
0x100: {  	v12 =	vand.u32 $0x7, v12;
	v13 =	vand.u32 $0xFFFFFFF0, v13  }
0x101: {  	v12 =	vor.u32 v12, v13  }
0x102: {  	v13 =	vperm.xlane v12, v1;
	_ =	sdelay $0x1  }
0x103: {  	v12 =	vperm.xlane v12, v3;
	v13 =	vadd.s32 v2, v13;
	_ =	sdelay $0x1  }
0x104: {  	v12 =	vadd.s32 v2, v12;
	_ =	sdelay $0x1  }
0x105: {  	s23 =	simm.s32 $0x10800  }
0x106: {  	[tilespmem:s23], [sflag:$0x3] =	stream.indirect_vreg.gather [hbm4b:s0+s15], $0x80, v13, vm0, $0xb8;
	[tilespmem:$0x1CB00] =	vst v63  }
0x107: {  	s24 =	simm.s32 $0x11000  }
0x108: {  	[tilespmem:s24], [sflag:$0x3] =	stream.indirect_vreg.gather [hbm4b:s0+s15], $0x80, v12, vm0, $0xb8;
	[tilespmem:$0x1CB00] =	vst v63  }
0x109: {  	v12 =	vld [tilespmem:s18+$0x1450];
	_ =	sdelay $0x4  }
0x10a: {  	v13 =	vshll.u32 v12, $0x1  }
0x10b: {  	v12 =	vand.u32 $0x7, v12;
	v13 =	vand.u32 $0xFFFFFFF0, v13  }
0x10c: {  	v12 =	vor.u32 v12, v13  }
0x10d: {  	v13 =	vperm.xlane v12, v1;
	_ =	sdelay $0x1  }
0x10e: {  	v12 =	vperm.xlane v12, v3;
	v13 =	vadd.s32 v2, v13;
	_ =	sdelay $0x1  }
0x10f: {  	v12 =	vadd.s32 v2, v12;
	_ =	sdelay $0x2  }
0x110: {  	[tilespmem:s25], [sflag:$0x4] =	stream.indirect_vreg.gather [hbm4b:s5+s15], $0x80, v13, vm0, $0xb8;
	[tilespmem:$0x1CB00] =	vst v63  }
0x111: {  	s26 =	simm.s32 $0x12000  }
0x112: {  	[tilespmem:s26], [sflag:$0x4] =	stream.indirect_vreg.gather [hbm4b:s5+s15], $0x80, v12, vm0, $0xb8;
	[tilespmem:$0x1CB00] =	vst v63  }
0x113: {  	v12 =	vld [tilespmem:s18+$0x1460];
	_ =	sdelay $0x4  }
0x114: {  	v13 =	vshll.u32 v12, $0x1  }
0x115: {  	v12 =	vand.u32 $0x7, v12;
	v13 =	vand.u32 $0xFFFFFFF0, v13  }
0x116: {  	v12 =	vor.u32 v12, v13  }
0x117: {  	v13 =	vperm.xlane v12, v1;
	_ =	sdelay $0x1  }
0x118: {  	v12 =	vperm.xlane v12, v3;
	v13 =	vadd.s32 v2, v13;
	_ =	sdelay $0x1  }
0x119: {  	v12 =	vadd.s32 v2, v12;
	_ =	sdelay $0x1  }
0x11a: {  	s28 =	simm.s32 $0x12800  }
0x11b: {  	[tilespmem:s28], [sflag:$0x4] =	stream.indirect_vreg.gather [hbm4b:s5+s15], $0x80, v13, vm0, $0xb8;
	[tilespmem:$0x1CB00] =	vst v63  }
0x11c: {  	_ = 	snop  }
0x11d: {  	[tilespmem:s29], [sflag:$0x4] =	stream.indirect_vreg.gather [hbm4b:s5+s15], $0x80, v12, vm0, $0xb8;
	[tilespmem:$0x1CB00] =	vst v63  }
0x11e: {  	v12 =	vld [tilespmem:s18+$0x1470];
	_ =	sdelay $0x4  }
0x11f: {  	v13 =	vshll.u32 v12, $0x1  }
0x120: {  	v12 =	vand.u32 $0x7, v12;
	v13 =	vand.u32 $0xFFFFFFF0, v13  }
0x121: {  	v12 =	vor.u32 v12, v13  }
0x122: {  	v13 =	vperm.xlane v12, v1;
	_ =	sdelay $0x1  }
0x123: {  	v12 =	vperm.xlane v12, v3;
	v13 =	vadd.s32 v2, v13;
	_ =	sdelay $0x1  }
0x124: {  	v12 =	vadd.s32 v2, v12;
	_ =	sdelay $0x2  }
0x125: {  	[tilespmem:s30], [sflag:$0x4] =	stream.indirect_vreg.gather [hbm4b:s5+s15], $0x80, v13, vm0, $0xb8;
	[tilespmem:$0x1CB00] =	vst v63  }
0x126: {  	_ = 	snop  }
0x127: {  	[tilespmem:s2], [sflag:$0x4] =	stream.indirect_vreg.gather [hbm4b:s5+s15], $0x80, v12, vm0, $0xb8;
	[tilespmem:$0x1CB00] =	vst v63  }
0x128: {  	v12 =	vld [tilespmem:s18+$0x1480];
	_ =	sdelay $0x4  }
0x129: {  	v13 =	vshll.u32 v12, $0x1  }
0x12a: {  	v12 =	vand.u32 $0x7, v12;
	v13 =	vand.u32 $0xFFFFFFF0, v13  }
0x12b: {  	v12 =	vor.u32 v12, v13  }
0x12c: {  	v13 =	vperm.xlane v12, v1;
	_ =	sdelay $0x1  }
0x12d: {  	v12 =	vperm.xlane v12, v3;
	v13 =	vadd.s32 v2, v13;
	_ =	sdelay $0x1  }
0x12e: {  	v12 =	vadd.s32 v2, v12;
	_ =	sdelay $0x2  }
0x12f: {  	[tilespmem:s4], [sflag:$0x4] =	stream.indirect_vreg.gather [hbm4b:s5+s15], $0x80, v13, vm0, $0xb8;
	[tilespmem:$0x1CB00] =	vst v63  }
0x130: {  	_ = 	snop  }
0x131: {  	[tilespmem:s1], [sflag:$0x4] =	stream.indirect_vreg.gather [hbm4b:s5+s15], $0x80, v12, vm0, $0xb8;
	[tilespmem:$0x1CB00] =	vst v63  }
0x132: {  	v12 =	vld [tilespmem:s18+$0x1490];
	_ =	sdelay $0x4  }
0x133: {  	v13 =	vshll.u32 v12, $0x1  }
0x134: {  	v12 =	vand.u32 $0x7, v12;
	v13 =	vand.u32 $0xFFFFFFF0, v13  }
0x135: {  	v12 =	vor.u32 v12, v13  }
0x136: {  	v13 =	vperm.xlane v12, v1;
	_ =	sdelay $0x1  }
0x137: {  	v12 =	vperm.xlane v12, v3;
	v13 =	vadd.s32 v2, v13;
	_ =	sdelay $0x1  }
0x138: {  	v12 =	vadd.s32 v2, v12;
	_ =	sdelay $0x1  }
0x139: {  	v14 =	vor.u32 s15, v0;
	v15 =	vmov s15  }
0x13a: {  	v16 =	vadd.s32 s15, v5;
	v17 =	vadd.s32 s15, v6;
	v15 =	vshll.u32 v15, $0x3;
	[tilespmem:s6], [sflag:$0x4] =	stream.indirect_vreg.gather [hbm4b:s5+s15], $0x80, v13, vm0, $0xb8;
	[tilespmem:$0x1CB00] =	vst v63  }
0x13b: {  	v18 =	vadd.s32 s15, v7;
	v14 =	vand.u32 $0x7F, v14;
	v15 =	vand.u32 $0x400, v15  }
0x13c: {  	v19 =	vand.u32 $0x7F, v16;
	v16 =	vshll.u32 v16, $0x3;
	v14 =	vor.u32 v14, v15;
	[tilespmem:s8], [sflag:$0x4] =	stream.indirect_vreg.gather [hbm4b:s5+s15], $0x80, v12, vm0, $0xb8;
	[tilespmem:$0x1CB00] =	vst v63  }
0x13d: {  	v16 =	vand.u32 $0x400, v16;
	v15 =	vshll.u32 v17, $0x3;
	v20 =	vor.u32 v4, v14;
	_ =	swait.ge [sflag:s9], $0x5000  }
0x13e: {  	v14 =	vor.u32 v16, v19;
	v16 =	vand.u32 $0x7F, v17;
	v15 =	vand.u32 $0x400, v15;
	[sflag:s9] =	ssyncset.done $0x0  }
0x13f: {  	v19 =	vor.u32 v4, v14;
	v14 =	vor.u32 v15, v16;
	v15 =	vshll.u32 v18, $0x3;
	[sflag:s9] =	ssyncadd.s32 $0xFFFFB000  }
0x140: {  	v17 =	vand.u32 $0x7F, v18;
	v15 =	vand.u32 $0x400, v15;
	_ =	swait.ge [sflag:s10], $0x5000  }
0x141: {  	v15 =	vor.u32 v15, v17;
	s22 =	simm.s32 $0xC;
	[sflag:s10] =	ssyncset.done $0x0  }
0x142: {  	v21 =	vor.u32 v4, v14;
	v15 =	vor.u32 v4, v15;
	v16 =	vadd.s32 s22, v0;
	[sflag:s10] =	ssyncadd.s32 $0xFFFFB000  }
0x143: {  	v22 =	vadd.s32 s22, v5;
	v23 =	vadd.s32 s22, v6;
	v17 =	vshll.u32 v16, $0x3;
	v12 =	vld [tilespmem:s18+$0x0]  }
0x144: {  	v16 =	vand.u32 $0x7F, v16;
	v25 =	vshll.u32 v23, $0x3;
	v18 =	vand.u32 $0x400, v17;
	s24 =	simm.s32 $0x8;
	v13 =	vld [tilespmem:s18+$0x1400]  }
0x145: {  	v26 =	vand.u32 $0x7F, v23;
	v16 =	vor.u32 v18, v16;
	v24 =	vadd.s32 s24, v0;
	v14 =	vld.idx.msk [tilespmem:v20+s20+$0x0], $0xffff  }
0x146: {  	v25 =	vand.u32 $0x400, v25;
	v16 =	vor.u32 v4, v16;
	v27 =	vshll.u32 v24, $0x3;
	v17 =	vld.idx.msk [tilespmem:v20+s31+$0x0], $0xffff  }
0x147: {  	v28 =	vadd.s32 s24, v5;
	v24 =	vand.u32 $0x7F, v24;
	v27 =	vand.u32 $0x400, v27;
	v18 =	vld.idx.msk [tilespmem:v19+s20+$0x0], $0xffff  }
0x148: {  	v26 =	vor.u32 v25, v26;
	v24 =	vor.u32 v27, v24;
	v27 =	vshll.u32 v28, $0x3;
	v19 =	vld.idx.msk [tilespmem:v19+s31+$0x0], $0xffff  }
0x149: {  	v29 =	vadd.s32 s24, v6;
	v28 =	vand.u32 $0x7F, v28;
	v30 =	vand.u32 $0x400, v27;
	v23 =	vld.idx.msk [tilespmem:v15+s20+$0x0], $0xffff  }
0x14a: {  	v31 =	vor.u32 v4, v24;
	v20 =	vshll.u32 v22, $0x3;
	v25 =	vld.idx.msk [tilespmem:v15+s31+$0x0], $0xffff;
	v15 =	vor.u32 v4, v26  }
0x14b: {  	v24 =	vor.u32 v30, v28;
	v22 =	vand.u32 $0x7F, v22;
	v26 =	vld.idx.msk [tilespmem:v16+s20+$0x0], $0xffff;
	v20 =	vand.u32 $0x400, v20  }
0x14c: {  	v30 =	vshll.u32 v29, $0x3;
	v33 =	vor.u32 v4, v24;
	v27 =	vld.idx.msk [tilespmem:v16+s31+$0x0], $0xffff;
	v22 =	vor.u32 v20, v22  }
0x14d: {  	v24 =	vand.u32 $0x7F, v29;
	v30 =	vand.u32 $0x400, v30;
	v20 =	vld.idx.msk [tilespmem:v21+s20+$0x0], $0xffff;
	v22 =	vor.u32 v4, v22  }
0x14e: {  	v24 =	vor.u32 v30, v24;
	v21 =	vld.idx.msk [tilespmem:v21+s31+$0x0], $0xffff  }
0x14f: {  	v34 =	vor.u32 v4, v24;
	v24 =	vld.idx.msk [tilespmem:v15+s31+$0x0], $0xffff  }
0x150: {  	s23 =	simm.s32 $0x4;
	v12 =	vld.idx.msk [tilespmem:v12+s17+$0x0], $0xffff  }
0x151: {  	v16 =	vadd.s32 s23, v0;
	v13 =	vld.idx.msk [tilespmem:v13+s19+$0x0], $0xffff  }
0x152: {  	v35 =	vadd.s32 s23, v5;
	v32 =	vshll.u32 v16, $0x3;
	v28 =	vld.idx.msk [tilespmem:v22+s20+$0x0], $0xffff  }
0x153: {  	v36 =	vadd.s32 s23, v6;
	v16 =	vand.u32 $0x7F, v16;
	v30 =	vand.u32 $0x400, v32;
	v29 =	vld.idx.msk [tilespmem:v22+s31+$0x0], $0xffff  }
0x154: {  	v37 =	vadd.s32 s23, v7;
	v22 =	vld.idx.msk [tilespmem:v15+s20+$0x0], $0xffff;
	v15 =	vor.u32 v30, v16;
	v16 =	vshll.u32 v35, $0x3  }
0x155: {  	v63 =	vand.u32 $0x7F, v35;
	v38 =	vshll.u32 v36, $0x3;
	v32 =	vld.idx.msk [tilespmem:v33+s20+$0x0], $0xffff;
	v16 =	vand.u32 $0x400, v16  }
0x156: {  	v30 =	vld.idx.msk [tilespmem:v31+s20+$0x0], $0xffff;
	v35 =	vor.u32 v4, v15;
	v15 =	vimm.f32 $0.0e+00;
	v39 =	vor.u32 v16, v63  }
0x157: {  	s21 =	sadd.s32 $0x50, s18;
	s23 =	simm.s32 $0x10;
	v31 =	vld.idx.msk [tilespmem:v31+s31+$0x0], $0xffff;
	v16 =	vimm.f32 $0.0e+00;
	v12 =	vadd.f32 v13, v12;
	v13 =	vimm.f32 $0.0e+00  }
.LBB2_4:
0x158: {  	p2 =	slt.u32 s23, $0xF0;
	v39 =	vor.u32 v4, v39;
	v36 =	vand.u32 $0x7F, v36;
	v38 =	vand.u32 $0x400, v38;
	v33 =	vld.idx.msk [tilespmem:v33+s31+$0x0], $0xffff  }
0x159: {  	v41 =	vadd.s32 s24, v7;
	v36 =	vor.u32 v38, v36;
	v38 =	vshll.u32 v37, $0x3;
	v40 =	vld.idx.msk [tilespmem:v34+s20+$0x0], $0xffff  }
0x15a: {  	v37 =	vand.u32 $0x7F, v37;
	v36 =	vor.u32 v4, v36;
	v38 =	vand.u32 $0x400, v38;
	v34 =	vld.idx.msk [tilespmem:v34+s31+$0x0], $0xffff  }
0x15b: {  	v43 =	vadd.s32 s22, v7;
	v42 =	vld.idx.msk [tilespmem:v35+s20+$0x0], $0xffff;
	v37 =	vor.u32 v38, v37;
	v38 =	vshll.u32 v41, $0x3  }
0x15c: {  	v41 =	vand.u32 $0x7F, v41;
	v35 =	vld.idx.msk [tilespmem:v35+s31+$0x0], $0xffff;
	v37 =	vor.u32 v4, v37;
	v38 =	vand.u32 $0x400, v38  }
0x15d: {  	v44 =	vor.u32 s23, v0;
	v45 =	vld.idx.msk [tilespmem:v39+s20+$0x0], $0xffff;
	v38 =	vor.u32 v38, v41;
	v41 =	vshll.u32 v43, $0x3  }
0x15e: {  	v43 =	vand.u32 $0x7F, v43;
	v39 =	vld.idx.msk [tilespmem:v39+s31+$0x0], $0xffff;
	v38 =	vor.u32 v4, v38;
	v41 =	vand.u32 $0x400, v41  }
0x15f: {  	v46 =	vmov s23;
	v47 =	vadd.s32 s23, v5;
	v48 =	vld.idx.msk [tilespmem:v36+s20+$0x0], $0xffff;
	v41 =	vor.u32 v41, v43  }
0x160: {  	v49 =	vadd.s32 s23, v7;
	v43 =	vadd.s32 s23, v6;
	v36 =	vld.idx.msk [tilespmem:v36+s31+$0x0], $0xffff;
	v41 =	vor.u32 v4, v41  }
0x161: {  	v44 =	vand.u32 $0x7F, v44;
	v46 =	vshll.u32 v46, $0x3;
	v50 =	vand.u32 $0x7F, v47;
	v51 =	vld.idx.msk [tilespmem:v37+s20+$0x0], $0xffff  }
0x162: {  	v14 =	vmul.f32 v17, v14;
	v17 =	vmul.f32 v19, v18;
	v47 =	vshll.u32 v47, $0x3;
	v18 =	vld.idx.msk [tilespmem:v37+s31+$0x0], $0xffff  }
0x163: {  	v20 =	vmul.f32 v21, v20;
	v21 =	vmul.f32 v25, v23;
	v19 =	vshll.u32 v43, $0x3;
	v23 =	vld.idx.msk [tilespmem:v38+s20+$0x0], $0xffff  }
0x164: {  	v26 =	vmul.f32 v27, v26;
	v27 =	vmul.f32 v29, v28;
	v25 =	vand.u32 $0x400, v46;
	v37 =	vld.idx.msk [tilespmem:v38+s31+$0x0], $0xffff  }
0x165: {  	v28 =	vand.u32 $0x400, v47;
	v29 =	vmul.f32 v31, v30;
	v30 =	vmul.f32 v33, v32;
	v31 =	vld.idx.msk [tilespmem:v41+s20+$0x0], $0xffff  }
0x166: {  	v25 =	vor.u32 v44, v25;
	v32 =	vmul.f32 v35, v42;
	v33 =	vmul.f32 v39, v45;
	v35 =	vld.idx.msk [tilespmem:v41+s31+$0x0], $0xffff  }
0x167: {  	v12 =	vadd.f32 v14, v12;
	v13 =	vadd.f32 v17, v13;
	v14 =	vmul.f32 v36, v48  }
0x168: {  	v15 =	vadd.f32 v20, v15;
	v16 =	vadd.f32 v21, v16;
	v17 =	vmul.f32 v18, v51  }
0x169: {  	v12 =	vadd.f32 v32, v12;
	v13 =	vadd.f32 v33, v13;
	v18 =	vmul.f32 v34, v40  }
0x16a: {  	v14 =	vadd.f32 v14, v15;
	v15 =	vadd.f32 v17, v16;
	v16 =	vmul.f32 v37, v23  }
0x16b: {  	v12 =	vadd.f32 v29, v12;
	v13 =	vadd.f32 v30, v13;
	v17 =	vmul.f32 v24, v22  }
0x16c: {  	v14 =	vadd.f32 v18, v14;
	v16 =	vadd.f32 v16, v15;
	v18 =	vmul.f32 v35, v31  }
0x16d: {  	v20 =	vor.u32 v4, v25;
	v12 =	vadd.f32 v26, v12;
	v13 =	vadd.f32 v27, v13  }
0x16e: {  	v21 =	vor.u32 v28, v50;
	v15 =	vadd.f32 v17, v14;
	v16 =	vadd.f32 v18, v16  }
0x16f: {  	s22 =	sadd.s32 $0xC, s23;
	v21 =	vor.u32 v4, v21;
	v14 =	vand.u32 $0x7F, v43;
	v17 =	vand.u32 $0x400, v19  }
0x170: {  	v14 =	vor.u32 v17, v14;
	v17 =	vshll.u32 v49, $0x3;
	v18 =	vadd.s32 s22, v0  }
0x171: {  	v19 =	vand.u32 $0x7F, v49;
	v22 =	vor.u32 v4, v14;
	v17 =	vand.u32 $0x400, v17  }
0x172: {  	v24 =	vadd.s32 s22, v5;
	v19 =	vor.u32 v17, v19;
	v23 =	vshll.u32 v18, $0x3;
	v14 =	vld.idx.msk [tilespmem:v20+s20+$0x0], $0xffff  }
0x173: {  	v25 =	vor.u32 v4, v19;
	v19 =	vand.u32 $0x7F, v18;
	v17 =	vld.idx.msk [tilespmem:v20+s31+$0x0], $0xffff;
	v20 =	vand.u32 $0x400, v23  }
0x174: {  	v26 =	vadd.s32 s22, v6;
	v23 =	vshll.u32 v24, $0x3;
	v18 =	vld.idx.msk [tilespmem:v21+s20+$0x0], $0xffff;
	v20 =	vor.u32 v20, v19  }
0x175: {  	s24 =	sadd.s32 $0x8, s23;
	v23 =	vand.u32 $0x400, v23;
	v19 =	vld.idx.msk [tilespmem:v21+s31+$0x0], $0xffff;
	v27 =	vor.u32 v4, v20;
	v21 =	vand.u32 $0x7F, v24  }
0x176: {  	v28 =	vshll.u32 v26, $0x3;
	v24 =	vadd.s32 s24, v0;
	v20 =	vld.idx.msk [tilespmem:v22+s20+$0x0], $0xffff;
	v23 =	vor.u32 v23, v21  }
0x177: {  	v26 =	vand.u32 $0x7F, v26;
	v28 =	vand.u32 $0x400, v28;
	v21 =	vld.idx.msk [tilespmem:v22+s31+$0x0], $0xffff;
	v22 =	vor.u32 v4, v23  }
0x178: {  	v30 =	vadd.s32 s24, v5;
	v26 =	vor.u32 v28, v26;
	v29 =	vshll.u32 v24, $0x3;
	v23 =	vld.idx.msk [tilespmem:v25+s20+$0x0], $0xffff  }
0x179: {  	v31 =	vor.u32 v4, v26;
	v24 =	vand.u32 $0x7F, v24;
	v28 =	vand.u32 $0x400, v29;
	v25 =	vld.idx.msk [tilespmem:v25+s31+$0x0], $0xffff  }
0x17a: {  	v29 =	vadd.s32 s24, v6;
	v24 =	vor.u32 v28, v24;
	v28 =	vshll.u32 v30, $0x3;
	v26 =	vld.idx.msk [tilespmem:v27+s20+$0x0], $0xffff  }
0x17b: {  	s26 =	sadd.s32 $0x4, s23;
	v32 =	vor.u32 v4, v24;
	v24 =	vand.u32 $0x7F, v30;
	v28 =	vand.u32 $0x400, v28;
	v27 =	vld.idx.msk [tilespmem:v27+s31+$0x0], $0xffff  }
0x17c: {  	v34 =	vshll.u32 v29, $0x3;
	v30 =	vadd.s32 s26, v0;
	v24 =	vor.u32 v28, v24;
	v28 =	vld.idx.msk [tilespmem:v22+s20+$0x0], $0xffff  }
0x17d: {  	v34 =	vand.u32 $0x400, v34;
	v33 =	vor.u32 v4, v24;
	v24 =	vand.u32 $0x7F, v29;
	v29 =	vld.idx.msk [tilespmem:v22+s31+$0x0], $0xffff  }
.Ltmp3:
0x17e: {  	v37 =	vadd.s32 s26, v5;
	v35 =	vshll.u32 v30, $0x3;
	v24 =	vor.u32 v34, v24;
	v22 =	vld.idx.msk [tilespmem:v31+s20+$0x0], $0xffff;
	(pc) =	sbr.rel @p2 .LBB2_4-.Ltmp3, $4  }
0x17f: {  	v30 =	vand.u32 $0x7F, v30;
	v35 =	vand.u32 $0x400, v35;
	v34 =	vor.u32 v4, v24;
	v24 =	vld.idx.msk [tilespmem:v31+s31+$0x0], $0xffff  }
0x180: {  	v36 =	vadd.s32 s26, v6;
	v38 =	vshll.u32 v37, $0x3;
	v31 =	vor.u32 v35, v30;
	v30 =	vld.idx.msk [tilespmem:v32+s20+$0x0], $0xffff  }
0x181: {  	v37 =	vand.u32 $0x7F, v37;
	v38 =	vand.u32 $0x400, v38;
	v35 =	vor.u32 v4, v31;
	v31 =	vld.idx.msk [tilespmem:v32+s31+$0x0], $0xffff  }
0x182: {  	s23 =	sadd.s32 $0x10, s23;
	v39 =	vor.u32 v38, v37;
	v38 =	vshll.u32 v36, $0x3;
	v37 =	vadd.s32 s26, v7;
	v32 =	vld.idx.msk [tilespmem:v33+s20+$0x0], $0xffff  }
0x183: {  	_ =	sdelay $0x2  }
0x184: {  	v39 =	vor.u32 v4, v39;
	v36 =	vand.u32 $0x7F, v36;
	v38 =	vand.u32 $0x400, v38  }
0x185: {  	v33 =	vld.idx.msk [tilespmem:v33+s31+$0x0], $0xffff;
	v53 =	vshll.u32 v37, $0x3;
	v36 =	vor.u32 v38, v36  }
0x186: {  	v40 =	vld.idx.msk [tilespmem:v34+s20+$0x0], $0xffff;
	v54 =	vand.u32 $0x7F, v37;
	v38 =	vand.u32 $0x400, v53;
	v36 =	vor.u32 v4, v36  }
0x187: {  	v41 =	vadd.s32 s24, v7;
	v42 =	vld.idx.msk [tilespmem:v35+s20+$0x0], $0xffff;
	v37 =	vor.u32 v38, v54  }
0x188: {  	v57 =	vld.idx.msk [tilespmem:v35+s31+$0x0], $0xffff;
	v56 =	vshll.u32 v41, $0x3;
	v37 =	vor.u32 v4, v37  }
0x189: {  	v43 =	vadd.s32 s22, v7;
	v41 =	vand.u32 $0x7F, v41;
	v38 =	vand.u32 $0x400, v56;
	v44 =	vld.idx.msk [tilespmem:v39+s20+$0x0], $0xffff  }
0x18a: {  	v14 =	vmul.f32 v17, v14;
	v58 =	vshll.u32 v43, $0x3;
	v38 =	vor.u32 v38, v41;
	v39 =	vld.idx.msk [tilespmem:v39+s31+$0x0], $0xffff  }
0x18b: {  	v43 =	vand.u32 $0x7F, v43;
	v41 =	vand.u32 $0x400, v58;
	v38 =	vor.u32 v4, v38;
	v45 =	vld.idx.msk [tilespmem:v36+s20+$0x0], $0xffff  }
0x18c: {  	v17 =	vmul.f32 v19, v18;
	v19 =	vmul.f32 v21, v20;
	v41 =	vor.u32 v41, v43;
	v36 =	vld.idx.msk [tilespmem:v36+s31+$0x0], $0xffff  }
0x18d: {  	v20 =	vmul.f32 v25, v23;
	v23 =	vmul.f32 v27, v26;
	v41 =	vor.u32 v4, v41;
	v59 =	vld.idx.msk [tilespmem:v37+s20+$0x0], $0xffff  }
0x18e: {  	v12 =	vadd.f32 v14, v12;
	v27 =	vmul.f32 v31, v30;
	v30 =	vmul.f32 v57, v42;
	v18 =	vld.idx.msk [tilespmem:v37+s31+$0x0], $0xffff  }
0x18f: {  	v55 =	vld.idx.msk [tilespmem:v34+s31+$0x0], $0xffff  }
0x190: {  	v25 =	vmul.f32 v29, v28;
	v12 =	vadd.f32 v30, v12;
	v21 =	vld.idx.msk [tilespmem:v38+s20+$0x0], $0xffff  }
0x191: {  	v13 =	vadd.f32 v17, v13;
	v15 =	vadd.f32 v19, v15;
	v26 =	vld.idx.msk [tilespmem:v38+s31+$0x0], $0xffff;
	v31 =	vmul.f32 v39, v44  }
0x192: {  	v16 =	vadd.f32 v20, v16;
	v12 =	vadd.f32 v27, v12;
	v29 =	vld.idx.msk [tilespmem:v41+s20+$0x0], $0xffff;
	v14 =	vmul.f32 v36, v45  }
0x193: {  	v28 =	vmul.f32 v33, v32;
	v60 =	vld.idx.msk [tilespmem:v41+s31+$0x0], $0xffff;
	v13 =	vadd.f32 v31, v13;
	v17 =	vmul.f32 v18, v59  }
0x194: {  	s26 =	simm.s32 $0x8;
	v12 =	vadd.f32 v23, v12;
	v18 =	vmul.f32 v55, v40;
	v14 =	vadd.f32 v14, v15  }
0x195: {  	v13 =	vadd.f32 v28, v13;
	v28 =	vadd.s32 s26, v5;
	v15 =	vadd.f32 v17, v16  }
0x196: {  	v16 =	vmul.f32 v26, v21;
	v17 =	vmul.f32 v24, v22;
	v24 =	vadd.s32 s26, v0  }
0x197: {  	v14 =	vadd.f32 v18, v14;
	v13 =	vadd.f32 v25, v13;
	v27 =	vshll.u32 v24, $0x3  }
0x198: {  	v24 =	vand.u32 $0x7F, v24;
	v15 =	vadd.f32 v16, v15;
	v16 =	vmul.f32 v60, v29  }
0x199: {  	s23 =	simm.s32 $0x0;
	v27 =	vand.u32 $0x400, v27;
	v14 =	vadd.f32 v17, v14;
	v12 =	vadd.f32 v13, v12  }
0x19a: {  	v17 =	vadd.s32 s23, v6;
	v24 =	vor.u32 v27, v24;
	v15 =	vadd.f32 v16, v15  }
0x19b: {  	v27 =	vshll.u32 v28, $0x3;
	v28 =	vand.u32 $0x7F, v28;
	v16 =	vadd.s32 s23, v5  }
0x19c: {  	v30 =	vand.u32 $0x400, v27;
	v13 =	vadd.f32 v15, v14;
	v15 =	vmov s23  }
0x19d: {  	v31 =	vor.u32 v8, v24;
	v14 =	vor.u32 s23, v0;
	v15 =	vshll.u32 v15, $0x3  }
0x19e: {  	v24 =	vor.u32 v30, v28;
	v14 =	vand.u32 $0x7F, v14;
	v15 =	vand.u32 $0x400, v15  }
0x19f: {  	v33 =	vor.u32 v8, v24;
	v12 =	vadd.f32 v13, v12;
	v13 =	vld [tilespmem:s18+$0x1410];
	v14 =	vor.u32 v14, v15  }
0x1a0: {  	v19 =	vand.u32 $0x7F, v16;
	v16 =	vshll.u32 v16, $0x3;
	v20 =	vor.u32 v8, v14  }
0x1a1: {  	v18 =	vadd.s32 s23, v7;
	v16 =	vand.u32 $0x400, v16;
	v15 =	vshll.u32 v17, $0x3  }
0x1a2: {  	s22 =	sor.u32 $0x10, s18;
	[tilespmem:s18+$0x1B700] =	vst v12;
	v14 =	vor.u32 v16, v19;
	v16 =	vand.u32 $0x7F, v17;
	v15 =	vand.u32 $0x400, v15  }
0x1a3: {  	s23 =	simm.s32 $0xC;
	v12 =	vld [tilespmem:s22+$0x0];
	v19 =	vor.u32 v8, v14;
	v14 =	vor.u32 v15, v16;
	v15 =	vshll.u32 v18, $0x3  }
0x1a4: {  	v17 =	vand.u32 $0x7F, v18;
	v16 =	vadd.s32 s23, v0;
	v32 =	vld.idx.msk [tilespmem:v33+s20+$0x0], $0xffff;
	v15 =	vand.u32 $0x400, v15  }
0x1a5: {  	v21 =	vor.u32 v8, v14;
	v15 =	vor.u32 v15, v17;
	v17 =	vshll.u32 v16, $0x3;
	v14 =	vld.idx.msk [tilespmem:v20+s20+$0x0], $0xffff  }
0x1a6: {  	v18 =	vand.u32 $0x400, v17;
	v17 =	vld.idx.msk [tilespmem:v20+s31+$0x0], $0xffff  }
0x1a7: {  	v22 =	vadd.s32 s23, v5;
	v16 =	vand.u32 $0x7F, v16;
	v13 =	vld.idx.msk [tilespmem:v13+s19+$0x0], $0xffff  }
0x1a8: {  	v15 =	vor.u32 v8, v15;
	v16 =	vor.u32 v18, v16;
	v20 =	vshll.u32 v22, $0x3;
	v18 =	vld.idx.msk [tilespmem:v19+s20+$0x0], $0xffff  }
0x1a9: {  	v22 =	vand.u32 $0x7F, v22;
	v20 =	vand.u32 $0x400, v20;
	v19 =	vld.idx.msk [tilespmem:v19+s31+$0x0], $0xffff  }
0x1aa: {  	v23 =	vadd.s32 s23, v6;
	v16 =	vor.u32 v8, v16;
	v22 =	vor.u32 v20, v22;
	v20 =	vld.idx.msk [tilespmem:v21+s20+$0x0], $0xffff  }
0x1ab: {  	v25 =	vshll.u32 v23, $0x3;
	v21 =	vld.idx.msk [tilespmem:v21+s31+$0x0], $0xffff  }
0x1ac: {  	v26 =	vand.u32 $0x7F, v23;
	v25 =	vand.u32 $0x400, v25;
	v22 =	vor.u32 v8, v22;
	v12 =	vld.idx.msk [tilespmem:v12+s17+$0x0], $0xffff  }
0x1ad: {  	s28 =	simm.s32 $0x4;
	v26 =	vor.u32 v25, v26;
	v23 =	vld.idx.msk [tilespmem:v15+s20+$0x0], $0xffff  }
0x1ae: {  	v62 =	vadd.s32 s28, v5;
	v25 =	vld.idx.msk [tilespmem:v15+s31+$0x0], $0xffff;
	v15 =	vor.u32 v8, v26  }
0x1af: {  	v63 =	vand.u32 $0x7F, v62;
	v29 =	vadd.s32 s26, v6;
	v26 =	vld.idx.msk [tilespmem:v16+s20+$0x0], $0xffff  }
0x1b0: {  	v37 =	vadd.s32 s28, v7;
	v36 =	vadd.s32 s28, v6;
	v30 =	vshll.u32 v29, $0x3;
	v27 =	vld.idx.msk [tilespmem:v16+s31+$0x0], $0xffff  }
0x1b1: {  	v24 =	vand.u32 $0x7F, v29;
	v30 =	vand.u32 $0x400, v30;
	v16 =	vadd.s32 s28, v0;
	v28 =	vld.idx.msk [tilespmem:v22+s20+$0x0], $0xffff  }
0x1b2: {  	v38 =	vshll.u32 v36, $0x3;
	v24 =	vor.u32 v30, v24;
	v61 =	vshll.u32 v16, $0x3;
	v29 =	vld.idx.msk [tilespmem:v22+s31+$0x0], $0xffff  }
0x1b3: {  	v34 =	vor.u32 v8, v24;
	v16 =	vand.u32 $0x7F, v16;
	v30 =	vand.u32 $0x400, v61;
	v22 =	vld.idx.msk [tilespmem:v15+s20+$0x0], $0xffff  }
0x1b4: {  	v12 =	vadd.f32 v13, v12;
	v24 =	vld.idx.msk [tilespmem:v15+s31+$0x0], $0xffff;
	v15 =	vor.u32 v30, v16;
	v16 =	vshll.u32 v62, $0x3  }
0x1b5: {  	v13 =	vimm.f32 $0.0e+00;
	v30 =	vld.idx.msk [tilespmem:v31+s20+$0x0], $0xffff;
	v16 =	vand.u32 $0x400, v16;
	v35 =	vor.u32 v8, v15  }
0x1b6: {  	s24 =	simm.s32 $0x10;
	v31 =	vld.idx.msk [tilespmem:v31+s31+$0x0], $0xffff;
	v15 =	vimm.f32 $0.0e+00;
	v39 =	vor.u32 v16, v63;
	v16 =	vimm.f32 $0.0e+00  }
.LBB2_6:
0x1b7: {  	p2 =	slt.u32 s24, $0xF0;
	v39 =	vor.u32 v8, v39;
	v36 =	vand.u32 $0x7F, v36;
	v38 =	vand.u32 $0x400, v38;
	v33 =	vld.idx.msk [tilespmem:v33+s31+$0x0], $0xffff  }
0x1b8: {  	v41 =	vadd.s32 s26, v7;
	v36 =	vor.u32 v38, v36;
	v38 =	vshll.u32 v37, $0x3;
	v40 =	vld.idx.msk [tilespmem:v34+s20+$0x0], $0xffff  }
0x1b9: {  	v37 =	vand.u32 $0x7F, v37;
	v36 =	vor.u32 v8, v36;
	v38 =	vand.u32 $0x400, v38;
	v34 =	vld.idx.msk [tilespmem:v34+s31+$0x0], $0xffff  }
0x1ba: {  	v43 =	vadd.s32 s23, v7;
	v42 =	vld.idx.msk [tilespmem:v35+s20+$0x0], $0xffff;
	v37 =	vor.u32 v38, v37;
	v38 =	vshll.u32 v41, $0x3  }
0x1bb: {  	v41 =	vand.u32 $0x7F, v41;
	v35 =	vld.idx.msk [tilespmem:v35+s31+$0x0], $0xffff;
	v37 =	vor.u32 v8, v37;
	v38 =	vand.u32 $0x400, v38  }
0x1bc: {  	v44 =	vor.u32 s24, v0;
	v45 =	vld.idx.msk [tilespmem:v39+s20+$0x0], $0xffff;
	v38 =	vor.u32 v38, v41;
	v41 =	vshll.u32 v43, $0x3  }
0x1bd: {  	v43 =	vand.u32 $0x7F, v43;
	v39 =	vld.idx.msk [tilespmem:v39+s31+$0x0], $0xffff;
	v38 =	vor.u32 v8, v38;
	v41 =	vand.u32 $0x400, v41  }
0x1be: {  	v46 =	vmov s24;
	v47 =	vadd.s32 s24, v5;
	v48 =	vld.idx.msk [tilespmem:v36+s20+$0x0], $0xffff;
	v41 =	vor.u32 v41, v43  }
0x1bf: {  	v49 =	vadd.s32 s24, v7;
	v43 =	vadd.s32 s24, v6;
	v36 =	vld.idx.msk [tilespmem:v36+s31+$0x0], $0xffff;
	v41 =	vor.u32 v8, v41  }
0x1c0: {  	v44 =	vand.u32 $0x7F, v44;
	v46 =	vshll.u32 v46, $0x3;
	v50 =	vand.u32 $0x7F, v47;
	v51 =	vld.idx.msk [tilespmem:v37+s20+$0x0], $0xffff  }
0x1c1: {  	v14 =	vmul.f32 v17, v14;
	v17 =	vmul.f32 v19, v18;
	v47 =	vshll.u32 v47, $0x3;
	v18 =	vld.idx.msk [tilespmem:v37+s31+$0x0], $0xffff  }
0x1c2: {  	v20 =	vmul.f32 v21, v20;
	v21 =	vmul.f32 v25, v23;
	v19 =	vshll.u32 v43, $0x3;
	v23 =	vld.idx.msk [tilespmem:v38+s20+$0x0], $0xffff  }
0x1c3: {  	v26 =	vmul.f32 v27, v26;
	v27 =	vmul.f32 v29, v28;
	v25 =	vand.u32 $0x400, v46;
	v37 =	vld.idx.msk [tilespmem:v38+s31+$0x0], $0xffff  }
0x1c4: {  	v28 =	vand.u32 $0x400, v47;
	v29 =	vmul.f32 v31, v30;
	v30 =	vmul.f32 v33, v32;
	v31 =	vld.idx.msk [tilespmem:v41+s20+$0x0], $0xffff  }
0x1c5: {  	v25 =	vor.u32 v44, v25;
	v32 =	vmul.f32 v35, v42;
	v33 =	vmul.f32 v39, v45;
	v35 =	vld.idx.msk [tilespmem:v41+s31+$0x0], $0xffff  }
0x1c6: {  	v12 =	vadd.f32 v14, v12;
	v13 =	vadd.f32 v17, v13;
	v14 =	vmul.f32 v36, v48  }
0x1c7: {  	v15 =	vadd.f32 v20, v15;
	v16 =	vadd.f32 v21, v16;
	v17 =	vmul.f32 v18, v51  }
0x1c8: {  	v12 =	vadd.f32 v32, v12;
	v13 =	vadd.f32 v33, v13;
	v18 =	vmul.f32 v34, v40  }
0x1c9: {  	v14 =	vadd.f32 v14, v15;
	v15 =	vadd.f32 v17, v16;
	v16 =	vmul.f32 v37, v23  }
0x1ca: {  	v12 =	vadd.f32 v29, v12;
	v13 =	vadd.f32 v30, v13;
	v17 =	vmul.f32 v24, v22  }
0x1cb: {  	v14 =	vadd.f32 v18, v14;
	v16 =	vadd.f32 v16, v15;
	v18 =	vmul.f32 v35, v31  }
0x1cc: {  	v20 =	vor.u32 v8, v25;
	v12 =	vadd.f32 v26, v12;
	v13 =	vadd.f32 v27, v13  }
0x1cd: {  	v21 =	vor.u32 v28, v50;
	v15 =	vadd.f32 v17, v14;
	v16 =	vadd.f32 v18, v16  }
0x1ce: {  	s23 =	sadd.s32 $0xC, s24;
	v21 =	vor.u32 v8, v21;
	v14 =	vand.u32 $0x7F, v43;
	v17 =	vand.u32 $0x400, v19  }
0x1cf: {  	v14 =	vor.u32 v17, v14;
	v17 =	vshll.u32 v49, $0x3;
	v18 =	vadd.s32 s23, v0  }
0x1d0: {  	v19 =	vand.u32 $0x7F, v49;
	v22 =	vor.u32 v8, v14;
	v17 =	vand.u32 $0x400, v17  }
0x1d1: {  	v24 =	vadd.s32 s23, v5;
	v19 =	vor.u32 v17, v19;
	v23 =	vshll.u32 v18, $0x3;
	v14 =	vld.idx.msk [tilespmem:v20+s20+$0x0], $0xffff  }
0x1d2: {  	v25 =	vor.u32 v8, v19;
	v19 =	vand.u32 $0x7F, v18;
	v17 =	vld.idx.msk [tilespmem:v20+s31+$0x0], $0xffff;
	v20 =	vand.u32 $0x400, v23  }
0x1d3: {  	v26 =	vadd.s32 s23, v6;
	v23 =	vshll.u32 v24, $0x3;
	v18 =	vld.idx.msk [tilespmem:v21+s20+$0x0], $0xffff;
	v20 =	vor.u32 v20, v19  }
0x1d4: {  	s26 =	sadd.s32 $0x8, s24;
	v23 =	vand.u32 $0x400, v23;
	v19 =	vld.idx.msk [tilespmem:v21+s31+$0x0], $0xffff;
	v27 =	vor.u32 v8, v20;
	v21 =	vand.u32 $0x7F, v24  }
0x1d5: {  	v28 =	vshll.u32 v26, $0x3;
	v24 =	vadd.s32 s26, v0;
	v20 =	vld.idx.msk [tilespmem:v22+s20+$0x0], $0xffff;
	v23 =	vor.u32 v23, v21  }
0x1d6: {  	v26 =	vand.u32 $0x7F, v26;
	v28 =	vand.u32 $0x400, v28;
	v21 =	vld.idx.msk [tilespmem:v22+s31+$0x0], $0xffff;
	v22 =	vor.u32 v8, v23  }
0x1d7: {  	v30 =	vadd.s32 s26, v5;
	v26 =	vor.u32 v28, v26;
	v29 =	vshll.u32 v24, $0x3;
	v23 =	vld.idx.msk [tilespmem:v25+s20+$0x0], $0xffff  }
0x1d8: {  	v31 =	vor.u32 v8, v26;
	v24 =	vand.u32 $0x7F, v24;
	v28 =	vand.u32 $0x400, v29;
	v25 =	vld.idx.msk [tilespmem:v25+s31+$0x0], $0xffff  }
0x1d9: {  	v29 =	vadd.s32 s26, v6;
	v24 =	vor.u32 v28, v24;
	v28 =	vshll.u32 v30, $0x3;
	v26 =	vld.idx.msk [tilespmem:v27+s20+$0x0], $0xffff  }
0x1da: {  	s28 =	sadd.s32 $0x4, s24;
	v32 =	vor.u32 v8, v24;
	v24 =	vand.u32 $0x7F, v30;
	v28 =	vand.u32 $0x400, v28;
	v27 =	vld.idx.msk [tilespmem:v27+s31+$0x0], $0xffff  }
0x1db: {  	v34 =	vshll.u32 v29, $0x3;
	v30 =	vadd.s32 s28, v0;
	v24 =	vor.u32 v28, v24;
	v28 =	vld.idx.msk [tilespmem:v22+s20+$0x0], $0xffff  }
0x1dc: {  	v34 =	vand.u32 $0x400, v34;
	v33 =	vor.u32 v8, v24;
	v24 =	vand.u32 $0x7F, v29;
	v29 =	vld.idx.msk [tilespmem:v22+s31+$0x0], $0xffff  }
.Ltmp4:
0x1dd: {  	v37 =	vadd.s32 s28, v5;
	v35 =	vshll.u32 v30, $0x3;
	v24 =	vor.u32 v34, v24;
	v22 =	vld.idx.msk [tilespmem:v31+s20+$0x0], $0xffff;
	(pc) =	sbr.rel @p2 .LBB2_6-.Ltmp4, $4  }
0x1de: {  	v30 =	vand.u32 $0x7F, v30;
	v35 =	vand.u32 $0x400, v35;
	v34 =	vor.u32 v8, v24;
	v24 =	vld.idx.msk [tilespmem:v31+s31+$0x0], $0xffff  }
0x1df: {  	v36 =	vadd.s32 s28, v6;
	v38 =	vshll.u32 v37, $0x3;
	v31 =	vor.u32 v35, v30;
	v30 =	vld.idx.msk [tilespmem:v32+s20+$0x0], $0xffff  }
0x1e0: {  	v37 =	vand.u32 $0x7F, v37;
	v38 =	vand.u32 $0x400, v38;
	v35 =	vor.u32 v8, v31;
	v31 =	vld.idx.msk [tilespmem:v32+s31+$0x0], $0xffff  }
0x1e1: {  	s24 =	sadd.s32 $0x10, s24;
	v39 =	vor.u32 v38, v37;
	v38 =	vshll.u32 v36, $0x3;
	v37 =	vadd.s32 s28, v7;
	v32 =	vld.idx.msk [tilespmem:v33+s20+$0x0], $0xffff  }
0x1e2: {  	_ =	sdelay $0x3  }
0x1e3: {  	v39 =	vor.u32 v8, v39;
	v36 =	vand.u32 $0x7F, v36;
	v38 =	vand.u32 $0x400, v38;
	v33 =	vld.idx.msk [tilespmem:v33+s31+$0x0], $0xffff  }
0x1e4: {  	v53 =	vshll.u32 v37, $0x3;
	v40 =	vld.idx.msk [tilespmem:v34+s20+$0x0], $0xffff;
	v41 =	vadd.s32 s26, v7;
	v36 =	vor.u32 v38, v36  }
0x1e5: {  	v54 =	vand.u32 $0x7F, v37;
	v55 =	vld.idx.msk [tilespmem:v34+s31+$0x0], $0xffff;
	v38 =	vand.u32 $0x400, v53;
	v36 =	vor.u32 v8, v36  }
0x1e6: {  	v42 =	vld.idx.msk [tilespmem:v35+s20+$0x0], $0xffff;
	v43 =	vadd.s32 s23, v7;
	v56 =	vshll.u32 v41, $0x3;
	v37 =	vor.u32 v38, v54  }
0x1e7: {  	v57 =	vld.idx.msk [tilespmem:v35+s31+$0x0], $0xffff;
	v41 =	vand.u32 $0x7F, v41;
	v38 =	vand.u32 $0x400, v56;
	v37 =	vor.u32 v8, v37  }
0x1e8: {  	v14 =	vmul.f32 v17, v14;
	v17 =	vmul.f32 v19, v18;
	v38 =	vor.u32 v38, v41;
	v44 =	vld.idx.msk [tilespmem:v39+s20+$0x0], $0xffff  }
0x1e9: {  	v19 =	vmul.f32 v21, v20;
	v58 =	vshll.u32 v43, $0x3;
	v38 =	vor.u32 v8, v38;
	v39 =	vld.idx.msk [tilespmem:v39+s31+$0x0], $0xffff  }
0x1ea: {  	v20 =	vmul.f32 v25, v23;
	v43 =	vand.u32 $0x7F, v43;
	v41 =	vand.u32 $0x400, v58;
	v45 =	vld.idx.msk [tilespmem:v36+s20+$0x0], $0xffff  }
0x1eb: {  	v23 =	vmul.f32 v27, v26;
	v12 =	vadd.f32 v14, v12;
	v41 =	vor.u32 v41, v43;
	v36 =	vld.idx.msk [tilespmem:v36+s31+$0x0], $0xffff  }
0x1ec: {  	v27 =	vmul.f32 v31, v30;
	v41 =	vor.u32 v8, v41;
	v30 =	vmul.f32 v57, v42;
	v59 =	vld.idx.msk [tilespmem:v37+s20+$0x0], $0xffff  }
0x1ed: {  	v18 =	vld.idx.msk [tilespmem:v37+s31+$0x0], $0xffff  }
0x1ee: {  	v12 =	vadd.f32 v30, v12;
	v21 =	vld.idx.msk [tilespmem:v38+s20+$0x0], $0xffff  }
0x1ef: {  	v13 =	vadd.f32 v17, v13;
	v26 =	vld.idx.msk [tilespmem:v38+s31+$0x0], $0xffff;
	v31 =	vmul.f32 v39, v44  }
0x1f0: {  	v25 =	vmul.f32 v29, v28;
	v15 =	vadd.f32 v19, v15;
	v12 =	vadd.f32 v27, v12  }
0x1f1: {  	v28 =	vmul.f32 v33, v32;
	v29 =	vld.idx.msk [tilespmem:v41+s20+$0x0], $0xffff;
	v14 =	vmul.f32 v36, v45;
	v13 =	vadd.f32 v31, v13  }
0x1f2: {  	v16 =	vadd.f32 v20, v16;
	v60 =	vld.idx.msk [tilespmem:v41+s31+$0x0], $0xffff;
	v12 =	vadd.f32 v23, v12;
	v17 =	vmul.f32 v18, v59  }
0x1f3: {  	s26 =	simm.s32 $0x8;
	v18 =	vmul.f32 v55, v40;
	v14 =	vadd.f32 v14, v15;
	v13 =	vadd.f32 v28, v13  }
0x1f4: {  	v28 =	vadd.s32 s26, v5;
	v15 =	vadd.f32 v17, v16;
	v16 =	vmul.f32 v26, v21  }
0x1f5: {  	v17 =	vmul.f32 v24, v22;
	v24 =	vadd.s32 s26, v0;
	v14 =	vadd.f32 v18, v14  }
0x1f6: {  	v13 =	vadd.f32 v25, v13;
	v27 =	vshll.u32 v24, $0x3;
	v24 =	vand.u32 $0x7F, v24  }
0x1f7: {  	v15 =	vadd.f32 v16, v15;
	v16 =	vmul.f32 v60, v29;
	v27 =	vand.u32 $0x400, v27  }
0x1f8: {  	v14 =	vadd.f32 v17, v14;
	v12 =	vadd.f32 v13, v12;
	v24 =	vor.u32 v27, v24  }
0x1f9: {  	s28 =	simm.s32 $0x0;
	v27 =	vshll.u32 v28, $0x3;
	v28 =	vand.u32 $0x7F, v28;
	v15 =	vadd.f32 v16, v15  }
0x1fa: {  	v16 =	vadd.s32 s28, v5;
	v30 =	vand.u32 $0x400, v27;
	v31 =	vor.u32 v9, v24  }
0x1fb: {  	v19 =	vand.u32 $0x7F, v16;
	v13 =	vadd.f32 v15, v14;
	v15 =	vmov s28  }
0x1fc: {  	v16 =	vshll.u32 v16, $0x3;
	v14 =	vor.u32 s28, v0;
	v15 =	vshll.u32 v15, $0x3  }
0x1fd: {  	v24 =	vor.u32 v30, v28;
	v14 =	vand.u32 $0x7F, v14;
	v15 =	vand.u32 $0x400, v15  }
0x1fe: {  	v33 =	vor.u32 v9, v24;
	v12 =	vadd.f32 v13, v12;
	v14 =	vor.u32 v14, v15  }
0x1ff: {  	v17 =	vadd.s32 s28, v6;
	v16 =	vand.u32 $0x400, v16;
	v20 =	vor.u32 v9, v14  }
0x200: {  	v18 =	vadd.s32 s28, v7;
	v15 =	vshll.u32 v17, $0x3;
	[tilespmem:s22+$0x1B700] =	vst v12;
	v14 =	vor.u32 v16, v19  }
0x201: {  	v16 =	vand.u32 $0x7F, v17;
	v15 =	vand.u32 $0x400, v15;
	v12 =	vld [tilespmem:s18+$0x20];
	v19 =	vor.u32 v9, v14  }
0x202: {  	s23 =	simm.s32 $0xC;
	v17 =	vand.u32 $0x7F, v18;
	v13 =	vld [tilespmem:s18+$0x1420];
	v14 =	vor.u32 v15, v16;
	v15 =	vshll.u32 v18, $0x3  }
0x203: {  	v16 =	vadd.s32 s23, v0;
	v32 =	vld.idx.msk [tilespmem:v33+s20+$0x0], $0xffff;
	v15 =	vand.u32 $0x400, v15;
	v21 =	vor.u32 v9, v14  }
0x204: {  	v15 =	vor.u32 v15, v17;
	v17 =	vshll.u32 v16, $0x3;
	v14 =	vld.idx.msk [tilespmem:v20+s20+$0x0], $0xffff  }
0x205: {  	v22 =	vadd.s32 s23, v5;
	v16 =	vand.u32 $0x7F, v16;
	v18 =	vand.u32 $0x400, v17;
	v17 =	vld.idx.msk [tilespmem:v20+s31+$0x0], $0xffff  }
0x206: {  	v16 =	vor.u32 v18, v16;
	v20 =	vshll.u32 v22, $0x3;
	v18 =	vld.idx.msk [tilespmem:v19+s20+$0x0], $0xffff  }
0x207: {  	v15 =	vor.u32 v9, v15;
	v22 =	vand.u32 $0x7F, v22;
	v20 =	vand.u32 $0x400, v20;
	v19 =	vld.idx.msk [tilespmem:v19+s31+$0x0], $0xffff  }
0x208: {  	v22 =	vor.u32 v20, v22;
	v20 =	vld.idx.msk [tilespmem:v21+s20+$0x0], $0xffff  }
0x209: {  	v23 =	vadd.s32 s23, v6;
	v16 =	vor.u32 v9, v16;
	v21 =	vld.idx.msk [tilespmem:v21+s31+$0x0], $0xffff  }
0x20a: {  	v25 =	vshll.u32 v23, $0x3;
	v12 =	vld.idx.msk [tilespmem:v12+s17+$0x0], $0xffff  }
0x20b: {  	v26 =	vand.u32 $0x7F, v23;
	v25 =	vand.u32 $0x400, v25;
	v22 =	vor.u32 v9, v22;
	v13 =	vld.idx.msk [tilespmem:v13+s19+$0x0], $0xffff  }
0x20c: {  	s24 =	simm.s32 $0x4;
	v26 =	vor.u32 v25, v26;
	v23 =	vld.idx.msk [tilespmem:v15+s20+$0x0], $0xffff  }
0x20d: {  	v62 =	vadd.s32 s24, v5;
	v25 =	vld.idx.msk [tilespmem:v15+s31+$0x0], $0xffff;
	v15 =	vor.u32 v9, v26  }
0x20e: {  	v63 =	vand.u32 $0x7F, v62;
	v29 =	vadd.s32 s26, v6;
	v26 =	vld.idx.msk [tilespmem:v16+s20+$0x0], $0xffff  }
0x20f: {  	v37 =	vadd.s32 s24, v7;
	v36 =	vadd.s32 s24, v6;
	v30 =	vshll.u32 v29, $0x3;
	v27 =	vld.idx.msk [tilespmem:v16+s31+$0x0], $0xffff  }
0x210: {  	v24 =	vand.u32 $0x7F, v29;
	v30 =	vand.u32 $0x400, v30;
	v16 =	vadd.s32 s24, v0;
	v28 =	vld.idx.msk [tilespmem:v22+s20+$0x0], $0xffff  }
0x211: {  	v38 =	vshll.u32 v36, $0x3;
	v24 =	vor.u32 v30, v24;
	v61 =	vshll.u32 v16, $0x3;
	v29 =	vld.idx.msk [tilespmem:v22+s31+$0x0], $0xffff  }
0x212: {  	v34 =	vor.u32 v9, v24;
	v16 =	vand.u32 $0x7F, v16;
	v30 =	vand.u32 $0x400, v61;
	v22 =	vld.idx.msk [tilespmem:v15+s20+$0x0], $0xffff  }
0x213: {  	v12 =	vadd.f32 v13, v12;
	v24 =	vld.idx.msk [tilespmem:v15+s31+$0x0], $0xffff;
	v15 =	vor.u32 v30, v16;
	v16 =	vshll.u32 v62, $0x3  }
0x214: {  	v13 =	vimm.f32 $0.0e+00;
	v30 =	vld.idx.msk [tilespmem:v31+s20+$0x0], $0xffff;
	v16 =	vand.u32 $0x400, v16;
	v35 =	vor.u32 v9, v15  }
0x215: {  	s22 =	sadd.s32 $0x20, s18;
	s24 =	simm.s32 $0x10;
	v31 =	vld.idx.msk [tilespmem:v31+s31+$0x0], $0xffff;
	v15 =	vimm.f32 $0.0e+00;
	v39 =	vor.u32 v16, v63;
	v16 =	vimm.f32 $0.0e+00  }
.LBB2_8:
0x216: {  	p2 =	slt.u32 s24, $0xF0;
	v39 =	vor.u32 v9, v39;
	v36 =	vand.u32 $0x7F, v36;
	v38 =	vand.u32 $0x400, v38;
	v33 =	vld.idx.msk [tilespmem:v33+s31+$0x0], $0xffff  }
0x217: {  	v41 =	vadd.s32 s26, v7;
	v36 =	vor.u32 v38, v36;
	v38 =	vshll.u32 v37, $0x3;
	v40 =	vld.idx.msk [tilespmem:v34+s20+$0x0], $0xffff  }
0x218: {  	v37 =	vand.u32 $0x7F, v37;
	v36 =	vor.u32 v9, v36;
	v38 =	vand.u32 $0x400, v38;
	v34 =	vld.idx.msk [tilespmem:v34+s31+$0x0], $0xffff  }
0x219: {  	v43 =	vadd.s32 s23, v7;
	v42 =	vld.idx.msk [tilespmem:v35+s20+$0x0], $0xffff;
	v37 =	vor.u32 v38, v37;
	v38 =	vshll.u32 v41, $0x3  }
0x21a: {  	v41 =	vand.u32 $0x7F, v41;
	v35 =	vld.idx.msk [tilespmem:v35+s31+$0x0], $0xffff;
	v37 =	vor.u32 v9, v37;
	v38 =	vand.u32 $0x400, v38  }
0x21b: {  	v44 =	vor.u32 s24, v0;
	v45 =	vld.idx.msk [tilespmem:v39+s20+$0x0], $0xffff;
	v38 =	vor.u32 v38, v41;
	v41 =	vshll.u32 v43, $0x3  }
0x21c: {  	v43 =	vand.u32 $0x7F, v43;
	v39 =	vld.idx.msk [tilespmem:v39+s31+$0x0], $0xffff;
	v38 =	vor.u32 v9, v38;
	v41 =	vand.u32 $0x400, v41  }
0x21d: {  	v46 =	vmov s24;
	v47 =	vadd.s32 s24, v5;
	v48 =	vld.idx.msk [tilespmem:v36+s20+$0x0], $0xffff;
	v41 =	vor.u32 v41, v43  }
0x21e: {  	v49 =	vadd.s32 s24, v7;
	v43 =	vadd.s32 s24, v6;
	v36 =	vld.idx.msk [tilespmem:v36+s31+$0x0], $0xffff;
	v41 =	vor.u32 v9, v41  }
0x21f: {  	v44 =	vand.u32 $0x7F, v44;
	v46 =	vshll.u32 v46, $0x3;
	v50 =	vand.u32 $0x7F, v47;
	v51 =	vld.idx.msk [tilespmem:v37+s20+$0x0], $0xffff  }
0x220: {  	v14 =	vmul.f32 v17, v14;
	v17 =	vmul.f32 v19, v18;
	v47 =	vshll.u32 v47, $0x3;
	v18 =	vld.idx.msk [tilespmem:v37+s31+$0x0], $0xffff  }
0x221: {  	v20 =	vmul.f32 v21, v20;
	v21 =	vmul.f32 v25, v23;
	v19 =	vshll.u32 v43, $0x3;
	v23 =	vld.idx.msk [tilespmem:v38+s20+$0x0], $0xffff  }
0x222: {  	v26 =	vmul.f32 v27, v26;
	v27 =	vmul.f32 v29, v28;
	v25 =	vand.u32 $0x400, v46;
	v37 =	vld.idx.msk [tilespmem:v38+s31+$0x0], $0xffff  }
0x223: {  	v28 =	vand.u32 $0x400, v47;
	v29 =	vmul.f32 v31, v30;
	v30 =	vmul.f32 v33, v32;
	v31 =	vld.idx.msk [tilespmem:v41+s20+$0x0], $0xffff  }
0x224: {  	v25 =	vor.u32 v44, v25;
	v32 =	vmul.f32 v35, v42;
	v33 =	vmul.f32 v39, v45;
	v35 =	vld.idx.msk [tilespmem:v41+s31+$0x0], $0xffff  }
0x225: {  	v12 =	vadd.f32 v14, v12;
	v13 =	vadd.f32 v17, v13;
	v14 =	vmul.f32 v36, v48  }
0x226: {  	v15 =	vadd.f32 v20, v15;
	v16 =	vadd.f32 v21, v16;
	v17 =	vmul.f32 v18, v51  }
0x227: {  	v12 =	vadd.f32 v32, v12;
	v13 =	vadd.f32 v33, v13;
	v18 =	vmul.f32 v34, v40  }
0x228: {  	v14 =	vadd.f32 v14, v15;
	v15 =	vadd.f32 v17, v16;
	v16 =	vmul.f32 v37, v23  }
0x229: {  	v12 =	vadd.f32 v29, v12;
	v13 =	vadd.f32 v30, v13;
	v17 =	vmul.f32 v24, v22  }
0x22a: {  	v14 =	vadd.f32 v18, v14;
	v16 =	vadd.f32 v16, v15;
	v18 =	vmul.f32 v35, v31  }
0x22b: {  	v20 =	vor.u32 v9, v25;
	v12 =	vadd.f32 v26, v12;
	v13 =	vadd.f32 v27, v13  }
0x22c: {  	v21 =	vor.u32 v28, v50;
	v15 =	vadd.f32 v17, v14;
	v16 =	vadd.f32 v18, v16  }
0x22d: {  	s23 =	sadd.s32 $0xC, s24;
	v21 =	vor.u32 v9, v21;
	v14 =	vand.u32 $0x7F, v43;
	v17 =	vand.u32 $0x400, v19  }
0x22e: {  	v14 =	vor.u32 v17, v14;
	v17 =	vshll.u32 v49, $0x3;
	v18 =	vadd.s32 s23, v0  }
0x22f: {  	v19 =	vand.u32 $0x7F, v49;
	v22 =	vor.u32 v9, v14;
	v17 =	vand.u32 $0x400, v17  }
0x230: {  	v24 =	vadd.s32 s23, v5;
	v19 =	vor.u32 v17, v19;
	v23 =	vshll.u32 v18, $0x3;
	v14 =	vld.idx.msk [tilespmem:v20+s20+$0x0], $0xffff  }
0x231: {  	v25 =	vor.u32 v9, v19;
	v19 =	vand.u32 $0x7F, v18;
	v17 =	vld.idx.msk [tilespmem:v20+s31+$0x0], $0xffff;
	v20 =	vand.u32 $0x400, v23  }
0x232: {  	v26 =	vadd.s32 s23, v6;
	v23 =	vshll.u32 v24, $0x3;
	v18 =	vld.idx.msk [tilespmem:v21+s20+$0x0], $0xffff;
	v20 =	vor.u32 v20, v19  }
0x233: {  	s26 =	sadd.s32 $0x8, s24;
	v23 =	vand.u32 $0x400, v23;
	v19 =	vld.idx.msk [tilespmem:v21+s31+$0x0], $0xffff;
	v27 =	vor.u32 v9, v20;
	v21 =	vand.u32 $0x7F, v24  }
0x234: {  	v28 =	vshll.u32 v26, $0x3;
	v24 =	vadd.s32 s26, v0;
	v20 =	vld.idx.msk [tilespmem:v22+s20+$0x0], $0xffff;
	v23 =	vor.u32 v23, v21  }
0x235: {  	v26 =	vand.u32 $0x7F, v26;
	v28 =	vand.u32 $0x400, v28;
	v21 =	vld.idx.msk [tilespmem:v22+s31+$0x0], $0xffff;
	v22 =	vor.u32 v9, v23  }
0x236: {  	v30 =	vadd.s32 s26, v5;
	v26 =	vor.u32 v28, v26;
	v29 =	vshll.u32 v24, $0x3;
	v23 =	vld.idx.msk [tilespmem:v25+s20+$0x0], $0xffff  }
0x237: {  	v31 =	vor.u32 v9, v26;
	v24 =	vand.u32 $0x7F, v24;
	v28 =	vand.u32 $0x400, v29;
	v25 =	vld.idx.msk [tilespmem:v25+s31+$0x0], $0xffff  }
0x238: {  	v29 =	vadd.s32 s26, v6;
	v24 =	vor.u32 v28, v24;
	v28 =	vshll.u32 v30, $0x3;
	v26 =	vld.idx.msk [tilespmem:v27+s20+$0x0], $0xffff  }
0x239: {  	s28 =	sadd.s32 $0x4, s24;
	v32 =	vor.u32 v9, v24;
	v24 =	vand.u32 $0x7F, v30;
	v28 =	vand.u32 $0x400, v28;
	v27 =	vld.idx.msk [tilespmem:v27+s31+$0x0], $0xffff  }
0x23a: {  	v34 =	vshll.u32 v29, $0x3;
	v30 =	vadd.s32 s28, v0;
	v24 =	vor.u32 v28, v24;
	v28 =	vld.idx.msk [tilespmem:v22+s20+$0x0], $0xffff  }
0x23b: {  	v34 =	vand.u32 $0x400, v34;
	v33 =	vor.u32 v9, v24;
	v24 =	vand.u32 $0x7F, v29;
	v29 =	vld.idx.msk [tilespmem:v22+s31+$0x0], $0xffff  }
.Ltmp5:
0x23c: {  	v37 =	vadd.s32 s28, v5;
	v35 =	vshll.u32 v30, $0x3;
	v24 =	vor.u32 v34, v24;
	v22 =	vld.idx.msk [tilespmem:v31+s20+$0x0], $0xffff;
	(pc) =	sbr.rel @p2 .LBB2_8-.Ltmp5, $4  }
0x23d: {  	v30 =	vand.u32 $0x7F, v30;
	v35 =	vand.u32 $0x400, v35;
	v34 =	vor.u32 v9, v24;
	v24 =	vld.idx.msk [tilespmem:v31+s31+$0x0], $0xffff  }
0x23e: {  	v36 =	vadd.s32 s28, v6;
	v38 =	vshll.u32 v37, $0x3;
	v31 =	vor.u32 v35, v30;
	v30 =	vld.idx.msk [tilespmem:v32+s20+$0x0], $0xffff  }
0x23f: {  	v37 =	vand.u32 $0x7F, v37;
	v38 =	vand.u32 $0x400, v38;
	v35 =	vor.u32 v9, v31;
	v31 =	vld.idx.msk [tilespmem:v32+s31+$0x0], $0xffff  }
0x240: {  	s24 =	sadd.s32 $0x10, s24;
	v39 =	vor.u32 v38, v37;
	v38 =	vshll.u32 v36, $0x3;
	v37 =	vadd.s32 s28, v7;
	v32 =	vld.idx.msk [tilespmem:v33+s20+$0x0], $0xffff  }
0x241: {  	_ =	sdelay $0x3  }
0x242: {  	v39 =	vor.u32 v9, v39;
	v36 =	vand.u32 $0x7F, v36;
	v38 =	vand.u32 $0x400, v38;
	v33 =	vld.idx.msk [tilespmem:v33+s31+$0x0], $0xffff  }
0x243: {  	v53 =	vshll.u32 v37, $0x3;
	v40 =	vld.idx.msk [tilespmem:v34+s20+$0x0], $0xffff;
	v41 =	vadd.s32 s26, v7;
	v36 =	vor.u32 v38, v36  }
0x244: {  	v54 =	vand.u32 $0x7F, v37;
	v55 =	vld.idx.msk [tilespmem:v34+s31+$0x0], $0xffff;
	v38 =	vand.u32 $0x400, v53;
	v36 =	vor.u32 v9, v36  }
0x245: {  	v42 =	vld.idx.msk [tilespmem:v35+s20+$0x0], $0xffff;
	v43 =	vadd.s32 s23, v7;
	v56 =	vshll.u32 v41, $0x3;
	v37 =	vor.u32 v38, v54  }
0x246: {  	v57 =	vld.idx.msk [tilespmem:v35+s31+$0x0], $0xffff;
	v41 =	vand.u32 $0x7F, v41;
	v38 =	vand.u32 $0x400, v56;
	v37 =	vor.u32 v9, v37  }
0x247: {  	v14 =	vmul.f32 v17, v14;
	v17 =	vmul.f32 v19, v18;
	v38 =	vor.u32 v38, v41;
	v44 =	vld.idx.msk [tilespmem:v39+s20+$0x0], $0xffff  }
0x248: {  	v19 =	vmul.f32 v21, v20;
	v58 =	vshll.u32 v43, $0x3;
	v38 =	vor.u32 v9, v38;
	v39 =	vld.idx.msk [tilespmem:v39+s31+$0x0], $0xffff  }
0x249: {  	v20 =	vmul.f32 v25, v23;
	v43 =	vand.u32 $0x7F, v43;
	v41 =	vand.u32 $0x400, v58;
	v45 =	vld.idx.msk [tilespmem:v36+s20+$0x0], $0xffff  }
0x24a: {  	v23 =	vmul.f32 v27, v26;
	v12 =	vadd.f32 v14, v12;
	v41 =	vor.u32 v41, v43;
	v36 =	vld.idx.msk [tilespmem:v36+s31+$0x0], $0xffff  }
0x24b: {  	v27 =	vmul.f32 v31, v30;
	v41 =	vor.u32 v9, v41;
	v30 =	vmul.f32 v57, v42;
	v59 =	vld.idx.msk [tilespmem:v37+s20+$0x0], $0xffff  }
0x24c: {  	v18 =	vld.idx.msk [tilespmem:v37+s31+$0x0], $0xffff  }
0x24d: {  	v12 =	vadd.f32 v30, v12;
	v21 =	vld.idx.msk [tilespmem:v38+s20+$0x0], $0xffff  }
0x24e: {  	v13 =	vadd.f32 v17, v13;
	v26 =	vld.idx.msk [tilespmem:v38+s31+$0x0], $0xffff;
	v31 =	vmul.f32 v39, v44  }
0x24f: {  	v25 =	vmul.f32 v29, v28;
	v15 =	vadd.f32 v19, v15;
	v12 =	vadd.f32 v27, v12  }
0x250: {  	v28 =	vmul.f32 v33, v32;
	v29 =	vld.idx.msk [tilespmem:v41+s20+$0x0], $0xffff;
	v14 =	vmul.f32 v36, v45;
	v13 =	vadd.f32 v31, v13  }
0x251: {  	v16 =	vadd.f32 v20, v16;
	v60 =	vld.idx.msk [tilespmem:v41+s31+$0x0], $0xffff;
	v12 =	vadd.f32 v23, v12;
	v17 =	vmul.f32 v18, v59  }
0x252: {  	s26 =	simm.s32 $0x8;
	v18 =	vmul.f32 v55, v40;
	v14 =	vadd.f32 v14, v15;
	v13 =	vadd.f32 v28, v13  }
0x253: {  	v28 =	vadd.s32 s26, v5;
	v15 =	vadd.f32 v17, v16;
	v16 =	vmul.f32 v26, v21  }
0x254: {  	v17 =	vmul.f32 v24, v22;
	v24 =	vadd.s32 s26, v0;
	v14 =	vadd.f32 v18, v14  }
0x255: {  	v13 =	vadd.f32 v25, v13;
	v27 =	vshll.u32 v24, $0x3;
	v24 =	vand.u32 $0x7F, v24  }
0x256: {  	v15 =	vadd.f32 v16, v15;
	v16 =	vmul.f32 v60, v29;
	v27 =	vand.u32 $0x400, v27  }
0x257: {  	v14 =	vadd.f32 v17, v14;
	v12 =	vadd.f32 v13, v12;
	v24 =	vor.u32 v27, v24  }
0x258: {  	s28 =	simm.s32 $0x0;
	v27 =	vshll.u32 v28, $0x3;
	v28 =	vand.u32 $0x7F, v28;
	v15 =	vadd.f32 v16, v15  }
0x259: {  	v16 =	vadd.s32 s28, v5;
	v30 =	vand.u32 $0x400, v27;
	v31 =	vor.u32 v10, v24  }
0x25a: {  	v19 =	vand.u32 $0x7F, v16;
	v13 =	vadd.f32 v15, v14;
	v15 =	vmov s28  }
0x25b: {  	v16 =	vshll.u32 v16, $0x3;
	v14 =	vor.u32 s28, v0;
	v15 =	vshll.u32 v15, $0x3  }
0x25c: {  	v24 =	vor.u32 v30, v28;
	v14 =	vand.u32 $0x7F, v14;
	v15 =	vand.u32 $0x400, v15  }
0x25d: {  	v33 =	vor.u32 v10, v24;
	v12 =	vadd.f32 v13, v12;
	v14 =	vor.u32 v14, v15  }
0x25e: {  	v17 =	vadd.s32 s28, v6;
	v16 =	vand.u32 $0x400, v16;
	v20 =	vor.u32 v10, v14  }
0x25f: {  	v18 =	vadd.s32 s28, v7;
	v15 =	vshll.u32 v17, $0x3;
	[tilespmem:s22+$0x1B700] =	vst v12;
	v14 =	vor.u32 v16, v19  }
0x260: {  	v16 =	vand.u32 $0x7F, v17;
	v15 =	vand.u32 $0x400, v15;
	v12 =	vld [tilespmem:s18+$0x30];
	v19 =	vor.u32 v10, v14  }
0x261: {  	s23 =	simm.s32 $0xC;
	v17 =	vand.u32 $0x7F, v18;
	v13 =	vld [tilespmem:s18+$0x1430];
	v14 =	vor.u32 v15, v16;
	v15 =	vshll.u32 v18, $0x3  }
0x262: {  	v16 =	vadd.s32 s23, v0;
	v32 =	vld.idx.msk [tilespmem:v33+s20+$0x0], $0xffff;
	v15 =	vand.u32 $0x400, v15;
	v21 =	vor.u32 v10, v14  }
0x263: {  	v15 =	vor.u32 v15, v17;
	v17 =	vshll.u32 v16, $0x3;
	v14 =	vld.idx.msk [tilespmem:v20+s20+$0x0], $0xffff  }
0x264: {  	v22 =	vadd.s32 s23, v5;
	v16 =	vand.u32 $0x7F, v16;
	v18 =	vand.u32 $0x400, v17;
	v17 =	vld.idx.msk [tilespmem:v20+s31+$0x0], $0xffff  }
0x265: {  	v16 =	vor.u32 v18, v16;
	v20 =	vshll.u32 v22, $0x3;
	v18 =	vld.idx.msk [tilespmem:v19+s20+$0x0], $0xffff  }
0x266: {  	v15 =	vor.u32 v10, v15;
	v22 =	vand.u32 $0x7F, v22;
	v20 =	vand.u32 $0x400, v20;
	v19 =	vld.idx.msk [tilespmem:v19+s31+$0x0], $0xffff  }
0x267: {  	v22 =	vor.u32 v20, v22;
	v20 =	vld.idx.msk [tilespmem:v21+s20+$0x0], $0xffff  }
0x268: {  	v23 =	vadd.s32 s23, v6;
	v16 =	vor.u32 v10, v16;
	v21 =	vld.idx.msk [tilespmem:v21+s31+$0x0], $0xffff  }
0x269: {  	v25 =	vshll.u32 v23, $0x3;
	v12 =	vld.idx.msk [tilespmem:v12+s17+$0x0], $0xffff  }
0x26a: {  	v26 =	vand.u32 $0x7F, v23;
	v25 =	vand.u32 $0x400, v25;
	v22 =	vor.u32 v10, v22;
	v13 =	vld.idx.msk [tilespmem:v13+s19+$0x0], $0xffff  }
0x26b: {  	s24 =	simm.s32 $0x4;
	v26 =	vor.u32 v25, v26;
	v23 =	vld.idx.msk [tilespmem:v15+s20+$0x0], $0xffff  }
0x26c: {  	v62 =	vadd.s32 s24, v5;
	v25 =	vld.idx.msk [tilespmem:v15+s31+$0x0], $0xffff;
	v15 =	vor.u32 v10, v26  }
0x26d: {  	v63 =	vand.u32 $0x7F, v62;
	v29 =	vadd.s32 s26, v6;
	v26 =	vld.idx.msk [tilespmem:v16+s20+$0x0], $0xffff  }
0x26e: {  	v37 =	vadd.s32 s24, v7;
	v36 =	vadd.s32 s24, v6;
	v30 =	vshll.u32 v29, $0x3;
	v27 =	vld.idx.msk [tilespmem:v16+s31+$0x0], $0xffff  }
0x26f: {  	v24 =	vand.u32 $0x7F, v29;
	v30 =	vand.u32 $0x400, v30;
	v16 =	vadd.s32 s24, v0;
	v28 =	vld.idx.msk [tilespmem:v22+s20+$0x0], $0xffff  }
0x270: {  	v38 =	vshll.u32 v36, $0x3;
	v24 =	vor.u32 v30, v24;
	v61 =	vshll.u32 v16, $0x3;
	v29 =	vld.idx.msk [tilespmem:v22+s31+$0x0], $0xffff  }
0x271: {  	v34 =	vor.u32 v10, v24;
	v16 =	vand.u32 $0x7F, v16;
	v30 =	vand.u32 $0x400, v61;
	v22 =	vld.idx.msk [tilespmem:v15+s20+$0x0], $0xffff  }
0x272: {  	v12 =	vadd.f32 v13, v12;
	v24 =	vld.idx.msk [tilespmem:v15+s31+$0x0], $0xffff;
	v15 =	vor.u32 v30, v16;
	v16 =	vshll.u32 v62, $0x3  }
0x273: {  	v13 =	vimm.f32 $0.0e+00;
	v30 =	vld.idx.msk [tilespmem:v31+s20+$0x0], $0xffff;
	v16 =	vand.u32 $0x400, v16;
	v35 =	vor.u32 v10, v15  }
0x274: {  	s22 =	sadd.s32 $0x30, s18;
	s24 =	simm.s32 $0x10;
	v31 =	vld.idx.msk [tilespmem:v31+s31+$0x0], $0xffff;
	v15 =	vimm.f32 $0.0e+00;
	v39 =	vor.u32 v16, v63;
	v16 =	vimm.f32 $0.0e+00  }
.LBB2_10:
0x275: {  	p2 =	slt.u32 s24, $0xF0;
	v39 =	vor.u32 v10, v39;
	v36 =	vand.u32 $0x7F, v36;
	v38 =	vand.u32 $0x400, v38;
	v33 =	vld.idx.msk [tilespmem:v33+s31+$0x0], $0xffff  }
0x276: {  	v41 =	vadd.s32 s26, v7;
	v36 =	vor.u32 v38, v36;
	v38 =	vshll.u32 v37, $0x3;
	v40 =	vld.idx.msk [tilespmem:v34+s20+$0x0], $0xffff  }
0x277: {  	v37 =	vand.u32 $0x7F, v37;
	v36 =	vor.u32 v10, v36;
	v38 =	vand.u32 $0x400, v38;
	v34 =	vld.idx.msk [tilespmem:v34+s31+$0x0], $0xffff  }
0x278: {  	v43 =	vadd.s32 s23, v7;
	v42 =	vld.idx.msk [tilespmem:v35+s20+$0x0], $0xffff;
	v37 =	vor.u32 v38, v37;
	v38 =	vshll.u32 v41, $0x3  }
0x279: {  	v41 =	vand.u32 $0x7F, v41;
	v35 =	vld.idx.msk [tilespmem:v35+s31+$0x0], $0xffff;
	v37 =	vor.u32 v10, v37;
	v38 =	vand.u32 $0x400, v38  }
0x27a: {  	v44 =	vor.u32 s24, v0;
	v45 =	vld.idx.msk [tilespmem:v39+s20+$0x0], $0xffff;
	v38 =	vor.u32 v38, v41;
	v41 =	vshll.u32 v43, $0x3  }
0x27b: {  	v43 =	vand.u32 $0x7F, v43;
	v39 =	vld.idx.msk [tilespmem:v39+s31+$0x0], $0xffff;
	v38 =	vor.u32 v10, v38;
	v41 =	vand.u32 $0x400, v41  }
0x27c: {  	v46 =	vmov s24;
	v47 =	vadd.s32 s24, v5;
	v48 =	vld.idx.msk [tilespmem:v36+s20+$0x0], $0xffff;
	v41 =	vor.u32 v41, v43  }
0x27d: {  	v49 =	vadd.s32 s24, v7;
	v43 =	vadd.s32 s24, v6;
	v36 =	vld.idx.msk [tilespmem:v36+s31+$0x0], $0xffff;
	v41 =	vor.u32 v10, v41  }
0x27e: {  	v44 =	vand.u32 $0x7F, v44;
	v46 =	vshll.u32 v46, $0x3;
	v50 =	vand.u32 $0x7F, v47;
	v51 =	vld.idx.msk [tilespmem:v37+s20+$0x0], $0xffff  }
0x27f: {  	v14 =	vmul.f32 v17, v14;
	v17 =	vmul.f32 v19, v18;
	v47 =	vshll.u32 v47, $0x3;
	v18 =	vld.idx.msk [tilespmem:v37+s31+$0x0], $0xffff  }
0x280: {  	v20 =	vmul.f32 v21, v20;
	v21 =	vmul.f32 v25, v23;
	v19 =	vshll.u32 v43, $0x3;
	v23 =	vld.idx.msk [tilespmem:v38+s20+$0x0], $0xffff  }
0x281: {  	v26 =	vmul.f32 v27, v26;
	v27 =	vmul.f32 v29, v28;
	v25 =	vand.u32 $0x400, v46;
	v37 =	vld.idx.msk [tilespmem:v38+s31+$0x0], $0xffff  }
0x282: {  	v28 =	vand.u32 $0x400, v47;
	v29 =	vmul.f32 v31, v30;
	v30 =	vmul.f32 v33, v32;
	v31 =	vld.idx.msk [tilespmem:v41+s20+$0x0], $0xffff  }
0x283: {  	v25 =	vor.u32 v44, v25;
	v32 =	vmul.f32 v35, v42;
	v33 =	vmul.f32 v39, v45;
	v35 =	vld.idx.msk [tilespmem:v41+s31+$0x0], $0xffff  }
0x284: {  	v12 =	vadd.f32 v14, v12;
	v13 =	vadd.f32 v17, v13;
	v14 =	vmul.f32 v36, v48  }
0x285: {  	v15 =	vadd.f32 v20, v15;
	v16 =	vadd.f32 v21, v16;
	v17 =	vmul.f32 v18, v51  }
0x286: {  	v12 =	vadd.f32 v32, v12;
	v13 =	vadd.f32 v33, v13;
	v18 =	vmul.f32 v34, v40  }
0x287: {  	v14 =	vadd.f32 v14, v15;
	v15 =	vadd.f32 v17, v16;
	v16 =	vmul.f32 v37, v23  }
0x288: {  	v12 =	vadd.f32 v29, v12;
	v13 =	vadd.f32 v30, v13;
	v17 =	vmul.f32 v24, v22  }
0x289: {  	v14 =	vadd.f32 v18, v14;
	v16 =	vadd.f32 v16, v15;
	v18 =	vmul.f32 v35, v31  }
0x28a: {  	v20 =	vor.u32 v10, v25;
	v12 =	vadd.f32 v26, v12;
	v13 =	vadd.f32 v27, v13  }
0x28b: {  	v21 =	vor.u32 v28, v50;
	v15 =	vadd.f32 v17, v14;
	v16 =	vadd.f32 v18, v16  }
0x28c: {  	s23 =	sadd.s32 $0xC, s24;
	v21 =	vor.u32 v10, v21;
	v14 =	vand.u32 $0x7F, v43;
	v17 =	vand.u32 $0x400, v19  }
0x28d: {  	v14 =	vor.u32 v17, v14;
	v17 =	vshll.u32 v49, $0x3;
	v18 =	vadd.s32 s23, v0  }
0x28e: {  	v19 =	vand.u32 $0x7F, v49;
	v22 =	vor.u32 v10, v14;
	v17 =	vand.u32 $0x400, v17  }
0x28f: {  	v24 =	vadd.s32 s23, v5;
	v19 =	vor.u32 v17, v19;
	v23 =	vshll.u32 v18, $0x3;
	v14 =	vld.idx.msk [tilespmem:v20+s20+$0x0], $0xffff  }
0x290: {  	v25 =	vor.u32 v10, v19;
	v19 =	vand.u32 $0x7F, v18;
	v17 =	vld.idx.msk [tilespmem:v20+s31+$0x0], $0xffff;
	v20 =	vand.u32 $0x400, v23  }
0x291: {  	v26 =	vadd.s32 s23, v6;
	v23 =	vshll.u32 v24, $0x3;
	v18 =	vld.idx.msk [tilespmem:v21+s20+$0x0], $0xffff;
	v20 =	vor.u32 v20, v19  }
0x292: {  	s26 =	sadd.s32 $0x8, s24;
	v23 =	vand.u32 $0x400, v23;
	v19 =	vld.idx.msk [tilespmem:v21+s31+$0x0], $0xffff;
	v27 =	vor.u32 v10, v20;
	v21 =	vand.u32 $0x7F, v24  }
0x293: {  	v28 =	vshll.u32 v26, $0x3;
	v24 =	vadd.s32 s26, v0;
	v20 =	vld.idx.msk [tilespmem:v22+s20+$0x0], $0xffff;
	v23 =	vor.u32 v23, v21  }
0x294: {  	v26 =	vand.u32 $0x7F, v26;
	v28 =	vand.u32 $0x400, v28;
	v21 =	vld.idx.msk [tilespmem:v22+s31+$0x0], $0xffff;
	v22 =	vor.u32 v10, v23  }
0x295: {  	v30 =	vadd.s32 s26, v5;
	v26 =	vor.u32 v28, v26;
	v29 =	vshll.u32 v24, $0x3;
	v23 =	vld.idx.msk [tilespmem:v25+s20+$0x0], $0xffff  }
0x296: {  	v31 =	vor.u32 v10, v26;
	v24 =	vand.u32 $0x7F, v24;
	v28 =	vand.u32 $0x400, v29;
	v25 =	vld.idx.msk [tilespmem:v25+s31+$0x0], $0xffff  }
0x297: {  	v29 =	vadd.s32 s26, v6;
	v24 =	vor.u32 v28, v24;
	v28 =	vshll.u32 v30, $0x3;
	v26 =	vld.idx.msk [tilespmem:v27+s20+$0x0], $0xffff  }
0x298: {  	s28 =	sadd.s32 $0x4, s24;
	v32 =	vor.u32 v10, v24;
	v24 =	vand.u32 $0x7F, v30;
	v28 =	vand.u32 $0x400, v28;
	v27 =	vld.idx.msk [tilespmem:v27+s31+$0x0], $0xffff  }
0x299: {  	v34 =	vshll.u32 v29, $0x3;
	v30 =	vadd.s32 s28, v0;
	v24 =	vor.u32 v28, v24;
	v28 =	vld.idx.msk [tilespmem:v22+s20+$0x0], $0xffff  }
0x29a: {  	v34 =	vand.u32 $0x400, v34;
	v33 =	vor.u32 v10, v24;
	v24 =	vand.u32 $0x7F, v29;
	v29 =	vld.idx.msk [tilespmem:v22+s31+$0x0], $0xffff  }
.Ltmp6:
0x29b: {  	v37 =	vadd.s32 s28, v5;
	v35 =	vshll.u32 v30, $0x3;
	v24 =	vor.u32 v34, v24;
	v22 =	vld.idx.msk [tilespmem:v31+s20+$0x0], $0xffff;
	(pc) =	sbr.rel @p2 .LBB2_10-.Ltmp6, $4  }
0x29c: {  	v30 =	vand.u32 $0x7F, v30;
	v35 =	vand.u32 $0x400, v35;
	v34 =	vor.u32 v10, v24;
	v24 =	vld.idx.msk [tilespmem:v31+s31+$0x0], $0xffff  }
0x29d: {  	v36 =	vadd.s32 s28, v6;
	v38 =	vshll.u32 v37, $0x3;
	v31 =	vor.u32 v35, v30;
	v30 =	vld.idx.msk [tilespmem:v32+s20+$0x0], $0xffff  }
0x29e: {  	v37 =	vand.u32 $0x7F, v37;
	v38 =	vand.u32 $0x400, v38;
	v35 =	vor.u32 v10, v31;
	v31 =	vld.idx.msk [tilespmem:v32+s31+$0x0], $0xffff  }
0x29f: {  	s24 =	sadd.s32 $0x10, s24;
	v39 =	vor.u32 v38, v37;
	v38 =	vshll.u32 v36, $0x3;
	v37 =	vadd.s32 s28, v7;
	v32 =	vld.idx.msk [tilespmem:v33+s20+$0x0], $0xffff  }
0x2a0: {  	_ =	sdelay $0x3  }
0x2a1: {  	v39 =	vor.u32 v10, v39;
	v36 =	vand.u32 $0x7F, v36;
	v38 =	vand.u32 $0x400, v38;
	v33 =	vld.idx.msk [tilespmem:v33+s31+$0x0], $0xffff  }
0x2a2: {  	v53 =	vshll.u32 v37, $0x3;
	v40 =	vld.idx.msk [tilespmem:v34+s20+$0x0], $0xffff;
	v41 =	vadd.s32 s26, v7;
	v36 =	vor.u32 v38, v36  }
0x2a3: {  	v54 =	vand.u32 $0x7F, v37;
	v55 =	vld.idx.msk [tilespmem:v34+s31+$0x0], $0xffff;
	v38 =	vand.u32 $0x400, v53;
	v36 =	vor.u32 v10, v36  }
0x2a4: {  	v42 =	vld.idx.msk [tilespmem:v35+s20+$0x0], $0xffff;
	v43 =	vadd.s32 s23, v7;
	v56 =	vshll.u32 v41, $0x3;
	v37 =	vor.u32 v38, v54  }
0x2a5: {  	v57 =	vld.idx.msk [tilespmem:v35+s31+$0x0], $0xffff;
	v41 =	vand.u32 $0x7F, v41;
	v38 =	vand.u32 $0x400, v56;
	v37 =	vor.u32 v10, v37  }
0x2a6: {  	v14 =	vmul.f32 v17, v14;
	v17 =	vmul.f32 v19, v18;
	v38 =	vor.u32 v38, v41;
	v44 =	vld.idx.msk [tilespmem:v39+s20+$0x0], $0xffff  }
0x2a7: {  	v19 =	vmul.f32 v21, v20;
	v58 =	vshll.u32 v43, $0x3;
	v38 =	vor.u32 v10, v38;
	v39 =	vld.idx.msk [tilespmem:v39+s31+$0x0], $0xffff  }
0x2a8: {  	v20 =	vmul.f32 v25, v23;
	v43 =	vand.u32 $0x7F, v43;
	v41 =	vand.u32 $0x400, v58;
	v45 =	vld.idx.msk [tilespmem:v36+s20+$0x0], $0xffff  }
0x2a9: {  	v23 =	vmul.f32 v27, v26;
	v12 =	vadd.f32 v14, v12;
	v41 =	vor.u32 v41, v43;
	v36 =	vld.idx.msk [tilespmem:v36+s31+$0x0], $0xffff  }
0x2aa: {  	v27 =	vmul.f32 v31, v30;
	v41 =	vor.u32 v10, v41;
	v30 =	vmul.f32 v57, v42;
	v59 =	vld.idx.msk [tilespmem:v37+s20+$0x0], $0xffff  }
0x2ab: {  	v18 =	vld.idx.msk [tilespmem:v37+s31+$0x0], $0xffff  }
0x2ac: {  	v12 =	vadd.f32 v30, v12;
	v21 =	vld.idx.msk [tilespmem:v38+s20+$0x0], $0xffff  }
0x2ad: {  	v13 =	vadd.f32 v17, v13;
	v26 =	vld.idx.msk [tilespmem:v38+s31+$0x0], $0xffff;
	v31 =	vmul.f32 v39, v44  }
0x2ae: {  	v25 =	vmul.f32 v29, v28;
	v15 =	vadd.f32 v19, v15;
	v12 =	vadd.f32 v27, v12  }
0x2af: {  	v28 =	vmul.f32 v33, v32;
	v29 =	vld.idx.msk [tilespmem:v41+s20+$0x0], $0xffff;
	v14 =	vmul.f32 v36, v45;
	v13 =	vadd.f32 v31, v13  }
0x2b0: {  	v16 =	vadd.f32 v20, v16;
	v60 =	vld.idx.msk [tilespmem:v41+s31+$0x0], $0xffff;
	v12 =	vadd.f32 v23, v12;
	v17 =	vmul.f32 v18, v59  }
0x2b1: {  	s26 =	simm.s32 $0x8;
	v18 =	vmul.f32 v55, v40;
	v14 =	vadd.f32 v14, v15;
	v13 =	vadd.f32 v28, v13  }
0x2b2: {  	v28 =	vadd.s32 s26, v5;
	v15 =	vadd.f32 v17, v16;
	v16 =	vmul.f32 v26, v21  }
0x2b3: {  	v17 =	vmul.f32 v24, v22;
	v24 =	vadd.s32 s26, v0;
	v14 =	vadd.f32 v18, v14  }
0x2b4: {  	v13 =	vadd.f32 v25, v13;
	v27 =	vshll.u32 v24, $0x3;
	v24 =	vand.u32 $0x7F, v24  }
0x2b5: {  	v15 =	vadd.f32 v16, v15;
	v16 =	vmul.f32 v60, v29;
	v27 =	vand.u32 $0x400, v27  }
0x2b6: {  	v14 =	vadd.f32 v17, v14;
	v12 =	vadd.f32 v13, v12;
	v24 =	vor.u32 v27, v24  }
0x2b7: {  	s28 =	simm.s32 $0x0;
	v27 =	vshll.u32 v28, $0x3;
	v28 =	vand.u32 $0x7F, v28;
	v15 =	vadd.f32 v16, v15  }
0x2b8: {  	v16 =	vadd.s32 s28, v5;
	v30 =	vand.u32 $0x400, v27;
	v31 =	vor.u32 v11, v24  }
0x2b9: {  	v19 =	vand.u32 $0x7F, v16;
	v13 =	vadd.f32 v15, v14;
	v15 =	vmov s28  }
0x2ba: {  	v16 =	vshll.u32 v16, $0x3;
	v14 =	vor.u32 s28, v0;
	v15 =	vshll.u32 v15, $0x3  }
0x2bb: {  	v24 =	vor.u32 v30, v28;
	v14 =	vand.u32 $0x7F, v14;
	v15 =	vand.u32 $0x400, v15  }
0x2bc: {  	v33 =	vor.u32 v11, v24;
	v12 =	vadd.f32 v13, v12;
	v14 =	vor.u32 v14, v15  }
0x2bd: {  	v17 =	vadd.s32 s28, v6;
	v16 =	vand.u32 $0x400, v16;
	v20 =	vor.u32 v11, v14  }
0x2be: {  	v18 =	vadd.s32 s28, v7;
	v15 =	vshll.u32 v17, $0x3;
	[tilespmem:s22+$0x1B700] =	vst v12;
	v14 =	vor.u32 v16, v19  }
0x2bf: {  	v16 =	vand.u32 $0x7F, v17;
	v15 =	vand.u32 $0x400, v15;
	v12 =	vld [tilespmem:s18+$0x40];
	v19 =	vor.u32 v11, v14  }
0x2c0: {  	s23 =	simm.s32 $0xC;
	v17 =	vand.u32 $0x7F, v18;
	v13 =	vld [tilespmem:s18+$0x1440];
	v14 =	vor.u32 v15, v16;
	v15 =	vshll.u32 v18, $0x3  }
0x2c1: {  	v16 =	vadd.s32 s23, v0;
	v32 =	vld.idx.msk [tilespmem:v33+s20+$0x0], $0xffff;
	v15 =	vand.u32 $0x400, v15;
	v21 =	vor.u32 v11, v14  }
0x2c2: {  	v15 =	vor.u32 v15, v17;
	v17 =	vshll.u32 v16, $0x3;
	v14 =	vld.idx.msk [tilespmem:v20+s20+$0x0], $0xffff  }
0x2c3: {  	v22 =	vadd.s32 s23, v5;
	v16 =	vand.u32 $0x7F, v16;
	v18 =	vand.u32 $0x400, v17;
	v17 =	vld.idx.msk [tilespmem:v20+s31+$0x0], $0xffff  }
0x2c4: {  	v16 =	vor.u32 v18, v16;
	v20 =	vshll.u32 v22, $0x3;
	v18 =	vld.idx.msk [tilespmem:v19+s20+$0x0], $0xffff  }
0x2c5: {  	v15 =	vor.u32 v11, v15;
	v22 =	vand.u32 $0x7F, v22;
	v20 =	vand.u32 $0x400, v20;
	v19 =	vld.idx.msk [tilespmem:v19+s31+$0x0], $0xffff  }
0x2c6: {  	v22 =	vor.u32 v20, v22;
	v20 =	vld.idx.msk [tilespmem:v21+s20+$0x0], $0xffff  }
0x2c7: {  	v23 =	vadd.s32 s23, v6;
	v16 =	vor.u32 v11, v16;
	v21 =	vld.idx.msk [tilespmem:v21+s31+$0x0], $0xffff  }
0x2c8: {  	v25 =	vshll.u32 v23, $0x3;
	v12 =	vld.idx.msk [tilespmem:v12+s17+$0x0], $0xffff  }
0x2c9: {  	v26 =	vand.u32 $0x7F, v23;
	v25 =	vand.u32 $0x400, v25;
	v22 =	vor.u32 v11, v22;
	v13 =	vld.idx.msk [tilespmem:v13+s19+$0x0], $0xffff  }
0x2ca: {  	s24 =	simm.s32 $0x4;
	v26 =	vor.u32 v25, v26;
	v23 =	vld.idx.msk [tilespmem:v15+s20+$0x0], $0xffff  }
0x2cb: {  	v62 =	vadd.s32 s24, v5;
	v25 =	vld.idx.msk [tilespmem:v15+s31+$0x0], $0xffff;
	v15 =	vor.u32 v11, v26  }
0x2cc: {  	v63 =	vand.u32 $0x7F, v62;
	v29 =	vadd.s32 s26, v6;
	v26 =	vld.idx.msk [tilespmem:v16+s20+$0x0], $0xffff  }
0x2cd: {  	v37 =	vadd.s32 s24, v7;
	v36 =	vadd.s32 s24, v6;
	v30 =	vshll.u32 v29, $0x3;
	v27 =	vld.idx.msk [tilespmem:v16+s31+$0x0], $0xffff  }
0x2ce: {  	v24 =	vand.u32 $0x7F, v29;
	v30 =	vand.u32 $0x400, v30;
	v16 =	vadd.s32 s24, v0;
	v28 =	vld.idx.msk [tilespmem:v22+s20+$0x0], $0xffff  }
0x2cf: {  	v38 =	vshll.u32 v36, $0x3;
	v24 =	vor.u32 v30, v24;
	v61 =	vshll.u32 v16, $0x3;
	v29 =	vld.idx.msk [tilespmem:v22+s31+$0x0], $0xffff  }
0x2d0: {  	v34 =	vor.u32 v11, v24;
	v16 =	vand.u32 $0x7F, v16;
	v30 =	vand.u32 $0x400, v61;
	v22 =	vld.idx.msk [tilespmem:v15+s20+$0x0], $0xffff  }
0x2d1: {  	v12 =	vadd.f32 v13, v12;
	v24 =	vld.idx.msk [tilespmem:v15+s31+$0x0], $0xffff;
	v15 =	vor.u32 v30, v16;
	v16 =	vshll.u32 v62, $0x3  }
0x2d2: {  	v13 =	vimm.f32 $0.0e+00;
	v30 =	vld.idx.msk [tilespmem:v31+s20+$0x0], $0xffff;
	v16 =	vand.u32 $0x400, v16;
	v35 =	vor.u32 v11, v15  }
0x2d3: {  	s22 =	sadd.s32 $0x40, s18;
	s24 =	simm.s32 $0x10;
	v31 =	vld.idx.msk [tilespmem:v31+s31+$0x0], $0xffff;
	v15 =	vimm.f32 $0.0e+00;
	v39 =	vor.u32 v16, v63;
	v16 =	vimm.f32 $0.0e+00  }
.LBB2_12:
0x2d4: {  	p2 =	slt.u32 s24, $0xF0;
	v39 =	vor.u32 v11, v39;
	v36 =	vand.u32 $0x7F, v36;
	v38 =	vand.u32 $0x400, v38;
	v33 =	vld.idx.msk [tilespmem:v33+s31+$0x0], $0xffff  }
0x2d5: {  	v41 =	vadd.s32 s26, v7;
	v36 =	vor.u32 v38, v36;
	v38 =	vshll.u32 v37, $0x3;
	v40 =	vld.idx.msk [tilespmem:v34+s20+$0x0], $0xffff  }
0x2d6: {  	v37 =	vand.u32 $0x7F, v37;
	v36 =	vor.u32 v11, v36;
	v38 =	vand.u32 $0x400, v38;
	v34 =	vld.idx.msk [tilespmem:v34+s31+$0x0], $0xffff  }
0x2d7: {  	v43 =	vadd.s32 s23, v7;
	v42 =	vld.idx.msk [tilespmem:v35+s20+$0x0], $0xffff;
	v37 =	vor.u32 v38, v37;
	v38 =	vshll.u32 v41, $0x3  }
0x2d8: {  	v41 =	vand.u32 $0x7F, v41;
	v35 =	vld.idx.msk [tilespmem:v35+s31+$0x0], $0xffff;
	v37 =	vor.u32 v11, v37;
	v38 =	vand.u32 $0x400, v38  }
0x2d9: {  	v44 =	vor.u32 s24, v0;
	v45 =	vld.idx.msk [tilespmem:v39+s20+$0x0], $0xffff;
	v38 =	vor.u32 v38, v41;
	v41 =	vshll.u32 v43, $0x3  }
0x2da: {  	v43 =	vand.u32 $0x7F, v43;
	v39 =	vld.idx.msk [tilespmem:v39+s31+$0x0], $0xffff;
	v38 =	vor.u32 v11, v38;
	v41 =	vand.u32 $0x400, v41  }
0x2db: {  	v46 =	vmov s24;
	v47 =	vadd.s32 s24, v5;
	v48 =	vld.idx.msk [tilespmem:v36+s20+$0x0], $0xffff;
	v41 =	vor.u32 v41, v43  }
0x2dc: {  	v49 =	vadd.s32 s24, v7;
	v43 =	vadd.s32 s24, v6;
	v36 =	vld.idx.msk [tilespmem:v36+s31+$0x0], $0xffff;
	v41 =	vor.u32 v11, v41  }
0x2dd: {  	v44 =	vand.u32 $0x7F, v44;
	v46 =	vshll.u32 v46, $0x3;
	v50 =	vand.u32 $0x7F, v47;
	v51 =	vld.idx.msk [tilespmem:v37+s20+$0x0], $0xffff  }
0x2de: {  	v14 =	vmul.f32 v17, v14;
	v17 =	vmul.f32 v19, v18;
	v47 =	vshll.u32 v47, $0x3;
	v18 =	vld.idx.msk [tilespmem:v37+s31+$0x0], $0xffff  }
0x2df: {  	v20 =	vmul.f32 v21, v20;
	v21 =	vmul.f32 v25, v23;
	v19 =	vshll.u32 v43, $0x3;
	v23 =	vld.idx.msk [tilespmem:v38+s20+$0x0], $0xffff  }
0x2e0: {  	v26 =	vmul.f32 v27, v26;
	v27 =	vmul.f32 v29, v28;
	v25 =	vand.u32 $0x400, v46;
	v37 =	vld.idx.msk [tilespmem:v38+s31+$0x0], $0xffff  }
0x2e1: {  	v28 =	vand.u32 $0x400, v47;
	v29 =	vmul.f32 v31, v30;
	v30 =	vmul.f32 v33, v32;
	v31 =	vld.idx.msk [tilespmem:v41+s20+$0x0], $0xffff  }
0x2e2: {  	v25 =	vor.u32 v44, v25;
	v32 =	vmul.f32 v35, v42;
	v33 =	vmul.f32 v39, v45;
	v35 =	vld.idx.msk [tilespmem:v41+s31+$0x0], $0xffff  }
0x2e3: {  	v12 =	vadd.f32 v14, v12;
	v13 =	vadd.f32 v17, v13;
	v14 =	vmul.f32 v36, v48  }
0x2e4: {  	v15 =	vadd.f32 v20, v15;
	v16 =	vadd.f32 v21, v16;
	v17 =	vmul.f32 v18, v51  }
0x2e5: {  	v12 =	vadd.f32 v32, v12;
	v13 =	vadd.f32 v33, v13;
	v18 =	vmul.f32 v34, v40  }
0x2e6: {  	v14 =	vadd.f32 v14, v15;
	v15 =	vadd.f32 v17, v16;
	v16 =	vmul.f32 v37, v23  }
0x2e7: {  	v12 =	vadd.f32 v29, v12;
	v13 =	vadd.f32 v30, v13;
	v17 =	vmul.f32 v24, v22  }
0x2e8: {  	v14 =	vadd.f32 v18, v14;
	v16 =	vadd.f32 v16, v15;
	v18 =	vmul.f32 v35, v31  }
0x2e9: {  	v20 =	vor.u32 v11, v25;
	v12 =	vadd.f32 v26, v12;
	v13 =	vadd.f32 v27, v13  }
0x2ea: {  	v21 =	vor.u32 v28, v50;
	v15 =	vadd.f32 v17, v14;
	v16 =	vadd.f32 v18, v16  }
0x2eb: {  	s23 =	sadd.s32 $0xC, s24;
	v21 =	vor.u32 v11, v21;
	v14 =	vand.u32 $0x7F, v43;
	v17 =	vand.u32 $0x400, v19  }
0x2ec: {  	v14 =	vor.u32 v17, v14;
	v17 =	vshll.u32 v49, $0x3;
	v18 =	vadd.s32 s23, v0  }
0x2ed: {  	v19 =	vand.u32 $0x7F, v49;
	v22 =	vor.u32 v11, v14;
	v17 =	vand.u32 $0x400, v17  }
0x2ee: {  	v24 =	vadd.s32 s23, v5;
	v19 =	vor.u32 v17, v19;
	v23 =	vshll.u32 v18, $0x3;
	v14 =	vld.idx.msk [tilespmem:v20+s20+$0x0], $0xffff  }
0x2ef: {  	v25 =	vor.u32 v11, v19;
	v19 =	vand.u32 $0x7F, v18;
	v17 =	vld.idx.msk [tilespmem:v20+s31+$0x0], $0xffff;
	v20 =	vand.u32 $0x400, v23  }
0x2f0: {  	v26 =	vadd.s32 s23, v6;
	v23 =	vshll.u32 v24, $0x3;
	v18 =	vld.idx.msk [tilespmem:v21+s20+$0x0], $0xffff;
	v20 =	vor.u32 v20, v19  }
0x2f1: {  	s26 =	sadd.s32 $0x8, s24;
	v23 =	vand.u32 $0x400, v23;
	v19 =	vld.idx.msk [tilespmem:v21+s31+$0x0], $0xffff;
	v27 =	vor.u32 v11, v20;
	v21 =	vand.u32 $0x7F, v24  }
0x2f2: {  	v28 =	vshll.u32 v26, $0x3;
	v24 =	vadd.s32 s26, v0;
	v20 =	vld.idx.msk [tilespmem:v22+s20+$0x0], $0xffff;
	v23 =	vor.u32 v23, v21  }
0x2f3: {  	v26 =	vand.u32 $0x7F, v26;
	v28 =	vand.u32 $0x400, v28;
	v21 =	vld.idx.msk [tilespmem:v22+s31+$0x0], $0xffff;
	v22 =	vor.u32 v11, v23  }
0x2f4: {  	v30 =	vadd.s32 s26, v5;
	v26 =	vor.u32 v28, v26;
	v29 =	vshll.u32 v24, $0x3;
	v23 =	vld.idx.msk [tilespmem:v25+s20+$0x0], $0xffff  }
0x2f5: {  	v31 =	vor.u32 v11, v26;
	v24 =	vand.u32 $0x7F, v24;
	v28 =	vand.u32 $0x400, v29;
	v25 =	vld.idx.msk [tilespmem:v25+s31+$0x0], $0xffff  }
0x2f6: {  	v29 =	vadd.s32 s26, v6;
	v24 =	vor.u32 v28, v24;
	v28 =	vshll.u32 v30, $0x3;
	v26 =	vld.idx.msk [tilespmem:v27+s20+$0x0], $0xffff  }
0x2f7: {  	s28 =	sadd.s32 $0x4, s24;
	v32 =	vor.u32 v11, v24;
	v24 =	vand.u32 $0x7F, v30;
	v28 =	vand.u32 $0x400, v28;
	v27 =	vld.idx.msk [tilespmem:v27+s31+$0x0], $0xffff  }
0x2f8: {  	v34 =	vshll.u32 v29, $0x3;
	v30 =	vadd.s32 s28, v0;
	v24 =	vor.u32 v28, v24;
	v28 =	vld.idx.msk [tilespmem:v22+s20+$0x0], $0xffff  }
0x2f9: {  	v34 =	vand.u32 $0x400, v34;
	v33 =	vor.u32 v11, v24;
	v24 =	vand.u32 $0x7F, v29;
	v29 =	vld.idx.msk [tilespmem:v22+s31+$0x0], $0xffff  }
.Ltmp7:
0x2fa: {  	v37 =	vadd.s32 s28, v5;
	v35 =	vshll.u32 v30, $0x3;
	v24 =	vor.u32 v34, v24;
	v22 =	vld.idx.msk [tilespmem:v31+s20+$0x0], $0xffff;
	(pc) =	sbr.rel @p2 .LBB2_12-.Ltmp7, $4  }
0x2fb: {  	v30 =	vand.u32 $0x7F, v30;
	v35 =	vand.u32 $0x400, v35;
	v34 =	vor.u32 v11, v24;
	v24 =	vld.idx.msk [tilespmem:v31+s31+$0x0], $0xffff  }
0x2fc: {  	v36 =	vadd.s32 s28, v6;
	v38 =	vshll.u32 v37, $0x3;
	v31 =	vor.u32 v35, v30;
	v30 =	vld.idx.msk [tilespmem:v32+s20+$0x0], $0xffff  }
0x2fd: {  	v37 =	vand.u32 $0x7F, v37;
	v38 =	vand.u32 $0x400, v38;
	v35 =	vor.u32 v11, v31;
	v31 =	vld.idx.msk [tilespmem:v32+s31+$0x0], $0xffff  }
0x2fe: {  	s24 =	sadd.s32 $0x10, s24;
	v39 =	vor.u32 v38, v37;
	v38 =	vshll.u32 v36, $0x3;
	v37 =	vadd.s32 s28, v7;
	v32 =	vld.idx.msk [tilespmem:v33+s20+$0x0], $0xffff  }
0x2ff: {  	_ =	sdelay $0x3  }
0x300: {  	v39 =	vor.u32 v11, v39;
	v36 =	vand.u32 $0x7F, v36;
	v38 =	vand.u32 $0x400, v38;
	v33 =	vld.idx.msk [tilespmem:v33+s31+$0x0], $0xffff  }
0x301: {  	v55 =	vshll.u32 v37, $0x3;
	v40 =	vld.idx.msk [tilespmem:v34+s20+$0x0], $0xffff;
	v41 =	vadd.s32 s26, v7;
	v36 =	vor.u32 v38, v36  }
0x302: {  	v56 =	vand.u32 $0x7F, v37;
	v34 =	vld.idx.msk [tilespmem:v34+s31+$0x0], $0xffff;
	v38 =	vand.u32 $0x400, v55;
	v36 =	vor.u32 v11, v36  }
0x303: {  	v42 =	vld.idx.msk [tilespmem:v35+s20+$0x0], $0xffff;
	v43 =	vadd.s32 s23, v7;
	v57 =	vshll.u32 v41, $0x3;
	v37 =	vor.u32 v38, v56  }
0x304: {  	v58 =	vld.idx.msk [tilespmem:v35+s31+$0x0], $0xffff;
	v41 =	vand.u32 $0x7F, v41;
	v38 =	vand.u32 $0x400, v57;
	v37 =	vor.u32 v11, v37  }
0x305: {  	v59 =	vshll.u32 v43, $0x3;
	v38 =	vor.u32 v38, v41;
	v44 =	vld.idx.msk [tilespmem:v39+s20+$0x0], $0xffff  }
0x306: {  	v43 =	vand.u32 $0x7F, v43;
	v41 =	vand.u32 $0x400, v59;
	v38 =	vor.u32 v11, v38;
	v39 =	vld.idx.msk [tilespmem:v39+s31+$0x0], $0xffff  }
0x307: {  	v41 =	vor.u32 v41, v43;
	v45 =	vld.idx.msk [tilespmem:v36+s20+$0x0], $0xffff  }
0x308: {  	v41 =	vor.u32 v11, v41;
	v36 =	vld.idx.msk [tilespmem:v36+s31+$0x0], $0xffff  }
0x309: {  	v60 =	vld.idx.msk [tilespmem:v37+s20+$0x0], $0xffff  }
0x30a: {  	v14 =	vmul.f32 v17, v14;
	v61 =	vmul.f32 v19, v18;
	v62 =	vld.idx.msk [tilespmem:v37+s31+$0x0], $0xffff  }
0x30b: {  	v63 =	vmul.f32 v21, v20;
	v47 =	vmul.f32 v27, v26;
	v46 =	vld.idx.msk [tilespmem:v38+s20+$0x0], $0xffff  }
0x30c: {  	v48 =	vmul.f32 v29, v28;
	v12 =	vadd.f32 v14, v12;
	v50 =	vmul.f32 v31, v30;
	v49 =	vld.idx.msk [tilespmem:v38+s31+$0x0], $0xffff  }
0x30d: {  	v13 =	vadd.f32 v61, v13;
	v51 =	vmul.f32 v33, v32;
	v37 =	vmul.f32 v25, v23;
	v52 =	vld.idx.msk [tilespmem:v41+s20+$0x0], $0xffff  }
0x30e: {  	v15 =	vadd.f32 v63, v15;
	v53 =	vmul.f32 v58, v42;
	v54 =	vmul.f32 v39, v44;
	v55 =	vld.idx.msk [tilespmem:v41+s31+$0x0], $0xffff  }
0x30f: {  	v16 =	vadd.f32 v37, v16;
	v56 =	vmul.f32 v36, v45;
	v57 =	vmul.f32 v62, v60  }
0x310: {  	v58 =	vmul.f32 v34, v40;
	v12 =	vadd.f32 v53, v12;
	v13 =	vadd.f32 v54, v13  }
0x311: {  	v14 =	vadd.f32 v56, v15;
	v60 =	vmul.f32 v49, v46;
	v59 =	vadd.f32 v57, v16  }
0x312: {  	v61 =	vmul.f32 v24, v22;
	v12 =	vadd.f32 v50, v12;
	v13 =	vadd.f32 v51, v13  }
0x313: {  	v62 =	vmul.f32 v55, v52;
	v14 =	vadd.f32 v58, v14;
	v15 =	vadd.f32 v60, v59  }
0x314: {  	s28 =	sshll.u32 s7, $0x1;
	v12 =	vadd.f32 v47, v12;
	v13 =	vadd.f32 v48, v13  }
0x315: {  	s23 =	sadd.s32 $0x2, s28;
	v14 =	vadd.f32 v61, v14;
	v15 =	vadd.f32 v62, v15  }
0x316: {  	p2 =	sge.u32 s23, s14  }
.Ltmp8:
0x317: {  	v12 =	vadd.f32 v13, v12;
	v63 =	vadd.f32 v15, v14;
	(pc) =	sbr.rel @p2 .LBB2_15-.Ltmp8, $3  }
0x318: {  	_ = 	snop  }
0x319: {  	v12 =	vadd.f32 v63, v12;
	_ =	sdelay $0x1  }
0x31a: {  	[tilespmem:s22+$0x1B700] =	vst v12  }
0x31b: {  	s22 =	smul.u32 $0x50, s23;
	_ =	sdelay $0x1  }
0x31c: {  	v12 =	vld [tilespmem:s22+$0x0];
	_ =	sdelay $0x4  }
0x31d: {  	v13 =	vshll.u32 v12, $0x1  }
0x31e: {  	v12 =	vand.u32 $0x7, v12;
	v13 =	vand.u32 $0xFFFFFFF0, v13  }
0x31f: {  	v12 =	vor.u32 v12, v13  }
0x320: {  	v13 =	vperm.xlane v12, v1;
	_ =	sdelay $0x1  }
0x321: {  	v12 =	vperm.xlane v12, v3;
	v13 =	vadd.s32 v2, v13;
	_ =	sdelay $0x1  }
0x322: {  	v12 =	vadd.s32 v2, v12;
	_ =	sdelay $0x2  }
0x323: {  	[tilespmem:s20], [sflag:$0x1] =	stream.indirect_vreg.gather [hbm4b:s0+s3], $0x80, v13, vm0, $0xb8;
	[tilespmem:$0x1CB00] =	vst v63  }
0x324: {  	s24 =	simm.s32 $0x3000  }
0x325: {  	[tilespmem:s24], [sflag:$0x1] =	stream.indirect_vreg.gather [hbm4b:s0+s3], $0x80, v12, vm0, $0xb8;
	[tilespmem:$0x1CB00] =	vst v63  }
0x326: {  	v12 =	vld [tilespmem:s22+$0x10];
	_ =	sdelay $0x4  }
0x327: {  	v55 =	vshll.u32 v12, $0x1  }
0x328: {  	v12 =	vand.u32 $0x7, v12;
	v13 =	vand.u32 $0xFFFFFFF0, v55  }
0x329: {  	v12 =	vor.u32 v12, v13  }
0x32a: {  	v13 =	vperm.xlane v12, v1;
	_ =	sdelay $0x1  }
0x32b: {  	v12 =	vperm.xlane v12, v3;
	v13 =	vadd.s32 v2, v13;
	_ =	sdelay $0x1  }
0x32c: {  	v12 =	vadd.s32 v2, v12;
	_ =	sdelay $0x1  }
0x32d: {  	s26 =	simm.s32 $0x3800  }
0x32e: {  	[tilespmem:s26], [sflag:$0x1] =	stream.indirect_vreg.gather [hbm4b:s0+s3], $0x80, v13, vm0, $0xb8;
	[tilespmem:$0x1CB00] =	vst v63  }
0x32f: {  	s28 =	simm.s32 $0x4000  }
0x330: {  	[tilespmem:s28], [sflag:$0x1] =	stream.indirect_vreg.gather [hbm4b:s0+s3], $0x80, v12, vm0, $0xb8;
	[tilespmem:$0x1CB00] =	vst v63  }
0x331: {  	v12 =	vld [tilespmem:s22+$0x20];
	_ =	sdelay $0x4  }
0x332: {  	v56 =	vshll.u32 v12, $0x1  }
0x333: {  	v12 =	vand.u32 $0x7, v12;
	v13 =	vand.u32 $0xFFFFFFF0, v56  }
0x334: {  	v12 =	vor.u32 v12, v13  }
0x335: {  	v13 =	vperm.xlane v12, v1;
	_ =	sdelay $0x1  }
0x336: {  	v12 =	vperm.xlane v12, v3;
	v13 =	vadd.s32 v2, v13;
	_ =	sdelay $0x1  }
0x337: {  	v12 =	vadd.s32 v2, v12;
	_ =	sdelay $0x1  }
0x338: {  	s24 =	simm.s32 $0x4800  }
0x339: {  	[tilespmem:s24], [sflag:$0x1] =	stream.indirect_vreg.gather [hbm4b:s0+s3], $0x80, v13, vm0, $0xb8;
	[tilespmem:$0x1CB00] =	vst v63  }
0x33a: {  	s26 =	simm.s32 $0x5000  }
0x33b: {  	[tilespmem:s26], [sflag:$0x1] =	stream.indirect_vreg.gather [hbm4b:s0+s3], $0x80, v12, vm0, $0xb8;
	[tilespmem:$0x1CB00] =	vst v63  }
0x33c: {  	v12 =	vld [tilespmem:s22+$0x30];
	_ =	sdelay $0x4  }
0x33d: {  	v57 =	vshll.u32 v12, $0x1  }
0x33e: {  	v12 =	vand.u32 $0x7, v12;
	v13 =	vand.u32 $0xFFFFFFF0, v57  }
0x33f: {  	v12 =	vor.u32 v12, v13  }
0x340: {  	v13 =	vperm.xlane v12, v1;
	_ =	sdelay $0x1  }
0x341: {  	v12 =	vperm.xlane v12, v3;
	v13 =	vadd.s32 v2, v13;
	_ =	sdelay $0x1  }
0x342: {  	v12 =	vadd.s32 v2, v12;
	_ =	sdelay $0x1  }
0x343: {  	s28 =	simm.s32 $0x5800  }
0x344: {  	[tilespmem:s28], [sflag:$0x1] =	stream.indirect_vreg.gather [hbm4b:s0+s3], $0x80, v13, vm0, $0xb8;
	[tilespmem:$0x1CB00] =	vst v63  }
0x345: {  	s24 =	simm.s32 $0x6000  }
0x346: {  	[tilespmem:s24], [sflag:$0x1] =	stream.indirect_vreg.gather [hbm4b:s0+s3], $0x80, v12, vm0, $0xb8;
	[tilespmem:$0x1CB00] =	vst v63  }
0x347: {  	v12 =	vld [tilespmem:s22+$0x40];
	_ =	sdelay $0x4  }
0x348: {  	v58 =	vshll.u32 v12, $0x1  }
0x349: {  	v12 =	vand.u32 $0x7, v12;
	v13 =	vand.u32 $0xFFFFFFF0, v58  }
0x34a: {  	v12 =	vor.u32 v12, v13  }
0x34b: {  	v13 =	vperm.xlane v12, v1;
	_ =	sdelay $0x1  }
0x34c: {  	v12 =	vperm.xlane v12, v3;
	v13 =	vadd.s32 v2, v13;
	_ =	sdelay $0x1  }
0x34d: {  	v12 =	vadd.s32 v2, v12;
	_ =	sdelay $0x1  }
0x34e: {  	s26 =	simm.s32 $0x6800  }
0x34f: {  	[tilespmem:s26], [sflag:$0x1] =	stream.indirect_vreg.gather [hbm4b:s0+s3], $0x80, v13, vm0, $0xb8;
	[tilespmem:$0x1CB00] =	vst v63  }
0x350: {  	s28 =	simm.s32 $0x7000  }
0x351: {  	[tilespmem:s28], [sflag:$0x1] =	stream.indirect_vreg.gather [hbm4b:s0+s3], $0x80, v12, vm0, $0xb8;
	[tilespmem:$0x1CB00] =	vst v63  }
0x352: {  	v12 =	vld [tilespmem:s22+$0x1400];
	_ =	sdelay $0x4  }
0x353: {  	v59 =	vshll.u32 v12, $0x1  }
0x354: {  	v12 =	vand.u32 $0x7, v12;
	v13 =	vand.u32 $0xFFFFFFF0, v59  }
0x355: {  	v12 =	vor.u32 v12, v13  }
0x356: {  	v13 =	vperm.xlane v12, v1;
	_ =	sdelay $0x1  }
0x357: {  	v12 =	vperm.xlane v12, v3;
	v13 =	vadd.s32 v2, v13;
	_ =	sdelay $0x1  }
0x358: {  	v12 =	vadd.s32 v2, v12;
	_ =	sdelay $0x2  }
0x359: {  	[tilespmem:s31], [sflag:$0x2] =	stream.indirect_vreg.gather [hbm4b:s5+s3], $0x80, v13, vm0, $0xb8;
	[tilespmem:$0x1CB00] =	vst v63  }
0x35a: {  	s24 =	simm.s32 $0x8000  }
0x35b: {  	[tilespmem:s24], [sflag:$0x2] =	stream.indirect_vreg.gather [hbm4b:s5+s3], $0x80, v12, vm0, $0xb8;
	[tilespmem:$0x1CB00] =	vst v63  }
0x35c: {  	v12 =	vld [tilespmem:s22+$0x1410];
	_ =	sdelay $0x4  }
0x35d: {  	v60 =	vshll.u32 v12, $0x1  }
0x35e: {  	v12 =	vand.u32 $0x7, v12;
	v13 =	vand.u32 $0xFFFFFFF0, v60  }
0x35f: {  	v12 =	vor.u32 v12, v13  }
0x360: {  	v13 =	vperm.xlane v12, v1;
	_ =	sdelay $0x1  }
0x361: {  	v12 =	vperm.xlane v12, v3;
	v13 =	vadd.s32 v2, v13;
	_ =	sdelay $0x1  }
0x362: {  	v12 =	vadd.s32 v2, v12;
	_ =	sdelay $0x1  }
0x363: {  	s26 =	simm.s32 $0x8800  }
0x364: {  	[tilespmem:s26], [sflag:$0x2] =	stream.indirect_vreg.gather [hbm4b:s5+s3], $0x80, v13, vm0, $0xb8;
	[tilespmem:$0x1CB00] =	vst v63  }
0x365: {  	s28 =	simm.s32 $0x9000  }
0x366: {  	[tilespmem:s28], [sflag:$0x2] =	stream.indirect_vreg.gather [hbm4b:s5+s3], $0x80, v12, vm0, $0xb8;
	[tilespmem:$0x1CB00] =	vst v63  }
0x367: {  	v12 =	vld [tilespmem:s22+$0x1420];
	_ =	sdelay $0x4  }
0x368: {  	v61 =	vshll.u32 v12, $0x1  }
0x369: {  	v12 =	vand.u32 $0x7, v12;
	v13 =	vand.u32 $0xFFFFFFF0, v61  }
0x36a: {  	v12 =	vor.u32 v12, v13  }
0x36b: {  	v13 =	vperm.xlane v12, v1;
	_ =	sdelay $0x1  }
0x36c: {  	v12 =	vperm.xlane v12, v3;
	v13 =	vadd.s32 v2, v13;
	_ =	sdelay $0x1  }
0x36d: {  	v12 =	vadd.s32 v2, v12;
	_ =	sdelay $0x1  }
0x36e: {  	s24 =	simm.s32 $0x9800  }
0x36f: {  	[tilespmem:s24], [sflag:$0x2] =	stream.indirect_vreg.gather [hbm4b:s5+s3], $0x80, v13, vm0, $0xb8;
	[tilespmem:$0x1CB00] =	vst v63  }
0x370: {  	s26 =	simm.s32 $0xA000  }
0x371: {  	[tilespmem:s26], [sflag:$0x2] =	stream.indirect_vreg.gather [hbm4b:s5+s3], $0x80, v12, vm0, $0xb8;
	[tilespmem:$0x1CB00] =	vst v63  }
0x372: {  	v12 =	vld [tilespmem:s22+$0x1430];
	_ =	sdelay $0x4  }
0x373: {  	v62 =	vshll.u32 v12, $0x1  }
0x374: {  	v12 =	vand.u32 $0x7, v12;
	v13 =	vand.u32 $0xFFFFFFF0, v62  }
0x375: {  	v12 =	vor.u32 v12, v13  }
0x376: {  	v13 =	vperm.xlane v12, v1;
	_ =	sdelay $0x1  }
0x377: {  	v12 =	vperm.xlane v12, v3;
	v13 =	vadd.s32 v2, v13;
	_ =	sdelay $0x1  }
0x378: {  	v12 =	vadd.s32 v2, v12;
	_ =	sdelay $0x1  }
0x379: {  	s28 =	simm.s32 $0xA800  }
0x37a: {  	[tilespmem:s28], [sflag:$0x2] =	stream.indirect_vreg.gather [hbm4b:s5+s3], $0x80, v13, vm0, $0xb8;
	[tilespmem:$0x1CB00] =	vst v63  }
0x37b: {  	s24 =	simm.s32 $0xB000  }
0x37c: {  	[tilespmem:s24], [sflag:$0x2] =	stream.indirect_vreg.gather [hbm4b:s5+s3], $0x80, v12, vm0, $0xb8;
	[tilespmem:$0x1CB00] =	vst v63  }
0x37d: {  	v12 =	vld [tilespmem:s22+$0x1440];
	_ =	sdelay $0x4  }
0x37e: {  	v63 =	vshll.u32 v12, $0x1  }
0x37f: {  	v12 =	vand.u32 $0x7, v12;
	v13 =	vand.u32 $0xFFFFFFF0, v63  }
0x380: {  	v12 =	vor.u32 v12, v13  }
0x381: {  	v13 =	vperm.xlane v12, v1;
	_ =	sdelay $0x1  }
0x382: {  	v12 =	vperm.xlane v12, v3;
	v13 =	vadd.s32 v2, v13;
	_ =	sdelay $0x1  }
0x383: {  	v12 =	vadd.s32 v2, v12;
	_ =	sdelay $0x1  }
0x384: {  	s26 =	simm.s32 $0xB800  }
0x385: {  	[tilespmem:s26], [sflag:$0x2] =	stream.indirect_vreg.gather [hbm4b:s5+s3], $0x80, v13, vm0, $0xb8;
	[tilespmem:$0x1CB00] =	vst v63  }
0x386: {  	s28 =	simm.s32 $0xC000  }
0x387: {  	[tilespmem:s28], [sflag:$0x2] =	stream.indirect_vreg.gather [hbm4b:s5+s3], $0x80, v12, vm0, $0xb8;
	[tilespmem:$0x1CB00] =	vst v63  }
.LBB2_15:
0x388: {  	s22 =	simm.s32 $0x0  }
0x389: {  	v15 =	vmov s22  }
0x38a: {  	_ =	swait.ge [sflag:s11], $0x5000;
	v14 =	vor.u32 s22, v0;
	v16 =	vadd.s32 s22, v5;
	v15 =	vshll.u32 v15, $0x3  }
0x38b: {  	[sflag:s11] =	ssyncset.done $0x0;
	v17 =	vadd.s32 s22, v6;
	v14 =	vand.u32 $0x7F, v14;
	v15 =	vand.u32 $0x400, v15  }
0x38c: {  	[sflag:s11] =	ssyncadd.s32 $0xFFFFB000;
	v19 =	vand.u32 $0x7F, v16;
	v16 =	vshll.u32 v16, $0x3;
	v14 =	vor.u32 v14, v15  }
0x38d: {  	s24 =	simm.s32 $0x8;
	v18 =	vadd.s32 s22, v7;
	_ =	swait.ge [sflag:s12], $0x5000;
	v16 =	vand.u32 $0x400, v16;
	v20 =	vor.u32 v4, v14  }
0x38e: {  	v24 =	vadd.s32 s24, v0;
	[sflag:s12] =	ssyncset.done $0x0;
	v15 =	vshll.u32 v17, $0x3;
	v14 =	vor.u32 v16, v19  }
0x38f: {  	[sflag:s12] =	ssyncadd.s32 $0xFFFFB000;
	v16 =	vand.u32 $0x7F, v17;
	v15 =	vand.u32 $0x400, v15;
	v19 =	vor.u32 v4, v14  }
0x390: {  	s22 =	simm.s32 $0xC;
	v17 =	vand.u32 $0x7F, v18;
	v12 =	vld [tilespmem:s18+$0x50];
	v14 =	vor.u32 v15, v16;
	v15 =	vshll.u32 v18, $0x3  }
0x391: {  	v13 =	vld [tilespmem:s21+$0x1400];
	v16 =	vadd.s32 s22, v0;
	v15 =	vand.u32 $0x400, v15;
	v21 =	vor.u32 v4, v14  }
0x392: {  	v28 =	vadd.s32 s24, v5;
	v15 =	vor.u32 v15, v17;
	v17 =	vshll.u32 v16, $0x3;
	v14 =	vld.idx.msk [tilespmem:v20+s13+$0x0], $0xffff  }
0x393: {  	v22 =	vadd.s32 s22, v5;
	v16 =	vand.u32 $0x7F, v16;
	v18 =	vand.u32 $0x400, v17;
	v17 =	vld.idx.msk [tilespmem:v20+s25+$0x0], $0xffff  }
0x394: {  	v23 =	vadd.s32 s22, v6;
	v16 =	vor.u32 v18, v16;
	v20 =	vshll.u32 v22, $0x3;
	v18 =	vld.idx.msk [tilespmem:v19+s13+$0x0], $0xffff  }
0x395: {  	v15 =	vor.u32 v4, v15;
	v22 =	vand.u32 $0x7F, v22;
	v20 =	vand.u32 $0x400, v20;
	v19 =	vld.idx.msk [tilespmem:v19+s25+$0x0], $0xffff  }
0x396: {  	v27 =	vshll.u32 v24, $0x3;
	v24 =	vand.u32 $0x7F, v24;
	v22 =	vor.u32 v20, v22;
	v20 =	vld.idx.msk [tilespmem:v21+s13+$0x0], $0xffff  }
0x397: {  	v25 =	vshll.u32 v23, $0x3;
	v27 =	vand.u32 $0x400, v27;
	v16 =	vor.u32 v4, v16;
	v21 =	vld.idx.msk [tilespmem:v21+s25+$0x0], $0xffff  }
0x398: {  	v26 =	vand.u32 $0x7F, v23;
	v24 =	vor.u32 v27, v24;
	v27 =	vshll.u32 v28, $0x3;
	v12 =	vld.idx.msk [tilespmem:v12+s17+$0x0], $0xffff  }
0x399: {  	v28 =	vand.u32 $0x7F, v28;
	v30 =	vand.u32 $0x400, v27;
	v22 =	vor.u32 v4, v22;
	v13 =	vld.idx.msk [tilespmem:v13+s19+$0x0], $0xffff  }
0x39a: {  	v25 =	vand.u32 $0x400, v25;
	v31 =	vor.u32 v4, v24;
	v24 =	vor.u32 v30, v28;
	v23 =	vld.idx.msk [tilespmem:v15+s13+$0x0], $0xffff  }
0x39b: {  	v26 =	vor.u32 v25, v26;
	v33 =	vor.u32 v4, v24;
	v25 =	vld.idx.msk [tilespmem:v15+s25+$0x0], $0xffff  }
0x39c: {  	s23 =	simm.s32 $0x4;
	v15 =	vor.u32 v4, v26;
	v26 =	vld.idx.msk [tilespmem:v16+s13+$0x0], $0xffff  }
0x39d: {  	v29 =	vadd.s32 s24, v6;
	v35 =	vadd.s32 s23, v5;
	v36 =	vadd.s32 s23, v6;
	v27 =	vld.idx.msk [tilespmem:v16+s25+$0x0], $0xffff  }
0x39e: {  	v37 =	vadd.s32 s23, v7;
	v30 =	vshll.u32 v29, $0x3;
	v16 =	vadd.s32 s23, v0;
	v28 =	vld.idx.msk [tilespmem:v22+s13+$0x0], $0xffff  }
0x39f: {  	v24 =	vand.u32 $0x7F, v29;
	v30 =	vand.u32 $0x400, v30;
	v32 =	vshll.u32 v16, $0x3;
	v29 =	vld.idx.msk [tilespmem:v22+s25+$0x0], $0xffff  }
0x3a0: {  	v63 =	vand.u32 $0x7F, v35;
	v24 =	vor.u32 v30, v24;
	v30 =	vand.u32 $0x400, v32;
	v32 =	vld.idx.msk [tilespmem:v33+s13+$0x0], $0xffff  }
0x3a1: {  	v38 =	vshll.u32 v36, $0x3;
	v34 =	vor.u32 v4, v24;
	v16 =	vand.u32 $0x7F, v16;
	v22 =	vld.idx.msk [tilespmem:v15+s13+$0x0], $0xffff  }
0x3a2: {  	v12 =	vadd.f32 v13, v12;
	v24 =	vld.idx.msk [tilespmem:v15+s25+$0x0], $0xffff;
	v15 =	vor.u32 v30, v16;
	v16 =	vshll.u32 v35, $0x3  }
0x3a3: {  	v13 =	vimm.f32 $0.0e+00;
	v30 =	vld.idx.msk [tilespmem:v31+s13+$0x0], $0xffff;
	v16 =	vand.u32 $0x400, v16;
	v35 =	vor.u32 v4, v15  }
0x3a4: {  	s23 =	simm.s32 $0x10;
	v31 =	vld.idx.msk [tilespmem:v31+s25+$0x0], $0xffff;
	v15 =	vimm.f32 $0.0e+00;
	v39 =	vor.u32 v16, v63;
	v16 =	vimm.f32 $0.0e+00  }
.LBB2_16:
0x3a5: {  	p2 =	slt.u32 s23, $0xF0;
	v39 =	vor.u32 v4, v39;
	v36 =	vand.u32 $0x7F, v36;
	v38 =	vand.u32 $0x400, v38;
	v33 =	vld.idx.msk [tilespmem:v33+s25+$0x0], $0xffff  }
0x3a6: {  	v41 =	vadd.s32 s24, v7;
	v36 =	vor.u32 v38, v36;
	v38 =	vshll.u32 v37, $0x3;
	v40 =	vld.idx.msk [tilespmem:v34+s13+$0x0], $0xffff  }
0x3a7: {  	v37 =	vand.u32 $0x7F, v37;
	v36 =	vor.u32 v4, v36;
	v38 =	vand.u32 $0x400, v38;
	v34 =	vld.idx.msk [tilespmem:v34+s25+$0x0], $0xffff  }
0x3a8: {  	v43 =	vadd.s32 s22, v7;
	v42 =	vld.idx.msk [tilespmem:v35+s13+$0x0], $0xffff;
	v37 =	vor.u32 v38, v37;
	v38 =	vshll.u32 v41, $0x3  }
0x3a9: {  	v41 =	vand.u32 $0x7F, v41;
	v35 =	vld.idx.msk [tilespmem:v35+s25+$0x0], $0xffff;
	v37 =	vor.u32 v4, v37;
	v38 =	vand.u32 $0x400, v38  }
0x3aa: {  	v44 =	vor.u32 s23, v0;
	v45 =	vld.idx.msk [tilespmem:v39+s13+$0x0], $0xffff;
	v38 =	vor.u32 v38, v41;
	v41 =	vshll.u32 v43, $0x3  }
0x3ab: {  	v43 =	vand.u32 $0x7F, v43;
	v39 =	vld.idx.msk [tilespmem:v39+s25+$0x0], $0xffff;
	v38 =	vor.u32 v4, v38;
	v41 =	vand.u32 $0x400, v41  }
0x3ac: {  	v46 =	vmov s23;
	v47 =	vadd.s32 s23, v5;
	v48 =	vld.idx.msk [tilespmem:v36+s13+$0x0], $0xffff;
	v41 =	vor.u32 v41, v43  }
0x3ad: {  	v49 =	vadd.s32 s23, v7;
	v43 =	vadd.s32 s23, v6;
	v36 =	vld.idx.msk [tilespmem:v36+s25+$0x0], $0xffff;
	v41 =	vor.u32 v4, v41  }
0x3ae: {  	v44 =	vand.u32 $0x7F, v44;
	v46 =	vshll.u32 v46, $0x3;
	v50 =	vand.u32 $0x7F, v47;
	v51 =	vld.idx.msk [tilespmem:v37+s13+$0x0], $0xffff  }
0x3af: {  	v14 =	vmul.f32 v17, v14;
	v17 =	vmul.f32 v19, v18;
	v47 =	vshll.u32 v47, $0x3;
	v18 =	vld.idx.msk [tilespmem:v37+s25+$0x0], $0xffff  }
0x3b0: {  	v20 =	vmul.f32 v21, v20;
	v21 =	vmul.f32 v25, v23;
	v19 =	vshll.u32 v43, $0x3;
	v23 =	vld.idx.msk [tilespmem:v38+s13+$0x0], $0xffff  }
0x3b1: {  	v26 =	vmul.f32 v27, v26;
	v27 =	vmul.f32 v29, v28;
	v25 =	vand.u32 $0x400, v46;
	v37 =	vld.idx.msk [tilespmem:v38+s25+$0x0], $0xffff  }
0x3b2: {  	v28 =	vand.u32 $0x400, v47;
	v29 =	vmul.f32 v31, v30;
	v30 =	vmul.f32 v33, v32;
	v31 =	vld.idx.msk [tilespmem:v41+s13+$0x0], $0xffff  }
0x3b3: {  	v25 =	vor.u32 v44, v25;
	v32 =	vmul.f32 v35, v42;
	v33 =	vmul.f32 v39, v45;
	v35 =	vld.idx.msk [tilespmem:v41+s25+$0x0], $0xffff  }
0x3b4: {  	v12 =	vadd.f32 v14, v12;
	v13 =	vadd.f32 v17, v13;
	v14 =	vmul.f32 v36, v48  }
0x3b5: {  	v15 =	vadd.f32 v20, v15;
	v16 =	vadd.f32 v21, v16;
	v17 =	vmul.f32 v18, v51  }
0x3b6: {  	v12 =	vadd.f32 v32, v12;
	v13 =	vadd.f32 v33, v13;
	v18 =	vmul.f32 v34, v40  }
0x3b7: {  	v14 =	vadd.f32 v14, v15;
	v15 =	vadd.f32 v17, v16;
	v16 =	vmul.f32 v37, v23  }
0x3b8: {  	v12 =	vadd.f32 v29, v12;
	v13 =	vadd.f32 v30, v13;
	v17 =	vmul.f32 v24, v22  }
0x3b9: {  	v14 =	vadd.f32 v18, v14;
	v16 =	vadd.f32 v16, v15;
	v18 =	vmul.f32 v35, v31  }
0x3ba: {  	v20 =	vor.u32 v4, v25;
	v12 =	vadd.f32 v26, v12;
	v13 =	vadd.f32 v27, v13  }
0x3bb: {  	v21 =	vor.u32 v28, v50;
	v15 =	vadd.f32 v17, v14;
	v16 =	vadd.f32 v18, v16  }
0x3bc: {  	s22 =	sadd.s32 $0xC, s23;
	v21 =	vor.u32 v4, v21;
	v14 =	vand.u32 $0x7F, v43;
	v17 =	vand.u32 $0x400, v19  }
0x3bd: {  	v14 =	vor.u32 v17, v14;
	v17 =	vshll.u32 v49, $0x3;
	v18 =	vadd.s32 s22, v0  }
0x3be: {  	v19 =	vand.u32 $0x7F, v49;
	v22 =	vor.u32 v4, v14;
	v17 =	vand.u32 $0x400, v17  }
0x3bf: {  	v24 =	vadd.s32 s22, v5;
	v19 =	vor.u32 v17, v19;
	v23 =	vshll.u32 v18, $0x3;
	v14 =	vld.idx.msk [tilespmem:v20+s13+$0x0], $0xffff  }
0x3c0: {  	v25 =	vor.u32 v4, v19;
	v19 =	vand.u32 $0x7F, v18;
	v17 =	vld.idx.msk [tilespmem:v20+s25+$0x0], $0xffff;
	v20 =	vand.u32 $0x400, v23  }
0x3c1: {  	v26 =	vadd.s32 s22, v6;
	v23 =	vshll.u32 v24, $0x3;
	v18 =	vld.idx.msk [tilespmem:v21+s13+$0x0], $0xffff;
	v20 =	vor.u32 v20, v19  }
0x3c2: {  	s24 =	sadd.s32 $0x8, s23;
	v23 =	vand.u32 $0x400, v23;
	v19 =	vld.idx.msk [tilespmem:v21+s25+$0x0], $0xffff;
	v27 =	vor.u32 v4, v20;
	v21 =	vand.u32 $0x7F, v24  }
0x3c3: {  	v28 =	vshll.u32 v26, $0x3;
	v24 =	vadd.s32 s24, v0;
	v20 =	vld.idx.msk [tilespmem:v22+s13+$0x0], $0xffff;
	v23 =	vor.u32 v23, v21  }
0x3c4: {  	v26 =	vand.u32 $0x7F, v26;
	v28 =	vand.u32 $0x400, v28;
	v21 =	vld.idx.msk [tilespmem:v22+s25+$0x0], $0xffff;
	v22 =	vor.u32 v4, v23  }
0x3c5: {  	v30 =	vadd.s32 s24, v5;
	v26 =	vor.u32 v28, v26;
	v29 =	vshll.u32 v24, $0x3;
	v23 =	vld.idx.msk [tilespmem:v25+s13+$0x0], $0xffff  }
0x3c6: {  	v31 =	vor.u32 v4, v26;
	v24 =	vand.u32 $0x7F, v24;
	v28 =	vand.u32 $0x400, v29;
	v25 =	vld.idx.msk [tilespmem:v25+s25+$0x0], $0xffff  }
0x3c7: {  	v29 =	vadd.s32 s24, v6;
	v24 =	vor.u32 v28, v24;
	v28 =	vshll.u32 v30, $0x3;
	v26 =	vld.idx.msk [tilespmem:v27+s13+$0x0], $0xffff  }
0x3c8: {  	s26 =	sadd.s32 $0x4, s23;
	v32 =	vor.u32 v4, v24;
	v24 =	vand.u32 $0x7F, v30;
	v28 =	vand.u32 $0x400, v28;
	v27 =	vld.idx.msk [tilespmem:v27+s25+$0x0], $0xffff  }
0x3c9: {  	v34 =	vshll.u32 v29, $0x3;
	v30 =	vadd.s32 s26, v0;
	v24 =	vor.u32 v28, v24;
	v28 =	vld.idx.msk [tilespmem:v22+s13+$0x0], $0xffff  }
0x3ca: {  	v34 =	vand.u32 $0x400, v34;
	v33 =	vor.u32 v4, v24;
	v24 =	vand.u32 $0x7F, v29;
	v29 =	vld.idx.msk [tilespmem:v22+s25+$0x0], $0xffff  }
.Ltmp9:
0x3cb: {  	v37 =	vadd.s32 s26, v5;
	v35 =	vshll.u32 v30, $0x3;
	v24 =	vor.u32 v34, v24;
	v22 =	vld.idx.msk [tilespmem:v31+s13+$0x0], $0xffff;
	(pc) =	sbr.rel @p2 .LBB2_16-.Ltmp9, $4  }
0x3cc: {  	v30 =	vand.u32 $0x7F, v30;
	v35 =	vand.u32 $0x400, v35;
	v34 =	vor.u32 v4, v24;
	v24 =	vld.idx.msk [tilespmem:v31+s25+$0x0], $0xffff  }
0x3cd: {  	v36 =	vadd.s32 s26, v6;
	v38 =	vshll.u32 v37, $0x3;
	v31 =	vor.u32 v35, v30;
	v30 =	vld.idx.msk [tilespmem:v32+s13+$0x0], $0xffff  }
0x3ce: {  	v37 =	vand.u32 $0x7F, v37;
	v38 =	vand.u32 $0x400, v38;
	v35 =	vor.u32 v4, v31;
	v31 =	vld.idx.msk [tilespmem:v32+s25+$0x0], $0xffff  }
0x3cf: {  	s23 =	sadd.s32 $0x10, s23;
	v39 =	vor.u32 v38, v37;
	v38 =	vshll.u32 v36, $0x3;
	v37 =	vadd.s32 s26, v7;
	v32 =	vld.idx.msk [tilespmem:v33+s13+$0x0], $0xffff  }
0x3d0: {  	_ =	sdelay $0x3  }
0x3d1: {  	v39 =	vor.u32 v4, v39;
	v36 =	vand.u32 $0x7F, v36;
	v38 =	vand.u32 $0x400, v38;
	v33 =	vld.idx.msk [tilespmem:v33+s25+$0x0], $0xffff  }
0x3d2: {  	v53 =	vshll.u32 v37, $0x3;
	v40 =	vld.idx.msk [tilespmem:v34+s13+$0x0], $0xffff;
	v41 =	vadd.s32 s24, v7;
	v36 =	vor.u32 v38, v36  }
0x3d3: {  	v54 =	vand.u32 $0x7F, v37;
	v55 =	vld.idx.msk [tilespmem:v34+s25+$0x0], $0xffff;
	v38 =	vand.u32 $0x400, v53;
	v36 =	vor.u32 v4, v36  }
0x3d4: {  	v42 =	vld.idx.msk [tilespmem:v35+s13+$0x0], $0xffff;
	v43 =	vadd.s32 s22, v7;
	v56 =	vshll.u32 v41, $0x3;
	v37 =	vor.u32 v38, v54  }
0x3d5: {  	v57 =	vld.idx.msk [tilespmem:v35+s25+$0x0], $0xffff;
	v41 =	vand.u32 $0x7F, v41;
	v38 =	vand.u32 $0x400, v56;
	v37 =	vor.u32 v4, v37  }
0x3d6: {  	v14 =	vmul.f32 v17, v14;
	v17 =	vmul.f32 v19, v18;
	v38 =	vor.u32 v38, v41;
	v44 =	vld.idx.msk [tilespmem:v39+s13+$0x0], $0xffff  }
0x3d7: {  	v19 =	vmul.f32 v21, v20;
	v58 =	vshll.u32 v43, $0x3;
	v38 =	vor.u32 v4, v38;
	v39 =	vld.idx.msk [tilespmem:v39+s25+$0x0], $0xffff  }
0x3d8: {  	v20 =	vmul.f32 v25, v23;
	v43 =	vand.u32 $0x7F, v43;
	v41 =	vand.u32 $0x400, v58;
	v45 =	vld.idx.msk [tilespmem:v36+s13+$0x0], $0xffff  }
0x3d9: {  	v23 =	vmul.f32 v27, v26;
	v12 =	vadd.f32 v14, v12;
	v41 =	vor.u32 v41, v43;
	v36 =	vld.idx.msk [tilespmem:v36+s25+$0x0], $0xffff  }
0x3da: {  	v27 =	vmul.f32 v31, v30;
	v41 =	vor.u32 v4, v41;
	v30 =	vmul.f32 v57, v42;
	v59 =	vld.idx.msk [tilespmem:v37+s13+$0x0], $0xffff  }
0x3db: {  	v18 =	vld.idx.msk [tilespmem:v37+s25+$0x0], $0xffff  }
0x3dc: {  	v12 =	vadd.f32 v30, v12;
	v21 =	vld.idx.msk [tilespmem:v38+s13+$0x0], $0xffff  }
0x3dd: {  	v13 =	vadd.f32 v17, v13;
	v26 =	vld.idx.msk [tilespmem:v38+s25+$0x0], $0xffff;
	v31 =	vmul.f32 v39, v44  }
0x3de: {  	v25 =	vmul.f32 v29, v28;
	v15 =	vadd.f32 v19, v15;
	v12 =	vadd.f32 v27, v12  }
0x3df: {  	v28 =	vmul.f32 v33, v32;
	v29 =	vld.idx.msk [tilespmem:v41+s13+$0x0], $0xffff;
	v14 =	vmul.f32 v36, v45;
	v13 =	vadd.f32 v31, v13  }
0x3e0: {  	v16 =	vadd.f32 v20, v16;
	v60 =	vld.idx.msk [tilespmem:v41+s25+$0x0], $0xffff;
	v12 =	vadd.f32 v23, v12;
	v17 =	vmul.f32 v18, v59  }
0x3e1: {  	s24 =	simm.s32 $0x8;
	v18 =	vmul.f32 v55, v40;
	v14 =	vadd.f32 v14, v15;
	v13 =	vadd.f32 v28, v13  }
0x3e2: {  	v28 =	vadd.s32 s24, v5;
	v15 =	vadd.f32 v17, v16;
	v16 =	vmul.f32 v26, v21  }
0x3e3: {  	v17 =	vmul.f32 v24, v22;
	v24 =	vadd.s32 s24, v0;
	v14 =	vadd.f32 v18, v14  }
0x3e4: {  	v13 =	vadd.f32 v25, v13;
	v27 =	vshll.u32 v24, $0x3;
	v24 =	vand.u32 $0x7F, v24  }
0x3e5: {  	v15 =	vadd.f32 v16, v15;
	v16 =	vmul.f32 v60, v29;
	v27 =	vand.u32 $0x400, v27  }
0x3e6: {  	v14 =	vadd.f32 v17, v14;
	v12 =	vadd.f32 v13, v12;
	v24 =	vor.u32 v27, v24  }
0x3e7: {  	s28 =	simm.s32 $0x0;
	v27 =	vshll.u32 v28, $0x3;
	v28 =	vand.u32 $0x7F, v28;
	v15 =	vadd.f32 v16, v15  }
0x3e8: {  	v16 =	vadd.s32 s28, v5;
	v30 =	vand.u32 $0x400, v27;
	v31 =	vor.u32 v8, v24  }
0x3e9: {  	v19 =	vand.u32 $0x7F, v16;
	v13 =	vadd.f32 v15, v14;
	v15 =	vmov s28  }
0x3ea: {  	v16 =	vshll.u32 v16, $0x3;
	v14 =	vor.u32 s28, v0;
	v15 =	vshll.u32 v15, $0x3  }
0x3eb: {  	v24 =	vor.u32 v30, v28;
	v14 =	vand.u32 $0x7F, v14;
	v15 =	vand.u32 $0x400, v15  }
0x3ec: {  	v33 =	vor.u32 v8, v24;
	v12 =	vadd.f32 v13, v12;
	v14 =	vor.u32 v14, v15  }
0x3ed: {  	v17 =	vadd.s32 s28, v6;
	v16 =	vand.u32 $0x400, v16;
	v20 =	vor.u32 v8, v14  }
0x3ee: {  	v18 =	vadd.s32 s28, v7;
	v15 =	vshll.u32 v17, $0x3;
	[tilespmem:s21+$0x1B700] =	vst v12;
	v14 =	vor.u32 v16, v19  }
0x3ef: {  	v16 =	vand.u32 $0x7F, v17;
	v15 =	vand.u32 $0x400, v15;
	v12 =	vld [tilespmem:s18+$0x60];
	v19 =	vor.u32 v8, v14  }
0x3f0: {  	s22 =	simm.s32 $0xC;
	v17 =	vand.u32 $0x7F, v18;
	v13 =	vld [tilespmem:s18+$0x1460];
	v14 =	vor.u32 v15, v16;
	v15 =	vshll.u32 v18, $0x3  }
0x3f1: {  	v16 =	vadd.s32 s22, v0;
	v32 =	vld.idx.msk [tilespmem:v33+s13+$0x0], $0xffff;
	v15 =	vand.u32 $0x400, v15;
	v21 =	vor.u32 v8, v14  }
0x3f2: {  	v15 =	vor.u32 v15, v17;
	v17 =	vshll.u32 v16, $0x3;
	v14 =	vld.idx.msk [tilespmem:v20+s13+$0x0], $0xffff  }
0x3f3: {  	v22 =	vadd.s32 s22, v5;
	v16 =	vand.u32 $0x7F, v16;
	v18 =	vand.u32 $0x400, v17;
	v17 =	vld.idx.msk [tilespmem:v20+s25+$0x0], $0xffff  }
0x3f4: {  	v16 =	vor.u32 v18, v16;
	v20 =	vshll.u32 v22, $0x3;
	v18 =	vld.idx.msk [tilespmem:v19+s13+$0x0], $0xffff  }
0x3f5: {  	v15 =	vor.u32 v8, v15;
	v22 =	vand.u32 $0x7F, v22;
	v20 =	vand.u32 $0x400, v20;
	v19 =	vld.idx.msk [tilespmem:v19+s25+$0x0], $0xffff  }
0x3f6: {  	v22 =	vor.u32 v20, v22;
	v20 =	vld.idx.msk [tilespmem:v21+s13+$0x0], $0xffff  }
0x3f7: {  	v23 =	vadd.s32 s22, v6;
	v16 =	vor.u32 v8, v16;
	v21 =	vld.idx.msk [tilespmem:v21+s25+$0x0], $0xffff  }
0x3f8: {  	v25 =	vshll.u32 v23, $0x3;
	v12 =	vld.idx.msk [tilespmem:v12+s17+$0x0], $0xffff  }
0x3f9: {  	v26 =	vand.u32 $0x7F, v23;
	v25 =	vand.u32 $0x400, v25;
	v22 =	vor.u32 v8, v22;
	v13 =	vld.idx.msk [tilespmem:v13+s19+$0x0], $0xffff  }
0x3fa: {  	s23 =	simm.s32 $0x4;
	v26 =	vor.u32 v25, v26;
	v23 =	vld.idx.msk [tilespmem:v15+s13+$0x0], $0xffff  }
0x3fb: {  	v62 =	vadd.s32 s23, v5;
	v25 =	vld.idx.msk [tilespmem:v15+s25+$0x0], $0xffff;
	v15 =	vor.u32 v8, v26  }
0x3fc: {  	v63 =	vand.u32 $0x7F, v62;
	v29 =	vadd.s32 s24, v6;
	v26 =	vld.idx.msk [tilespmem:v16+s13+$0x0], $0xffff  }
0x3fd: {  	v37 =	vadd.s32 s23, v7;
	v36 =	vadd.s32 s23, v6;
	v30 =	vshll.u32 v29, $0x3;
	v27 =	vld.idx.msk [tilespmem:v16+s25+$0x0], $0xffff  }
0x3fe: {  	v24 =	vand.u32 $0x7F, v29;
	v30 =	vand.u32 $0x400, v30;
	v16 =	vadd.s32 s23, v0;
	v28 =	vld.idx.msk [tilespmem:v22+s13+$0x0], $0xffff  }
0x3ff: {  	v38 =	vshll.u32 v36, $0x3;
	v24 =	vor.u32 v30, v24;
	v61 =	vshll.u32 v16, $0x3;
	v29 =	vld.idx.msk [tilespmem:v22+s25+$0x0], $0xffff  }
0x400: {  	v34 =	vor.u32 v8, v24;
	v16 =	vand.u32 $0x7F, v16;
	v30 =	vand.u32 $0x400, v61;
	v22 =	vld.idx.msk [tilespmem:v15+s13+$0x0], $0xffff  }
0x401: {  	v12 =	vadd.f32 v13, v12;
	v24 =	vld.idx.msk [tilespmem:v15+s25+$0x0], $0xffff;
	v15 =	vor.u32 v30, v16;
	v16 =	vshll.u32 v62, $0x3  }
0x402: {  	v13 =	vimm.f32 $0.0e+00;
	v30 =	vld.idx.msk [tilespmem:v31+s13+$0x0], $0xffff;
	v16 =	vand.u32 $0x400, v16;
	v35 =	vor.u32 v8, v15  }
0x403: {  	s21 =	sadd.s32 $0x60, s18;
	s23 =	simm.s32 $0x10;
	v31 =	vld.idx.msk [tilespmem:v31+s25+$0x0], $0xffff;
	v15 =	vimm.f32 $0.0e+00;
	v39 =	vor.u32 v16, v63;
	v16 =	vimm.f32 $0.0e+00  }
.LBB2_18:
0x404: {  	p2 =	slt.u32 s23, $0xF0;
	v39 =	vor.u32 v8, v39;
	v36 =	vand.u32 $0x7F, v36;
	v38 =	vand.u32 $0x400, v38;
	v33 =	vld.idx.msk [tilespmem:v33+s25+$0x0], $0xffff  }
0x405: {  	v41 =	vadd.s32 s24, v7;
	v36 =	vor.u32 v38, v36;
	v38 =	vshll.u32 v37, $0x3;
	v40 =	vld.idx.msk [tilespmem:v34+s13+$0x0], $0xffff  }
0x406: {  	v37 =	vand.u32 $0x7F, v37;
	v36 =	vor.u32 v8, v36;
	v38 =	vand.u32 $0x400, v38;
	v34 =	vld.idx.msk [tilespmem:v34+s25+$0x0], $0xffff  }
0x407: {  	v43 =	vadd.s32 s22, v7;
	v42 =	vld.idx.msk [tilespmem:v35+s13+$0x0], $0xffff;
	v37 =	vor.u32 v38, v37;
	v38 =	vshll.u32 v41, $0x3  }
0x408: {  	v41 =	vand.u32 $0x7F, v41;
	v35 =	vld.idx.msk [tilespmem:v35+s25+$0x0], $0xffff;
	v37 =	vor.u32 v8, v37;
	v38 =	vand.u32 $0x400, v38  }
0x409: {  	v44 =	vor.u32 s23, v0;
	v45 =	vld.idx.msk [tilespmem:v39+s13+$0x0], $0xffff;
	v38 =	vor.u32 v38, v41;
	v41 =	vshll.u32 v43, $0x3  }
0x40a: {  	v43 =	vand.u32 $0x7F, v43;
	v39 =	vld.idx.msk [tilespmem:v39+s25+$0x0], $0xffff;
	v38 =	vor.u32 v8, v38;
	v41 =	vand.u32 $0x400, v41  }
0x40b: {  	v46 =	vmov s23;
	v47 =	vadd.s32 s23, v5;
	v48 =	vld.idx.msk [tilespmem:v36+s13+$0x0], $0xffff;
	v41 =	vor.u32 v41, v43  }
0x40c: {  	v49 =	vadd.s32 s23, v7;
	v43 =	vadd.s32 s23, v6;
	v36 =	vld.idx.msk [tilespmem:v36+s25+$0x0], $0xffff;
	v41 =	vor.u32 v8, v41  }
0x40d: {  	v44 =	vand.u32 $0x7F, v44;
	v46 =	vshll.u32 v46, $0x3;
	v50 =	vand.u32 $0x7F, v47;
	v51 =	vld.idx.msk [tilespmem:v37+s13+$0x0], $0xffff  }
0x40e: {  	v14 =	vmul.f32 v17, v14;
	v17 =	vmul.f32 v19, v18;
	v47 =	vshll.u32 v47, $0x3;
	v18 =	vld.idx.msk [tilespmem:v37+s25+$0x0], $0xffff  }
0x40f: {  	v20 =	vmul.f32 v21, v20;
	v21 =	vmul.f32 v25, v23;
	v19 =	vshll.u32 v43, $0x3;
	v23 =	vld.idx.msk [tilespmem:v38+s13+$0x0], $0xffff  }
0x410: {  	v26 =	vmul.f32 v27, v26;
	v27 =	vmul.f32 v29, v28;
	v25 =	vand.u32 $0x400, v46;
	v37 =	vld.idx.msk [tilespmem:v38+s25+$0x0], $0xffff  }
0x411: {  	v28 =	vand.u32 $0x400, v47;
	v29 =	vmul.f32 v31, v30;
	v30 =	vmul.f32 v33, v32;
	v31 =	vld.idx.msk [tilespmem:v41+s13+$0x0], $0xffff  }
0x412: {  	v25 =	vor.u32 v44, v25;
	v32 =	vmul.f32 v35, v42;
	v33 =	vmul.f32 v39, v45;
	v35 =	vld.idx.msk [tilespmem:v41+s25+$0x0], $0xffff  }
0x413: {  	v12 =	vadd.f32 v14, v12;
	v13 =	vadd.f32 v17, v13;
	v14 =	vmul.f32 v36, v48  }
0x414: {  	v15 =	vadd.f32 v20, v15;
	v16 =	vadd.f32 v21, v16;
	v17 =	vmul.f32 v18, v51  }
0x415: {  	v12 =	vadd.f32 v32, v12;
	v13 =	vadd.f32 v33, v13;
	v18 =	vmul.f32 v34, v40  }
0x416: {  	v14 =	vadd.f32 v14, v15;
	v15 =	vadd.f32 v17, v16;
	v16 =	vmul.f32 v37, v23  }
0x417: {  	v12 =	vadd.f32 v29, v12;
	v13 =	vadd.f32 v30, v13;
	v17 =	vmul.f32 v24, v22  }
0x418: {  	v14 =	vadd.f32 v18, v14;
	v16 =	vadd.f32 v16, v15;
	v18 =	vmul.f32 v35, v31  }
0x419: {  	v20 =	vor.u32 v8, v25;
	v12 =	vadd.f32 v26, v12;
	v13 =	vadd.f32 v27, v13  }
0x41a: {  	v21 =	vor.u32 v28, v50;
	v15 =	vadd.f32 v17, v14;
	v16 =	vadd.f32 v18, v16  }
0x41b: {  	s22 =	sadd.s32 $0xC, s23;
	v21 =	vor.u32 v8, v21;
	v14 =	vand.u32 $0x7F, v43;
	v17 =	vand.u32 $0x400, v19  }
0x41c: {  	v14 =	vor.u32 v17, v14;
	v17 =	vshll.u32 v49, $0x3;
	v18 =	vadd.s32 s22, v0  }
0x41d: {  	v19 =	vand.u32 $0x7F, v49;
	v22 =	vor.u32 v8, v14;
	v17 =	vand.u32 $0x400, v17  }
0x41e: {  	v24 =	vadd.s32 s22, v5;
	v19 =	vor.u32 v17, v19;
	v23 =	vshll.u32 v18, $0x3;
	v14 =	vld.idx.msk [tilespmem:v20+s13+$0x0], $0xffff  }
0x41f: {  	v25 =	vor.u32 v8, v19;
	v19 =	vand.u32 $0x7F, v18;
	v17 =	vld.idx.msk [tilespmem:v20+s25+$0x0], $0xffff;
	v20 =	vand.u32 $0x400, v23  }
0x420: {  	v26 =	vadd.s32 s22, v6;
	v23 =	vshll.u32 v24, $0x3;
	v18 =	vld.idx.msk [tilespmem:v21+s13+$0x0], $0xffff;
	v20 =	vor.u32 v20, v19  }
0x421: {  	s24 =	sadd.s32 $0x8, s23;
	v23 =	vand.u32 $0x400, v23;
	v19 =	vld.idx.msk [tilespmem:v21+s25+$0x0], $0xffff;
	v27 =	vor.u32 v8, v20;
	v21 =	vand.u32 $0x7F, v24  }
0x422: {  	v28 =	vshll.u32 v26, $0x3;
	v24 =	vadd.s32 s24, v0;
	v20 =	vld.idx.msk [tilespmem:v22+s13+$0x0], $0xffff;
	v23 =	vor.u32 v23, v21  }
0x423: {  	v26 =	vand.u32 $0x7F, v26;
	v28 =	vand.u32 $0x400, v28;
	v21 =	vld.idx.msk [tilespmem:v22+s25+$0x0], $0xffff;
	v22 =	vor.u32 v8, v23  }
0x424: {  	v30 =	vadd.s32 s24, v5;
	v26 =	vor.u32 v28, v26;
	v29 =	vshll.u32 v24, $0x3;
	v23 =	vld.idx.msk [tilespmem:v25+s13+$0x0], $0xffff  }
0x425: {  	v31 =	vor.u32 v8, v26;
	v24 =	vand.u32 $0x7F, v24;
	v28 =	vand.u32 $0x400, v29;
	v25 =	vld.idx.msk [tilespmem:v25+s25+$0x0], $0xffff  }
0x426: {  	v29 =	vadd.s32 s24, v6;
	v24 =	vor.u32 v28, v24;
	v28 =	vshll.u32 v30, $0x3;
	v26 =	vld.idx.msk [tilespmem:v27+s13+$0x0], $0xffff  }
0x427: {  	s26 =	sadd.s32 $0x4, s23;
	v32 =	vor.u32 v8, v24;
	v24 =	vand.u32 $0x7F, v30;
	v28 =	vand.u32 $0x400, v28;
	v27 =	vld.idx.msk [tilespmem:v27+s25+$0x0], $0xffff  }
0x428: {  	v34 =	vshll.u32 v29, $0x3;
	v30 =	vadd.s32 s26, v0;
	v24 =	vor.u32 v28, v24;
	v28 =	vld.idx.msk [tilespmem:v22+s13+$0x0], $0xffff  }
0x429: {  	v34 =	vand.u32 $0x400, v34;
	v33 =	vor.u32 v8, v24;
	v24 =	vand.u32 $0x7F, v29;
	v29 =	vld.idx.msk [tilespmem:v22+s25+$0x0], $0xffff  }
.Ltmp10:
0x42a: {  	v37 =	vadd.s32 s26, v5;
	v35 =	vshll.u32 v30, $0x3;
	v24 =	vor.u32 v34, v24;
	v22 =	vld.idx.msk [tilespmem:v31+s13+$0x0], $0xffff;
	(pc) =	sbr.rel @p2 .LBB2_18-.Ltmp10, $4  }
0x42b: {  	v30 =	vand.u32 $0x7F, v30;
	v35 =	vand.u32 $0x400, v35;
	v34 =	vor.u32 v8, v24;
	v24 =	vld.idx.msk [tilespmem:v31+s25+$0x0], $0xffff  }
0x42c: {  	v36 =	vadd.s32 s26, v6;
	v38 =	vshll.u32 v37, $0x3;
	v31 =	vor.u32 v35, v30;
	v30 =	vld.idx.msk [tilespmem:v32+s13+$0x0], $0xffff  }
0x42d: {  	v37 =	vand.u32 $0x7F, v37;
	v38 =	vand.u32 $0x400, v38;
	v35 =	vor.u32 v8, v31;
	v31 =	vld.idx.msk [tilespmem:v32+s25+$0x0], $0xffff  }
0x42e: {  	s23 =	sadd.s32 $0x10, s23;
	v39 =	vor.u32 v38, v37;
	v38 =	vshll.u32 v36, $0x3;
	v37 =	vadd.s32 s26, v7;
	v32 =	vld.idx.msk [tilespmem:v33+s13+$0x0], $0xffff  }
0x42f: {  	_ =	sdelay $0x3  }
0x430: {  	v39 =	vor.u32 v8, v39;
	v36 =	vand.u32 $0x7F, v36;
	v38 =	vand.u32 $0x400, v38;
	v33 =	vld.idx.msk [tilespmem:v33+s25+$0x0], $0xffff  }
0x431: {  	v53 =	vshll.u32 v37, $0x3;
	v40 =	vld.idx.msk [tilespmem:v34+s13+$0x0], $0xffff;
	v41 =	vadd.s32 s24, v7;
	v36 =	vor.u32 v38, v36  }
0x432: {  	v54 =	vand.u32 $0x7F, v37;
	v55 =	vld.idx.msk [tilespmem:v34+s25+$0x0], $0xffff;
	v38 =	vand.u32 $0x400, v53;
	v36 =	vor.u32 v8, v36  }
0x433: {  	v42 =	vld.idx.msk [tilespmem:v35+s13+$0x0], $0xffff;
	v43 =	vadd.s32 s22, v7;
	v56 =	vshll.u32 v41, $0x3;
	v37 =	vor.u32 v38, v54  }
0x434: {  	v57 =	vld.idx.msk [tilespmem:v35+s25+$0x0], $0xffff;
	v41 =	vand.u32 $0x7F, v41;
	v38 =	vand.u32 $0x400, v56;
	v37 =	vor.u32 v8, v37  }
0x435: {  	v14 =	vmul.f32 v17, v14;
	v17 =	vmul.f32 v19, v18;
	v38 =	vor.u32 v38, v41;
	v44 =	vld.idx.msk [tilespmem:v39+s13+$0x0], $0xffff  }
0x436: {  	v19 =	vmul.f32 v21, v20;
	v58 =	vshll.u32 v43, $0x3;
	v38 =	vor.u32 v8, v38;
	v39 =	vld.idx.msk [tilespmem:v39+s25+$0x0], $0xffff  }
0x437: {  	v20 =	vmul.f32 v25, v23;
	v43 =	vand.u32 $0x7F, v43;
	v41 =	vand.u32 $0x400, v58;
	v45 =	vld.idx.msk [tilespmem:v36+s13+$0x0], $0xffff  }
0x438: {  	v23 =	vmul.f32 v27, v26;
	v12 =	vadd.f32 v14, v12;
	v41 =	vor.u32 v41, v43;
	v36 =	vld.idx.msk [tilespmem:v36+s25+$0x0], $0xffff  }
0x439: {  	v27 =	vmul.f32 v31, v30;
	v41 =	vor.u32 v8, v41;
	v30 =	vmul.f32 v57, v42;
	v59 =	vld.idx.msk [tilespmem:v37+s13+$0x0], $0xffff  }
0x43a: {  	v18 =	vld.idx.msk [tilespmem:v37+s25+$0x0], $0xffff  }
0x43b: {  	v12 =	vadd.f32 v30, v12;
	v21 =	vld.idx.msk [tilespmem:v38+s13+$0x0], $0xffff  }
0x43c: {  	v13 =	vadd.f32 v17, v13;
	v26 =	vld.idx.msk [tilespmem:v38+s25+$0x0], $0xffff;
	v31 =	vmul.f32 v39, v44  }
0x43d: {  	v25 =	vmul.f32 v29, v28;
	v15 =	vadd.f32 v19, v15;
	v12 =	vadd.f32 v27, v12  }
0x43e: {  	v28 =	vmul.f32 v33, v32;
	v29 =	vld.idx.msk [tilespmem:v41+s13+$0x0], $0xffff;
	v14 =	vmul.f32 v36, v45;
	v13 =	vadd.f32 v31, v13  }
0x43f: {  	v16 =	vadd.f32 v20, v16;
	v60 =	vld.idx.msk [tilespmem:v41+s25+$0x0], $0xffff;
	v12 =	vadd.f32 v23, v12;
	v17 =	vmul.f32 v18, v59  }
0x440: {  	s24 =	simm.s32 $0x8;
	v18 =	vmul.f32 v55, v40;
	v14 =	vadd.f32 v14, v15;
	v13 =	vadd.f32 v28, v13  }
0x441: {  	v28 =	vadd.s32 s24, v5;
	v15 =	vadd.f32 v17, v16;
	v16 =	vmul.f32 v26, v21  }
0x442: {  	v17 =	vmul.f32 v24, v22;
	v24 =	vadd.s32 s24, v0;
	v14 =	vadd.f32 v18, v14  }
0x443: {  	v13 =	vadd.f32 v25, v13;
	v27 =	vshll.u32 v24, $0x3;
	v24 =	vand.u32 $0x7F, v24  }
0x444: {  	v15 =	vadd.f32 v16, v15;
	v16 =	vmul.f32 v60, v29;
	v27 =	vand.u32 $0x400, v27  }
0x445: {  	v14 =	vadd.f32 v17, v14;
	v12 =	vadd.f32 v13, v12;
	v24 =	vor.u32 v27, v24  }
0x446: {  	s28 =	simm.s32 $0x0;
	v27 =	vshll.u32 v28, $0x3;
	v28 =	vand.u32 $0x7F, v28;
	v15 =	vadd.f32 v16, v15  }
0x447: {  	v16 =	vadd.s32 s28, v5;
	v30 =	vand.u32 $0x400, v27;
	v31 =	vor.u32 v9, v24  }
0x448: {  	v19 =	vand.u32 $0x7F, v16;
	v13 =	vadd.f32 v15, v14;
	v15 =	vmov s28  }
0x449: {  	v16 =	vshll.u32 v16, $0x3;
	v14 =	vor.u32 s28, v0;
	v15 =	vshll.u32 v15, $0x3  }
0x44a: {  	v24 =	vor.u32 v30, v28;
	v14 =	vand.u32 $0x7F, v14;
	v15 =	vand.u32 $0x400, v15  }
0x44b: {  	v33 =	vor.u32 v9, v24;
	v12 =	vadd.f32 v13, v12;
	v14 =	vor.u32 v14, v15  }
0x44c: {  	v17 =	vadd.s32 s28, v6;
	v16 =	vand.u32 $0x400, v16;
	v20 =	vor.u32 v9, v14  }
0x44d: {  	v18 =	vadd.s32 s28, v7;
	v15 =	vshll.u32 v17, $0x3;
	[tilespmem:s21+$0x1B700] =	vst v12;
	v14 =	vor.u32 v16, v19  }
0x44e: {  	v16 =	vand.u32 $0x7F, v17;
	v15 =	vand.u32 $0x400, v15;
	v12 =	vld [tilespmem:s18+$0x70];
	v19 =	vor.u32 v9, v14  }
0x44f: {  	s22 =	simm.s32 $0xC;
	v17 =	vand.u32 $0x7F, v18;
	v13 =	vld [tilespmem:s18+$0x1470];
	v14 =	vor.u32 v15, v16;
	v15 =	vshll.u32 v18, $0x3  }
0x450: {  	v16 =	vadd.s32 s22, v0;
	v32 =	vld.idx.msk [tilespmem:v33+s13+$0x0], $0xffff;
	v15 =	vand.u32 $0x400, v15;
	v21 =	vor.u32 v9, v14  }
0x451: {  	v15 =	vor.u32 v15, v17;
	v17 =	vshll.u32 v16, $0x3;
	v14 =	vld.idx.msk [tilespmem:v20+s13+$0x0], $0xffff  }
0x452: {  	v22 =	vadd.s32 s22, v5;
	v16 =	vand.u32 $0x7F, v16;
	v18 =	vand.u32 $0x400, v17;
	v17 =	vld.idx.msk [tilespmem:v20+s25+$0x0], $0xffff  }
0x453: {  	v16 =	vor.u32 v18, v16;
	v20 =	vshll.u32 v22, $0x3;
	v18 =	vld.idx.msk [tilespmem:v19+s13+$0x0], $0xffff  }
0x454: {  	v15 =	vor.u32 v9, v15;
	v22 =	vand.u32 $0x7F, v22;
	v20 =	vand.u32 $0x400, v20;
	v19 =	vld.idx.msk [tilespmem:v19+s25+$0x0], $0xffff  }
0x455: {  	v22 =	vor.u32 v20, v22;
	v20 =	vld.idx.msk [tilespmem:v21+s13+$0x0], $0xffff  }
0x456: {  	v23 =	vadd.s32 s22, v6;
	v16 =	vor.u32 v9, v16;
	v21 =	vld.idx.msk [tilespmem:v21+s25+$0x0], $0xffff  }
0x457: {  	v25 =	vshll.u32 v23, $0x3;
	v12 =	vld.idx.msk [tilespmem:v12+s17+$0x0], $0xffff  }
0x458: {  	v26 =	vand.u32 $0x7F, v23;
	v25 =	vand.u32 $0x400, v25;
	v22 =	vor.u32 v9, v22;
	v13 =	vld.idx.msk [tilespmem:v13+s19+$0x0], $0xffff  }
0x459: {  	s23 =	simm.s32 $0x4;
	v26 =	vor.u32 v25, v26;
	v23 =	vld.idx.msk [tilespmem:v15+s13+$0x0], $0xffff  }
0x45a: {  	v62 =	vadd.s32 s23, v5;
	v25 =	vld.idx.msk [tilespmem:v15+s25+$0x0], $0xffff;
	v15 =	vor.u32 v9, v26  }
0x45b: {  	v63 =	vand.u32 $0x7F, v62;
	v29 =	vadd.s32 s24, v6;
	v26 =	vld.idx.msk [tilespmem:v16+s13+$0x0], $0xffff  }
0x45c: {  	v37 =	vadd.s32 s23, v7;
	v36 =	vadd.s32 s23, v6;
	v30 =	vshll.u32 v29, $0x3;
	v27 =	vld.idx.msk [tilespmem:v16+s25+$0x0], $0xffff  }
0x45d: {  	v24 =	vand.u32 $0x7F, v29;
	v30 =	vand.u32 $0x400, v30;
	v16 =	vadd.s32 s23, v0;
	v28 =	vld.idx.msk [tilespmem:v22+s13+$0x0], $0xffff  }
0x45e: {  	v38 =	vshll.u32 v36, $0x3;
	v24 =	vor.u32 v30, v24;
	v61 =	vshll.u32 v16, $0x3;
	v29 =	vld.idx.msk [tilespmem:v22+s25+$0x0], $0xffff  }
0x45f: {  	v34 =	vor.u32 v9, v24;
	v16 =	vand.u32 $0x7F, v16;
	v30 =	vand.u32 $0x400, v61;
	v22 =	vld.idx.msk [tilespmem:v15+s13+$0x0], $0xffff  }
0x460: {  	v12 =	vadd.f32 v13, v12;
	v24 =	vld.idx.msk [tilespmem:v15+s25+$0x0], $0xffff;
	v15 =	vor.u32 v30, v16;
	v16 =	vshll.u32 v62, $0x3  }
0x461: {  	v13 =	vimm.f32 $0.0e+00;
	v30 =	vld.idx.msk [tilespmem:v31+s13+$0x0], $0xffff;
	v16 =	vand.u32 $0x400, v16;
	v35 =	vor.u32 v9, v15  }
0x462: {  	s21 =	sadd.s32 $0x70, s18;
	s23 =	simm.s32 $0x10;
	v31 =	vld.idx.msk [tilespmem:v31+s25+$0x0], $0xffff;
	v15 =	vimm.f32 $0.0e+00;
	v39 =	vor.u32 v16, v63;
	v16 =	vimm.f32 $0.0e+00  }
.LBB2_20:
0x463: {  	p2 =	slt.u32 s23, $0xF0;
	v39 =	vor.u32 v9, v39;
	v36 =	vand.u32 $0x7F, v36;
	v38 =	vand.u32 $0x400, v38;
	v33 =	vld.idx.msk [tilespmem:v33+s25+$0x0], $0xffff  }
0x464: {  	v41 =	vadd.s32 s24, v7;
	v36 =	vor.u32 v38, v36;
	v38 =	vshll.u32 v37, $0x3;
	v40 =	vld.idx.msk [tilespmem:v34+s13+$0x0], $0xffff  }
0x465: {  	v37 =	vand.u32 $0x7F, v37;
	v36 =	vor.u32 v9, v36;
	v38 =	vand.u32 $0x400, v38;
	v34 =	vld.idx.msk [tilespmem:v34+s25+$0x0], $0xffff  }
0x466: {  	v43 =	vadd.s32 s22, v7;
	v42 =	vld.idx.msk [tilespmem:v35+s13+$0x0], $0xffff;
	v37 =	vor.u32 v38, v37;
	v38 =	vshll.u32 v41, $0x3  }
0x467: {  	v41 =	vand.u32 $0x7F, v41;
	v35 =	vld.idx.msk [tilespmem:v35+s25+$0x0], $0xffff;
	v37 =	vor.u32 v9, v37;
	v38 =	vand.u32 $0x400, v38  }
0x468: {  	v44 =	vor.u32 s23, v0;
	v45 =	vld.idx.msk [tilespmem:v39+s13+$0x0], $0xffff;
	v38 =	vor.u32 v38, v41;
	v41 =	vshll.u32 v43, $0x3  }
0x469: {  	v43 =	vand.u32 $0x7F, v43;
	v39 =	vld.idx.msk [tilespmem:v39+s25+$0x0], $0xffff;
	v38 =	vor.u32 v9, v38;
	v41 =	vand.u32 $0x400, v41  }
0x46a: {  	v46 =	vmov s23;
	v47 =	vadd.s32 s23, v5;
	v48 =	vld.idx.msk [tilespmem:v36+s13+$0x0], $0xffff;
	v41 =	vor.u32 v41, v43  }
0x46b: {  	v49 =	vadd.s32 s23, v7;
	v43 =	vadd.s32 s23, v6;
	v36 =	vld.idx.msk [tilespmem:v36+s25+$0x0], $0xffff;
	v41 =	vor.u32 v9, v41  }
0x46c: {  	v44 =	vand.u32 $0x7F, v44;
	v46 =	vshll.u32 v46, $0x3;
	v50 =	vand.u32 $0x7F, v47;
	v51 =	vld.idx.msk [tilespmem:v37+s13+$0x0], $0xffff  }
0x46d: {  	v14 =	vmul.f32 v17, v14;
	v17 =	vmul.f32 v19, v18;
	v47 =	vshll.u32 v47, $0x3;
	v18 =	vld.idx.msk [tilespmem:v37+s25+$0x0], $0xffff  }
0x46e: {  	v20 =	vmul.f32 v21, v20;
	v21 =	vmul.f32 v25, v23;
	v19 =	vshll.u32 v43, $0x3;
	v23 =	vld.idx.msk [tilespmem:v38+s13+$0x0], $0xffff  }
0x46f: {  	v26 =	vmul.f32 v27, v26;
	v27 =	vmul.f32 v29, v28;
	v25 =	vand.u32 $0x400, v46;
	v37 =	vld.idx.msk [tilespmem:v38+s25+$0x0], $0xffff  }
0x470: {  	v28 =	vand.u32 $0x400, v47;
	v29 =	vmul.f32 v31, v30;
	v30 =	vmul.f32 v33, v32;
	v31 =	vld.idx.msk [tilespmem:v41+s13+$0x0], $0xffff  }
0x471: {  	v25 =	vor.u32 v44, v25;
	v32 =	vmul.f32 v35, v42;
	v33 =	vmul.f32 v39, v45;
	v35 =	vld.idx.msk [tilespmem:v41+s25+$0x0], $0xffff  }
0x472: {  	v12 =	vadd.f32 v14, v12;
	v13 =	vadd.f32 v17, v13;
	v14 =	vmul.f32 v36, v48  }
0x473: {  	v15 =	vadd.f32 v20, v15;
	v16 =	vadd.f32 v21, v16;
	v17 =	vmul.f32 v18, v51  }
0x474: {  	v12 =	vadd.f32 v32, v12;
	v13 =	vadd.f32 v33, v13;
	v18 =	vmul.f32 v34, v40  }
0x475: {  	v14 =	vadd.f32 v14, v15;
	v15 =	vadd.f32 v17, v16;
	v16 =	vmul.f32 v37, v23  }
0x476: {  	v12 =	vadd.f32 v29, v12;
	v13 =	vadd.f32 v30, v13;
	v17 =	vmul.f32 v24, v22  }
0x477: {  	v14 =	vadd.f32 v18, v14;
	v16 =	vadd.f32 v16, v15;
	v18 =	vmul.f32 v35, v31  }
0x478: {  	v20 =	vor.u32 v9, v25;
	v12 =	vadd.f32 v26, v12;
	v13 =	vadd.f32 v27, v13  }
0x479: {  	v21 =	vor.u32 v28, v50;
	v15 =	vadd.f32 v17, v14;
	v16 =	vadd.f32 v18, v16  }
0x47a: {  	s22 =	sadd.s32 $0xC, s23;
	v21 =	vor.u32 v9, v21;
	v14 =	vand.u32 $0x7F, v43;
	v17 =	vand.u32 $0x400, v19  }
0x47b: {  	v14 =	vor.u32 v17, v14;
	v17 =	vshll.u32 v49, $0x3;
	v18 =	vadd.s32 s22, v0  }
0x47c: {  	v19 =	vand.u32 $0x7F, v49;
	v22 =	vor.u32 v9, v14;
	v17 =	vand.u32 $0x400, v17  }
0x47d: {  	v24 =	vadd.s32 s22, v5;
	v19 =	vor.u32 v17, v19;
	v23 =	vshll.u32 v18, $0x3;
	v14 =	vld.idx.msk [tilespmem:v20+s13+$0x0], $0xffff  }
0x47e: {  	v25 =	vor.u32 v9, v19;
	v19 =	vand.u32 $0x7F, v18;
	v17 =	vld.idx.msk [tilespmem:v20+s25+$0x0], $0xffff;
	v20 =	vand.u32 $0x400, v23  }
0x47f: {  	v26 =	vadd.s32 s22, v6;
	v23 =	vshll.u32 v24, $0x3;
	v18 =	vld.idx.msk [tilespmem:v21+s13+$0x0], $0xffff;
	v20 =	vor.u32 v20, v19  }
0x480: {  	s24 =	sadd.s32 $0x8, s23;
	v23 =	vand.u32 $0x400, v23;
	v19 =	vld.idx.msk [tilespmem:v21+s25+$0x0], $0xffff;
	v27 =	vor.u32 v9, v20;
	v21 =	vand.u32 $0x7F, v24  }
0x481: {  	v28 =	vshll.u32 v26, $0x3;
	v24 =	vadd.s32 s24, v0;
	v20 =	vld.idx.msk [tilespmem:v22+s13+$0x0], $0xffff;
	v23 =	vor.u32 v23, v21  }
0x482: {  	v26 =	vand.u32 $0x7F, v26;
	v28 =	vand.u32 $0x400, v28;
	v21 =	vld.idx.msk [tilespmem:v22+s25+$0x0], $0xffff;
	v22 =	vor.u32 v9, v23  }
0x483: {  	v30 =	vadd.s32 s24, v5;
	v26 =	vor.u32 v28, v26;
	v29 =	vshll.u32 v24, $0x3;
	v23 =	vld.idx.msk [tilespmem:v25+s13+$0x0], $0xffff  }
0x484: {  	v31 =	vor.u32 v9, v26;
	v24 =	vand.u32 $0x7F, v24;
	v28 =	vand.u32 $0x400, v29;
	v25 =	vld.idx.msk [tilespmem:v25+s25+$0x0], $0xffff  }
0x485: {  	v29 =	vadd.s32 s24, v6;
	v24 =	vor.u32 v28, v24;
	v28 =	vshll.u32 v30, $0x3;
	v26 =	vld.idx.msk [tilespmem:v27+s13+$0x0], $0xffff  }
0x486: {  	s26 =	sadd.s32 $0x4, s23;
	v32 =	vor.u32 v9, v24;
	v24 =	vand.u32 $0x7F, v30;
	v28 =	vand.u32 $0x400, v28;
	v27 =	vld.idx.msk [tilespmem:v27+s25+$0x0], $0xffff  }
0x487: {  	v34 =	vshll.u32 v29, $0x3;
	v30 =	vadd.s32 s26, v0;
	v24 =	vor.u32 v28, v24;
	v28 =	vld.idx.msk [tilespmem:v22+s13+$0x0], $0xffff  }
0x488: {  	v34 =	vand.u32 $0x400, v34;
	v33 =	vor.u32 v9, v24;
	v24 =	vand.u32 $0x7F, v29;
	v29 =	vld.idx.msk [tilespmem:v22+s25+$0x0], $0xffff  }
.Ltmp11:
0x489: {  	v37 =	vadd.s32 s26, v5;
	v35 =	vshll.u32 v30, $0x3;
	v24 =	vor.u32 v34, v24;
	v22 =	vld.idx.msk [tilespmem:v31+s13+$0x0], $0xffff;
	(pc) =	sbr.rel @p2 .LBB2_20-.Ltmp11, $4  }
0x48a: {  	v30 =	vand.u32 $0x7F, v30;
	v35 =	vand.u32 $0x400, v35;
	v34 =	vor.u32 v9, v24;
	v24 =	vld.idx.msk [tilespmem:v31+s25+$0x0], $0xffff  }
0x48b: {  	v36 =	vadd.s32 s26, v6;
	v38 =	vshll.u32 v37, $0x3;
	v31 =	vor.u32 v35, v30;
	v30 =	vld.idx.msk [tilespmem:v32+s13+$0x0], $0xffff  }
0x48c: {  	v37 =	vand.u32 $0x7F, v37;
	v38 =	vand.u32 $0x400, v38;
	v35 =	vor.u32 v9, v31;
	v31 =	vld.idx.msk [tilespmem:v32+s25+$0x0], $0xffff  }
0x48d: {  	s23 =	sadd.s32 $0x10, s23;
	v39 =	vor.u32 v38, v37;
	v38 =	vshll.u32 v36, $0x3;
	v37 =	vadd.s32 s26, v7;
	v32 =	vld.idx.msk [tilespmem:v33+s13+$0x0], $0xffff  }
0x48e: {  	_ =	sdelay $0x3  }
0x48f: {  	v39 =	vor.u32 v9, v39;
	v36 =	vand.u32 $0x7F, v36;
	v38 =	vand.u32 $0x400, v38;
	v33 =	vld.idx.msk [tilespmem:v33+s25+$0x0], $0xffff  }
0x490: {  	v53 =	vshll.u32 v37, $0x3;
	v40 =	vld.idx.msk [tilespmem:v34+s13+$0x0], $0xffff;
	v41 =	vadd.s32 s24, v7;
	v36 =	vor.u32 v38, v36  }
0x491: {  	v54 =	vand.u32 $0x7F, v37;
	v55 =	vld.idx.msk [tilespmem:v34+s25+$0x0], $0xffff;
	v38 =	vand.u32 $0x400, v53;
	v36 =	vor.u32 v9, v36  }
0x492: {  	v42 =	vld.idx.msk [tilespmem:v35+s13+$0x0], $0xffff;
	v43 =	vadd.s32 s22, v7;
	v56 =	vshll.u32 v41, $0x3;
	v37 =	vor.u32 v38, v54  }
0x493: {  	v57 =	vld.idx.msk [tilespmem:v35+s25+$0x0], $0xffff;
	v41 =	vand.u32 $0x7F, v41;
	v38 =	vand.u32 $0x400, v56;
	v37 =	vor.u32 v9, v37  }
0x494: {  	v14 =	vmul.f32 v17, v14;
	v17 =	vmul.f32 v19, v18;
	v38 =	vor.u32 v38, v41;
	v44 =	vld.idx.msk [tilespmem:v39+s13+$0x0], $0xffff  }
0x495: {  	v19 =	vmul.f32 v21, v20;
	v58 =	vshll.u32 v43, $0x3;
	v38 =	vor.u32 v9, v38;
	v39 =	vld.idx.msk [tilespmem:v39+s25+$0x0], $0xffff  }
0x496: {  	v20 =	vmul.f32 v25, v23;
	v43 =	vand.u32 $0x7F, v43;
	v41 =	vand.u32 $0x400, v58;
	v45 =	vld.idx.msk [tilespmem:v36+s13+$0x0], $0xffff  }
0x497: {  	v23 =	vmul.f32 v27, v26;
	v12 =	vadd.f32 v14, v12;
	v41 =	vor.u32 v41, v43;
	v36 =	vld.idx.msk [tilespmem:v36+s25+$0x0], $0xffff  }
0x498: {  	v27 =	vmul.f32 v31, v30;
	v41 =	vor.u32 v9, v41;
	v30 =	vmul.f32 v57, v42;
	v59 =	vld.idx.msk [tilespmem:v37+s13+$0x0], $0xffff  }
0x499: {  	v18 =	vld.idx.msk [tilespmem:v37+s25+$0x0], $0xffff  }
0x49a: {  	v12 =	vadd.f32 v30, v12;
	v21 =	vld.idx.msk [tilespmem:v38+s13+$0x0], $0xffff  }
0x49b: {  	v13 =	vadd.f32 v17, v13;
	v26 =	vld.idx.msk [tilespmem:v38+s25+$0x0], $0xffff;
	v31 =	vmul.f32 v39, v44  }
0x49c: {  	v25 =	vmul.f32 v29, v28;
	v15 =	vadd.f32 v19, v15;
	v12 =	vadd.f32 v27, v12  }
0x49d: {  	v28 =	vmul.f32 v33, v32;
	v29 =	vld.idx.msk [tilespmem:v41+s13+$0x0], $0xffff;
	v14 =	vmul.f32 v36, v45;
	v13 =	vadd.f32 v31, v13  }
0x49e: {  	v16 =	vadd.f32 v20, v16;
	v60 =	vld.idx.msk [tilespmem:v41+s25+$0x0], $0xffff;
	v12 =	vadd.f32 v23, v12;
	v17 =	vmul.f32 v18, v59  }
0x49f: {  	s24 =	simm.s32 $0x8;
	v18 =	vmul.f32 v55, v40;
	v14 =	vadd.f32 v14, v15;
	v13 =	vadd.f32 v28, v13  }
0x4a0: {  	v28 =	vadd.s32 s24, v5;
	v15 =	vadd.f32 v17, v16;
	v16 =	vmul.f32 v26, v21  }
0x4a1: {  	v17 =	vmul.f32 v24, v22;
	v24 =	vadd.s32 s24, v0;
	v14 =	vadd.f32 v18, v14  }
0x4a2: {  	v13 =	vadd.f32 v25, v13;
	v27 =	vshll.u32 v24, $0x3;
	v24 =	vand.u32 $0x7F, v24  }
0x4a3: {  	v15 =	vadd.f32 v16, v15;
	v16 =	vmul.f32 v60, v29;
	v27 =	vand.u32 $0x400, v27  }
0x4a4: {  	v14 =	vadd.f32 v17, v14;
	v12 =	vadd.f32 v13, v12;
	v24 =	vor.u32 v27, v24  }
0x4a5: {  	s28 =	simm.s32 $0x0;
	v27 =	vshll.u32 v28, $0x3;
	v28 =	vand.u32 $0x7F, v28;
	v15 =	vadd.f32 v16, v15  }
0x4a6: {  	v16 =	vadd.s32 s28, v5;
	v30 =	vand.u32 $0x400, v27;
	v31 =	vor.u32 v10, v24  }
0x4a7: {  	v19 =	vand.u32 $0x7F, v16;
	v13 =	vadd.f32 v15, v14;
	v15 =	vmov s28  }
0x4a8: {  	v16 =	vshll.u32 v16, $0x3;
	v14 =	vor.u32 s28, v0;
	v15 =	vshll.u32 v15, $0x3  }
0x4a9: {  	v24 =	vor.u32 v30, v28;
	v14 =	vand.u32 $0x7F, v14;
	v15 =	vand.u32 $0x400, v15  }
0x4aa: {  	v33 =	vor.u32 v10, v24;
	v12 =	vadd.f32 v13, v12;
	v14 =	vor.u32 v14, v15  }
0x4ab: {  	v17 =	vadd.s32 s28, v6;
	v16 =	vand.u32 $0x400, v16;
	v20 =	vor.u32 v10, v14  }
0x4ac: {  	s26 =	sand.u32 $0x7FFFFFE0, s18;
	v18 =	vadd.s32 s28, v7;
	v15 =	vshll.u32 v17, $0x3;
	[tilespmem:s21+$0x1B700] =	vst v12;
	v14 =	vor.u32 v16, v19  }
0x4ad: {  	v16 =	vand.u32 $0x7F, v17;
	v15 =	vand.u32 $0x400, v15;
	v12 =	vld [tilespmem:s26+$0x80];
	v19 =	vor.u32 v10, v14  }
0x4ae: {  	s22 =	simm.s32 $0xC;
	v17 =	vand.u32 $0x7F, v18;
	v13 =	vld [tilespmem:s26+$0x1480];
	v14 =	vor.u32 v15, v16;
	v15 =	vshll.u32 v18, $0x3  }
0x4af: {  	v16 =	vadd.s32 s22, v0;
	v32 =	vld.idx.msk [tilespmem:v33+s13+$0x0], $0xffff;
	v15 =	vand.u32 $0x400, v15;
	v21 =	vor.u32 v10, v14  }
0x4b0: {  	v15 =	vor.u32 v15, v17;
	v17 =	vshll.u32 v16, $0x3;
	v14 =	vld.idx.msk [tilespmem:v20+s13+$0x0], $0xffff  }
0x4b1: {  	v22 =	vadd.s32 s22, v5;
	v16 =	vand.u32 $0x7F, v16;
	v18 =	vand.u32 $0x400, v17;
	v17 =	vld.idx.msk [tilespmem:v20+s25+$0x0], $0xffff  }
0x4b2: {  	v16 =	vor.u32 v18, v16;
	v20 =	vshll.u32 v22, $0x3;
	v18 =	vld.idx.msk [tilespmem:v19+s13+$0x0], $0xffff  }
0x4b3: {  	v15 =	vor.u32 v10, v15;
	v22 =	vand.u32 $0x7F, v22;
	v20 =	vand.u32 $0x400, v20;
	v19 =	vld.idx.msk [tilespmem:v19+s25+$0x0], $0xffff  }
0x4b4: {  	v22 =	vor.u32 v20, v22;
	v20 =	vld.idx.msk [tilespmem:v21+s13+$0x0], $0xffff  }
0x4b5: {  	v23 =	vadd.s32 s22, v6;
	v16 =	vor.u32 v10, v16;
	v21 =	vld.idx.msk [tilespmem:v21+s25+$0x0], $0xffff  }
0x4b6: {  	v25 =	vshll.u32 v23, $0x3;
	v12 =	vld.idx.msk [tilespmem:v12+s17+$0x0], $0xffff  }
0x4b7: {  	v26 =	vand.u32 $0x7F, v23;
	v25 =	vand.u32 $0x400, v25;
	v22 =	vor.u32 v10, v22;
	v13 =	vld.idx.msk [tilespmem:v13+s19+$0x0], $0xffff  }
0x4b8: {  	s23 =	simm.s32 $0x4;
	v26 =	vor.u32 v25, v26;
	v23 =	vld.idx.msk [tilespmem:v15+s13+$0x0], $0xffff  }
0x4b9: {  	v62 =	vadd.s32 s23, v5;
	v25 =	vld.idx.msk [tilespmem:v15+s25+$0x0], $0xffff;
	v15 =	vor.u32 v10, v26  }
0x4ba: {  	v63 =	vand.u32 $0x7F, v62;
	v29 =	vadd.s32 s24, v6;
	v26 =	vld.idx.msk [tilespmem:v16+s13+$0x0], $0xffff  }
0x4bb: {  	v37 =	vadd.s32 s23, v7;
	v36 =	vadd.s32 s23, v6;
	v30 =	vshll.u32 v29, $0x3;
	v27 =	vld.idx.msk [tilespmem:v16+s25+$0x0], $0xffff  }
0x4bc: {  	v24 =	vand.u32 $0x7F, v29;
	v30 =	vand.u32 $0x400, v30;
	v16 =	vadd.s32 s23, v0;
	v28 =	vld.idx.msk [tilespmem:v22+s13+$0x0], $0xffff  }
0x4bd: {  	v38 =	vshll.u32 v36, $0x3;
	v24 =	vor.u32 v30, v24;
	v61 =	vshll.u32 v16, $0x3;
	v29 =	vld.idx.msk [tilespmem:v22+s25+$0x0], $0xffff  }
0x4be: {  	v34 =	vor.u32 v10, v24;
	v16 =	vand.u32 $0x7F, v16;
	v30 =	vand.u32 $0x400, v61;
	v22 =	vld.idx.msk [tilespmem:v15+s13+$0x0], $0xffff  }
0x4bf: {  	v12 =	vadd.f32 v13, v12;
	v24 =	vld.idx.msk [tilespmem:v15+s25+$0x0], $0xffff;
	v15 =	vor.u32 v30, v16;
	v16 =	vshll.u32 v62, $0x3  }
0x4c0: {  	v13 =	vimm.f32 $0.0e+00;
	v30 =	vld.idx.msk [tilespmem:v31+s13+$0x0], $0xffff;
	v16 =	vand.u32 $0x400, v16;
	v35 =	vor.u32 v10, v15  }
0x4c1: {  	s21 =	sadd.s32 $0x80, s26;
	s23 =	simm.s32 $0x10;
	v31 =	vld.idx.msk [tilespmem:v31+s25+$0x0], $0xffff;
	v15 =	vimm.f32 $0.0e+00;
	v39 =	vor.u32 v16, v63;
	v16 =	vimm.f32 $0.0e+00  }
.LBB2_22:
0x4c2: {  	p2 =	slt.u32 s23, $0xF0;
	v39 =	vor.u32 v10, v39;
	v36 =	vand.u32 $0x7F, v36;
	v38 =	vand.u32 $0x400, v38;
	v33 =	vld.idx.msk [tilespmem:v33+s25+$0x0], $0xffff  }
0x4c3: {  	v41 =	vadd.s32 s24, v7;
	v36 =	vor.u32 v38, v36;
	v38 =	vshll.u32 v37, $0x3;
	v40 =	vld.idx.msk [tilespmem:v34+s13+$0x0], $0xffff  }
0x4c4: {  	v37 =	vand.u32 $0x7F, v37;
	v36 =	vor.u32 v10, v36;
	v38 =	vand.u32 $0x400, v38;
	v34 =	vld.idx.msk [tilespmem:v34+s25+$0x0], $0xffff  }
0x4c5: {  	v43 =	vadd.s32 s22, v7;
	v42 =	vld.idx.msk [tilespmem:v35+s13+$0x0], $0xffff;
	v37 =	vor.u32 v38, v37;
	v38 =	vshll.u32 v41, $0x3  }
0x4c6: {  	v41 =	vand.u32 $0x7F, v41;
	v35 =	vld.idx.msk [tilespmem:v35+s25+$0x0], $0xffff;
	v37 =	vor.u32 v10, v37;
	v38 =	vand.u32 $0x400, v38  }
0x4c7: {  	v44 =	vor.u32 s23, v0;
	v45 =	vld.idx.msk [tilespmem:v39+s13+$0x0], $0xffff;
	v38 =	vor.u32 v38, v41;
	v41 =	vshll.u32 v43, $0x3  }
0x4c8: {  	v43 =	vand.u32 $0x7F, v43;
	v39 =	vld.idx.msk [tilespmem:v39+s25+$0x0], $0xffff;
	v38 =	vor.u32 v10, v38;
	v41 =	vand.u32 $0x400, v41  }
0x4c9: {  	v46 =	vmov s23;
	v47 =	vadd.s32 s23, v5;
	v48 =	vld.idx.msk [tilespmem:v36+s13+$0x0], $0xffff;
	v41 =	vor.u32 v41, v43  }
0x4ca: {  	v49 =	vadd.s32 s23, v7;
	v43 =	vadd.s32 s23, v6;
	v36 =	vld.idx.msk [tilespmem:v36+s25+$0x0], $0xffff;
	v41 =	vor.u32 v10, v41  }
0x4cb: {  	v44 =	vand.u32 $0x7F, v44;
	v46 =	vshll.u32 v46, $0x3;
	v50 =	vand.u32 $0x7F, v47;
	v51 =	vld.idx.msk [tilespmem:v37+s13+$0x0], $0xffff  }
0x4cc: {  	v14 =	vmul.f32 v17, v14;
	v17 =	vmul.f32 v19, v18;
	v47 =	vshll.u32 v47, $0x3;
	v18 =	vld.idx.msk [tilespmem:v37+s25+$0x0], $0xffff  }
0x4cd: {  	v20 =	vmul.f32 v21, v20;
	v21 =	vmul.f32 v25, v23;
	v19 =	vshll.u32 v43, $0x3;
	v23 =	vld.idx.msk [tilespmem:v38+s13+$0x0], $0xffff  }
0x4ce: {  	v26 =	vmul.f32 v27, v26;
	v27 =	vmul.f32 v29, v28;
	v25 =	vand.u32 $0x400, v46;
	v37 =	vld.idx.msk [tilespmem:v38+s25+$0x0], $0xffff  }
0x4cf: {  	v28 =	vand.u32 $0x400, v47;
	v29 =	vmul.f32 v31, v30;
	v30 =	vmul.f32 v33, v32;
	v31 =	vld.idx.msk [tilespmem:v41+s13+$0x0], $0xffff  }
0x4d0: {  	v25 =	vor.u32 v44, v25;
	v32 =	vmul.f32 v35, v42;
	v33 =	vmul.f32 v39, v45;
	v35 =	vld.idx.msk [tilespmem:v41+s25+$0x0], $0xffff  }
0x4d1: {  	v12 =	vadd.f32 v14, v12;
	v13 =	vadd.f32 v17, v13;
	v14 =	vmul.f32 v36, v48  }
0x4d2: {  	v15 =	vadd.f32 v20, v15;
	v16 =	vadd.f32 v21, v16;
	v17 =	vmul.f32 v18, v51  }
0x4d3: {  	v12 =	vadd.f32 v32, v12;
	v13 =	vadd.f32 v33, v13;
	v18 =	vmul.f32 v34, v40  }
0x4d4: {  	v14 =	vadd.f32 v14, v15;
	v15 =	vadd.f32 v17, v16;
	v16 =	vmul.f32 v37, v23  }
0x4d5: {  	v12 =	vadd.f32 v29, v12;
	v13 =	vadd.f32 v30, v13;
	v17 =	vmul.f32 v24, v22  }
0x4d6: {  	v14 =	vadd.f32 v18, v14;
	v16 =	vadd.f32 v16, v15;
	v18 =	vmul.f32 v35, v31  }
0x4d7: {  	v20 =	vor.u32 v10, v25;
	v12 =	vadd.f32 v26, v12;
	v13 =	vadd.f32 v27, v13  }
0x4d8: {  	v21 =	vor.u32 v28, v50;
	v15 =	vadd.f32 v17, v14;
	v16 =	vadd.f32 v18, v16  }
0x4d9: {  	s22 =	sadd.s32 $0xC, s23;
	v21 =	vor.u32 v10, v21;
	v14 =	vand.u32 $0x7F, v43;
	v17 =	vand.u32 $0x400, v19  }
0x4da: {  	v14 =	vor.u32 v17, v14;
	v17 =	vshll.u32 v49, $0x3;
	v18 =	vadd.s32 s22, v0  }
0x4db: {  	v19 =	vand.u32 $0x7F, v49;
	v22 =	vor.u32 v10, v14;
	v17 =	vand.u32 $0x400, v17  }
0x4dc: {  	v24 =	vadd.s32 s22, v5;
	v19 =	vor.u32 v17, v19;
	v23 =	vshll.u32 v18, $0x3;
	v14 =	vld.idx.msk [tilespmem:v20+s13+$0x0], $0xffff  }
0x4dd: {  	v25 =	vor.u32 v10, v19;
	v19 =	vand.u32 $0x7F, v18;
	v17 =	vld.idx.msk [tilespmem:v20+s25+$0x0], $0xffff;
	v20 =	vand.u32 $0x400, v23  }
0x4de: {  	v26 =	vadd.s32 s22, v6;
	v23 =	vshll.u32 v24, $0x3;
	v18 =	vld.idx.msk [tilespmem:v21+s13+$0x0], $0xffff;
	v20 =	vor.u32 v20, v19  }
0x4df: {  	s24 =	sadd.s32 $0x8, s23;
	v23 =	vand.u32 $0x400, v23;
	v19 =	vld.idx.msk [tilespmem:v21+s25+$0x0], $0xffff;
	v27 =	vor.u32 v10, v20;
	v21 =	vand.u32 $0x7F, v24  }
0x4e0: {  	v28 =	vshll.u32 v26, $0x3;
	v24 =	vadd.s32 s24, v0;
	v20 =	vld.idx.msk [tilespmem:v22+s13+$0x0], $0xffff;
	v23 =	vor.u32 v23, v21  }
0x4e1: {  	v26 =	vand.u32 $0x7F, v26;
	v28 =	vand.u32 $0x400, v28;
	v21 =	vld.idx.msk [tilespmem:v22+s25+$0x0], $0xffff;
	v22 =	vor.u32 v10, v23  }
0x4e2: {  	v30 =	vadd.s32 s24, v5;
	v26 =	vor.u32 v28, v26;
	v29 =	vshll.u32 v24, $0x3;
	v23 =	vld.idx.msk [tilespmem:v25+s13+$0x0], $0xffff  }
0x4e3: {  	v31 =	vor.u32 v10, v26;
	v24 =	vand.u32 $0x7F, v24;
	v28 =	vand.u32 $0x400, v29;
	v25 =	vld.idx.msk [tilespmem:v25+s25+$0x0], $0xffff  }
0x4e4: {  	v29 =	vadd.s32 s24, v6;
	v24 =	vor.u32 v28, v24;
	v28 =	vshll.u32 v30, $0x3;
	v26 =	vld.idx.msk [tilespmem:v27+s13+$0x0], $0xffff  }
0x4e5: {  	s26 =	sadd.s32 $0x4, s23;
	v32 =	vor.u32 v10, v24;
	v24 =	vand.u32 $0x7F, v30;
	v28 =	vand.u32 $0x400, v28;
	v27 =	vld.idx.msk [tilespmem:v27+s25+$0x0], $0xffff  }
0x4e6: {  	v34 =	vshll.u32 v29, $0x3;
	v30 =	vadd.s32 s26, v0;
	v24 =	vor.u32 v28, v24;
	v28 =	vld.idx.msk [tilespmem:v22+s13+$0x0], $0xffff  }
0x4e7: {  	v34 =	vand.u32 $0x400, v34;
	v33 =	vor.u32 v10, v24;
	v24 =	vand.u32 $0x7F, v29;
	v29 =	vld.idx.msk [tilespmem:v22+s25+$0x0], $0xffff  }
.Ltmp12:
0x4e8: {  	v37 =	vadd.s32 s26, v5;
	v35 =	vshll.u32 v30, $0x3;
	v24 =	vor.u32 v34, v24;
	v22 =	vld.idx.msk [tilespmem:v31+s13+$0x0], $0xffff;
	(pc) =	sbr.rel @p2 .LBB2_22-.Ltmp12, $4  }
0x4e9: {  	v30 =	vand.u32 $0x7F, v30;
	v35 =	vand.u32 $0x400, v35;
	v34 =	vor.u32 v10, v24;
	v24 =	vld.idx.msk [tilespmem:v31+s25+$0x0], $0xffff  }
0x4ea: {  	v36 =	vadd.s32 s26, v6;
	v38 =	vshll.u32 v37, $0x3;
	v31 =	vor.u32 v35, v30;
	v30 =	vld.idx.msk [tilespmem:v32+s13+$0x0], $0xffff  }
0x4eb: {  	v37 =	vand.u32 $0x7F, v37;
	v38 =	vand.u32 $0x400, v38;
	v35 =	vor.u32 v10, v31;
	v31 =	vld.idx.msk [tilespmem:v32+s25+$0x0], $0xffff  }
0x4ec: {  	s23 =	sadd.s32 $0x10, s23;
	v39 =	vor.u32 v38, v37;
	v38 =	vshll.u32 v36, $0x3;
	v37 =	vadd.s32 s26, v7;
	v32 =	vld.idx.msk [tilespmem:v33+s13+$0x0], $0xffff  }
0x4ed: {  	_ =	sdelay $0x3  }
0x4ee: {  	v39 =	vor.u32 v10, v39;
	v36 =	vand.u32 $0x7F, v36;
	v38 =	vand.u32 $0x400, v38;
	v33 =	vld.idx.msk [tilespmem:v33+s25+$0x0], $0xffff  }
0x4ef: {  	v53 =	vshll.u32 v37, $0x3;
	v40 =	vld.idx.msk [tilespmem:v34+s13+$0x0], $0xffff;
	v41 =	vadd.s32 s24, v7;
	v36 =	vor.u32 v38, v36  }
0x4f0: {  	v54 =	vand.u32 $0x7F, v37;
	v55 =	vld.idx.msk [tilespmem:v34+s25+$0x0], $0xffff;
	v38 =	vand.u32 $0x400, v53;
	v36 =	vor.u32 v10, v36  }
0x4f1: {  	v42 =	vld.idx.msk [tilespmem:v35+s13+$0x0], $0xffff;
	v43 =	vadd.s32 s22, v7;
	v56 =	vshll.u32 v41, $0x3;
	v37 =	vor.u32 v38, v54  }
0x4f2: {  	v57 =	vld.idx.msk [tilespmem:v35+s25+$0x0], $0xffff;
	v41 =	vand.u32 $0x7F, v41;
	v38 =	vand.u32 $0x400, v56;
	v37 =	vor.u32 v10, v37  }
0x4f3: {  	v14 =	vmul.f32 v17, v14;
	v17 =	vmul.f32 v19, v18;
	v38 =	vor.u32 v38, v41;
	v44 =	vld.idx.msk [tilespmem:v39+s13+$0x0], $0xffff  }
0x4f4: {  	v19 =	vmul.f32 v21, v20;
	v58 =	vshll.u32 v43, $0x3;
	v38 =	vor.u32 v10, v38;
	v39 =	vld.idx.msk [tilespmem:v39+s25+$0x0], $0xffff  }
0x4f5: {  	v20 =	vmul.f32 v25, v23;
	v43 =	vand.u32 $0x7F, v43;
	v41 =	vand.u32 $0x400, v58;
	v45 =	vld.idx.msk [tilespmem:v36+s13+$0x0], $0xffff  }
0x4f6: {  	v23 =	vmul.f32 v27, v26;
	v12 =	vadd.f32 v14, v12;
	v41 =	vor.u32 v41, v43;
	v36 =	vld.idx.msk [tilespmem:v36+s25+$0x0], $0xffff  }
0x4f7: {  	v27 =	vmul.f32 v31, v30;
	v41 =	vor.u32 v10, v41;
	v30 =	vmul.f32 v57, v42;
	v59 =	vld.idx.msk [tilespmem:v37+s13+$0x0], $0xffff  }
0x4f8: {  	v18 =	vld.idx.msk [tilespmem:v37+s25+$0x0], $0xffff  }
0x4f9: {  	v12 =	vadd.f32 v30, v12;
	v21 =	vld.idx.msk [tilespmem:v38+s13+$0x0], $0xffff  }
0x4fa: {  	v13 =	vadd.f32 v17, v13;
	v26 =	vld.idx.msk [tilespmem:v38+s25+$0x0], $0xffff;
	v31 =	vmul.f32 v39, v44  }
0x4fb: {  	v25 =	vmul.f32 v29, v28;
	v15 =	vadd.f32 v19, v15;
	v12 =	vadd.f32 v27, v12  }
0x4fc: {  	v28 =	vmul.f32 v33, v32;
	v29 =	vld.idx.msk [tilespmem:v41+s13+$0x0], $0xffff;
	v14 =	vmul.f32 v36, v45;
	v13 =	vadd.f32 v31, v13  }
0x4fd: {  	v16 =	vadd.f32 v20, v16;
	v60 =	vld.idx.msk [tilespmem:v41+s25+$0x0], $0xffff;
	v12 =	vadd.f32 v23, v12;
	v17 =	vmul.f32 v18, v59  }
0x4fe: {  	s23 =	simm.s32 $0x8;
	v18 =	vmul.f32 v55, v40;
	v14 =	vadd.f32 v14, v15;
	v13 =	vadd.f32 v28, v13  }
0x4ff: {  	v28 =	vadd.s32 s23, v5;
	v15 =	vadd.f32 v17, v16;
	v16 =	vmul.f32 v26, v21  }
0x500: {  	v17 =	vmul.f32 v24, v22;
	v24 =	vadd.s32 s23, v0;
	v14 =	vadd.f32 v18, v14  }
0x501: {  	v13 =	vadd.f32 v25, v13;
	v27 =	vshll.u32 v24, $0x3;
	v24 =	vand.u32 $0x7F, v24  }
0x502: {  	v15 =	vadd.f32 v16, v15;
	v16 =	vmul.f32 v60, v29;
	v27 =	vand.u32 $0x400, v27  }
0x503: {  	v14 =	vadd.f32 v17, v14;
	v12 =	vadd.f32 v13, v12;
	v24 =	vor.u32 v27, v24  }
0x504: {  	s26 =	simm.s32 $0x0;
	v27 =	vshll.u32 v28, $0x3;
	v28 =	vand.u32 $0x7F, v28;
	v15 =	vadd.f32 v16, v15  }
0x505: {  	v16 =	vadd.s32 s26, v5;
	v30 =	vand.u32 $0x400, v27;
	v31 =	vor.u32 v11, v24  }
0x506: {  	v19 =	vand.u32 $0x7F, v16;
	v13 =	vadd.f32 v15, v14;
	v15 =	vmov s26  }
0x507: {  	v16 =	vshll.u32 v16, $0x3;
	v14 =	vor.u32 s26, v0;
	v15 =	vshll.u32 v15, $0x3  }
0x508: {  	v24 =	vor.u32 v30, v28;
	v14 =	vand.u32 $0x7F, v14;
	v15 =	vand.u32 $0x400, v15  }
0x509: {  	v33 =	vor.u32 v11, v24;
	v12 =	vadd.f32 v13, v12;
	v14 =	vor.u32 v14, v15  }
0x50a: {  	v17 =	vadd.s32 s26, v6;
	v16 =	vand.u32 $0x400, v16;
	v20 =	vor.u32 v11, v14  }
0x50b: {  	v18 =	vadd.s32 s26, v7;
	v15 =	vshll.u32 v17, $0x3;
	[tilespmem:s21+$0x1B700] =	vst v12;
	v14 =	vor.u32 v16, v19  }
0x50c: {  	v16 =	vand.u32 $0x7F, v17;
	v15 =	vand.u32 $0x400, v15;
	v12 =	vld [tilespmem:s18+$0x90];
	v19 =	vor.u32 v11, v14  }
0x50d: {  	s21 =	simm.s32 $0xC;
	v17 =	vand.u32 $0x7F, v18;
	v13 =	vld [tilespmem:s18+$0x1490];
	v14 =	vor.u32 v15, v16;
	v15 =	vshll.u32 v18, $0x3  }
0x50e: {  	v16 =	vadd.s32 s21, v0;
	v32 =	vld.idx.msk [tilespmem:v33+s13+$0x0], $0xffff;
	v15 =	vand.u32 $0x400, v15;
	v21 =	vor.u32 v11, v14  }
0x50f: {  	v15 =	vor.u32 v15, v17;
	v17 =	vshll.u32 v16, $0x3;
	v14 =	vld.idx.msk [tilespmem:v20+s13+$0x0], $0xffff  }
0x510: {  	v22 =	vadd.s32 s21, v5;
	v16 =	vand.u32 $0x7F, v16;
	v18 =	vand.u32 $0x400, v17;
	v17 =	vld.idx.msk [tilespmem:v20+s25+$0x0], $0xffff  }
0x511: {  	v16 =	vor.u32 v18, v16;
	v20 =	vshll.u32 v22, $0x3;
	v18 =	vld.idx.msk [tilespmem:v19+s13+$0x0], $0xffff  }
0x512: {  	v15 =	vor.u32 v11, v15;
	v22 =	vand.u32 $0x7F, v22;
	v20 =	vand.u32 $0x400, v20;
	v19 =	vld.idx.msk [tilespmem:v19+s25+$0x0], $0xffff  }
0x513: {  	v22 =	vor.u32 v20, v22;
	v20 =	vld.idx.msk [tilespmem:v21+s13+$0x0], $0xffff  }
0x514: {  	v23 =	vadd.s32 s21, v6;
	v16 =	vor.u32 v11, v16;
	v21 =	vld.idx.msk [tilespmem:v21+s25+$0x0], $0xffff  }
0x515: {  	v25 =	vshll.u32 v23, $0x3;
	v12 =	vld.idx.msk [tilespmem:v12+s17+$0x0], $0xffff  }
0x516: {  	v26 =	vand.u32 $0x7F, v23;
	v25 =	vand.u32 $0x400, v25;
	v22 =	vor.u32 v11, v22;
	v13 =	vld.idx.msk [tilespmem:v13+s19+$0x0], $0xffff  }
0x517: {  	s28 =	simm.s32 $0x4;
	v26 =	vor.u32 v25, v26;
	v23 =	vld.idx.msk [tilespmem:v15+s13+$0x0], $0xffff  }
0x518: {  	v62 =	vadd.s32 s28, v5;
	v25 =	vld.idx.msk [tilespmem:v15+s25+$0x0], $0xffff;
	v15 =	vor.u32 v11, v26  }
0x519: {  	v63 =	vand.u32 $0x7F, v62;
	v29 =	vadd.s32 s23, v6;
	v26 =	vld.idx.msk [tilespmem:v16+s13+$0x0], $0xffff  }
0x51a: {  	v37 =	vadd.s32 s28, v7;
	v36 =	vadd.s32 s28, v6;
	v30 =	vshll.u32 v29, $0x3;
	v27 =	vld.idx.msk [tilespmem:v16+s25+$0x0], $0xffff  }
0x51b: {  	v24 =	vand.u32 $0x7F, v29;
	v30 =	vand.u32 $0x400, v30;
	v16 =	vadd.s32 s28, v0;
	v28 =	vld.idx.msk [tilespmem:v22+s13+$0x0], $0xffff  }
0x51c: {  	v38 =	vshll.u32 v36, $0x3;
	v24 =	vor.u32 v30, v24;
	v61 =	vshll.u32 v16, $0x3;
	v29 =	vld.idx.msk [tilespmem:v22+s25+$0x0], $0xffff  }
0x51d: {  	v34 =	vor.u32 v11, v24;
	v16 =	vand.u32 $0x7F, v16;
	v30 =	vand.u32 $0x400, v61;
	v22 =	vld.idx.msk [tilespmem:v15+s13+$0x0], $0xffff  }
0x51e: {  	v12 =	vadd.f32 v13, v12;
	v24 =	vld.idx.msk [tilespmem:v15+s25+$0x0], $0xffff;
	v15 =	vor.u32 v30, v16;
	v16 =	vshll.u32 v62, $0x3  }
0x51f: {  	v13 =	vimm.f32 $0.0e+00;
	v30 =	vld.idx.msk [tilespmem:v31+s13+$0x0], $0xffff;
	v16 =	vand.u32 $0x400, v16;
	v35 =	vor.u32 v11, v15  }
0x520: {  	s22 =	simm.s32 $0x10;
	s18 =	sadd.s32 $0x90, s18;
	v31 =	vld.idx.msk [tilespmem:v31+s25+$0x0], $0xffff;
	v15 =	vimm.f32 $0.0e+00;
	v39 =	vor.u32 v16, v63;
	v16 =	vimm.f32 $0.0e+00  }
.LBB2_24:
0x521: {  	p2 =	slt.u32 s22, $0xF0;
	v39 =	vor.u32 v11, v39;
	v36 =	vand.u32 $0x7F, v36;
	v38 =	vand.u32 $0x400, v38;
	v33 =	vld.idx.msk [tilespmem:v33+s25+$0x0], $0xffff  }
0x522: {  	v41 =	vadd.s32 s23, v7;
	v36 =	vor.u32 v38, v36;
	v38 =	vshll.u32 v37, $0x3;
	v40 =	vld.idx.msk [tilespmem:v34+s13+$0x0], $0xffff  }
0x523: {  	v37 =	vand.u32 $0x7F, v37;
	v36 =	vor.u32 v11, v36;
	v38 =	vand.u32 $0x400, v38;
	v34 =	vld.idx.msk [tilespmem:v34+s25+$0x0], $0xffff  }
0x524: {  	v43 =	vadd.s32 s21, v7;
	v42 =	vld.idx.msk [tilespmem:v35+s13+$0x0], $0xffff;
	v37 =	vor.u32 v38, v37;
	v38 =	vshll.u32 v41, $0x3  }
0x525: {  	v41 =	vand.u32 $0x7F, v41;
	v35 =	vld.idx.msk [tilespmem:v35+s25+$0x0], $0xffff;
	v37 =	vor.u32 v11, v37;
	v38 =	vand.u32 $0x400, v38  }
0x526: {  	v44 =	vor.u32 s22, v0;
	v45 =	vld.idx.msk [tilespmem:v39+s13+$0x0], $0xffff;
	v38 =	vor.u32 v38, v41;
	v41 =	vshll.u32 v43, $0x3  }
0x527: {  	v43 =	vand.u32 $0x7F, v43;
	v39 =	vld.idx.msk [tilespmem:v39+s25+$0x0], $0xffff;
	v38 =	vor.u32 v11, v38;
	v41 =	vand.u32 $0x400, v41  }
0x528: {  	v46 =	vmov s22;
	v47 =	vadd.s32 s22, v5;
	v48 =	vld.idx.msk [tilespmem:v36+s13+$0x0], $0xffff;
	v41 =	vor.u32 v41, v43  }
0x529: {  	v49 =	vadd.s32 s22, v7;
	v43 =	vadd.s32 s22, v6;
	v36 =	vld.idx.msk [tilespmem:v36+s25+$0x0], $0xffff;
	v41 =	vor.u32 v11, v41  }
0x52a: {  	v44 =	vand.u32 $0x7F, v44;
	v46 =	vshll.u32 v46, $0x3;
	v50 =	vand.u32 $0x7F, v47;
	v51 =	vld.idx.msk [tilespmem:v37+s13+$0x0], $0xffff  }
0x52b: {  	v14 =	vmul.f32 v17, v14;
	v17 =	vmul.f32 v19, v18;
	v47 =	vshll.u32 v47, $0x3;
	v18 =	vld.idx.msk [tilespmem:v37+s25+$0x0], $0xffff  }
0x52c: {  	v20 =	vmul.f32 v21, v20;
	v21 =	vmul.f32 v25, v23;
	v19 =	vshll.u32 v43, $0x3;
	v23 =	vld.idx.msk [tilespmem:v38+s13+$0x0], $0xffff  }
0x52d: {  	v26 =	vmul.f32 v27, v26;
	v27 =	vmul.f32 v29, v28;
	v25 =	vand.u32 $0x400, v46;
	v37 =	vld.idx.msk [tilespmem:v38+s25+$0x0], $0xffff  }
0x52e: {  	v28 =	vand.u32 $0x400, v47;
	v29 =	vmul.f32 v31, v30;
	v30 =	vmul.f32 v33, v32;
	v31 =	vld.idx.msk [tilespmem:v41+s13+$0x0], $0xffff  }
0x52f: {  	v25 =	vor.u32 v44, v25;
	v32 =	vmul.f32 v35, v42;
	v33 =	vmul.f32 v39, v45;
	v35 =	vld.idx.msk [tilespmem:v41+s25+$0x0], $0xffff  }
0x530: {  	v12 =	vadd.f32 v14, v12;
	v13 =	vadd.f32 v17, v13;
	v14 =	vmul.f32 v36, v48  }
0x531: {  	v15 =	vadd.f32 v20, v15;
	v16 =	vadd.f32 v21, v16;
	v17 =	vmul.f32 v18, v51  }
0x532: {  	v12 =	vadd.f32 v32, v12;
	v13 =	vadd.f32 v33, v13;
	v18 =	vmul.f32 v34, v40  }
0x533: {  	v14 =	vadd.f32 v14, v15;
	v15 =	vadd.f32 v17, v16;
	v16 =	vmul.f32 v37, v23  }
0x534: {  	v12 =	vadd.f32 v29, v12;
	v13 =	vadd.f32 v30, v13;
	v17 =	vmul.f32 v24, v22  }
0x535: {  	v14 =	vadd.f32 v18, v14;
	v16 =	vadd.f32 v16, v15;
	v18 =	vmul.f32 v35, v31  }
0x536: {  	v20 =	vor.u32 v11, v25;
	v12 =	vadd.f32 v26, v12;
	v13 =	vadd.f32 v27, v13  }
0x537: {  	v21 =	vor.u32 v28, v50;
	v15 =	vadd.f32 v17, v14;
	v16 =	vadd.f32 v18, v16  }
0x538: {  	s21 =	sadd.s32 $0xC, s22;
	v21 =	vor.u32 v11, v21;
	v14 =	vand.u32 $0x7F, v43;
	v17 =	vand.u32 $0x400, v19  }
0x539: {  	v14 =	vor.u32 v17, v14;
	v17 =	vshll.u32 v49, $0x3;
	v18 =	vadd.s32 s21, v0  }
0x53a: {  	v19 =	vand.u32 $0x7F, v49;
	v22 =	vor.u32 v11, v14;
	v17 =	vand.u32 $0x400, v17  }
0x53b: {  	v24 =	vadd.s32 s21, v5;
	v19 =	vor.u32 v17, v19;
	v23 =	vshll.u32 v18, $0x3;
	v14 =	vld.idx.msk [tilespmem:v20+s13+$0x0], $0xffff  }
0x53c: {  	v25 =	vor.u32 v11, v19;
	v19 =	vand.u32 $0x7F, v18;
	v17 =	vld.idx.msk [tilespmem:v20+s25+$0x0], $0xffff;
	v20 =	vand.u32 $0x400, v23  }
0x53d: {  	v26 =	vadd.s32 s21, v6;
	v23 =	vshll.u32 v24, $0x3;
	v18 =	vld.idx.msk [tilespmem:v21+s13+$0x0], $0xffff;
	v20 =	vor.u32 v20, v19  }
0x53e: {  	s23 =	sadd.s32 $0x8, s22;
	v23 =	vand.u32 $0x400, v23;
	v19 =	vld.idx.msk [tilespmem:v21+s25+$0x0], $0xffff;
	v27 =	vor.u32 v11, v20;
	v21 =	vand.u32 $0x7F, v24  }
0x53f: {  	v28 =	vshll.u32 v26, $0x3;
	v24 =	vadd.s32 s23, v0;
	v20 =	vld.idx.msk [tilespmem:v22+s13+$0x0], $0xffff;
	v23 =	vor.u32 v23, v21  }
0x540: {  	v26 =	vand.u32 $0x7F, v26;
	v28 =	vand.u32 $0x400, v28;
	v21 =	vld.idx.msk [tilespmem:v22+s25+$0x0], $0xffff;
	v22 =	vor.u32 v11, v23  }
0x541: {  	v30 =	vadd.s32 s23, v5;
	v26 =	vor.u32 v28, v26;
	v29 =	vshll.u32 v24, $0x3;
	v23 =	vld.idx.msk [tilespmem:v25+s13+$0x0], $0xffff  }
0x542: {  	v31 =	vor.u32 v11, v26;
	v24 =	vand.u32 $0x7F, v24;
	v28 =	vand.u32 $0x400, v29;
	v25 =	vld.idx.msk [tilespmem:v25+s25+$0x0], $0xffff  }
0x543: {  	v29 =	vadd.s32 s23, v6;
	v24 =	vor.u32 v28, v24;
	v28 =	vshll.u32 v30, $0x3;
	v26 =	vld.idx.msk [tilespmem:v27+s13+$0x0], $0xffff  }
0x544: {  	s24 =	sadd.s32 $0x4, s22;
	v32 =	vor.u32 v11, v24;
	v24 =	vand.u32 $0x7F, v30;
	v28 =	vand.u32 $0x400, v28;
	v27 =	vld.idx.msk [tilespmem:v27+s25+$0x0], $0xffff  }
0x545: {  	v34 =	vshll.u32 v29, $0x3;
	v30 =	vadd.s32 s24, v0;
	v24 =	vor.u32 v28, v24;
	v28 =	vld.idx.msk [tilespmem:v22+s13+$0x0], $0xffff  }
0x546: {  	v34 =	vand.u32 $0x400, v34;
	v33 =	vor.u32 v11, v24;
	v24 =	vand.u32 $0x7F, v29;
	v29 =	vld.idx.msk [tilespmem:v22+s25+$0x0], $0xffff  }
.Ltmp13:
0x547: {  	v37 =	vadd.s32 s24, v5;
	v35 =	vshll.u32 v30, $0x3;
	v24 =	vor.u32 v34, v24;
	v22 =	vld.idx.msk [tilespmem:v31+s13+$0x0], $0xffff;
	(pc) =	sbr.rel @p2 .LBB2_24-.Ltmp13, $4  }
0x548: {  	v30 =	vand.u32 $0x7F, v30;
	v35 =	vand.u32 $0x400, v35;
	v34 =	vor.u32 v11, v24;
	v24 =	vld.idx.msk [tilespmem:v31+s25+$0x0], $0xffff  }
0x549: {  	v36 =	vadd.s32 s24, v6;
	v38 =	vshll.u32 v37, $0x3;
	v31 =	vor.u32 v35, v30;
	v30 =	vld.idx.msk [tilespmem:v32+s13+$0x0], $0xffff  }
0x54a: {  	v37 =	vand.u32 $0x7F, v37;
	v38 =	vand.u32 $0x400, v38;
	v35 =	vor.u32 v11, v31;
	v31 =	vld.idx.msk [tilespmem:v32+s25+$0x0], $0xffff  }
0x54b: {  	s22 =	sadd.s32 $0x10, s22;
	v39 =	vor.u32 v38, v37;
	v38 =	vshll.u32 v36, $0x3;
	v37 =	vadd.s32 s24, v7;
	v32 =	vld.idx.msk [tilespmem:v33+s13+$0x0], $0xffff  }
0x54c: {  	_ =	sdelay $0x3  }
0x54d: {  	v39 =	vor.u32 v11, v39;
	v36 =	vand.u32 $0x7F, v36;
	v38 =	vand.u32 $0x400, v38;
	v33 =	vld.idx.msk [tilespmem:v33+s25+$0x0], $0xffff  }
0x54e: {  	v55 =	vshll.u32 v37, $0x3;
	v40 =	vld.idx.msk [tilespmem:v34+s13+$0x0], $0xffff;
	v41 =	vadd.s32 s23, v7;
	v36 =	vor.u32 v38, v36  }
0x54f: {  	v56 =	vand.u32 $0x7F, v37;
	v34 =	vld.idx.msk [tilespmem:v34+s25+$0x0], $0xffff;
	v38 =	vand.u32 $0x400, v55;
	v36 =	vor.u32 v11, v36  }
0x550: {  	v42 =	vld.idx.msk [tilespmem:v35+s13+$0x0], $0xffff;
	v43 =	vadd.s32 s21, v7;
	v57 =	vshll.u32 v41, $0x3;
	v37 =	vor.u32 v38, v56  }
0x551: {  	v58 =	vld.idx.msk [tilespmem:v35+s25+$0x0], $0xffff;
	v41 =	vand.u32 $0x7F, v41;
	v38 =	vand.u32 $0x400, v57;
	v37 =	vor.u32 v11, v37  }
0x552: {  	v59 =	vshll.u32 v43, $0x3;
	v38 =	vor.u32 v38, v41;
	v44 =	vld.idx.msk [tilespmem:v39+s13+$0x0], $0xffff  }
0x553: {  	v43 =	vand.u32 $0x7F, v43;
	v41 =	vand.u32 $0x400, v59;
	v38 =	vor.u32 v11, v38;
	v39 =	vld.idx.msk [tilespmem:v39+s25+$0x0], $0xffff  }
0x554: {  	v41 =	vor.u32 v41, v43;
	v45 =	vld.idx.msk [tilespmem:v36+s13+$0x0], $0xffff  }
0x555: {  	v41 =	vor.u32 v11, v41;
	v36 =	vld.idx.msk [tilespmem:v36+s25+$0x0], $0xffff  }
0x556: {  	v60 =	vld.idx.msk [tilespmem:v37+s13+$0x0], $0xffff  }
0x557: {  	v14 =	vmul.f32 v17, v14;
	v61 =	vmul.f32 v19, v18;
	v62 =	vld.idx.msk [tilespmem:v37+s25+$0x0], $0xffff  }
0x558: {  	v63 =	vmul.f32 v21, v20;
	v47 =	vmul.f32 v27, v26;
	v46 =	vld.idx.msk [tilespmem:v38+s13+$0x0], $0xffff  }
0x559: {  	v48 =	vmul.f32 v29, v28;
	v12 =	vadd.f32 v14, v12;
	v50 =	vmul.f32 v31, v30;
	v49 =	vld.idx.msk [tilespmem:v38+s25+$0x0], $0xffff  }
0x55a: {  	v13 =	vadd.f32 v61, v13;
	v51 =	vmul.f32 v33, v32;
	v37 =	vmul.f32 v25, v23;
	v52 =	vld.idx.msk [tilespmem:v41+s13+$0x0], $0xffff  }
0x55b: {  	v15 =	vadd.f32 v63, v15;
	v53 =	vmul.f32 v58, v42;
	v54 =	vmul.f32 v39, v44;
	v55 =	vld.idx.msk [tilespmem:v41+s25+$0x0], $0xffff  }
0x55c: {  	v16 =	vadd.f32 v37, v16;
	v56 =	vmul.f32 v36, v45;
	v57 =	vmul.f32 v62, v60  }
0x55d: {  	v58 =	vmul.f32 v34, v40;
	v12 =	vadd.f32 v53, v12;
	v13 =	vadd.f32 v54, v13  }
0x55e: {  	v14 =	vadd.f32 v56, v15;
	v60 =	vmul.f32 v49, v46;
	v59 =	vadd.f32 v57, v16  }
0x55f: {  	v61 =	vmul.f32 v24, v22;
	v12 =	vadd.f32 v50, v12;
	v13 =	vadd.f32 v51, v13  }
0x560: {  	v62 =	vmul.f32 v55, v52;
	v14 =	vadd.f32 v58, v14;
	v15 =	vadd.f32 v60, v59  }
0x561: {  	v12 =	vadd.f32 v47, v12;
	v13 =	vadd.f32 v48, v13  }
0x562: {  	s7 =	sadd.s32 $0x1, s7;
	v14 =	vadd.f32 v61, v14;
	v15 =	vadd.f32 v62, v15  }
0x563: {  	p2 =	sne.s32 s7, s16  }
.Ltmp14:
0x564: {  	v12 =	vadd.f32 v13, v12;
	v63 =	vadd.f32 v15, v14;
	(pc) =	sbr.rel @p2 .LBB2_3-.Ltmp14, $4  }
.Ltmp15:
0x565: {  	_ = 	snop;
	(pc) =	sbr.rel @!p2 .LBB2_26-.Ltmp15, $4  }
0x566: {  	v12 =	vadd.f32 v63, v12  }
0x567: {  	_ = 	snop  }
0x568: {  	[tilespmem:s18+$0x1B700] =	vst v12  }
0x569: {  	_ = 	snop  }
.LBB2_27:
0x56a: {  	_ =	sfence.sel $0x180000  }
0x56b: {  	[bflag:$0x0] =	sbarrier.arrive $0xFFFF  }
0x56c: {  	_ =	strace $0x90000047  }
0x56d: {  	s0 =	stileid.u32;
	[bflag:$0x2] =	sbarrier.arrive $0xFFFF  }
0x56e: {  	p0 =	sne.s32 s0, $0x0;
	s0 =	rddreg [dreg:$0x4]  }
0x56f: {  	s0 =	sadd.s32 @!p0 $0x100000, s0  }
0x570: {  	[sflag:s0] =	ssyncadd.tile.s32 @!p0 $0x1;
	_ =	shalt  }
.Lfunc_end2:
_tile_overlayer_lowered:
.L_overlay_start_2:
0x571: {  	(tag) =	ssettag $0x2  }
0x572: {  	s0 =	rddreg [dreg:$0x0];
	s2 =	stileid.u32  }
0x573: {  	s1 =	rddreg [dreg:$0x1];
	p0 =	sne.s32 s2, $0x0  }
0x574: {  	s3 =	rddreg [dreg:$0x2];
	[bflag:$0x3] =	sbarrier.arrive $0xFFFF;
	s2 =	simm.s32 @!p0 $0x1C05  }
0x575: {  	[timem:s3], [sflag:s2] =	dma.local @!p0 [hbm:s0], s1  }
0x576: {  	s0 =	simm.s32 @!p0 $0x5  }
0x577: {  	_ =	swait.ge @!p0 [sflag:s0], s1  }
0x578: {  	s1 =	ssub.s32 @!p0 $0x0, s1;
	[sflag:s0] =	ssyncset.done @!p0 $0x0  }
0x579: {  	[sflag:s0] =	ssyncadd.s32 @!p0 s1  }
0x57a: {  	[bflag:$0x3] =	sbarrier.arrive $0xFFFF  }
0x57b: {  	_ =	shalt  }

</sc_bundles>
